<compile_context>
chip_gen: v7x
topology: tpu7x:2x2x1
jax: 0.10.2.dev20260603
libtpu: 0.0.44.dev20260713+nightly
codegen_flags: <defaults>
</compile_context>

<pallas_src>
import functools

import jax
import jax.numpy as jnp
from jax import lax
from jax.experimental import pallas as pl
from jax.experimental.pallas import tpu as pltpu
from jax.experimental.pallas import tpu_sc as plsc

_BURST = 64


def _make_emb(B, V, D):
    info = plsc.get_sparse_core_info()
    nw = info.num_cores * info.num_subcores
    assert B % nw == 0
    b_per_w = B // nw
    n_bursts = b_per_w // _BURST

    mesh = plsc.VectorSubcoreMesh(core_axis_name="c", subcore_axis_name="s")

    @functools.partial(
        pl.kernel,
        mesh=mesh,
        out_type=jax.ShapeDtypeStruct((B, D), jnp.float32),
        scratch_types=[
            pltpu.VMEM((b_per_w,), jnp.int32),
            pltpu.VMEM((b_per_w, D), jnp.float32),
            pltpu.SemaphoreType.DMA,
            pltpu.SemaphoreType.DMA,
            pltpu.SemaphoreType.DMA,
            pltpu.SemaphoreType.DMA,
            pltpu.SemaphoreType.DMA,
            pltpu.SemaphoreType.DMA,
            pltpu.SemaphoreType.DMA,
            pltpu.SemaphoreType.DMA,
            pltpu.SemaphoreType.DMA,
        ],
        compiler_params=pltpu.CompilerParams(use_tc_tiling_on_sc=True),
    )
    def emb(
        idx_hbm, table_hbm, out_hbm, idx_v, rows_v,
        s0, s1, s2, s3, s4, s5, s6, s7, osem,
    ):
        wid = lax.axis_index("s") * info.num_cores + lax.axis_index("c")
        base = wid * b_per_w
        sems = [s0, s1, s2, s3, s4, s5, s6, s7]
        pltpu.sync_copy(idx_hbm.at[pl.ds(base, b_per_w)], idx_v)

        def burst(g, carry):
            c0 = g * _BURST
            for h in range(0, _BURST, 16):
                v16 = idx_v[pl.ds(c0 + h, 16)]
                for k in range(16):
                    s = v16[k]
                    pltpu.async_copy(
                        table_hbm.at[pl.ds(s, 1)],
                        rows_v.at[pl.ds(c0 + h + k, 1)],
                        sems[(h + k) % 8],
                    )
            @pl.when(g > 1)
            def _drain():
                for q in range(8):
                    pltpu.make_async_copy(
                        table_hbm.at[pl.ds(0, _BURST // 8)],
                        rows_v.at[pl.ds(0, _BURST // 8)],
                        sems[q],
                    ).wait()
                p0 = (g - 2) * _BURST
                pltpu.async_copy(
                    rows_v.at[pl.ds(p0, _BURST)],
                    out_hbm.at[pl.ds(base + p0, _BURST)],
                    osem,
                )
            return carry

        lax.fori_loop(0, n_bursts, burst, None, unroll=2)
        for _ in range(2):
            for q in range(8):
                pltpu.make_async_copy(
                    table_hbm.at[pl.ds(0, _BURST // 8)],
                    rows_v.at[pl.ds(0, _BURST // 8)],
                    sems[q],
                ).wait()
        for t in range(2):
            last = (n_bursts - 2 + t) * _BURST
            pltpu.async_copy(
                rows_v.at[pl.ds(last, _BURST)],
                out_hbm.at[pl.ds(base + last, _BURST)],
                osem,
            )
        for g in range(n_bursts):
            pltpu.make_async_copy(
                rows_v.at[pl.ds(0, _BURST)],
                out_hbm.at[pl.ds(base, _BURST)],
                osem,
            ).wait()

    return emb


def kernel(x, table):
    B = x.shape[0]
    V, D = table.shape
    emb = _make_emb(B, V, D)
    return emb(x.astype(jnp.int32), table)

# --- scband reference (transcript-rebuilt; emitter-appended) ---
"""Pipeline reference for scband-domain-embedding-72069551227508 (READ-ONLY COPY).

The authoritative reference and input builder live on the scoring server;
editing this copy changes nothing except your own understanding.
"""

import jax, jax.numpy as jnp
import numpy as np

N_DOMAINS = 100000
DOMAIN_DIM = 32
BATCH = 16384

def setup_inputs(seed: int = 0) -> dict:
    key = jax.random.key(seed)
    k1, k2 = jax.random.split(key)
    x = jax.random.randint(k1, (BATCH,), 0, N_DOMAINS, dtype=jnp.int64 if jax.config.jax_enable_x64 else jnp.int32)
    table = jax.random.normal(k2, (N_DOMAINS, DOMAIN_DIM), dtype=jnp.float32)
    return {"x": x, "table": table}

def reference(x, table):
    # DomainEmbedding.forward: self.embedding(x.long())
    idx = x.astype(jnp.int32)
    return jnp.take(table, idx, axis=0)

if __name__ == "__main__":
    import jax
    _d = setup_inputs()
    print(jax.jit(kernel)(*tuple(_d.values())))

</pallas_src>

<mosaic_0001>
#map = affine_map<(d0, d1) -> (0)>
#map1 = affine_map<(d0, d1) -> (0, 0)>
module attributes {stable_mosaic.version = 14 : i64} {
  func.func @emb(%arg0: i32, %arg1: i32, %arg2: memref<16384xi32, #tpu.memory_space<hbm>>, %arg3: memref<100000x32xf32, #tpu.memory_space<hbm>>, %arg4: memref<16384x32xf32, #tpu.memory_space<hbm>>, %arg5: memref<512xi32, #tpu.memory_space<vmem>>, %arg6: memref<512x32xf32, #tpu.memory_space<vmem>>, %arg7: memref<!tpu.dma_semaphore, #tpu.memory_space<semaphore_mem>>, %arg8: memref<!tpu.dma_semaphore, #tpu.memory_space<semaphore_mem>>, %arg9: memref<!tpu.dma_semaphore, #tpu.memory_space<semaphore_mem>>, %arg10: memref<!tpu.dma_semaphore, #tpu.memory_space<semaphore_mem>>, %arg11: memref<!tpu.dma_semaphore, #tpu.memory_space<semaphore_mem>>, %arg12: memref<!tpu.dma_semaphore, #tpu.memory_space<semaphore_mem>>, %arg13: memref<!tpu.dma_semaphore, #tpu.memory_space<semaphore_mem>>, %arg14: memref<!tpu.dma_semaphore, #tpu.memory_space<semaphore_mem>>, %arg15: memref<!tpu.dma_semaphore, #tpu.memory_space<semaphore_mem>>) attributes {dimension_semantics = [#tpu.dimension_semantics<core_parallel>, #tpu.dimension_semantics<subcore_parallel>], iteration_bounds = array<i64: 2, 16>, scalar_prefetch = 0 : i64, scratch_operands = 11 : i64, tpu.core_type = #tpu.core_type<sc_vector_subcore>, window_params = [{transform_indices = #map}, {transform_indices = #map1}, {transform_indices = #map1}]} {
    %mul3A = arith.constant 2 : i32
    %mul3A_0 = arith.muli %arg1, %mul3A : i32
    %add3A = arith.addi %mul3A_0, %arg0 : i32
    %mul3A_1 = arith.constant 512 : i32
    %mul3A_2 = arith.muli %add3A, %mul3A_1 : i32
    "tpu.region"() ({
      %run_scoped3A = tpu.sem_alloc : memref<!tpu.dma_semaphore, #tpu.memory_space<semaphore_mem>>
      %dma_start3A_301 = tpu.memref_slice %arg2[%mul3A_2] : memref<16384xi32, #tpu.memory_space<hbm>> -> memref<512xi32, #tpu.memory_space<hbm>>
      %dma_start3A_302 = tpu.memref_slice %arg2[%mul3A_2] : memref<16384xi32, #tpu.memory_space<hbm>> -> memref<512xi32, #tpu.memory_space<hbm>>
      tpu.enqueue_dma source(%dma_start3A_302 : memref<512xi32, #tpu.memory_space<hbm>>) target(%arg5 : memref<512xi32, #tpu.memory_space<vmem>>) target_semaphore(%run_scoped3A : memref<!tpu.dma_semaphore, #tpu.memory_space<semaphore_mem>>)
      %dma_wait3A_303 = tpu.memref_slice %arg2[%mul3A_2] : memref<16384xi32, #tpu.memory_space<hbm>> -> memref<512xi32, #tpu.memory_space<hbm>>
      %dma_wait3A_304 = tpu.memref_slice %arg2[%mul3A_2] : memref<16384xi32, #tpu.memory_space<hbm>> -> memref<512xi32, #tpu.memory_space<hbm>>
      tpu.wait_dma2 semaphore(%run_scoped3A : memref<!tpu.dma_semaphore, #tpu.memory_space<semaphore_mem>>) src(%dma_wait3A_304 : memref<512xi32, #tpu.memory_space<hbm>>) dst(%arg5 : memref<512xi32, #tpu.memory_space<vmem>>)
      tpu.yield
    }) : () -> ()
    %scan3A = arith.constant 0 : i32
    %scan3A_3 = arith.constant 8 : i32
    %scan3A_4 = arith.addi %scan3A, %scan3A_3 : i32
    %scan3A_5 = arith.constant 2 : i32
    scf.for %scan3A_301 = %scan3A to %scan3A_4 step %scan3A_5  : i32 {
      %mul3A_302 = arith.constant 64 : i32
      %mul3A_303 = arith.muli %scan3A_301, %mul3A_302 : i32
      %add3A_304 = arith.constant 0 : i32
      %add3A_305 = arith.addi %mul3A_303, %add3A_304 : i32
      %get3A = arith.index_cast %add3A_305 : i32 to index
      %get3A_306 = tpu.vector_load %arg5[%get3A] {strides = array<i32>} : memref<512xi32, #tpu.memory_space<vmem>>, vector<16xi32>,
      %get3A_307 = vector.shape_cast %get3A_306 : vector<16xi32> to vector<16xi32>
      %slice3A = vector.extract_strided_slice %get3A_307 {offsets = [0], sizes = [1], strides = [1]} : vector<16xi32> to vector<1xi32>
      %squeeze3A = vector.extract %slice3A[0] : i32 from vector<1xi32>
      %add3A_308 = arith.constant 0 : i32
      %add3A_309 = arith.addi %mul3A_303, %add3A_308 : i32
      %add3A_310 = arith.constant 0 : i32
      %add3A_311 = arith.addi %add3A_309, %add3A_310 : i32
      %dma_start3A_312 = arith.constant 0 : i32
      %dma_start3A_313 = tpu.memref_slice %arg6[%add3A_311, %dma_start3A_312] : memref<512x32xf32, #tpu.memory_space<vmem>> -> memref<1x32xf32, #tpu.memory_space<vmem>>
      %dma_start3A_314 = arith.constant 0 : i32
      %dma_start3A_315 = tpu.memref_slice %arg3[%squeeze3A, %dma_start3A_314] : memref<100000x32xf32, #tpu.memory_space<hbm>> -> memref<1x32xf32, #tpu.memory_space<hbm>>
      %dma_start3A_316 = arith.constant 0 : i32
      %dma_start3A_317 = tpu.memref_slice %arg6[%add3A_311, %dma_start3A_316] : memref<512x32xf32, #tpu.memory_space<vmem>> -> memref<1x32xf32, #tpu.memory_space<vmem>>
      %dma_start3A_318 = arith.constant 0 : i32
      %dma_start3A_319 = tpu.memref_slice %arg3[%squeeze3A, %dma_start3A_318] : memref<100000x32xf32, #tpu.memory_space<hbm>> -> memref<1x32xf32, #tpu.memory_space<hbm>>
      tpu.enqueue_dma source(%dma_start3A_319 : memref<1x32xf32, #tpu.memory_space<hbm>>) target(%dma_start3A_317 : memref<1x32xf32, #tpu.memory_space<vmem>>) target_semaphore(%arg7 : memref<!tpu.dma_semaphore, #tpu.memory_space<semaphore_mem>>)
      %slice3A_320 = vector.extract_strided_slice %get3A_307 {offsets = [1], sizes = [1], strides = [1]} : vector<16xi32> to vector<1xi32>
      %squeeze3A_321 = vector.extract %slice3A_320[0] : i32 from vector<1xi32>
      %add3A_322 = arith.constant 0 : i32
      %add3A_323 = arith.addi %mul3A_303, %add3A_322 : i32
      %add3A_324 = arith.constant 1 : i32
      %add3A_325 = arith.addi %add3A_323, %add3A_324 : i32
      %dma_start3A_326 = arith.constant 0 : i32
      %dma_start3A_327 = tpu.memref_slice %arg6[%add3A_325, %dma_start3A_326] : memref<512x32xf32, #tpu.memory_space<vmem>> -> memref<1x32xf32, #tpu.memory_space<vmem>>
      %dma_start3A_328 = arith.constant 0 : i32
      %dma_start3A_329 = tpu.memref_slice %arg3[%squeeze3A_321, %dma_start3A_328] : memref<100000x32xf32, #tpu.memory_space<hbm>> -> memref<1x32xf32, #tpu.memory_space<hbm>>
      %dma_start3A_330 = arith.constant 0 : i32
      %dma_start3A_331 = tpu.memref_slice %arg6[%add3A_325, %dma_start3A_330] : memref<512x32xf32, #tpu.memory_space<vmem>> -> memref<1x32xf32, #tpu.memory_space<vmem>>
      %dma_start3A_332 = arith.constant 0 : i32
      %dma_start3A_333 = tpu.memref_slice %arg3[%squeeze3A_321, %dma_start3A_332] : memref<100000x32xf32, #tpu.memory_space<hbm>> -> memref<1x32xf32, #tpu.memory_space<hbm>>
      tpu.enqueue_dma source(%dma_start3A_333 : memref<1x32xf32, #tpu.memory_space<hbm>>) target(%dma_start3A_331 : memref<1x32xf32, #tpu.memory_space<vmem>>) target_semaphore(%arg8 : memref<!tpu.dma_semaphore, #tpu.memory_space<semaphore_mem>>)
      %slice3A_334 = vector.extract_strided_slice %get3A_307 {offsets = [2], sizes = [1], strides = [1]} : vector<16xi32> to vector<1xi32>
      %squeeze3A_335 = vector.extract %slice3A_334[0] : i32 from vector<1xi32>
      %add3A_336 = arith.constant 0 : i32
      %add3A_337 = arith.addi %mul3A_303, %add3A_336 : i32
      %add3A_338 = arith.constant 2 : i32
      %add3A_339 = arith.addi %add3A_337, %add3A_338 : i32
      %dma_start3A_340 = arith.constant 0 : i32
      %dma_start3A_341 = tpu.memref_slice %arg6[%add3A_339, %dma_start3A_340] : memref<512x32xf32, #tpu.memory_space<vmem>> -> memref<1x32xf32, #tpu.memory_space<vmem>>
      %dma_start3A_342 = arith.constant 0 : i32
      %dma_start3A_343 = tpu.memref_slice %arg3[%squeeze3A_335, %dma_start3A_342] : memref<100000x32xf32, #tpu.memory_space<hbm>> -> memref<1x32xf32, #tpu.memory_space<hbm>>
      %dma_start3A_344 = arith.constant 0 : i32
      %dma_start3A_345 = tpu.memref_slice %arg6[%add3A_339, %dma_start3A_344] : memref<512x32xf32, #tpu.memory_space<vmem>> -> memref<1x32xf32, #tpu.memory_space<vmem>>
      %dma_start3A_346 = arith.constant 0 : i32
      %dma_start3A_347 = tpu.memref_slice %arg3[%squeeze3A_335, %dma_start3A_346] : memref<100000x32xf32, #tpu.memory_space<hbm>> -> memref<1x32xf32, #tpu.memory_space<hbm>>
      tpu.enqueue_dma source(%dma_start3A_347 : memref<1x32xf32, #tpu.memory_space<hbm>>) target(%dma_start3A_345 : memref<1x32xf32, #tpu.memory_space<vmem>>) target_semaphore(%arg9 : memref<!tpu.dma_semaphore, #tpu.memory_space<semaphore_mem>>)
      %slice3A_348 = vector.extract_strided_slice %get3A_307 {offsets = [3], sizes = [1], strides = [1]} : vector<16xi32> to vector<1xi32>
      %squeeze3A_349 = vector.extract %slice3A_348[0] : i32 from vector<1xi32>
      %add3A_350 = arith.constant 0 : i32
      %add3A_351 = arith.addi %mul3A_303, %add3A_350 : i32
      %add3A_352 = arith.constant 3 : i32
      %add3A_353 = arith.addi %add3A_351, %add3A_352 : i32
      %dma_start3A_354 = arith.constant 0 : i32
      %dma_start3A_355 = tpu.memref_slice %arg6[%add3A_353, %dma_start3A_354] : memref<512x32xf32, #tpu.memory_space<vmem>> -> memref<1x32xf32, #tpu.memory_space<vmem>>
      %dma_start3A_356 = arith.constant 0 : i32
      %dma_start3A_357 = tpu.memref_slice %arg3[%squeeze3A_349, %dma_start3A_356] : memref<100000x32xf32, #tpu.memory_space<hbm>> -> memref<1x32xf32, #tpu.memory_space<hbm>>
      %dma_start3A_358 = arith.constant 0 : i32
      %dma_start3A_359 = tpu.memref_slice %arg6[%add3A_353, %dma_start3A_358] : memref<512x32xf32, #tpu.memory_space<vmem>> -> memref<1x32xf32, #tpu.memory_space<vmem>>
      %dma_start3A_360 = arith.constant 0 : i32
      %dma_start3A_361 = tpu.memref_slice %arg3[%squeeze3A_349, %dma_start3A_360] : memref<100000x32xf32, #tpu.memory_space<hbm>> -> memref<1x32xf32, #tpu.memory_space<hbm>>
      tpu.enqueue_dma source(%dma_start3A_361 : memref<1x32xf32, #tpu.memory_space<hbm>>) target(%dma_start3A_359 : memref<1x32xf32, #tpu.memory_space<vmem>>) target_semaphore(%arg10 : memref<!tpu.dma_semaphore, #tpu.memory_space<semaphore_mem>>)
      %slice3A_362 = vector.extract_strided_slice %get3A_307 {offsets = [4], sizes = [1], strides = [1]} : vector<16xi32> to vector<1xi32>
      %squeeze3A_363 = vector.extract %slice3A_362[0] : i32 from vector<1xi32>
      %add3A_364 = arith.constant 0 : i32
      %add3A_365 = arith.addi %mul3A_303, %add3A_364 : i32
      %add3A_366 = arith.constant 4 : i32
      %add3A_367 = arith.addi %add3A_365, %add3A_366 : i32
      %dma_start3A_368 = arith.constant 0 : i32
      %dma_start3A_369 = tpu.memref_slice %arg6[%add3A_367, %dma_start3A_368] : memref<512x32xf32, #tpu.memory_space<vmem>> -> memref<1x32xf32, #tpu.memory_space<vmem>>
      %dma_start3A_370 = arith.constant 0 : i32
      %dma_start3A_371 = tpu.memref_slice %arg3[%squeeze3A_363, %dma_start3A_370] : memref<100000x32xf32, #tpu.memory_space<hbm>> -> memref<1x32xf32, #tpu.memory_space<hbm>>
      %dma_start3A_372 = arith.constant 0 : i32
      %dma_start3A_373 = tpu.memref_slice %arg6[%add3A_367, %dma_start3A_372] : memref<512x32xf32, #tpu.memory_space<vmem>> -> memref<1x32xf32, #tpu.memory_space<vmem>>
      %dma_start3A_374 = arith.constant 0 : i32
      %dma_start3A_375 = tpu.memref_slice %arg3[%squeeze3A_363, %dma_start3A_374] : memref<100000x32xf32, #tpu.memory_space<hbm>> -> memref<1x32xf32, #tpu.memory_space<hbm>>
      tpu.enqueue_dma source(%dma_start3A_375 : memref<1x32xf32, #tpu.memory_space<hbm>>) target(%dma_start3A_373 : memref<1x32xf32, #tpu.memory_space<vmem>>) target_semaphore(%arg11 : memref<!tpu.dma_semaphore, #tpu.memory_space<semaphore_mem>>)
      %slice3A_376 = vector.extract_strided_slice %get3A_307 {offsets = [5], sizes = [1], strides = [1]} : vector<16xi32> to vector<1xi32>
      %squeeze3A_377 = vector.extract %slice3A_376[0] : i32 from vector<1xi32>
      %add3A_378 = arith.constant 0 : i32
      %add3A_379 = arith.addi %mul3A_303, %add3A_378 : i32
      %add3A_380 = arith.constant 5 : i32
      %add3A_381 = arith.addi %add3A_379, %add3A_380 : i32
      %dma_start3A_382 = arith.constant 0 : i32
      %dma_start3A_383 = tpu.memref_slice %arg6[%add3A_381, %dma_start3A_382] : memref<512x32xf32, #tpu.memory_space<vmem>> -> memref<1x32xf32, #tpu.memory_space<vmem>>
      %dma_start3A_384 = arith.constant 0 : i32
      %dma_start3A_385 = tpu.memref_slice %arg3[%squeeze3A_377, %dma_start3A_384] : memref<100000x32xf32, #tpu.memory_space<hbm>> -> memref<1x32xf32, #tpu.memory_space<hbm>>
      %dma_start3A_386 = arith.constant 0 : i32
      %dma_start3A_387 = tpu.memref_slice %arg6[%add3A_381, %dma_start3A_386] : memref<512x32xf32, #tpu.memory_space<vmem>> -> memref<1x32xf32, #tpu.memory_space<vmem>>
      %dma_start3A_388 = arith.constant 0 : i32
      %dma_start3A_389 = tpu.memref_slice %arg3[%squeeze3A_377, %dma_start3A_388] : memref<100000x32xf32, #tpu.memory_space<hbm>> -> memref<1x32xf32, #tpu.memory_space<hbm>>
      tpu.enqueue_dma source(%dma_start3A_389 : memref<1x32xf32, #tpu.memory_space<hbm>>) target(%dma_start3A_387 : memref<1x32xf32, #tpu.memory_space<vmem>>) target_semaphore(%arg12 : memref<!tpu.dma_semaphore, #tpu.memory_space<semaphore_mem>>)
      %slice3A_390 = vector.extract_strided_slice %get3A_307 {offsets = [6], sizes = [1], strides = [1]} : vector<16xi32> to vector<1xi32>
      %squeeze3A_391 = vector.extract %slice3A_390[0] : i32 from vector<1xi32>
      %add3A_392 = arith.constant 0 : i32
      %add3A_393 = arith.addi %mul3A_303, %add3A_392 : i32
      %add3A_394 = arith.constant 6 : i32
      %add3A_395 = arith.addi %add3A_393, %add3A_394 : i32
      %dma_start3A_396 = arith.constant 0 : i32
      %dma_start3A_397 = tpu.memref_slice %arg6[%add3A_395, %dma_start3A_396] : memref<512x32xf32, #tpu.memory_space<vmem>> -> memref<1x32xf32, #tpu.memory_space<vmem>>
      %dma_start3A_398 = arith.constant 0 : i32
      %dma_start3A_399 = tpu.memref_slice %arg3[%squeeze3A_391, %dma_start3A_398] : memref<100000x32xf32, #tpu.memory_space<hbm>> -> memref<1x32xf32, #tpu.memory_space<hbm>>
      %dma_start3A_400 = arith.constant 0 : i32
      %dma_start3A_401 = tpu.memref_slice %arg6[%add3A_395, %dma_start3A_400] : memref<512x32xf32, #tpu.memory_space<vmem>> -> memref<1x32xf32, #tpu.memory_space<vmem>>
      %dma_start3A_402 = arith.constant 0 : i32
      %dma_start3A_403 = tpu.memref_slice %arg3[%squeeze3A_391, %dma_start3A_402] : memref<100000x32xf32, #tpu.memory_space<hbm>> -> memref<1x32xf32, #tpu.memory_space<hbm>>
      tpu.enqueue_dma source(%dma_start3A_403 : memref<1x32xf32, #tpu.memory_space<hbm>>) target(%dma_start3A_401 : memref<1x32xf32, #tpu.memory_space<vmem>>) target_semaphore(%arg13 : memref<!tpu.dma_semaphore, #tpu.memory_space<semaphore_mem>>)
      %slice3A_404 = vector.extract_strided_slice %get3A_307 {offsets = [7], sizes = [1], strides = [1]} : vector<16xi32> to vector<1xi32>
      %squeeze3A_405 = vector.extract %slice3A_404[0] : i32 from vector<1xi32>
      %add3A_406 = arith.constant 0 : i32
      %add3A_407 = arith.addi %mul3A_303, %add3A_406 : i32
      %add3A_408 = arith.constant 7 : i32
      %add3A_409 = arith.addi %add3A_407, %add3A_408 : i32
      %dma_start3A_410 = arith.constant 0 : i32
      %dma_start3A_411 = tpu.memref_slice %arg6[%add3A_409, %dma_start3A_410] : memref<512x32xf32, #tpu.memory_space<vmem>> -> memref<1x32xf32, #tpu.memory_space<vmem>>
      %dma_start3A_412 = arith.constant 0 : i32
      %dma_start3A_413 = tpu.memref_slice %arg3[%squeeze3A_405, %dma_start3A_412] : memref<100000x32xf32, #tpu.memory_space<hbm>> -> memref<1x32xf32, #tpu.memory_space<hbm>>
      %dma_start3A_414 = arith.constant 0 : i32
      %dma_start3A_415 = tpu.memref_slice %arg6[%add3A_409, %dma_start3A_414] : memref<512x32xf32, #tpu.memory_space<vmem>> -> memref<1x32xf32, #tpu.memory_space<vmem>>
      %dma_start3A_416 = arith.constant 0 : i32
      %dma_start3A_417 = tpu.memref_slice %arg3[%squeeze3A_405, %dma_start3A_416] : memref<100000x32xf32, #tpu.memory_space<hbm>> -> memref<1x32xf32, #tpu.memory_space<hbm>>
      tpu.enqueue_dma source(%dma_start3A_417 : memref<1x32xf32, #tpu.memory_space<hbm>>) target(%dma_start3A_415 : memref<1x32xf32, #tpu.memory_space<vmem>>) target_semaphore(%arg14 : memref<!tpu.dma_semaphore, #tpu.memory_space<semaphore_mem>>)
      %slice3A_418 = vector.extract_strided_slice %get3A_307 {offsets = [8], sizes = [1], strides = [1]} : vector<16xi32> to vector<1xi32>
      %squeeze3A_419 = vector.extract %slice3A_418[0] : i32 from vector<1xi32>
      %add3A_420 = arith.constant 0 : i32
      %add3A_421 = arith.addi %mul3A_303, %add3A_420 : i32
      %add3A_422 = arith.constant 8 : i32
      %add3A_423 = arith.addi %add3A_421, %add3A_422 : i32
      %dma_start3A_424 = arith.constant 0 : i32
      %dma_start3A_425 = tpu.memref_slice %arg6[%add3A_423, %dma_start3A_424] : memref<512x32xf32, #tpu.memory_space<vmem>> -> memref<1x32xf32, #tpu.memory_space<vmem>>
      %dma_start3A_426 = arith.constant 0 : i32
      %dma_start3A_427 = tpu.memref_slice %arg3[%squeeze3A_419, %dma_start3A_426] : memref<100000x32xf32, #tpu.memory_space<hbm>> -> memref<1x32xf32, #tpu.memory_space<hbm>>
      %dma_start3A_428 = arith.constant 0 : i32
      %dma_start3A_429 = tpu.memref_slice %arg6[%add3A_423, %dma_start3A_428] : memref<512x32xf32, #tpu.memory_space<vmem>> -> memref<1x32xf32, #tpu.memory_space<vmem>>
      %dma_start3A_430 = arith.constant 0 : i32
      %dma_start3A_431 = tpu.memref_slice %arg3[%squeeze3A_419, %dma_start3A_430] : memref<100000x32xf32, #tpu.memory_space<hbm>> -> memref<1x32xf32, #tpu.memory_space<hbm>>
      tpu.enqueue_dma source(%dma_start3A_431 : memref<1x32xf32, #tpu.memory_space<hbm>>) target(%dma_start3A_429 : memref<1x32xf32, #tpu.memory_space<vmem>>) target_semaphore(%arg7 : memref<!tpu.dma_semaphore, #tpu.memory_space<semaphore_mem>>)
      %slice3A_432 = vector.extract_strided_slice %get3A_307 {offsets = [9], sizes = [1], strides = [1]} : vector<16xi32> to vector<1xi32>
      %squeeze3A_433 = vector.extract %slice3A_432[0] : i32 from vector<1xi32>
      %add3A_434 = arith.constant 0 : i32
      %add3A_435 = arith.addi %mul3A_303, %add3A_434 : i32
      %add3A_436 = arith.constant 9 : i32
      %add3A_437 = arith.addi %add3A_435, %add3A_436 : i32
      %dma_start3A_438 = arith.constant 0 : i32
      %dma_start3A_439 = tpu.memref_slice %arg6[%add3A_437, %dma_start3A_438] : memref<512x32xf32, #tpu.memory_space<vmem>> -> memref<1x32xf32, #tpu.memory_space<vmem>>
      %dma_start3A_440 = arith.constant 0 : i32
      %dma_start3A_441 = tpu.memref_slice %arg3[%squeeze3A_433, %dma_start3A_440] : memref<100000x32xf32, #tpu.memory_space<hbm>> -> memref<1x32xf32, #tpu.memory_space<hbm>>
      %dma_start3A_442 = arith.constant 0 : i32
      %dma_start3A_443 = tpu.memref_slice %arg6[%add3A_437, %dma_start3A_442] : memref<512x32xf32, #tpu.memory_space<vmem>> -> memref<1x32xf32, #tpu.memory_space<vmem>>
      %dma_start3A_444 = arith.constant 0 : i32
      %dma_start3A_445 = tpu.memref_slice %arg3[%squeeze3A_433, %dma_start3A_444] : memref<100000x32xf32, #tpu.memory_space<hbm>> -> memref<1x32xf32, #tpu.memory_space<hbm>>
      tpu.enqueue_dma source(%dma_start3A_445 : memref<1x32xf32, #tpu.memory_space<hbm>>) target(%dma_start3A_443 : memref<1x32xf32, #tpu.memory_space<vmem>>) target_semaphore(%arg8 : memref<!tpu.dma_semaphore, #tpu.memory_space<semaphore_mem>>)
      %slice3A_446 = vector.extract_strided_slice %get3A_307 {offsets = [10], sizes = [1], strides = [1]} : vector<16xi32> to vector<1xi32>
      %squeeze3A_447 = vector.extract %slice3A_446[0] : i32 from vector<1xi32>
      %add3A_448 = arith.constant 0 : i32
      %add3A_449 = arith.addi %mul3A_303, %add3A_448 : i32
      %add3A_450 = arith.constant 10 : i32
      %add3A_451 = arith.addi %add3A_449, %add3A_450 : i32
      %dma_start3A_452 = arith.constant 0 : i32
      %dma_start3A_453 = tpu.memref_slice %arg6[%add3A_451, %dma_start3A_452] : memref<512x32xf32, #tpu.memory_space<vmem>> -> memref<1x32xf32, #tpu.memory_space<vmem>>
      %dma_start3A_454 = arith.constant 0 : i32
      %dma_start3A_455 = tpu.memref_slice %arg3[%squeeze3A_447, %dma_start3A_454] : memref<100000x32xf32, #tpu.memory_space<hbm>> -> memref<1x32xf32, #tpu.memory_space<hbm>>
      %dma_start3A_456 = arith.constant 0 : i32
      %dma_start3A_457 = tpu.memref_slice %arg6[%add3A_451, %dma_start3A_456] : memref<512x32xf32, #tpu.memory_space<vmem>> -> memref<1x32xf32, #tpu.memory_space<vmem>>
      %dma_start3A_458 = arith.constant 0 : i32
      %dma_start3A_459 = tpu.memref_slice %arg3[%squeeze3A_447, %dma_start3A_458] : memref<100000x32xf32, #tpu.memory_space<hbm>> -> memref<1x32xf32, #tpu.memory_space<hbm>>
      tpu.enqueue_dma source(%dma_start3A_459 : memref<1x32xf32, #tpu.memory_space<hbm>>) target(%dma_start3A_457 : memref<1x32xf32, #tpu.memory_space<vmem>>) target_semaphore(%arg9 : memref<!tpu.dma_semaphore, #tpu.memory_space<semaphore_mem>>)
      %slice3A_460 = vector.extract_strided_slice %get3A_307 {offsets = [11], sizes = [1], strides = [1]} : vector<16xi32> to vector<1xi32>
      %squeeze3A_461 = vector.extract %slice3A_460[0] : i32 from vector<1xi32>
      %add3A_462 = arith.constant 0 : i32
      %add3A_463 = arith.addi %mul3A_303, %add3A_462 : i32
      %add3A_464 = arith.constant 11 : i32
      %add3A_465 = arith.addi %add3A_463, %add3A_464 : i32
      %dma_start3A_466 = arith.constant 0 : i32
      %dma_start3A_467 = tpu.memref_slice %arg6[%add3A_465, %dma_start3A_466] : memref<512x32xf32, #tpu.memory_space<vmem>> -> memref<1x32xf32, #tpu.memory_space<vmem>>
      %dma_start3A_468 = arith.constant 0 : i32
      %dma_start3A_469 = tpu.memref_slice %arg3[%squeeze3A_461, %dma_start3A_468] : memref<100000x32xf32, #tpu.memory_space<hbm>> -> memref<1x32xf32, #tpu.memory_space<hbm>>
      %dma_start3A_470 = arith.constant 0 : i32
      %dma_start3A_471 = tpu.memref_slice %arg6[%add3A_465, %dma_start3A_470] : memref<512x32xf32, #tpu.memory_space<vmem>> -> memref<1x32xf32, #tpu.memory_space<vmem>>
      %dma_start3A_472 = arith.constant 0 : i32
      %dma_start3A_473 = tpu.memref_slice %arg3[%squeeze3A_461, %dma_start3A_472] : memref<100000x32xf32, #tpu.memory_space<hbm>> -> memref<1x32xf32, #tpu.memory_space<hbm>>
      tpu.enqueue_dma source(%dma_start3A_473 : memref<1x32xf32, #tpu.memory_space<hbm>>) target(%dma_start3A_471 : memref<1x32xf32, #tpu.memory_space<vmem>>) target_semaphore(%arg10 : memref<!tpu.dma_semaphore, #tpu.memory_space<semaphore_mem>>)
      %slice3A_474 = vector.extract_strided_slice %get3A_307 {offsets = [12], sizes = [1], strides = [1]} : vector<16xi32> to vector<1xi32>
      %squeeze3A_475 = vector.extract %slice3A_474[0] : i32 from vector<1xi32>
      %add3A_476 = arith.constant 0 : i32
      %add3A_477 = arith.addi %mul3A_303, %add3A_476 : i32
      %add3A_478 = arith.constant 12 : i32
      %add3A_479 = arith.addi %add3A_477, %add3A_478 : i32
      %dma_start3A_480 = arith.constant 0 : i32
      %dma_start3A_481 = tpu.memref_slice %arg6[%add3A_479, %dma_start3A_480] : memref<512x32xf32, #tpu.memory_space<vmem>> -> memref<1x32xf32, #tpu.memory_space<vmem>>
      %dma_start3A_482 = arith.constant 0 : i32
      %dma_start3A_483 = tpu.memref_slice %arg3[%squeeze3A_475, %dma_start3A_482] : memref<100000x32xf32, #tpu.memory_space<hbm>> -> memref<1x32xf32, #tpu.memory_space<hbm>>
      %dma_start3A_484 = arith.constant 0 : i32
      %dma_start3A_485 = tpu.memref_slice %arg6[%add3A_479, %dma_start3A_484] : memref<512x32xf32, #tpu.memory_space<vmem>> -> memref<1x32xf32, #tpu.memory_space<vmem>>
      %dma_start3A_486 = arith.constant 0 : i32
      %dma_start3A_487 = tpu.memref_slice %arg3[%squeeze3A_475, %dma_start3A_486] : memref<100000x32xf32, #tpu.memory_space<hbm>> -> memref<1x32xf32, #tpu.memory_space<hbm>>
      tpu.enqueue_dma source(%dma_start3A_487 : memref<1x32xf32, #tpu.memory_space<hbm>>) target(%dma_start3A_485 : memref<1x32xf32, #tpu.memory_space<vmem>>) target_semaphore(%arg11 : memref<!tpu.dma_semaphore, #tpu.memory_space<semaphore_mem>>)
      %slice3A_488 = vector.extract_strided_slice %get3A_307 {offsets = [13], sizes = [1], strides = [1]} : vector<16xi32> to vector<1xi32>
      %squeeze3A_489 = vector.extract %slice3A_488[0] : i32 from vector<1xi32>
      %add3A_490 = arith.constant 0 : i32
      %add3A_491 = arith.addi %mul3A_303, %add3A_490 : i32
      %add3A_492 = arith.constant 13 : i32
      %add3A_493 = arith.addi %add3A_491, %add3A_492 : i32
      %dma_start3A_494 = arith.constant 0 : i32
      %dma_start3A_495 = tpu.memref_slice %arg6[%add3A_493, %dma_start3A_494] : memref<512x32xf32, #tpu.memory_space<vmem>> -> memref<1x32xf32, #tpu.memory_space<vmem>>
      %dma_start3A_496 = arith.constant 0 : i32
      %dma_start3A_497 = tpu.memref_slice %arg3[%squeeze3A_489, %dma_start3A_496] : memref<100000x32xf32, #tpu.memory_space<hbm>> -> memref<1x32xf32, #tpu.memory_space<hbm>>
      %dma_start3A_498 = arith.constant 0 : i32
      %dma_start3A_499 = tpu.memref_slice %arg6[%add3A_493, %dma_start3A_498] : memref<512x32xf32, #tpu.memory_space<vmem>> -> memref<1x32xf32, #tpu.memory_space<vmem>>
      %dma_start3A_500 = arith.constant 0 : i32
      %dma_start3A_501 = tpu.memref_slice %arg3[%squeeze3A_489, %dma_start3A_500] : memref<100000x32xf32, #tpu.memory_space<hbm>> -> memref<1x32xf32, #tpu.memory_space<hbm>>
      tpu.enqueue_dma source(%dma_start3A_501 : memref<1x32xf32, #tpu.memory_space<hbm>>) target(%dma_start3A_499 : memref<1x32xf32, #tpu.memory_space<vmem>>) target_semaphore(%arg12 : memref<!tpu.dma_semaphore, #tpu.memory_space<semaphore_mem>>)
      %slice3A_502 = vector.extract_strided_slice %get3A_307 {offsets = [14], sizes = [1], strides = [1]} : vector<16xi32> to vector<1xi32>
      %squeeze3A_503 = vector.extract %slice3A_502[0] : i32 from vector<1xi32>
      %add3A_504 = arith.constant 0 : i32
      %add3A_505 = arith.addi %mul3A_303, %add3A_504 : i32
      %add3A_506 = arith.constant 14 : i32
      %add3A_507 = arith.addi %add3A_505, %add3A_506 : i32
      %dma_start3A_508 = arith.constant 0 : i32
      %dma_start3A_509 = tpu.memref_slice %arg6[%add3A_507, %dma_start3A_508] : memref<512x32xf32, #tpu.memory_space<vmem>> -> memref<1x32xf32, #tpu.memory_space<vmem>>
      %dma_start3A_510 = arith.constant 0 : i32
      %dma_start3A_511 = tpu.memref_slice %arg3[%squeeze3A_503, %dma_start3A_510] : memref<100000x32xf32, #tpu.memory_space<hbm>> -> memref<1x32xf32, #tpu.memory_space<hbm>>
      %dma_start3A_512 = arith.constant 0 : i32
      %dma_start3A_513 = tpu.memref_slice %arg6[%add3A_507, %dma_start3A_512] : memref<512x32xf32, #tpu.memory_space<vmem>> -> memref<1x32xf32, #tpu.memory_space<vmem>>
      %dma_start3A_514 = arith.constant 0 : i32
      %dma_start3A_515 = tpu.memref_slice %arg3[%squeeze3A_503, %dma_start3A_514] : memref<100000x32xf32, #tpu.memory_space<hbm>> -> memref<1x32xf32, #tpu.memory_space<hbm>>
      tpu.enqueue_dma source(%dma_start3A_515 : memref<1x32xf32, #tpu.memory_space<hbm>>) target(%dma_start3A_513 : memref<1x32xf32, #tpu.memory_space<vmem>>) target_semaphore(%arg13 : memref<!tpu.dma_semaphore, #tpu.memory_space<semaphore_mem>>)
      %slice3A_516 = vector.extract_strided_slice %get3A_307 {offsets = [15], sizes = [1], strides = [1]} : vector<16xi32> to vector<1xi32>
      %squeeze3A_517 = vector.extract %slice3A_516[0] : i32 from vector<1xi32>
      %add3A_518 = arith.constant 0 : i32
      %add3A_519 = arith.addi %mul3A_303, %add3A_518 : i32
      %add3A_520 = arith.constant 15 : i32
      %add3A_521 = arith.addi %add3A_519, %add3A_520 : i32
      %dma_start3A_522 = arith.constant 0 : i32
      %dma_start3A_523 = tpu.memref_slice %arg6[%add3A_521, %dma_start3A_522] : memref<512x32xf32, #tpu.memory_space<vmem>> -> memref<1x32xf32, #tpu.memory_space<vmem>>
      %dma_start3A_524 = arith.constant 0 : i32
      %dma_start3A_525 = tpu.memref_slice %arg3[%squeeze3A_517, %dma_start3A_524] : memref<100000x32xf32, #tpu.memory_space<hbm>> -> memref<1x32xf32, #tpu.memory_space<hbm>>
      %dma_start3A_526 = arith.constant 0 : i32
      %dma_start3A_527 = tpu.memref_slice %arg6[%add3A_521, %dma_start3A_526] : memref<512x32xf32, #tpu.memory_space<vmem>> -> memref<1x32xf32, #tpu.memory_space<vmem>>
      %dma_start3A_528 = arith.constant 0 : i32
      %dma_start3A_529 = tpu.memref_slice %arg3[%squeeze3A_517, %dma_start3A_528] : memref<100000x32xf32, #tpu.memory_space<hbm>> -> memref<1x32xf32, #tpu.memory_space<hbm>>
      tpu.enqueue_dma source(%dma_start3A_529 : memref<1x32xf32, #tpu.memory_space<hbm>>) target(%dma_start3A_527 : memref<1x32xf32, #tpu.memory_space<vmem>>) target_semaphore(%arg14 : memref<!tpu.dma_semaphore, #tpu.memory_space<semaphore_mem>>)
      %add3A_530 = arith.constant 16 : i32
      %add3A_531 = arith.addi %mul3A_303, %add3A_530 : i32
      %get3A_532 = arith.index_cast %add3A_531 : i32 to index
      %get3A_533 = tpu.vector_load %arg5[%get3A_532] {strides = array<i32>} : memref<512xi32, #tpu.memory_space<vmem>>, vector<16xi32>,
      %get3A_534 = vector.shape_cast %get3A_533 : vector<16xi32> to vector<16xi32>
      %slice3A_535 = vector.extract_strided_slice %get3A_534 {offsets = [0], sizes = [1], strides = [1]} : vector<16xi32> to vector<1xi32>
      %squeeze3A_536 = vector.extract %slice3A_535[0] : i32 from vector<1xi32>
      %add3A_537 = arith.constant 16 : i32
      %add3A_538 = arith.addi %mul3A_303, %add3A_537 : i32
      %add3A_539 = arith.constant 0 : i32
      %add3A_540 = arith.addi %add3A_538, %add3A_539 : i32
      %dma_start3A_541 = arith.constant 0 : i32
      %dma_start3A_542 = tpu.memref_slice %arg6[%add3A_540, %dma_start3A_541] : memref<512x32xf32, #tpu.memory_space<vmem>> -> memref<1x32xf32, #tpu.memory_space<vmem>>
      %dma_start3A_543 = arith.constant 0 : i32
      %dma_start3A_544 = tpu.memref_slice %arg3[%squeeze3A_536, %dma_start3A_543] : memref<100000x32xf32, #tpu.memory_space<hbm>> -> memref<1x32xf32, #tpu.memory_space<hbm>>
      %dma_start3A_545 = arith.constant 0 : i32
      %dma_start3A_546 = tpu.memref_slice %arg6[%add3A_540, %dma_start3A_545] : memref<512x32xf32, #tpu.memory_space<vmem>> -> memref<1x32xf32, #tpu.memory_space<vmem>>
      %dma_start3A_547 = arith.constant 0 : i32
      %dma_start3A_548 = tpu.memref_slice %arg3[%squeeze3A_536, %dma_start3A_547] : memref<100000x32xf32, #tpu.memory_space<hbm>> -> memref<1x32xf32, #tpu.memory_space<hbm>>
      tpu.enqueue_dma source(%dma_start3A_548 : memref<1x32xf32, #tpu.memory_space<hbm>>) target(%dma_start3A_546 : memref<1x32xf32, #tpu.memory_space<vmem>>) target_semaphore(%arg7 : memref<!tpu.dma_semaphore, #tpu.memory_space<semaphore_mem>>)
      %slice3A_549 = vector.extract_strided_slice %get3A_534 {offsets = [1], sizes = [1], strides = [1]} : vector<16xi32> to vector<1xi32>
      %squeeze3A_550 = vector.extract %slice3A_549[0] : i32 from vector<1xi32>
      %add3A_551 = arith.constant 16 : i32
      %add3A_552 = arith.addi %mul3A_303, %add3A_551 : i32
      %add3A_553 = arith.constant 1 : i32
      %add3A_554 = arith.addi %add3A_552, %add3A_553 : i32
      %dma_start3A_555 = arith.constant 0 : i32
      %dma_start3A_556 = tpu.memref_slice %arg6[%add3A_554, %dma_start3A_555] : memref<512x32xf32, #tpu.memory_space<vmem>> -> memref<1x32xf32, #tpu.memory_space<vmem>>
      %dma_start3A_557 = arith.constant 0 : i32
      %dma_start3A_558 = tpu.memref_slice %arg3[%squeeze3A_550, %dma_start3A_557] : memref<100000x32xf32, #tpu.memory_space<hbm>> -> memref<1x32xf32, #tpu.memory_space<hbm>>
      %dma_start3A_559 = arith.constant 0 : i32
      %dma_start3A_560 = tpu.memref_slice %arg6[%add3A_554, %dma_start3A_559] : memref<512x32xf32, #tpu.memory_space<vmem>> -> memref<1x32xf32, #tpu.memory_space<vmem>>
      %dma_start3A_561 = arith.constant 0 : i32
      %dma_start3A_562 = tpu.memref_slice %arg3[%squeeze3A_550, %dma_start3A_561] : memref<100000x32xf32, #tpu.memory_space<hbm>> -> memref<1x32xf32, #tpu.memory_space<hbm>>
      tpu.enqueue_dma source(%dma_start3A_562 : memref<1x32xf32, #tpu.memory_space<hbm>>) target(%dma_start3A_560 : memref<1x32xf32, #tpu.memory_space<vmem>>) target_semaphore(%arg8 : memref<!tpu.dma_semaphore, #tpu.memory_space<semaphore_mem>>)
      %slice3A_563 = vector.extract_strided_slice %get3A_534 {offsets = [2], sizes = [1], strides = [1]} : vector<16xi32> to vector<1xi32>
      %squeeze3A_564 = vector.extract %slice3A_563[0] : i32 from vector<1xi32>
      %add3A_565 = arith.constant 16 : i32
      %add3A_566 = arith.addi %mul3A_303, %add3A_565 : i32
      %add3A_567 = arith.constant 2 : i32
      %add3A_568 = arith.addi %add3A_566, %add3A_567 : i32
      %dma_start3A_569 = arith.constant 0 : i32
      %dma_start3A_570 = tpu.memref_slice %arg6[%add3A_568, %dma_start3A_569] : memref<512x32xf32, #tpu.memory_space<vmem>> -> memref<1x32xf32, #tpu.memory_space<vmem>>
      %dma_start3A_571 = arith.constant 0 : i32
      %dma_start3A_572 = tpu.memref_slice %arg3[%squeeze3A_564, %dma_start3A_571] : memref<100000x32xf32, #tpu.memory_space<hbm>> -> memref<1x32xf32, #tpu.memory_space<hbm>>
      %dma_start3A_573 = arith.constant 0 : i32
      %dma_start3A_574 = tpu.memref_slice %arg6[%add3A_568, %dma_start3A_573] : memref<512x32xf32, #tpu.memory_space<vmem>> -> memref<1x32xf32, #tpu.memory_space<vmem>>
      %dma_start3A_575 = arith.constant 0 : i32
      %dma_start3A_576 = tpu.memref_slice %arg3[%squeeze3A_564, %dma_start3A_575] : memref<100000x32xf32, #tpu.memory_space<hbm>> -> memref<1x32xf32, #tpu.memory_space<hbm>>
      tpu.enqueue_dma source(%dma_start3A_576 : memref<1x32xf32, #tpu.memory_space<hbm>>) target(%dma_start3A_574 : memref<1x32xf32, #tpu.memory_space<vmem>>) target_semaphore(%arg9 : memref<!tpu.dma_semaphore, #tpu.memory_space<semaphore_mem>>)
      %slice3A_577 = vector.extract_strided_slice %get3A_534 {offsets = [3], sizes = [1], strides = [1]} : vector<16xi32> to vector<1xi32>
      %squeeze3A_578 = vector.extract %slice3A_577[0] : i32 from vector<1xi32>
      %add3A_579 = arith.constant 16 : i32
      %add3A_580 = arith.addi %mul3A_303, %add3A_579 : i32
      %add3A_581 = arith.constant 3 : i32
      %add3A_582 = arith.addi %add3A_580, %add3A_581 : i32
      %dma_start3A_583 = arith.constant 0 : i32
      %dma_start3A_584 = tpu.memref_slice %arg6[%add3A_582, %dma_start3A_583] : memref<512x32xf32, #tpu.memory_space<vmem>> -> memref<1x32xf32, #tpu.memory_space<vmem>>
      %dma_start3A_585 = arith.constant 0 : i32
      %dma_start3A_586 = tpu.memref_slice %arg3[%squeeze3A_578, %dma_start3A_585] : memref<100000x32xf32, #tpu.memory_space<hbm>> -> memref<1x32xf32, #tpu.memory_space<hbm>>
      %dma_start3A_587 = arith.constant 0 : i32
      %dma_start3A_588 = tpu.memref_slice %arg6[%add3A_582, %dma_start3A_587] : memref<512x32xf32, #tpu.memory_space<vmem>> -> memref<1x32xf32, #tpu.memory_space<vmem>>
      %dma_start3A_589 = arith.constant 0 : i32
      %dma_start3A_590 = tpu.memref_slice %arg3[%squeeze3A_578, %dma_start3A_589] : memref<100000x32xf32, #tpu.memory_space<hbm>> -> memref<1x32xf32, #tpu.memory_space<hbm>>
      tpu.enqueue_dma source(%dma_start3A_590 : memref<1x32xf32, #tpu.memory_space<hbm>>) target(%dma_start3A_588 : memref<1x32xf32, #tpu.memory_space<vmem>>) target_semaphore(%arg10 : memref<!tpu.dma_semaphore, #tpu.memory_space<semaphore_mem>>)
      %slice3A_591 = vector.extract_strided_slice %get3A_534 {offsets = [4], sizes = [1], strides = [1]} : vector<16xi32> to vector<1xi32>
      %squeeze3A_592 = vector.extract %slice3A_591[0] : i32 from vector<1xi32>
      %add3A_593 = arith.constant 16 : i32
      %add3A_594 = arith.addi %mul3A_303, %add3A_593 : i32
      %add3A_595 = arith.constant 4 : i32
      %add3A_596 = arith.addi %add3A_594, %add3A_595 : i32
      %dma_start3A_597 = arith.constant 0 : i32
      %dma_start3A_598 = tpu.memref_slice %arg6[%add3A_596, %dma_start3A_597] : memref<512x32xf32, #tpu.memory_space<vmem>> -> memref<1x32xf32, #tpu.memory_space<vmem>>
      %dma_start3A_599 = arith.constant 0 : i32
      %dma_start3A_600 = tpu.memref_slice %arg3[%squeeze3A_592, %dma_start3A_599] : memref<100000x32xf32, #tpu.memory_space<hbm>> -> memref<1x32xf32, #tpu.memory_space<hbm>>
      %dma_start3A_601 = arith.constant 0 : i32
      %dma_start3A_602 = tpu.memref_slice %arg6[%add3A_596, %dma_start3A_601] : memref<512x32xf32, #tpu.memory_space<vmem>> -> memref<1x32xf32, #tpu.memory_space<vmem>>
      %dma_start3A_603 = arith.constant 0 : i32
      %dma_start3A_604 = tpu.memref_slice %arg3[%squeeze3A_592, %dma_start3A_603] : memref<100000x32xf32, #tpu.memory_space<hbm>> -> memref<1x32xf32, #tpu.memory_space<hbm>>
      tpu.enqueue_dma source(%dma_start3A_604 : memref<1x32xf32, #tpu.memory_space<hbm>>) target(%dma_start3A_602 : memref<1x32xf32, #tpu.memory_space<vmem>>) target_semaphore(%arg11 : memref<!tpu.dma_semaphore, #tpu.memory_space<semaphore_mem>>)
      %slice3A_605 = vector.extract_strided_slice %get3A_534 {offsets = [5], sizes = [1], strides = [1]} : vector<16xi32> to vector<1xi32>
      %squeeze3A_606 = vector.extract %slice3A_605[0] : i32 from vector<1xi32>
      %add3A_607 = arith.constant 16 : i32
      %add3A_608 = arith.addi %mul3A_303, %add3A_607 : i32
      %add3A_609 = arith.constant 5 : i32
      %add3A_610 = arith.addi %add3A_608, %add3A_609 : i32
      %dma_start3A_611 = arith.constant 0 : i32
      %dma_start3A_612 = tpu.memref_slice %arg6[%add3A_610, %dma_start3A_611] : memref<512x32xf32, #tpu.memory_space<vmem>> -> memref<1x32xf32, #tpu.memory_space<vmem>>
      %dma_start3A_613 = arith.constant 0 : i32
      %dma_start3A_614 = tpu.memref_slice %arg3[%squeeze3A_606, %dma_start3A_613] : memref<100000x32xf32, #tpu.memory_space<hbm>> -> memref<1x32xf32, #tpu.memory_space<hbm>>
      %dma_start3A_615 = arith.constant 0 : i32
      %dma_start3A_616 = tpu.memref_slice %arg6[%add3A_610, %dma_start3A_615] : memref<512x32xf32, #tpu.memory_space<vmem>> -> memref<1x32xf32, #tpu.memory_space<vmem>>
      %dma_start3A_617 = arith.constant 0 : i32
      %dma_start3A_618 = tpu.memref_slice %arg3[%squeeze3A_606, %dma_start3A_617] : memref<100000x32xf32, #tpu.memory_space<hbm>> -> memref<1x32xf32, #tpu.memory_space<hbm>>
      tpu.enqueue_dma source(%dma_start3A_618 : memref<1x32xf32, #tpu.memory_space<hbm>>) target(%dma_start3A_616 : memref<1x32xf32, #tpu.memory_space<vmem>>) target_semaphore(%arg12 : memref<!tpu.dma_semaphore, #tpu.memory_space<semaphore_mem>>)
      %slice3A_619 = vector.extract_strided_slice %get3A_534 {offsets = [6], sizes = [1], strides = [1]} : vector<16xi32> to vector<1xi32>
      %squeeze3A_620 = vector.extract %slice3A_619[0] : i32 from vector<1xi32>
      %add3A_621 = arith.constant 16 : i32
      %add3A_622 = arith.addi %mul3A_303, %add3A_621 : i32
      %add3A_623 = arith.constant 6 : i32
      %add3A_624 = arith.addi %add3A_622, %add3A_623 : i32
      %dma_start3A_625 = arith.constant 0 : i32
      %dma_start3A_626 = tpu.memref_slice %arg6[%add3A_624, %dma_start3A_625] : memref<512x32xf32, #tpu.memory_space<vmem>> -> memref<1x32xf32, #tpu.memory_space<vmem>>
      %dma_start3A_627 = arith.constant 0 : i32
      %dma_start3A_628 = tpu.memref_slice %arg3[%squeeze3A_620, %dma_start3A_627] : memref<100000x32xf32, #tpu.memory_space<hbm>> -> memref<1x32xf32, #tpu.memory_space<hbm>>
      %dma_start3A_629 = arith.constant 0 : i32
      %dma_start3A_630 = tpu.memref_slice %arg6[%add3A_624, %dma_start3A_629] : memref<512x32xf32, #tpu.memory_space<vmem>> -> memref<1x32xf32, #tpu.memory_space<vmem>>
      %dma_start3A_631 = arith.constant 0 : i32
      %dma_start3A_632 = tpu.memref_slice %arg3[%squeeze3A_620, %dma_start3A_631] : memref<100000x32xf32, #tpu.memory_space<hbm>> -> memref<1x32xf32, #tpu.memory_space<hbm>>
      tpu.enqueue_dma source(%dma_start3A_632 : memref<1x32xf32, #tpu.memory_space<hbm>>) target(%dma_start3A_630 : memref<1x32xf32, #tpu.memory_space<vmem>>) target_semaphore(%arg13 : memref<!tpu.dma_semaphore, #tpu.memory_space<semaphore_mem>>)
      %slice3A_633 = vector.extract_strided_slice %get3A_534 {offsets = [7], sizes = [1], strides = [1]} : vector<16xi32> to vector<1xi32>
      %squeeze3A_634 = vector.extract %slice3A_633[0] : i32 from vector<1xi32>
      %add3A_635 = arith.constant 16 : i32
      %add3A_636 = arith.addi %mul3A_303, %add3A_635 : i32
      %add3A_637 = arith.constant 7 : i32
      %add3A_638 = arith.addi %add3A_636, %add3A_637 : i32
      %dma_start3A_639 = arith.constant 0 : i32
      %dma_start3A_640 = tpu.memref_slice %arg6[%add3A_638, %dma_start3A_639] : memref<512x32xf32, #tpu.memory_space<vmem>> -> memref<1x32xf32, #tpu.memory_space<vmem>>
      %dma_start3A_641 = arith.constant 0 : i32
      %dma_start3A_642 = tpu.memref_slice %arg3[%squeeze3A_634, %dma_start3A_641] : memref<100000x32xf32, #tpu.memory_space<hbm>> -> memref<1x32xf32, #tpu.memory_space<hbm>>
      %dma_start3A_643 = arith.constant 0 : i32
      %dma_start3A_644 = tpu.memref_slice %arg6[%add3A_638, %dma_start3A_643] : memref<512x32xf32, #tpu.memory_space<vmem>> -> memref<1x32xf32, #tpu.memory_space<vmem>>
      %dma_start3A_645 = arith.constant 0 : i32
      %dma_start3A_646 = tpu.memref_slice %arg3[%squeeze3A_634, %dma_start3A_645] : memref<100000x32xf32, #tpu.memory_space<hbm>> -> memref<1x32xf32, #tpu.memory_space<hbm>>
      tpu.enqueue_dma source(%dma_start3A_646 : memref<1x32xf32, #tpu.memory_space<hbm>>) target(%dma_start3A_644 : memref<1x32xf32, #tpu.memory_space<vmem>>) target_semaphore(%arg14 : memref<!tpu.dma_semaphore, #tpu.memory_space<semaphore_mem>>)
      %slice3A_647 = vector.extract_strided_slice %get3A_534 {offsets = [8], sizes = [1], strides = [1]} : vector<16xi32> to vector<1xi32>
      %squeeze3A_648 = vector.extract %slice3A_647[0] : i32 from vector<1xi32>
      %add3A_649 = arith.constant 16 : i32
      %add3A_650 = arith.addi %mul3A_303, %add3A_649 : i32
      %add3A_651 = arith.constant 8 : i32
      %add3A_652 = arith.addi %add3A_650, %add3A_651 : i32
      %dma_start3A_653 = arith.constant 0 : i32
      %dma_start3A_654 = tpu.memref_slice %arg6[%add3A_652, %dma_start3A_653] : memref<512x32xf32, #tpu.memory_space<vmem>> -> memref<1x32xf32, #tpu.memory_space<vmem>>
      %dma_start3A_655 = arith.constant 0 : i32
      %dma_start3A_656 = tpu.memref_slice %arg3[%squeeze3A_648, %dma_start3A_655] : memref<100000x32xf32, #tpu.memory_space<hbm>> -> memref<1x32xf32, #tpu.memory_space<hbm>>
      %dma_start3A_657 = arith.constant 0 : i32
      %dma_start3A_658 = tpu.memref_slice %arg6[%add3A_652, %dma_start3A_657] : memref<512x32xf32, #tpu.memory_space<vmem>> -> memref<1x32xf32, #tpu.memory_space<vmem>>
      %dma_start3A_659 = arith.constant 0 : i32
      %dma_start3A_660 = tpu.memref_slice %arg3[%squeeze3A_648, %dma_start3A_659] : memref<100000x32xf32, #tpu.memory_space<hbm>> -> memref<1x32xf32, #tpu.memory_space<hbm>>
      tpu.enqueue_dma source(%dma_start3A_660 : memref<1x32xf32, #tpu.memory_space<hbm>>) target(%dma_start3A_658 : memref<1x32xf32, #tpu.memory_space<vmem>>) target_semaphore(%arg7 : memref<!tpu.dma_semaphore, #tpu.memory_space<semaphore_mem>>)
      %slice3A_661 = vector.extract_strided_slice %get3A_534 {offsets = [9], sizes = [1], strides = [1]} : vector<16xi32> to vector<1xi32>
      %squeeze3A_662 = vector.extract %slice3A_661[0] : i32 from vector<1xi32>
      %add3A_663 = arith.constant 16 : i32
      %add3A_664 = arith.addi %mul3A_303, %add3A_663 : i32
      %add3A_665 = arith.constant 9 : i32
      %add3A_666 = arith.addi %add3A_664, %add3A_665 : i32
      %dma_start3A_667 = arith.constant 0 : i32
      %dma_start3A_668 = tpu.memref_slice %arg6[%add3A_666, %dma_start3A_667] : memref<512x32xf32, #tpu.memory_space<vmem>> -> memref<1x32xf32, #tpu.memory_space<vmem>>
      %dma_start3A_669 = arith.constant 0 : i32
      %dma_start3A_670 = tpu.memref_slice %arg3[%squeeze3A_662, %dma_start3A_669] : memref<100000x32xf32, #tpu.memory_space<hbm>> -> memref<1x32xf32, #tpu.memory_space<hbm>>
      %dma_start3A_671 = arith.constant 0 : i32
      %dma_start3A_672 = tpu.memref_slice %arg6[%add3A_666, %dma_start3A_671] : memref<512x32xf32, #tpu.memory_space<vmem>> -> memref<1x32xf32, #tpu.memory_space<vmem>>
      %dma_start3A_673 = arith.constant 0 : i32
      %dma_start3A_674 = tpu.memref_slice %arg3[%squeeze3A_662, %dma_start3A_673] : memref<100000x32xf32, #tpu.memory_space<hbm>> -> memref<1x32xf32, #tpu.memory_space<hbm>>
      tpu.enqueue_dma source(%dma_start3A_674 : memref<1x32xf32, #tpu.memory_space<hbm>>) target(%dma_start3A_672 : memref<1x32xf32, #tpu.memory_space<vmem>>) target_semaphore(%arg8 : memref<!tpu.dma_semaphore, #tpu.memory_space<semaphore_mem>>)
      %slice3A_675 = vector.extract_strided_slice %get3A_534 {offsets = [10], sizes = [1], strides = [1]} : vector<16xi32> to vector<1xi32>
      %squeeze3A_676 = vector.extract %slice3A_675[0] : i32 from vector<1xi32>
      %add3A_677 = arith.constant 16 : i32
      %add3A_678 = arith.addi %mul3A_303, %add3A_677 : i32
      %add3A_679 = arith.constant 10 : i32
      %add3A_680 = arith.addi %add3A_678, %add3A_679 : i32
      %dma_start3A_681 = arith.constant 0 : i32
      %dma_start3A_682 = tpu.memref_slice %arg6[%add3A_680, %dma_start3A_681] : memref<512x32xf32, #tpu.memory_space<vmem>> -> memref<1x32xf32, #tpu.memory_space<vmem>>
      %dma_start3A_683 = arith.constant 0 : i32
      %dma_start3A_684 = tpu.memref_slice %arg3[%squeeze3A_676, %dma_start3A_683] : memref<100000x32xf32, #tpu.memory_space<hbm>> -> memref<1x32xf32, #tpu.memory_space<hbm>>
      %dma_start3A_685 = arith.constant 0 : i32
      %dma_start3A_686 = tpu.memref_slice %arg6[%add3A_680, %dma_start3A_685] : memref<512x32xf32, #tpu.memory_space<vmem>> -> memref<1x32xf32, #tpu.memory_space<vmem>>
      %dma_start3A_687 = arith.constant 0 : i32
      %dma_start3A_688 = tpu.memref_slice %arg3[%squeeze3A_676, %dma_start3A_687] : memref<100000x32xf32, #tpu.memory_space<hbm>> -> memref<1x32xf32, #tpu.memory_space<hbm>>
      tpu.enqueue_dma source(%dma_start3A_688 : memref<1x32xf32, #tpu.memory_space<hbm>>) target(%dma_start3A_686 : memref<1x32xf32, #tpu.memory_space<vmem>>) target_semaphore(%arg9 : memref<!tpu.dma_semaphore, #tpu.memory_space<semaphore_mem>>)
      %slice3A_689 = vector.extract_strided_slice %get3A_534 {offsets = [11], sizes = [1], strides = [1]} : vector<16xi32> to vector<1xi32>
      %squeeze3A_690 = vector.extract %slice3A_689[0] : i32 from vector<1xi32>
      %add3A_691 = arith.constant 16 : i32
      %add3A_692 = arith.addi %mul3A_303, %add3A_691 : i32
      %add3A_693 = arith.constant 11 : i32
      %add3A_694 = arith.addi %add3A_692, %add3A_693 : i32
      %dma_start3A_695 = arith.constant 0 : i32
      %dma_start3A_696 = tpu.memref_slice %arg6[%add3A_694, %dma_start3A_695] : memref<512x32xf32, #tpu.memory_space<vmem>> -> memref<1x32xf32, #tpu.memory_space<vmem>>
      %dma_start3A_697 = arith.constant 0 : i32
      %dma_start3A_698 = tpu.memref_slice %arg3[%squeeze3A_690, %dma_start3A_697] : memref<100000x32xf32, #tpu.memory_space<hbm>> -> memref<1x32xf32, #tpu.memory_space<hbm>>
      %dma_start3A_699 = arith.constant 0 : i32
      %dma_start3A_700 = tpu.memref_slice %arg6[%add3A_694, %dma_start3A_699] : memref<512x32xf32, #tpu.memory_space<vmem>> -> memref<1x32xf32, #tpu.memory_space<vmem>>
      %dma_start3A_701 = arith.constant 0 : i32
      %dma_start3A_702 = tpu.memref_slice %arg3[%squeeze3A_690, %dma_start3A_701] : memref<100000x32xf32, #tpu.memory_space<hbm>> -> memref<1x32xf32, #tpu.memory_space<hbm>>
      tpu.enqueue_dma source(%dma_start3A_702 : memref<1x32xf32, #tpu.memory_space<hbm>>) target(%dma_start3A_700 : memref<1x32xf32, #tpu.memory_space<vmem>>) target_semaphore(%arg10 : memref<!tpu.dma_semaphore, #tpu.memory_space<semaphore_mem>>)
      %slice3A_703 = vector.extract_strided_slice %get3A_534 {offsets = [12], sizes = [1], strides = [1]} : vector<16xi32> to vector<1xi32>
      %squeeze3A_704 = vector.extract %slice3A_703[0] : i32 from vector<1xi32>
      %add3A_705 = arith.constant 16 : i32
      %add3A_706 = arith.addi %mul3A_303, %add3A_705 : i32
      %add3A_707 = arith.constant 12 : i32
      %add3A_708 = arith.addi %add3A_706, %add3A_707 : i32
      %dma_start3A_709 = arith.constant 0 : i32
      %dma_start3A_710 = tpu.memref_slice %arg6[%add3A_708, %dma_start3A_709] : memref<512x32xf32, #tpu.memory_space<vmem>> -> memref<1x32xf32, #tpu.memory_space<vmem>>
      %dma_start3A_711 = arith.constant 0 : i32
      %dma_start3A_712 = tpu.memref_slice %arg3[%squeeze3A_704, %dma_start3A_711] : memref<100000x32xf32, #tpu.memory_space<hbm>> -> memref<1x32xf32, #tpu.memory_space<hbm>>
      %dma_start3A_713 = arith.constant 0 : i32
      %dma_start3A_714 = tpu.memref_slice %arg6[%add3A_708, %dma_start3A_713] : memref<512x32xf32, #tpu.memory_space<vmem>> -> memref<1x32xf32, #tpu.memory_space<vmem>>
      %dma_start3A_715 = arith.constant 0 : i32
      %dma_start3A_716 = tpu.memref_slice %arg3[%squeeze3A_704, %dma_start3A_715] : memref<100000x32xf32, #tpu.memory_space<hbm>> -> memref<1x32xf32, #tpu.memory_space<hbm>>
      tpu.enqueue_dma source(%dma_start3A_716 : memref<1x32xf32, #tpu.memory_space<hbm>>) target(%dma_start3A_714 : memref<1x32xf32, #tpu.memory_space<vmem>>) target_semaphore(%arg11 : memref<!tpu.dma_semaphore, #tpu.memory_space<semaphore_mem>>)
      %slice3A_717 = vector.extract_strided_slice %get3A_534 {offsets = [13], sizes = [1], strides = [1]} : vector<16xi32> to vector<1xi32>
      %squeeze3A_718 = vector.extract %slice3A_717[0] : i32 from vector<1xi32>
      %add3A_719 = arith.constant 16 : i32
      %add3A_720 = arith.addi %mul3A_303, %add3A_719 : i32
      %add3A_721 = arith.constant 13 : i32
      %add3A_722 = arith.addi %add3A_720, %add3A_721 : i32
      %dma_start3A_723 = arith.constant 0 : i32
      %dma_start3A_724 = tpu.memref_slice %arg6[%add3A_722, %dma_start3A_723] : memref<512x32xf32, #tpu.memory_space<vmem>> -> memref<1x32xf32, #tpu.memory_space<vmem>>
      %dma_start3A_725 = arith.constant 0 : i32
      %dma_start3A_726 = tpu.memref_slice %arg3[%squeeze3A_718, %dma_start3A_725] : memref<100000x32xf32, #tpu.memory_space<hbm>> -> memref<1x32xf32, #tpu.memory_space<hbm>>
      %dma_start3A_727 = arith.constant 0 : i32
      %dma_start3A_728 = tpu.memref_slice %arg6[%add3A_722, %dma_start3A_727] : memref<512x32xf32, #tpu.memory_space<vmem>> -> memref<1x32xf32, #tpu.memory_space<vmem>>
      %dma_start3A_729 = arith.constant 0 : i32
      %dma_start3A_730 = tpu.memref_slice %arg3[%squeeze3A_718, %dma_start3A_729] : memref<100000x32xf32, #tpu.memory_space<hbm>> -> memref<1x32xf32, #tpu.memory_space<hbm>>
      tpu.enqueue_dma source(%dma_start3A_730 : memref<1x32xf32, #tpu.memory_space<hbm>>) target(%dma_start3A_728 : memref<1x32xf32, #tpu.memory_space<vmem>>) target_semaphore(%arg12 : memref<!tpu.dma_semaphore, #tpu.memory_space<semaphore_mem>>)
      %slice3A_731 = vector.extract_strided_slice %get3A_534 {offsets = [14], sizes = [1], strides = [1]} : vector<16xi32> to vector<1xi32>
      %squeeze3A_732 = vector.extract %slice3A_731[0] : i32 from vector<1xi32>
      %add3A_733 = arith.constant 16 : i32
      %add3A_734 = arith.addi %mul3A_303, %add3A_733 : i32
      %add3A_735 = arith.constant 14 : i32
      %add3A_736 = arith.addi %add3A_734, %add3A_735 : i32
      %dma_start3A_737 = arith.constant 0 : i32
      %dma_start3A_738 = tpu.memref_slice %arg6[%add3A_736, %dma_start3A_737] : memref<512x32xf32, #tpu.memory_space<vmem>> -> memref<1x32xf32, #tpu.memory_space<vmem>>
      %dma_start3A_739 = arith.constant 0 : i32
      %dma_start3A_740 = tpu.memref_slice %arg3[%squeeze3A_732, %dma_start3A_739] : memref<100000x32xf32, #tpu.memory_space<hbm>> -> memref<1x32xf32, #tpu.memory_space<hbm>>
      %dma_start3A_741 = arith.constant 0 : i32
      %dma_start3A_742 = tpu.memref_slice %arg6[%add3A_736, %dma_start3A_741] : memref<512x32xf32, #tpu.memory_space<vmem>> -> memref<1x32xf32, #tpu.memory_space<vmem>>
      %dma_start3A_743 = arith.constant 0 : i32
      %dma_start3A_744 = tpu.memref_slice %arg3[%squeeze3A_732, %dma_start3A_743] : memref<100000x32xf32, #tpu.memory_space<hbm>> -> memref<1x32xf32, #tpu.memory_space<hbm>>
      tpu.enqueue_dma source(%dma_start3A_744 : memref<1x32xf32, #tpu.memory_space<hbm>>) target(%dma_start3A_742 : memref<1x32xf32, #tpu.memory_space<vmem>>) target_semaphore(%arg13 : memref<!tpu.dma_semaphore, #tpu.memory_space<semaphore_mem>>)
      %slice3A_745 = vector.extract_strided_slice %get3A_534 {offsets = [15], sizes = [1], strides = [1]} : vector<16xi32> to vector<1xi32>
      %squeeze3A_746 = vector.extract %slice3A_745[0] : i32 from vector<1xi32>
      %add3A_747 = arith.constant 16 : i32
      %add3A_748 = arith.addi %mul3A_303, %add3A_747 : i32
      %add3A_749 = arith.constant 15 : i32
      %add3A_750 = arith.addi %add3A_748, %add3A_749 : i32
      %dma_start3A_751 = arith.constant 0 : i32
      %dma_start3A_752 = tpu.memref_slice %arg6[%add3A_750, %dma_start3A_751] : memref<512x32xf32, #tpu.memory_space<vmem>> -> memref<1x32xf32, #tpu.memory_space<vmem>>
      %dma_start3A_753 = arith.constant 0 : i32
      %dma_start3A_754 = tpu.memref_slice %arg3[%squeeze3A_746, %dma_start3A_753] : memref<100000x32xf32, #tpu.memory_space<hbm>> -> memref<1x32xf32, #tpu.memory_space<hbm>>
      %dma_start3A_755 = arith.constant 0 : i32
      %dma_start3A_756 = tpu.memref_slice %arg6[%add3A_750, %dma_start3A_755] : memref<512x32xf32, #tpu.memory_space<vmem>> -> memref<1x32xf32, #tpu.memory_space<vmem>>
      %dma_start3A_757 = arith.constant 0 : i32
      %dma_start3A_758 = tpu.memref_slice %arg3[%squeeze3A_746, %dma_start3A_757] : memref<100000x32xf32, #tpu.memory_space<hbm>> -> memref<1x32xf32, #tpu.memory_space<hbm>>
      tpu.enqueue_dma source(%dma_start3A_758 : memref<1x32xf32, #tpu.memory_space<hbm>>) target(%dma_start3A_756 : memref<1x32xf32, #tpu.memory_space<vmem>>) target_semaphore(%arg14 : memref<!tpu.dma_semaphore, #tpu.memory_space<semaphore_mem>>)
      %add3A_759 = arith.constant 32 : i32
      %add3A_760 = arith.addi %mul3A_303, %add3A_759 : i32
      %get3A_761 = arith.index_cast %add3A_760 : i32 to index
      %get3A_762 = tpu.vector_load %arg5[%get3A_761] {strides = array<i32>} : memref<512xi32, #tpu.memory_space<vmem>>, vector<16xi32>,
      %get3A_763 = vector.shape_cast %get3A_762 : vector<16xi32> to vector<16xi32>
      %slice3A_764 = vector.extract_strided_slice %get3A_763 {offsets = [0], sizes = [1], strides = [1]} : vector<16xi32> to vector<1xi32>
      %squeeze3A_765 = vector.extract %slice3A_764[0] : i32 from vector<1xi32>
      %add3A_766 = arith.constant 32 : i32
      %add3A_767 = arith.addi %mul3A_303, %add3A_766 : i32
      %add3A_768 = arith.constant 0 : i32
      %add3A_769 = arith.addi %add3A_767, %add3A_768 : i32
      %dma_start3A_770 = arith.constant 0 : i32
      %dma_start3A_771 = tpu.memref_slice %arg6[%add3A_769, %dma_start3A_770] : memref<512x32xf32, #tpu.memory_space<vmem>> -> memref<1x32xf32, #tpu.memory_space<vmem>>
      %dma_start3A_772 = arith.constant 0 : i32
      %dma_start3A_773 = tpu.memref_slice %arg3[%squeeze3A_765, %dma_start3A_772] : memref<100000x32xf32, #tpu.memory_space<hbm>> -> memref<1x32xf32, #tpu.memory_space<hbm>>
      %dma_start3A_774 = arith.constant 0 : i32
      %dma_start3A_775 = tpu.memref_slice %arg6[%add3A_769, %dma_start3A_774] : memref<512x32xf32, #tpu.memory_space<vmem>> -> memref<1x32xf32, #tpu.memory_space<vmem>>
      %dma_start3A_776 = arith.constant 0 : i32
      %dma_start3A_777 = tpu.memref_slice %arg3[%squeeze3A_765, %dma_start3A_776] : memref<100000x32xf32, #tpu.memory_space<hbm>> -> memref<1x32xf32, #tpu.memory_space<hbm>>
      tpu.enqueue_dma source(%dma_start3A_777 : memref<1x32xf32, #tpu.memory_space<hbm>>) target(%dma_start3A_775 : memref<1x32xf32, #tpu.memory_space<vmem>>) target_semaphore(%arg7 : memref<!tpu.dma_semaphore, #tpu.memory_space<semaphore_mem>>)
      %slice3A_778 = vector.extract_strided_slice %get3A_763 {offsets = [1], sizes = [1], strides = [1]} : vector<16xi32> to vector<1xi32>
      %squeeze3A_779 = vector.extract %slice3A_778[0] : i32 from vector<1xi32>
      %add3A_780 = arith.constant 32 : i32
      %add3A_781 = arith.addi %mul3A_303, %add3A_780 : i32
      %add3A_782 = arith.constant 1 : i32
      %add3A_783 = arith.addi %add3A_781, %add3A_782 : i32
      %dma_start3A_784 = arith.constant 0 : i32
      %dma_start3A_785 = tpu.memref_slice %arg6[%add3A_783, %dma_start3A_784] : memref<512x32xf32, #tpu.memory_space<vmem>> -> memref<1x32xf32, #tpu.memory_space<vmem>>
      %dma_start3A_786 = arith.constant 0 : i32
      %dma_start3A_787 = tpu.memref_slice %arg3[%squeeze3A_779, %dma_start3A_786] : memref<100000x32xf32, #tpu.memory_space<hbm>> -> memref<1x32xf32, #tpu.memory_space<hbm>>
      %dma_start3A_788 = arith.constant 0 : i32
      %dma_start3A_789 = tpu.memref_slice %arg6[%add3A_783, %dma_start3A_788] : memref<512x32xf32, #tpu.memory_space<vmem>> -> memref<1x32xf32, #tpu.memory_space<vmem>>
      %dma_start3A_790 = arith.constant 0 : i32
      %dma_start3A_791 = tpu.memref_slice %arg3[%squeeze3A_779, %dma_start3A_790] : memref<100000x32xf32, #tpu.memory_space<hbm>> -> memref<1x32xf32, #tpu.memory_space<hbm>>
      tpu.enqueue_dma source(%dma_start3A_791 : memref<1x32xf32, #tpu.memory_space<hbm>>) target(%dma_start3A_789 : memref<1x32xf32, #tpu.memory_space<vmem>>) target_semaphore(%arg8 : memref<!tpu.dma_semaphore, #tpu.memory_space<semaphore_mem>>)
      %slice3A_792 = vector.extract_strided_slice %get3A_763 {offsets = [2], sizes = [1], strides = [1]} : vector<16xi32> to vector<1xi32>
      %squeeze3A_793 = vector.extract %slice3A_792[0] : i32 from vector<1xi32>
      %add3A_794 = arith.constant 32 : i32
      %add3A_795 = arith.addi %mul3A_303, %add3A_794 : i32
      %add3A_796 = arith.constant 2 : i32
      %add3A_797 = arith.addi %add3A_795, %add3A_796 : i32
      %dma_start3A_798 = arith.constant 0 : i32
      %dma_start3A_799 = tpu.memref_slice %arg6[%add3A_797, %dma_start3A_798] : memref<512x32xf32, #tpu.memory_space<vmem>> -> memref<1x32xf32, #tpu.memory_space<vmem>>
      %dma_start3A_800 = arith.constant 0 : i32
      %dma_start3A_801 = tpu.memref_slice %arg3[%squeeze3A_793, %dma_start3A_800] : memref<100000x32xf32, #tpu.memory_space<hbm>> -> memref<1x32xf32, #tpu.memory_space<hbm>>
      %dma_start3A_802 = arith.constant 0 : i32
      %dma_start3A_803 = tpu.memref_slice %arg6[%add3A_797, %dma_start3A_802] : memref<512x32xf32, #tpu.memory_space<vmem>> -> memref<1x32xf32, #tpu.memory_space<vmem>>
      %dma_start3A_804 = arith.constant 0 : i32
      %dma_start3A_805 = tpu.memref_slice %arg3[%squeeze3A_793, %dma_start3A_804] : memref<100000x32xf32, #tpu.memory_space<hbm>> -> memref<1x32xf32, #tpu.memory_space<hbm>>
      tpu.enqueue_dma source(%dma_start3A_805 : memref<1x32xf32, #tpu.memory_space<hbm>>) target(%dma_start3A_803 : memref<1x32xf32, #tpu.memory_space<vmem>>) target_semaphore(%arg9 : memref<!tpu.dma_semaphore, #tpu.memory_space<semaphore_mem>>)
      %slice3A_806 = vector.extract_strided_slice %get3A_763 {offsets = [3], sizes = [1], strides = [1]} : vector<16xi32> to vector<1xi32>
      %squeeze3A_807 = vector.extract %slice3A_806[0] : i32 from vector<1xi32>
      %add3A_808 = arith.constant 32 : i32
      %add3A_809 = arith.addi %mul3A_303, %add3A_808 : i32
      %add3A_810 = arith.constant 3 : i32
      %add3A_811 = arith.addi %add3A_809, %add3A_810 : i32
      %dma_start3A_812 = arith.constant 0 : i32
      %dma_start3A_813 = tpu.memref_slice %arg6[%add3A_811, %dma_start3A_812] : memref<512x32xf32, #tpu.memory_space<vmem>> -> memref<1x32xf32, #tpu.memory_space<vmem>>
      %dma_start3A_814 = arith.constant 0 : i32
      %dma_start3A_815 = tpu.memref_slice %arg3[%squeeze3A_807, %dma_start3A_814] : memref<100000x32xf32, #tpu.memory_space<hbm>> -> memref<1x32xf32, #tpu.memory_space<hbm>>
      %dma_start3A_816 = arith.constant 0 : i32
      %dma_start3A_817 = tpu.memref_slice %arg6[%add3A_811, %dma_start3A_816] : memref<512x32xf32, #tpu.memory_space<vmem>> -> memref<1x32xf32, #tpu.memory_space<vmem>>
      %dma_start3A_818 = arith.constant 0 : i32
      %dma_start3A_819 = tpu.memref_slice %arg3[%squeeze3A_807, %dma_start3A_818] : memref<100000x32xf32, #tpu.memory_space<hbm>> -> memref<1x32xf32, #tpu.memory_space<hbm>>
      tpu.enqueue_dma source(%dma_start3A_819 : memref<1x32xf32, #tpu.memory_space<hbm>>) target(%dma_start3A_817 : memref<1x32xf32, #tpu.memory_space<vmem>>) target_semaphore(%arg10 : memref<!tpu.dma_semaphore, #tpu.memory_space<semaphore_mem>>)
      %slice3A_820 = vector.extract_strided_slice %get3A_763 {offsets = [4], sizes = [1], strides = [1]} : vector<16xi32> to vector<1xi32>
      %squeeze3A_821 = vector.extract %slice3A_820[0] : i32 from vector<1xi32>
      %add3A_822 = arith.constant 32 : i32
      %add3A_823 = arith.addi %mul3A_303, %add3A_822 : i32
      %add3A_824 = arith.constant 4 : i32
      %add3A_825 = arith.addi %add3A_823, %add3A_824 : i32
      %dma_start3A_826 = arith.constant 0 : i32
      %dma_start3A_827 = tpu.memref_slice %arg6[%add3A_825, %dma_start3A_826] : memref<512x32xf32, #tpu.memory_space<vmem>> -> memref<1x32xf32, #tpu.memory_space<vmem>>
      %dma_start3A_828 = arith.constant 0 : i32
      %dma_start3A_829 = tpu.memref_slice %arg3[%squeeze3A_821, %dma_start3A_828] : memref<100000x32xf32, #tpu.memory_space<hbm>> -> memref<1x32xf32, #tpu.memory_space<hbm>>
      %dma_start3A_830 = arith.constant 0 : i32
      %dma_start3A_831 = tpu.memref_slice %arg6[%add3A_825, %dma_start3A_830] : memref<512x32xf32, #tpu.memory_space<vmem>> -> memref<1x32xf32, #tpu.memory_space<vmem>>
      %dma_start3A_832 = arith.constant 0 : i32
      %dma_start3A_833 = tpu.memref_slice %arg3[%squeeze3A_821, %dma_start3A_832] : memref<100000x32xf32, #tpu.memory_space<hbm>> -> memref<1x32xf32, #tpu.memory_space<hbm>>
      tpu.enqueue_dma source(%dma_start3A_833 : memref<1x32xf32, #tpu.memory_space<hbm>>) target(%dma_start3A_831 : memref<1x32xf32, #tpu.memory_space<vmem>>) target_semaphore(%arg11 : memref<!tpu.dma_semaphore, #tpu.memory_space<semaphore_mem>>)
      %slice3A_834 = vector.extract_strided_slice %get3A_763 {offsets = [5], sizes = [1], strides = [1]} : vector<16xi32> to vector<1xi32>
      %squeeze3A_835 = vector.extract %slice3A_834[0] : i32 from vector<1xi32>
      %add3A_836 = arith.constant 32 : i32
      %add3A_837 = arith.addi %mul3A_303, %add3A_836 : i32
      %add3A_838 = arith.constant 5 : i32
      %add3A_839 = arith.addi %add3A_837, %add3A_838 : i32
      %dma_start3A_840 = arith.constant 0 : i32
      %dma_start3A_841 = tpu.memref_slice %arg6[%add3A_839, %dma_start3A_840] : memref<512x32xf32, #tpu.memory_space<vmem>> -> memref<1x32xf32, #tpu.memory_space<vmem>>
      %dma_start3A_842 = arith.constant 0 : i32
      %dma_start3A_843 = tpu.memref_slice %arg3[%squeeze3A_835, %dma_start3A_842] : memref<100000x32xf32, #tpu.memory_space<hbm>> -> memref<1x32xf32, #tpu.memory_space<hbm>>
      %dma_start3A_844 = arith.constant 0 : i32
      %dma_start3A_845 = tpu.memref_slice %arg6[%add3A_839, %dma_start3A_844] : memref<512x32xf32, #tpu.memory_space<vmem>> -> memref<1x32xf32, #tpu.memory_space<vmem>>
      %dma_start3A_846 = arith.constant 0 : i32
      %dma_start3A_847 = tpu.memref_slice %arg3[%squeeze3A_835, %dma_start3A_846] : memref<100000x32xf32, #tpu.memory_space<hbm>> -> memref<1x32xf32, #tpu.memory_space<hbm>>
      tpu.enqueue_dma source(%dma_start3A_847 : memref<1x32xf32, #tpu.memory_space<hbm>>) target(%dma_start3A_845 : memref<1x32xf32, #tpu.memory_space<vmem>>) target_semaphore(%arg12 : memref<!tpu.dma_semaphore, #tpu.memory_space<semaphore_mem>>)
      %slice3A_848 = vector.extract_strided_slice %get3A_763 {offsets = [6], sizes = [1], strides = [1]} : vector<16xi32> to vector<1xi32>
      %squeeze3A_849 = vector.extract %slice3A_848[0] : i32 from vector<1xi32>
      %add3A_850 = arith.constant 32 : i32
      %add3A_851 = arith.addi %mul3A_303, %add3A_850 : i32
      %add3A_852 = arith.constant 6 : i32
      %add3A_853 = arith.addi %add3A_851, %add3A_852 : i32
      %dma_start3A_854 = arith.constant 0 : i32
      %dma_start3A_855 = tpu.memref_slice %arg6[%add3A_853, %dma_start3A_854] : memref<512x32xf32, #tpu.memory_space<vmem>> -> memref<1x32xf32, #tpu.memory_space<vmem>>
      %dma_start3A_856 = arith.constant 0 : i32
      %dma_start3A_857 = tpu.memref_slice %arg3[%squeeze3A_849, %dma_start3A_856] : memref<100000x32xf32, #tpu.memory_space<hbm>> -> memref<1x32xf32, #tpu.memory_space<hbm>>
      %dma_start3A_858 = arith.constant 0 : i32
      %dma_start3A_859 = tpu.memref_slice %arg6[%add3A_853, %dma_start3A_858] : memref<512x32xf32, #tpu.memory_space<vmem>> -> memref<1x32xf32, #tpu.memory_space<vmem>>
      %dma_start3A_860 = arith.constant 0 : i32
      %dma_start3A_861 = tpu.memref_slice %arg3[%squeeze3A_849, %dma_start3A_860] : memref<100000x32xf32, #tpu.memory_space<hbm>> -> memref<1x32xf32, #tpu.memory_space<hbm>>
      tpu.enqueue_dma source(%dma_start3A_861 : memref<1x32xf32, #tpu.memory_space<hbm>>) target(%dma_start3A_859 : memref<1x32xf32, #tpu.memory_space<vmem>>) target_semaphore(%arg13 : memref<!tpu.dma_semaphore, #tpu.memory_space<semaphore_mem>>)
      %slice3A_862 = vector.extract_strided_slice %get3A_763 {offsets = [7], sizes = [1], strides = [1]} : vector<16xi32> to vector<1xi32>
      %squeeze3A_863 = vector.extract %slice3A_862[0] : i32 from vector<1xi32>
      %add3A_864 = arith.constant 32 : i32
      %add3A_865 = arith.addi %mul3A_303, %add3A_864 : i32
      %add3A_866 = arith.constant 7 : i32
      %add3A_867 = arith.addi %add3A_865, %add3A_866 : i32
      %dma_start3A_868 = arith.constant 0 : i32
      %dma_start3A_869 = tpu.memref_slice %arg6[%add3A_867, %dma_start3A_868] : memref<512x32xf32, #tpu.memory_space<vmem>> -> memref<1x32xf32, #tpu.memory_space<vmem>>
      %dma_start3A_870 = arith.constant 0 : i32
      %dma_start3A_871 = tpu.memref_slice %arg3[%squeeze3A_863, %dma_start3A_870] : memref<100000x32xf32, #tpu.memory_space<hbm>> -> memref<1x32xf32, #tpu.memory_space<hbm>>
      %dma_start3A_872 = arith.constant 0 : i32
      %dma_start3A_873 = tpu.memref_slice %arg6[%add3A_867, %dma_start3A_872] : memref<512x32xf32, #tpu.memory_space<vmem>> -> memref<1x32xf32, #tpu.memory_space<vmem>>
      %dma_start3A_874 = arith.constant 0 : i32
      %dma_start3A_875 = tpu.memref_slice %arg3[%squeeze3A_863, %dma_start3A_874] : memref<100000x32xf32, #tpu.memory_space<hbm>> -> memref<1x32xf32, #tpu.memory_space<hbm>>
      tpu.enqueue_dma source(%dma_start3A_875 : memref<1x32xf32, #tpu.memory_space<hbm>>) target(%dma_start3A_873 : memref<1x32xf32, #tpu.memory_space<vmem>>) target_semaphore(%arg14 : memref<!tpu.dma_semaphore, #tpu.memory_space<semaphore_mem>>)
      %slice3A_876 = vector.extract_strided_slice %get3A_763 {offsets = [8], sizes = [1], strides = [1]} : vector<16xi32> to vector<1xi32>
      %squeeze3A_877 = vector.extract %slice3A_876[0] : i32 from vector<1xi32>
      %add3A_878 = arith.constant 32 : i32
      %add3A_879 = arith.addi %mul3A_303, %add3A_878 : i32
      %add3A_880 = arith.constant 8 : i32
      %add3A_881 = arith.addi %add3A_879, %add3A_880 : i32
      %dma_start3A_882 = arith.constant 0 : i32
      %dma_start3A_883 = tpu.memref_slice %arg6[%add3A_881, %dma_start3A_882] : memref<512x32xf32, #tpu.memory_space<vmem>> -> memref<1x32xf32, #tpu.memory_space<vmem>>
      %dma_start3A_884 = arith.constant 0 : i32
      %dma_start3A_885 = tpu.memref_slice %arg3[%squeeze3A_877, %dma_start3A_884] : memref<100000x32xf32, #tpu.memory_space<hbm>> -> memref<1x32xf32, #tpu.memory_space<hbm>>
      %dma_start3A_886 = arith.constant 0 : i32
      %dma_start3A_887 = tpu.memref_slice %arg6[%add3A_881, %dma_start3A_886] : memref<512x32xf32, #tpu.memory_space<vmem>> -> memref<1x32xf32, #tpu.memory_space<vmem>>
      %dma_start3A_888 = arith.constant 0 : i32
      %dma_start3A_889 = tpu.memref_slice %arg3[%squeeze3A_877, %dma_start3A_888] : memref<100000x32xf32, #tpu.memory_space<hbm>> -> memref<1x32xf32, #tpu.memory_space<hbm>>
      tpu.enqueue_dma source(%dma_start3A_889 : memref<1x32xf32, #tpu.memory_space<hbm>>) target(%dma_start3A_887 : memref<1x32xf32, #tpu.memory_space<vmem>>) target_semaphore(%arg7 : memref<!tpu.dma_semaphore, #tpu.memory_space<semaphore_mem>>)
      %slice3A_890 = vector.extract_strided_slice %get3A_763 {offsets = [9], sizes = [1], strides = [1]} : vector<16xi32> to vector<1xi32>
      %squeeze3A_891 = vector.extract %slice3A_890[0] : i32 from vector<1xi32>
      %add3A_892 = arith.constant 32 : i32
      %add3A_893 = arith.addi %mul3A_303, %add3A_892 : i32
      %add3A_894 = arith.constant 9 : i32
      %add3A_895 = arith.addi %add3A_893, %add3A_894 : i32
      %dma_start3A_896 = arith.constant 0 : i32
      %dma_start3A_897 = tpu.memref_slice %arg6[%add3A_895, %dma_start3A_896] : memref<512x32xf32, #tpu.memory_space<vmem>> -> memref<1x32xf32, #tpu.memory_space<vmem>>
      %dma_start3A_898 = arith.constant 0 : i32
      %dma_start3A_899 = tpu.memref_slice %arg3[%squeeze3A_891, %dma_start3A_898] : memref<100000x32xf32, #tpu.memory_space<hbm>> -> memref<1x32xf32, #tpu.memory_space<hbm>>
      %dma_start3A_900 = arith.constant 0 : i32
      %dma_start3A_901 = tpu.memref_slice %arg6[%add3A_895, %dma_start3A_900] : memref<512x32xf32, #tpu.memory_space<vmem>> -> memref<1x32xf32, #tpu.memory_space<vmem>>
      %dma_start3A_902 = arith.constant 0 : i32
      %dma_start3A_903 = tpu.memref_slice %arg3[%squeeze3A_891, %dma_start3A_902] : memref<100000x32xf32, #tpu.memory_space<hbm>> -> memref<1x32xf32, #tpu.memory_space<hbm>>
      tpu.enqueue_dma source(%dma_start3A_903 : memref<1x32xf32, #tpu.memory_space<hbm>>) target(%dma_start3A_901 : memref<1x32xf32, #tpu.memory_space<vmem>>) target_semaphore(%arg8 : memref<!tpu.dma_semaphore, #tpu.memory_space<semaphore_mem>>)
      %slice3A_904 = vector.extract_strided_slice %get3A_763 {offsets = [10], sizes = [1], strides = [1]} : vector<16xi32> to vector<1xi32>
      %squeeze3A_905 = vector.extract %slice3A_904[0] : i32 from vector<1xi32>
      %add3A_906 = arith.constant 32 : i32
      %add3A_907 = arith.addi %mul3A_303, %add3A_906 : i32
      %add3A_908 = arith.constant 10 : i32
      %add3A_909 = arith.addi %add3A_907, %add3A_908 : i32
      %dma_start3A_910 = arith.constant 0 : i32
      %dma_start3A_911 = tpu.memref_slice %arg6[%add3A_909, %dma_start3A_910] : memref<512x32xf32, #tpu.memory_space<vmem>> -> memref<1x32xf32, #tpu.memory_space<vmem>>
      %dma_start3A_912 = arith.constant 0 : i32
      %dma_start3A_913 = tpu.memref_slice %arg3[%squeeze3A_905, %dma_start3A_912] : memref<100000x32xf32, #tpu.memory_space<hbm>> -> memref<1x32xf32, #tpu.memory_space<hbm>>
      %dma_start3A_914 = arith.constant 0 : i32
      %dma_start3A_915 = tpu.memref_slice %arg6[%add3A_909, %dma_start3A_914] : memref<512x32xf32, #tpu.memory_space<vmem>> -> memref<1x32xf32, #tpu.memory_space<vmem>>
      %dma_start3A_916 = arith.constant 0 : i32
      %dma_start3A_917 = tpu.memref_slice %arg3[%squeeze3A_905, %dma_start3A_916] : memref<100000x32xf32, #tpu.memory_space<hbm>> -> memref<1x32xf32, #tpu.memory_space<hbm>>
      tpu.enqueue_dma source(%dma_start3A_917 : memref<1x32xf32, #tpu.memory_space<hbm>>) target(%dma_start3A_915 : memref<1x32xf32, #tpu.memory_space<vmem>>) target_semaphore(%arg9 : memref<!tpu.dma_semaphore, #tpu.memory_space<semaphore_mem>>)
      %slice3A_918 = vector.extract_strided_slice %get3A_763 {offsets = [11], sizes = [1], strides = [1]} : vector<16xi32> to vector<1xi32>
      %squeeze3A_919 = vector.extract %slice3A_918[0] : i32 from vector<1xi32>
      %add3A_920 = arith.constant 32 : i32
      %add3A_921 = arith.addi %mul3A_303, %add3A_920 : i32
      %add3A_922 = arith.constant 11 : i32
      %add3A_923 = arith.addi %add3A_921, %add3A_922 : i32
      %dma_start3A_924 = arith.constant 0 : i32
      %dma_start3A_925 = tpu.memref_slice %arg6[%add3A_923, %dma_start3A_924] : memref<512x32xf32, #tpu.memory_space<vmem>> -> memref<1x32xf32, #tpu.memory_space<vmem>>
      %dma_start3A_926 = arith.constant 0 : i32
      %dma_start3A_927 = tpu.memref_slice %arg3[%squeeze3A_919, %dma_start3A_926] : memref<100000x32xf32, #tpu.memory_space<hbm>> -> memref<1x32xf32, #tpu.memory_space<hbm>>
      %dma_start3A_928 = arith.constant 0 : i32
      %dma_start3A_929 = tpu.memref_slice %arg6[%add3A_923, %dma_start3A_928] : memref<512x32xf32, #tpu.memory_space<vmem>> -> memref<1x32xf32, #tpu.memory_space<vmem>>
      %dma_start3A_930 = arith.constant 0 : i32
      %dma_start3A_931 = tpu.memref_slice %arg3[%squeeze3A_919, %dma_start3A_930] : memref<100000x32xf32, #tpu.memory_space<hbm>> -> memref<1x32xf32, #tpu.memory_space<hbm>>
      tpu.enqueue_dma source(%dma_start3A_931 : memref<1x32xf32, #tpu.memory_space<hbm>>) target(%dma_start3A_929 : memref<1x32xf32, #tpu.memory_space<vmem>>) target_semaphore(%arg10 : memref<!tpu.dma_semaphore, #tpu.memory_space<semaphore_mem>>)
      %slice3A_932 = vector.extract_strided_slice %get3A_763 {offsets = [12], sizes = [1], strides = [1]} : vector<16xi32> to vector<1xi32>
      %squeeze3A_933 = vector.extract %slice3A_932[0] : i32 from vector<1xi32>
      %add3A_934 = arith.constant 32 : i32
      %add3A_935 = arith.addi %mul3A_303, %add3A_934 : i32
      %add3A_936 = arith.constant 12 : i32
      %add3A_937 = arith.addi %add3A_935, %add3A_936 : i32
      %dma_start3A_938 = arith.constant 0 : i32
      %dma_start3A_939 = tpu.memref_slice %arg6[%add3A_937, %dma_start3A_938] : memref<512x32xf32, #tpu.memory_space<vmem>> -> memref<1x32xf32, #tpu.memory_space<vmem>>
      %dma_start3A_940 = arith.constant 0 : i32
      %dma_start3A_941 = tpu.memref_slice %arg3[%squeeze3A_933, %dma_start3A_940] : memref<100000x32xf32, #tpu.memory_space<hbm>> -> memref<1x32xf32, #tpu.memory_space<hbm>>
      %dma_start3A_942 = arith.constant 0 : i32
      %dma_start3A_943 = tpu.memref_slice %arg6[%add3A_937, %dma_start3A_942] : memref<512x32xf32, #tpu.memory_space<vmem>> -> memref<1x32xf32, #tpu.memory_space<vmem>>
      %dma_start3A_944 = arith.constant 0 : i32
      %dma_start3A_945 = tpu.memref_slice %arg3[%squeeze3A_933, %dma_start3A_944] : memref<100000x32xf32, #tpu.memory_space<hbm>> -> memref<1x32xf32, #tpu.memory_space<hbm>>
      tpu.enqueue_dma source(%dma_start3A_945 : memref<1x32xf32, #tpu.memory_space<hbm>>) target(%dma_start3A_943 : memref<1x32xf32, #tpu.memory_space<vmem>>) target_semaphore(%arg11 : memref<!tpu.dma_semaphore, #tpu.memory_space<semaphore_mem>>)
      %slice3A_946 = vector.extract_strided_slice %get3A_763 {offsets = [13], sizes = [1], strides = [1]} : vector<16xi32> to vector<1xi32>
      %squeeze3A_947 = vector.extract %slice3A_946[0] : i32 from vector<1xi32>
      %add3A_948 = arith.constant 32 : i32
      %add3A_949 = arith.addi %mul3A_303, %add3A_948 : i32
      %add3A_950 = arith.constant 13 : i32
      %add3A_951 = arith.addi %add3A_949, %add3A_950 : i32
      %dma_start3A_952 = arith.constant 0 : i32
      %dma_start3A_953 = tpu.memref_slice %arg6[%add3A_951, %dma_start3A_952] : memref<512x32xf32, #tpu.memory_space<vmem>> -> memref<1x32xf32, #tpu.memory_space<vmem>>
      %dma_start3A_954 = arith.constant 0 : i32
      %dma_start3A_955 = tpu.memref_slice %arg3[%squeeze3A_947, %dma_start3A_954] : memref<100000x32xf32, #tpu.memory_space<hbm>> -> memref<1x32xf32, #tpu.memory_space<hbm>>
      %dma_start3A_956 = arith.constant 0 : i32
      %dma_start3A_957 = tpu.memref_slice %arg6[%add3A_951, %dma_start3A_956] : memref<512x32xf32, #tpu.memory_space<vmem>> -> memref<1x32xf32, #tpu.memory_space<vmem>>
      %dma_start3A_958 = arith.constant 0 : i32
      %dma_start3A_959 = tpu.memref_slice %arg3[%squeeze3A_947, %dma_start3A_958] : memref<100000x32xf32, #tpu.memory_space<hbm>> -> memref<1x32xf32, #tpu.memory_space<hbm>>
      tpu.enqueue_dma source(%dma_start3A_959 : memref<1x32xf32, #tpu.memory_space<hbm>>) target(%dma_start3A_957 : memref<1x32xf32, #tpu.memory_space<vmem>>) target_semaphore(%arg12 : memref<!tpu.dma_semaphore, #tpu.memory_space<semaphore_mem>>)
      %slice3A_960 = vector.extract_strided_slice %get3A_763 {offsets = [14], sizes = [1], strides = [1]} : vector<16xi32> to vector<1xi32>
      %squeeze3A_961 = vector.extract %slice3A_960[0] : i32 from vector<1xi32>
      %add3A_962 = arith.constant 32 : i32
      %add3A_963 = arith.addi %mul3A_303, %add3A_962 : i32
      %add3A_964 = arith.constant 14 : i32
      %add3A_965 = arith.addi %add3A_963, %add3A_964 : i32
      %dma_start3A_966 = arith.constant 0 : i32
      %dma_start3A_967 = tpu.memref_slice %arg6[%add3A_965, %dma_start3A_966] : memref<512x32xf32, #tpu.memory_space<vmem>> -> memref<1x32xf32, #tpu.memory_space<vmem>>
      %dma_start3A_968 = arith.constant 0 : i32
      %dma_start3A_969 = tpu.memref_slice %arg3[%squeeze3A_961, %dma_start3A_968] : memref<100000x32xf32, #tpu.memory_space<hbm>> -> memref<1x32xf32, #tpu.memory_space<hbm>>
      %dma_start3A_970 = arith.constant 0 : i32
      %dma_start3A_971 = tpu.memref_slice %arg6[%add3A_965, %dma_start3A_970] : memref<512x32xf32, #tpu.memory_space<vmem>> -> memref<1x32xf32, #tpu.memory_space<vmem>>
      %dma_start3A_972 = arith.constant 0 : i32
      %dma_start3A_973 = tpu.memref_slice %arg3[%squeeze3A_961, %dma_start3A_972] : memref<100000x32xf32, #tpu.memory_space<hbm>> -> memref<1x32xf32, #tpu.memory_space<hbm>>
      tpu.enqueue_dma source(%dma_start3A_973 : memref<1x32xf32, #tpu.memory_space<hbm>>) target(%dma_start3A_971 : memref<1x32xf32, #tpu.memory_space<vmem>>) target_semaphore(%arg13 : memref<!tpu.dma_semaphore, #tpu.memory_space<semaphore_mem>>)
      %slice3A_974 = vector.extract_strided_slice %get3A_763 {offsets = [15], sizes = [1], strides = [1]} : vector<16xi32> to vector<1xi32>
      %squeeze3A_975 = vector.extract %slice3A_974[0] : i32 from vector<1xi32>
      %add3A_976 = arith.constant 32 : i32
      %add3A_977 = arith.addi %mul3A_303, %add3A_976 : i32
      %add3A_978 = arith.constant 15 : i32
      %add3A_979 = arith.addi %add3A_977, %add3A_978 : i32
      %dma_start3A_980 = arith.constant 0 : i32
      %dma_start3A_981 = tpu.memref_slice %arg6[%add3A_979, %dma_start3A_980] : memref<512x32xf32, #tpu.memory_space<vmem>> -> memref<1x32xf32, #tpu.memory_space<vmem>>
      %dma_start3A_982 = arith.constant 0 : i32
      %dma_start3A_983 = tpu.memref_slice %arg3[%squeeze3A_975, %dma_start3A_982] : memref<100000x32xf32, #tpu.memory_space<hbm>> -> memref<1x32xf32, #tpu.memory_space<hbm>>
      %dma_start3A_984 = arith.constant 0 : i32
      %dma_start3A_985 = tpu.memref_slice %arg6[%add3A_979, %dma_start3A_984] : memref<512x32xf32, #tpu.memory_space<vmem>> -> memref<1x32xf32, #tpu.memory_space<vmem>>
      %dma_start3A_986 = arith.constant 0 : i32
      %dma_start3A_987 = tpu.memref_slice %arg3[%squeeze3A_975, %dma_start3A_986] : memref<100000x32xf32, #tpu.memory_space<hbm>> -> memref<1x32xf32, #tpu.memory_space<hbm>>
      tpu.enqueue_dma source(%dma_start3A_987 : memref<1x32xf32, #tpu.memory_space<hbm>>) target(%dma_start3A_985 : memref<1x32xf32, #tpu.memory_space<vmem>>) target_semaphore(%arg14 : memref<!tpu.dma_semaphore, #tpu.memory_space<semaphore_mem>>)
      %add3A_988 = arith.constant 48 : i32
      %add3A_989 = arith.addi %mul3A_303, %add3A_988 : i32
      %get3A_990 = arith.index_cast %add3A_989 : i32 to index
      %get3A_991 = tpu.vector_load %arg5[%get3A_990] {strides = array<i32>} : memref<512xi32, #tpu.memory_space<vmem>>, vector<16xi32>,
      %get3A_992 = vector.shape_cast %get3A_991 : vector<16xi32> to vector<16xi32>
      %slice3A_993 = vector.extract_strided_slice %get3A_992 {offsets = [0], sizes = [1], strides = [1]} : vector<16xi32> to vector<1xi32>
      %squeeze3A_994 = vector.extract %slice3A_993[0] : i32 from vector<1xi32>
      %add3A_995 = arith.constant 48 : i32
      %add3A_996 = arith.addi %mul3A_303, %add3A_995 : i32
      %add3A_997 = arith.constant 0 : i32
      %add3A_998 = arith.addi %add3A_996, %add3A_997 : i32
      %dma_start3A_999 = arith.constant 0 : i32
      %dma_start3A_1000 = tpu.memref_slice %arg6[%add3A_998, %dma_start3A_999] : memref<512x32xf32, #tpu.memory_space<vmem>> -> memref<1x32xf32, #tpu.memory_space<vmem>>
      %dma_start3A_1001 = arith.constant 0 : i32
      %dma_start3A_1002 = tpu.memref_slice %arg3[%squeeze3A_994, %dma_start3A_1001] : memref<100000x32xf32, #tpu.memory_space<hbm>> -> memref<1x32xf32, #tpu.memory_space<hbm>>
      %dma_start3A_1003 = arith.constant 0 : i32
      %dma_start3A_1004 = tpu.memref_slice %arg6[%add3A_998, %dma_start3A_1003] : memref<512x32xf32, #tpu.memory_space<vmem>> -> memref<1x32xf32, #tpu.memory_space<vmem>>
      %dma_start3A_1005 = arith.constant 0 : i32
      %dma_start3A_1006 = tpu.memref_slice %arg3[%squeeze3A_994, %dma_start3A_1005] : memref<100000x32xf32, #tpu.memory_space<hbm>> -> memref<1x32xf32, #tpu.memory_space<hbm>>
      tpu.enqueue_dma source(%dma_start3A_1006 : memref<1x32xf32, #tpu.memory_space<hbm>>) target(%dma_start3A_1004 : memref<1x32xf32, #tpu.memory_space<vmem>>) target_semaphore(%arg7 : memref<!tpu.dma_semaphore, #tpu.memory_space<semaphore_mem>>)
      %slice3A_1007 = vector.extract_strided_slice %get3A_992 {offsets = [1], sizes = [1], strides = [1]} : vector<16xi32> to vector<1xi32>
      %squeeze3A_1008 = vector.extract %slice3A_1007[0] : i32 from vector<1xi32>
      %add3A_1009 = arith.constant 48 : i32
      %add3A_1010 = arith.addi %mul3A_303, %add3A_1009 : i32
      %add3A_1011 = arith.constant 1 : i32
      %add3A_1012 = arith.addi %add3A_1010, %add3A_1011 : i32
      %dma_start3A_1013 = arith.constant 0 : i32
      %dma_start3A_1014 = tpu.memref_slice %arg6[%add3A_1012, %dma_start3A_1013] : memref<512x32xf32, #tpu.memory_space<vmem>> -> memref<1x32xf32, #tpu.memory_space<vmem>>
      %dma_start3A_1015 = arith.constant 0 : i32
      %dma_start3A_1016 = tpu.memref_slice %arg3[%squeeze3A_1008, %dma_start3A_1015] : memref<100000x32xf32, #tpu.memory_space<hbm>> -> memref<1x32xf32, #tpu.memory_space<hbm>>
      %dma_start3A_1017 = arith.constant 0 : i32
      %dma_start3A_1018 = tpu.memref_slice %arg6[%add3A_1012, %dma_start3A_1017] : memref<512x32xf32, #tpu.memory_space<vmem>> -> memref<1x32xf32, #tpu.memory_space<vmem>>
      %dma_start3A_1019 = arith.constant 0 : i32
      %dma_start3A_1020 = tpu.memref_slice %arg3[%squeeze3A_1008, %dma_start3A_1019] : memref<100000x32xf32, #tpu.memory_space<hbm>> -> memref<1x32xf32, #tpu.memory_space<hbm>>
      tpu.enqueue_dma source(%dma_start3A_1020 : memref<1x32xf32, #tpu.memory_space<hbm>>) target(%dma_start3A_1018 : memref<1x32xf32, #tpu.memory_space<vmem>>) target_semaphore(%arg8 : memref<!tpu.dma_semaphore, #tpu.memory_space<semaphore_mem>>)
      %slice3A_1021 = vector.extract_strided_slice %get3A_992 {offsets = [2], sizes = [1], strides = [1]} : vector<16xi32> to vector<1xi32>
      %squeeze3A_1022 = vector.extract %slice3A_1021[0] : i32 from vector<1xi32>
      %add3A_1023 = arith.constant 48 : i32
      %add3A_1024 = arith.addi %mul3A_303, %add3A_1023 : i32
      %add3A_1025 = arith.constant 2 : i32
      %add3A_1026 = arith.addi %add3A_1024, %add3A_1025 : i32
      %dma_start3A_1027 = arith.constant 0 : i32
      %dma_start3A_1028 = tpu.memref_slice %arg6[%add3A_1026, %dma_start3A_1027] : memref<512x32xf32, #tpu.memory_space<vmem>> -> memref<1x32xf32, #tpu.memory_space<vmem>>
      %dma_start3A_1029 = arith.constant 0 : i32
      %dma_start3A_1030 = tpu.memref_slice %arg3[%squeeze3A_1022, %dma_start3A_1029] : memref<100000x32xf32, #tpu.memory_space<hbm>> -> memref<1x32xf32, #tpu.memory_space<hbm>>
      %dma_start3A_1031 = arith.constant 0 : i32
      %dma_start3A_1032 = tpu.memref_slice %arg6[%add3A_1026, %dma_start3A_1031] : memref<512x32xf32, #tpu.memory_space<vmem>> -> memref<1x32xf32, #tpu.memory_space<vmem>>
      %dma_start3A_1033 = arith.constant 0 : i32
      %dma_start3A_1034 = tpu.memref_slice %arg3[%squeeze3A_1022, %dma_start3A_1033] : memref<100000x32xf32, #tpu.memory_space<hbm>> -> memref<1x32xf32, #tpu.memory_space<hbm>>
      tpu.enqueue_dma source(%dma_start3A_1034 : memref<1x32xf32, #tpu.memory_space<hbm>>) target(%dma_start3A_1032 : memref<1x32xf32, #tpu.memory_space<vmem>>) target_semaphore(%arg9 : memref<!tpu.dma_semaphore, #tpu.memory_space<semaphore_mem>>)
      %slice3A_1035 = vector.extract_strided_slice %get3A_992 {offsets = [3], sizes = [1], strides = [1]} : vector<16xi32> to vector<1xi32>
      %squeeze3A_1036 = vector.extract %slice3A_1035[0] : i32 from vector<1xi32>
      %add3A_1037 = arith.constant 48 : i32
      %add3A_1038 = arith.addi %mul3A_303, %add3A_1037 : i32
      %add3A_1039 = arith.constant 3 : i32
      %add3A_1040 = arith.addi %add3A_1038, %add3A_1039 : i32
      %dma_start3A_1041 = arith.constant 0 : i32
      %dma_start3A_1042 = tpu.memref_slice %arg6[%add3A_1040, %dma_start3A_1041] : memref<512x32xf32, #tpu.memory_space<vmem>> -> memref<1x32xf32, #tpu.memory_space<vmem>>
      %dma_start3A_1043 = arith.constant 0 : i32
      %dma_start3A_1044 = tpu.memref_slice %arg3[%squeeze3A_1036, %dma_start3A_1043] : memref<100000x32xf32, #tpu.memory_space<hbm>> -> memref<1x32xf32, #tpu.memory_space<hbm>>
      %dma_start3A_1045 = arith.constant 0 : i32
      %dma_start3A_1046 = tpu.memref_slice %arg6[%add3A_1040, %dma_start3A_1045] : memref<512x32xf32, #tpu.memory_space<vmem>> -> memref<1x32xf32, #tpu.memory_space<vmem>>
      %dma_start3A_1047 = arith.constant 0 : i32
      %dma_start3A_1048 = tpu.memref_slice %arg3[%squeeze3A_1036, %dma_start3A_1047] : memref<100000x32xf32, #tpu.memory_space<hbm>> -> memref<1x32xf32, #tpu.memory_space<hbm>>
      tpu.enqueue_dma source(%dma_start3A_1048 : memref<1x32xf32, #tpu.memory_space<hbm>>) target(%dma_start3A_1046 : memref<1x32xf32, #tpu.memory_space<vmem>>) target_semaphore(%arg10 : memref<!tpu.dma_semaphore, #tpu.memory_space<semaphore_mem>>)
      %slice3A_1049 = vector.extract_strided_slice %get3A_992 {offsets = [4], sizes = [1], strides = [1]} : vector<16xi32> to vector<1xi32>
      %squeeze3A_1050 = vector.extract %slice3A_1049[0] : i32 from vector<1xi32>
      %add3A_1051 = arith.constant 48 : i32
      %add3A_1052 = arith.addi %mul3A_303, %add3A_1051 : i32
      %add3A_1053 = arith.constant 4 : i32
      %add3A_1054 = arith.addi %add3A_1052, %add3A_1053 : i32
      %dma_start3A_1055 = arith.constant 0 : i32
      %dma_start3A_1056 = tpu.memref_slice %arg6[%add3A_1054, %dma_start3A_1055] : memref<512x32xf32, #tpu.memory_space<vmem>> -> memref<1x32xf32, #tpu.memory_space<vmem>>
      %dma_start3A_1057 = arith.constant 0 : i32
      %dma_start3A_1058 = tpu.memref_slice %arg3[%squeeze3A_1050, %dma_start3A_1057] : memref<100000x32xf32, #tpu.memory_space<hbm>> -> memref<1x32xf32, #tpu.memory_space<hbm>>
      %dma_start3A_1059 = arith.constant 0 : i32
      %dma_start3A_1060 = tpu.memref_slice %arg6[%add3A_1054, %dma_start3A_1059] : memref<512x32xf32, #tpu.memory_space<vmem>> -> memref<1x32xf32, #tpu.memory_space<vmem>>
      %dma_start3A_1061 = arith.constant 0 : i32
      %dma_start3A_1062 = tpu.memref_slice %arg3[%squeeze3A_1050, %dma_start3A_1061] : memref<100000x32xf32, #tpu.memory_space<hbm>> -> memref<1x32xf32, #tpu.memory_space<hbm>>
      tpu.enqueue_dma source(%dma_start3A_1062 : memref<1x32xf32, #tpu.memory_space<hbm>>) target(%dma_start3A_1060 : memref<1x32xf32, #tpu.memory_space<vmem>>) target_semaphore(%arg11 : memref<!tpu.dma_semaphore, #tpu.memory_space<semaphore_mem>>)
      %slice3A_1063 = vector.extract_strided_slice %get3A_992 {offsets = [5], sizes = [1], strides = [1]} : vector<16xi32> to vector<1xi32>
      %squeeze3A_1064 = vector.extract %slice3A_1063[0] : i32 from vector<1xi32>
      %add3A_1065 = arith.constant 48 : i32
      %add3A_1066 = arith.addi %mul3A_303, %add3A_1065 : i32
      %add3A_1067 = arith.constant 5 : i32
      %add3A_1068 = arith.addi %add3A_1066, %add3A_1067 : i32
      %dma_start3A_1069 = arith.constant 0 : i32
      %dma_start3A_1070 = tpu.memref_slice %arg6[%add3A_1068, %dma_start3A_1069] : memref<512x32xf32, #tpu.memory_space<vmem>> -> memref<1x32xf32, #tpu.memory_space<vmem>>
      %dma_start3A_1071 = arith.constant 0 : i32
      %dma_start3A_1072 = tpu.memref_slice %arg3[%squeeze3A_1064, %dma_start3A_1071] : memref<100000x32xf32, #tpu.memory_space<hbm>> -> memref<1x32xf32, #tpu.memory_space<hbm>>
      %dma_start3A_1073 = arith.constant 0 : i32
      %dma_start3A_1074 = tpu.memref_slice %arg6[%add3A_1068, %dma_start3A_1073] : memref<512x32xf32, #tpu.memory_space<vmem>> -> memref<1x32xf32, #tpu.memory_space<vmem>>
      %dma_start3A_1075 = arith.constant 0 : i32
      %dma_start3A_1076 = tpu.memref_slice %arg3[%squeeze3A_1064, %dma_start3A_1075] : memref<100000x32xf32, #tpu.memory_space<hbm>> -> memref<1x32xf32, #tpu.memory_space<hbm>>
      tpu.enqueue_dma source(%dma_start3A_1076 : memref<1x32xf32, #tpu.memory_space<hbm>>) target(%dma_start3A_1074 : memref<1x32xf32, #tpu.memory_space<vmem>>) target_semaphore(%arg12 : memref<!tpu.dma_semaphore, #tpu.memory_space<semaphore_mem>>)
      %slice3A_1077 = vector.extract_strided_slice %get3A_992 {offsets = [6], sizes = [1], strides = [1]} : vector<16xi32> to vector<1xi32>
      %squeeze3A_1078 = vector.extract %slice3A_1077[0] : i32 from vector<1xi32>
      %add3A_1079 = arith.constant 48 : i32
      %add3A_1080 = arith.addi %mul3A_303, %add3A_1079 : i32
      %add3A_1081 = arith.constant 6 : i32
      %add3A_1082 = arith.addi %add3A_1080, %add3A_1081 : i32
      %dma_start3A_1083 = arith.constant 0 : i32
      %dma_start3A_1084 = tpu.memref_slice %arg6[%add3A_1082, %dma_start3A_1083] : memref<512x32xf32, #tpu.memory_space<vmem>> -> memref<1x32xf32, #tpu.memory_space<vmem>>
      %dma_start3A_1085 = arith.constant 0 : i32
      %dma_start3A_1086 = tpu.memref_slice %arg3[%squeeze3A_1078, %dma_start3A_1085] : memref<100000x32xf32, #tpu.memory_space<hbm>> -> memref<1x32xf32, #tpu.memory_space<hbm>>
      %dma_start3A_1087 = arith.constant 0 : i32
      %dma_start3A_1088 = tpu.memref_slice %arg6[%add3A_1082, %dma_start3A_1087] : memref<512x32xf32, #tpu.memory_space<vmem>> -> memref<1x32xf32, #tpu.memory_space<vmem>>
      %dma_start3A_1089 = arith.constant 0 : i32
      %dma_start3A_1090 = tpu.memref_slice %arg3[%squeeze3A_1078, %dma_start3A_1089] : memref<100000x32xf32, #tpu.memory_space<hbm>> -> memref<1x32xf32, #tpu.memory_space<hbm>>
      tpu.enqueue_dma source(%dma_start3A_1090 : memref<1x32xf32, #tpu.memory_space<hbm>>) target(%dma_start3A_1088 : memref<1x32xf32, #tpu.memory_space<vmem>>) target_semaphore(%arg13 : memref<!tpu.dma_semaphore, #tpu.memory_space<semaphore_mem>>)
      %slice3A_1091 = vector.extract_strided_slice %get3A_992 {offsets = [7], sizes = [1], strides = [1]} : vector<16xi32> to vector<1xi32>
      %squeeze3A_1092 = vector.extract %slice3A_1091[0] : i32 from vector<1xi32>
      %add3A_1093 = arith.constant 48 : i32
      %add3A_1094 = arith.addi %mul3A_303, %add3A_1093 : i32
      %add3A_1095 = arith.constant 7 : i32
      %add3A_1096 = arith.addi %add3A_1094, %add3A_1095 : i32
      %dma_start3A_1097 = arith.constant 0 : i32
      %dma_start3A_1098 = tpu.memref_slice %arg6[%add3A_1096, %dma_start3A_1097] : memref<512x32xf32, #tpu.memory_space<vmem>> -> memref<1x32xf32, #tpu.memory_space<vmem>>
      %dma_start3A_1099 = arith.constant 0 : i32
      %dma_start3A_1100 = tpu.memref_slice %arg3[%squeeze3A_1092, %dma_start3A_1099] : memref<100000x32xf32, #tpu.memory_space<hbm>> -> memref<1x32xf32, #tpu.memory_space<hbm>>
      %dma_start3A_1101 = arith.constant 0 : i32
      %dma_start3A_1102 = tpu.memref_slice %arg6[%add3A_1096, %dma_start3A_1101] : memref<512x32xf32, #tpu.memory_space<vmem>> -> memref<1x32xf32, #tpu.memory_space<vmem>>
      %dma_start3A_1103 = arith.constant 0 : i32
      %dma_start3A_1104 = tpu.memref_slice %arg3[%squeeze3A_1092, %dma_start3A_1103] : memref<100000x32xf32, #tpu.memory_space<hbm>> -> memref<1x32xf32, #tpu.memory_space<hbm>>
      tpu.enqueue_dma source(%dma_start3A_1104 : memref<1x32xf32, #tpu.memory_space<hbm>>) target(%dma_start3A_1102 : memref<1x32xf32, #tpu.memory_space<vmem>>) target_semaphore(%arg14 : memref<!tpu.dma_semaphore, #tpu.memory_space<semaphore_mem>>)
      %slice3A_1105 = vector.extract_strided_slice %get3A_992 {offsets = [8], sizes = [1], strides = [1]} : vector<16xi32> to vector<1xi32>
      %squeeze3A_1106 = vector.extract %slice3A_1105[0] : i32 from vector<1xi32>
      %add3A_1107 = arith.constant 48 : i32
      %add3A_1108 = arith.addi %mul3A_303, %add3A_1107 : i32
      %add3A_1109 = arith.constant 8 : i32
      %add3A_1110 = arith.addi %add3A_1108, %add3A_1109 : i32
      %dma_start3A_1111 = arith.constant 0 : i32
      %dma_start3A_1112 = tpu.memref_slice %arg6[%add3A_1110, %dma_start3A_1111] : memref<512x32xf32, #tpu.memory_space<vmem>> -> memref<1x32xf32, #tpu.memory_space<vmem>>
      %dma_start3A_1113 = arith.constant 0 : i32
      %dma_start3A_1114 = tpu.memref_slice %arg3[%squeeze3A_1106, %dma_start3A_1113] : memref<100000x32xf32, #tpu.memory_space<hbm>> -> memref<1x32xf32, #tpu.memory_space<hbm>>
      %dma_start3A_1115 = arith.constant 0 : i32
      %dma_start3A_1116 = tpu.memref_slice %arg6[%add3A_1110, %dma_start3A_1115] : memref<512x32xf32, #tpu.memory_space<vmem>> -> memref<1x32xf32, #tpu.memory_space<vmem>>
      %dma_start3A_1117 = arith.constant 0 : i32
      %dma_start3A_1118 = tpu.memref_slice %arg3[%squeeze3A_1106, %dma_start3A_1117] : memref<100000x32xf32, #tpu.memory_space<hbm>> -> memref<1x32xf32, #tpu.memory_space<hbm>>
      tpu.enqueue_dma source(%dma_start3A_1118 : memref<1x32xf32, #tpu.memory_space<hbm>>) target(%dma_start3A_1116 : memref<1x32xf32, #tpu.memory_space<vmem>>) target_semaphore(%arg7 : memref<!tpu.dma_semaphore, #tpu.memory_space<semaphore_mem>>)
      %slice3A_1119 = vector.extract_strided_slice %get3A_992 {offsets = [9], sizes = [1], strides = [1]} : vector<16xi32> to vector<1xi32>
      %squeeze3A_1120 = vector.extract %slice3A_1119[0] : i32 from vector<1xi32>
      %add3A_1121 = arith.constant 48 : i32
      %add3A_1122 = arith.addi %mul3A_303, %add3A_1121 : i32
      %add3A_1123 = arith.constant 9 : i32
      %add3A_1124 = arith.addi %add3A_1122, %add3A_1123 : i32
      %dma_start3A_1125 = arith.constant 0 : i32
      %dma_start3A_1126 = tpu.memref_slice %arg6[%add3A_1124, %dma_start3A_1125] : memref<512x32xf32, #tpu.memory_space<vmem>> -> memref<1x32xf32, #tpu.memory_space<vmem>>
      %dma_start3A_1127 = arith.constant 0 : i32
      %dma_start3A_1128 = tpu.memref_slice %arg3[%squeeze3A_1120, %dma_start3A_1127] : memref<100000x32xf32, #tpu.memory_space<hbm>> -> memref<1x32xf32, #tpu.memory_space<hbm>>
      %dma_start3A_1129 = arith.constant 0 : i32
      %dma_start3A_1130 = tpu.memref_slice %arg6[%add3A_1124, %dma_start3A_1129] : memref<512x32xf32, #tpu.memory_space<vmem>> -> memref<1x32xf32, #tpu.memory_space<vmem>>
      %dma_start3A_1131 = arith.constant 0 : i32
      %dma_start3A_1132 = tpu.memref_slice %arg3[%squeeze3A_1120, %dma_start3A_1131] : memref<100000x32xf32, #tpu.memory_space<hbm>> -> memref<1x32xf32, #tpu.memory_space<hbm>>
      tpu.enqueue_dma source(%dma_start3A_1132 : memref<1x32xf32, #tpu.memory_space<hbm>>) target(%dma_start3A_1130 : memref<1x32xf32, #tpu.memory_space<vmem>>) target_semaphore(%arg8 : memref<!tpu.dma_semaphore, #tpu.memory_space<semaphore_mem>>)
      %slice3A_1133 = vector.extract_strided_slice %get3A_992 {offsets = [10], sizes = [1], strides = [1]} : vector<16xi32> to vector<1xi32>
      %squeeze3A_1134 = vector.extract %slice3A_1133[0] : i32 from vector<1xi32>
      %add3A_1135 = arith.constant 48 : i32
      %add3A_1136 = arith.addi %mul3A_303, %add3A_1135 : i32
      %add3A_1137 = arith.constant 10 : i32
      %add3A_1138 = arith.addi %add3A_1136, %add3A_1137 : i32
      %dma_start3A_1139 = arith.constant 0 : i32
      %dma_start3A_1140 = tpu.memref_slice %arg6[%add3A_1138, %dma_start3A_1139] : memref<512x32xf32, #tpu.memory_space<vmem>> -> memref<1x32xf32, #tpu.memory_space<vmem>>
      %dma_start3A_1141 = arith.constant 0 : i32
      %dma_start3A_1142 = tpu.memref_slice %arg3[%squeeze3A_1134, %dma_start3A_1141] : memref<100000x32xf32, #tpu.memory_space<hbm>> -> memref<1x32xf32, #tpu.memory_space<hbm>>
      %dma_start3A_1143 = arith.constant 0 : i32
      %dma_start3A_1144 = tpu.memref_slice %arg6[%add3A_1138, %dma_start3A_1143] : memref<512x32xf32, #tpu.memory_space<vmem>> -> memref<1x32xf32, #tpu.memory_space<vmem>>
      %dma_start3A_1145 = arith.constant 0 : i32
      %dma_start3A_1146 = tpu.memref_slice %arg3[%squeeze3A_1134, %dma_start3A_1145] : memref<100000x32xf32, #tpu.memory_space<hbm>> -> memref<1x32xf32, #tpu.memory_space<hbm>>
      tpu.enqueue_dma source(%dma_start3A_1146 : memref<1x32xf32, #tpu.memory_space<hbm>>) target(%dma_start3A_1144 : memref<1x32xf32, #tpu.memory_space<vmem>>) target_semaphore(%arg9 : memref<!tpu.dma_semaphore, #tpu.memory_space<semaphore_mem>>)
      %slice3A_1147 = vector.extract_strided_slice %get3A_992 {offsets = [11], sizes = [1], strides = [1]} : vector<16xi32> to vector<1xi32>
      %squeeze3A_1148 = vector.extract %slice3A_1147[0] : i32 from vector<1xi32>
      %add3A_1149 = arith.constant 48 : i32
      %add3A_1150 = arith.addi %mul3A_303, %add3A_1149 : i32
      %add3A_1151 = arith.constant 11 : i32
      %add3A_1152 = arith.addi %add3A_1150, %add3A_1151 : i32
      %dma_start3A_1153 = arith.constant 0 : i32
      %dma_start3A_1154 = tpu.memref_slice %arg6[%add3A_1152, %dma_start3A_1153] : memref<512x32xf32, #tpu.memory_space<vmem>> -> memref<1x32xf32, #tpu.memory_space<vmem>>
      %dma_start3A_1155 = arith.constant 0 : i32
      %dma_start3A_1156 = tpu.memref_slice %arg3[%squeeze3A_1148, %dma_start3A_1155] : memref<100000x32xf32, #tpu.memory_space<hbm>> -> memref<1x32xf32, #tpu.memory_space<hbm>>
      %dma_start3A_1157 = arith.constant 0 : i32
      %dma_start3A_1158 = tpu.memref_slice %arg6[%add3A_1152, %dma_start3A_1157] : memref<512x32xf32, #tpu.memory_space<vmem>> -> memref<1x32xf32, #tpu.memory_space<vmem>>
      %dma_start3A_1159 = arith.constant 0 : i32
      %dma_start3A_1160 = tpu.memref_slice %arg3[%squeeze3A_1148, %dma_start3A_1159] : memref<100000x32xf32, #tpu.memory_space<hbm>> -> memref<1x32xf32, #tpu.memory_space<hbm>>
      tpu.enqueue_dma source(%dma_start3A_1160 : memref<1x32xf32, #tpu.memory_space<hbm>>) target(%dma_start3A_1158 : memref<1x32xf32, #tpu.memory_space<vmem>>) target_semaphore(%arg10 : memref<!tpu.dma_semaphore, #tpu.memory_space<semaphore_mem>>)
      %slice3A_1161 = vector.extract_strided_slice %get3A_992 {offsets = [12], sizes = [1], strides = [1]} : vector<16xi32> to vector<1xi32>
      %squeeze3A_1162 = vector.extract %slice3A_1161[0] : i32 from vector<1xi32>
      %add3A_1163 = arith.constant 48 : i32
      %add3A_1164 = arith.addi %mul3A_303, %add3A_1163 : i32
      %add3A_1165 = arith.constant 12 : i32
      %add3A_1166 = arith.addi %add3A_1164, %add3A_1165 : i32
      %dma_start3A_1167 = arith.constant 0 : i32
      %dma_start3A_1168 = tpu.memref_slice %arg6[%add3A_1166, %dma_start3A_1167] : memref<512x32xf32, #tpu.memory_space<vmem>> -> memref<1x32xf32, #tpu.memory_space<vmem>>
      %dma_start3A_1169 = arith.constant 0 : i32
      %dma_start3A_1170 = tpu.memref_slice %arg3[%squeeze3A_1162, %dma_start3A_1169] : memref<100000x32xf32, #tpu.memory_space<hbm>> -> memref<1x32xf32, #tpu.memory_space<hbm>>
      %dma_start3A_1171 = arith.constant 0 : i32
      %dma_start3A_1172 = tpu.memref_slice %arg6[%add3A_1166, %dma_start3A_1171] : memref<512x32xf32, #tpu.memory_space<vmem>> -> memref<1x32xf32, #tpu.memory_space<vmem>>
      %dma_start3A_1173 = arith.constant 0 : i32
      %dma_start3A_1174 = tpu.memref_slice %arg3[%squeeze3A_1162, %dma_start3A_1173] : memref<100000x32xf32, #tpu.memory_space<hbm>> -> memref<1x32xf32, #tpu.memory_space<hbm>>
      tpu.enqueue_dma source(%dma_start3A_1174 : memref<1x32xf32, #tpu.memory_space<hbm>>) target(%dma_start3A_1172 : memref<1x32xf32, #tpu.memory_space<vmem>>) target_semaphore(%arg11 : memref<!tpu.dma_semaphore, #tpu.memory_space<semaphore_mem>>)
      %slice3A_1175 = vector.extract_strided_slice %get3A_992 {offsets = [13], sizes = [1], strides = [1]} : vector<16xi32> to vector<1xi32>
      %squeeze3A_1176 = vector.extract %slice3A_1175[0] : i32 from vector<1xi32>
      %add3A_1177 = arith.constant 48 : i32
      %add3A_1178 = arith.addi %mul3A_303, %add3A_1177 : i32
      %add3A_1179 = arith.constant 13 : i32
      %add3A_1180 = arith.addi %add3A_1178, %add3A_1179 : i32
      %dma_start3A_1181 = arith.constant 0 : i32
      %dma_start3A_1182 = tpu.memref_slice %arg6[%add3A_1180, %dma_start3A_1181] : memref<512x32xf32, #tpu.memory_space<vmem>> -> memref<1x32xf32, #tpu.memory_space<vmem>>
      %dma_start3A_1183 = arith.constant 0 : i32
      %dma_start3A_1184 = tpu.memref_slice %arg3[%squeeze3A_1176, %dma_start3A_1183] : memref<100000x32xf32, #tpu.memory_space<hbm>> -> memref<1x32xf32, #tpu.memory_space<hbm>>
      %dma_start3A_1185 = arith.constant 0 : i32
      %dma_start3A_1186 = tpu.memref_slice %arg6[%add3A_1180, %dma_start3A_1185] : memref<512x32xf32, #tpu.memory_space<vmem>> -> memref<1x32xf32, #tpu.memory_space<vmem>>
      %dma_start3A_1187 = arith.constant 0 : i32
      %dma_start3A_1188 = tpu.memref_slice %arg3[%squeeze3A_1176, %dma_start3A_1187] : memref<100000x32xf32, #tpu.memory_space<hbm>> -> memref<1x32xf32, #tpu.memory_space<hbm>>
      tpu.enqueue_dma source(%dma_start3A_1188 : memref<1x32xf32, #tpu.memory_space<hbm>>) target(%dma_start3A_1186 : memref<1x32xf32, #tpu.memory_space<vmem>>) target_semaphore(%arg12 : memref<!tpu.dma_semaphore, #tpu.memory_space<semaphore_mem>>)
      %slice3A_1189 = vector.extract_strided_slice %get3A_992 {offsets = [14], sizes = [1], strides = [1]} : vector<16xi32> to vector<1xi32>
      %squeeze3A_1190 = vector.extract %slice3A_1189[0] : i32 from vector<1xi32>
      %add3A_1191 = arith.constant 48 : i32
      %add3A_1192 = arith.addi %mul3A_303, %add3A_1191 : i32
      %add3A_1193 = arith.constant 14 : i32
      %add3A_1194 = arith.addi %add3A_1192, %add3A_1193 : i32
      %dma_start3A_1195 = arith.constant 0 : i32
      %dma_start3A_1196 = tpu.memref_slice %arg6[%add3A_1194, %dma_start3A_1195] : memref<512x32xf32, #tpu.memory_space<vmem>> -> memref<1x32xf32, #tpu.memory_space<vmem>>
      %dma_start3A_1197 = arith.constant 0 : i32
      %dma_start3A_1198 = tpu.memref_slice %arg3[%squeeze3A_1190, %dma_start3A_1197] : memref<100000x32xf32, #tpu.memory_space<hbm>> -> memref<1x32xf32, #tpu.memory_space<hbm>>
      %dma_start3A_1199 = arith.constant 0 : i32
      %dma_start3A_1200 = tpu.memref_slice %arg6[%add3A_1194, %dma_start3A_1199] : memref<512x32xf32, #tpu.memory_space<vmem>> -> memref<1x32xf32, #tpu.memory_space<vmem>>
      %dma_start3A_1201 = arith.constant 0 : i32
      %dma_start3A_1202 = tpu.memref_slice %arg3[%squeeze3A_1190, %dma_start3A_1201] : memref<100000x32xf32, #tpu.memory_space<hbm>> -> memref<1x32xf32, #tpu.memory_space<hbm>>
      tpu.enqueue_dma source(%dma_start3A_1202 : memref<1x32xf32, #tpu.memory_space<hbm>>) target(%dma_start3A_1200 : memref<1x32xf32, #tpu.memory_space<vmem>>) target_semaphore(%arg13 : memref<!tpu.dma_semaphore, #tpu.memory_space<semaphore_mem>>)
      %slice3A_1203 = vector.extract_strided_slice %get3A_992 {offsets = [15], sizes = [1], strides = [1]} : vector<16xi32> to vector<1xi32>
      %squeeze3A_1204 = vector.extract %slice3A_1203[0] : i32 from vector<1xi32>
      %add3A_1205 = arith.constant 48 : i32
      %add3A_1206 = arith.addi %mul3A_303, %add3A_1205 : i32
      %add3A_1207 = arith.constant 15 : i32
      %add3A_1208 = arith.addi %add3A_1206, %add3A_1207 : i32
      %dma_start3A_1209 = arith.constant 0 : i32
      %dma_start3A_1210 = tpu.memref_slice %arg6[%add3A_1208, %dma_start3A_1209] : memref<512x32xf32, #tpu.memory_space<vmem>> -> memref<1x32xf32, #tpu.memory_space<vmem>>
      %dma_start3A_1211 = arith.constant 0 : i32
      %dma_start3A_1212 = tpu.memref_slice %arg3[%squeeze3A_1204, %dma_start3A_1211] : memref<100000x32xf32, #tpu.memory_space<hbm>> -> memref<1x32xf32, #tpu.memory_space<hbm>>
      %dma_start3A_1213 = arith.constant 0 : i32
      %dma_start3A_1214 = tpu.memref_slice %arg6[%add3A_1208, %dma_start3A_1213] : memref<512x32xf32, #tpu.memory_space<vmem>> -> memref<1x32xf32, #tpu.memory_space<vmem>>
      %dma_start3A_1215 = arith.constant 0 : i32
      %dma_start3A_1216 = tpu.memref_slice %arg3[%squeeze3A_1204, %dma_start3A_1215] : memref<100000x32xf32, #tpu.memory_space<hbm>> -> memref<1x32xf32, #tpu.memory_space<hbm>>
      tpu.enqueue_dma source(%dma_start3A_1216 : memref<1x32xf32, #tpu.memory_space<hbm>>) target(%dma_start3A_1214 : memref<1x32xf32, #tpu.memory_space<vmem>>) target_semaphore(%arg14 : memref<!tpu.dma_semaphore, #tpu.memory_space<semaphore_mem>>)
      %gt3A = arith.constant 1 : i32
      %gt3A_1217 = arith.cmpi sgt, %scan3A_301, %gt3A : i32
      %convert_element_type3A = arith.extui %gt3A_1217 : i1 to i32
      %cond3A = arith.constant 0 : i32
      %cond3A_1218 = arith.cmpi ne, %convert_element_type3A, %cond3A : i32
      scf.if %cond3A_1218 {
        %dma_wait3A_2144 = arith.constant 0 : i32
        %dma_wait3A_2145 = arith.constant 0 : i32
        %dma_wait3A_2146 = tpu.memref_slice %arg6[%dma_wait3A_2144, %dma_wait3A_2145] : memref<512x32xf32, #tpu.memory_space<vmem>> -> memref<8x32xf32, #tpu.memory_space<vmem>>
        %dma_wait3A_2147 = arith.constant 0 : i32
        %dma_wait3A_2148 = arith.constant 0 : i32
        %dma_wait3A_2149 = tpu.memref_slice %arg3[%dma_wait3A_2147, %dma_wait3A_2148] : memref<100000x32xf32, #tpu.memory_space<hbm>> -> memref<8x32xf32, #tpu.memory_space<hbm>>
        %dma_wait3A_2150 = arith.constant 0 : i32
        %dma_wait3A_2151 = arith.constant 0 : i32
        %dma_wait3A_2152 = tpu.memref_slice %arg6[%dma_wait3A_2150, %dma_wait3A_2151] : memref<512x32xf32, #tpu.memory_space<vmem>> -> memref<8x32xf32, #tpu.memory_space<vmem>>
        %dma_wait3A_2153 = arith.constant 0 : i32
        %dma_wait3A_2154 = arith.constant 0 : i32
        %dma_wait3A_2155 = tpu.memref_slice %arg3[%dma_wait3A_2153, %dma_wait3A_2154] : memref<100000x32xf32, #tpu.memory_space<hbm>> -> memref<8x32xf32, #tpu.memory_space<hbm>>
        tpu.wait_dma2 semaphore(%arg7 : memref<!tpu.dma_semaphore, #tpu.memory_space<semaphore_mem>>) src(%dma_wait3A_2155 : memref<8x32xf32, #tpu.memory_space<hbm>>) dst(%dma_wait3A_2152 : memref<8x32xf32, #tpu.memory_space<vmem>>)
        %dma_wait3A_2156 = arith.constant 0 : i32
        %dma_wait3A_2157 = arith.constant 0 : i32
        %dma_wait3A_2158 = tpu.memref_slice %arg6[%dma_wait3A_2156, %dma_wait3A_2157] : memref<512x32xf32, #tpu.memory_space<vmem>> -> memref<8x32xf32, #tpu.memory_space<vmem>>
        %dma_wait3A_2159 = arith.constant 0 : i32
        %dma_wait3A_2160 = arith.constant 0 : i32
        %dma_wait3A_2161 = tpu.memref_slice %arg3[%dma_wait3A_2159, %dma_wait3A_2160] : memref<100000x32xf32, #tpu.memory_space<hbm>> -> memref<8x32xf32, #tpu.memory_space<hbm>>
        %dma_wait3A_2162 = arith.constant 0 : i32
        %dma_wait3A_2163 = arith.constant 0 : i32
        %dma_wait3A_2164 = tpu.memref_slice %arg6[%dma_wait3A_2162, %dma_wait3A_2163] : memref<512x32xf32, #tpu.memory_space<vmem>> -> memref<8x32xf32, #tpu.memory_space<vmem>>
        %dma_wait3A_2165 = arith.constant 0 : i32
        %dma_wait3A_2166 = arith.constant 0 : i32
        %dma_wait3A_2167 = tpu.memref_slice %arg3[%dma_wait3A_2165, %dma_wait3A_2166] : memref<100000x32xf32, #tpu.memory_space<hbm>> -> memref<8x32xf32, #tpu.memory_space<hbm>>
        tpu.wait_dma2 semaphore(%arg8 : memref<!tpu.dma_semaphore, #tpu.memory_space<semaphore_mem>>) src(%dma_wait3A_2167 : memref<8x32xf32, #tpu.memory_space<hbm>>) dst(%dma_wait3A_2164 : memref<8x32xf32, #tpu.memory_space<vmem>>)
        %dma_wait3A_2168 = arith.constant 0 : i32
        %dma_wait3A_2169 = arith.constant 0 : i32
        %dma_wait3A_2170 = tpu.memref_slice %arg6[%dma_wait3A_2168, %dma_wait3A_2169] : memref<512x32xf32, #tpu.memory_space<vmem>> -> memref<8x32xf32, #tpu.memory_space<vmem>>
        %dma_wait3A_2171 = arith.constant 0 : i32
        %dma_wait3A_2172 = arith.constant 0 : i32
        %dma_wait3A_2173 = tpu.memref_slice %arg3[%dma_wait3A_2171, %dma_wait3A_2172] : memref<100000x32xf32, #tpu.memory_space<hbm>> -> memref<8x32xf32, #tpu.memory_space<hbm>>
        %dma_wait3A_2174 = arith.constant 0 : i32
        %dma_wait3A_2175 = arith.constant 0 : i32
        %dma_wait3A_2176 = tpu.memref_slice %arg6[%dma_wait3A_2174, %dma_wait3A_2175] : memref<512x32xf32, #tpu.memory_space<vmem>> -> memref<8x32xf32, #tpu.memory_space<vmem>>
        %dma_wait3A_2177 = arith.constant 0 : i32
        %dma_wait3A_2178 = arith.constant 0 : i32
        %dma_wait3A_2179 = tpu.memref_slice %arg3[%dma_wait3A_2177, %dma_wait3A_2178] : memref<100000x32xf32, #tpu.memory_space<hbm>> -> memref<8x32xf32, #tpu.memory_space<hbm>>
        tpu.wait_dma2 semaphore(%arg9 : memref<!tpu.dma_semaphore, #tpu.memory_space<semaphore_mem>>) src(%dma_wait3A_2179 : memref<8x32xf32, #tpu.memory_space<hbm>>) dst(%dma_wait3A_2176 : memref<8x32xf32, #tpu.memory_space<vmem>>)
        %dma_wait3A_2180 = arith.constant 0 : i32
        %dma_wait3A_2181 = arith.constant 0 : i32
        %dma_wait3A_2182 = tpu.memref_slice %arg6[%dma_wait3A_2180, %dma_wait3A_2181] : memref<512x32xf32, #tpu.memory_space<vmem>> -> memref<8x32xf32, #tpu.memory_space<vmem>>
        %dma_wait3A_2183 = arith.constant 0 : i32
        %dma_wait3A_2184 = arith.constant 0 : i32
        %dma_wait3A_2185 = tpu.memref_slice %arg3[%dma_wait3A_2183, %dma_wait3A_2184] : memref<100000x32xf32, #tpu.memory_space<hbm>> -> memref<8x32xf32, #tpu.memory_space<hbm>>
        %dma_wait3A_2186 = arith.constant 0 : i32
        %dma_wait3A_2187 = arith.constant 0 : i32
        %dma_wait3A_2188 = tpu.memref_slice %arg6[%dma_wait3A_2186, %dma_wait3A_2187] : memref<512x32xf32, #tpu.memory_space<vmem>> -> memref<8x32xf32, #tpu.memory_space<vmem>>
        %dma_wait3A_2189 = arith.constant 0 : i32
        %dma_wait3A_2190 = arith.constant 0 : i32
        %dma_wait3A_2191 = tpu.memref_slice %arg3[%dma_wait3A_2189, %dma_wait3A_2190] : memref<100000x32xf32, #tpu.memory_space<hbm>> -> memref<8x32xf32, #tpu.memory_space<hbm>>
        tpu.wait_dma2 semaphore(%arg10 : memref<!tpu.dma_semaphore, #tpu.memory_space<semaphore_mem>>) src(%dma_wait3A_2191 : memref<8x32xf32, #tpu.memory_space<hbm>>) dst(%dma_wait3A_2188 : memref<8x32xf32, #tpu.memory_space<vmem>>)
        %dma_wait3A_2192 = arith.constant 0 : i32
        %dma_wait3A_2193 = arith.constant 0 : i32
        %dma_wait3A_2194 = tpu.memref_slice %arg6[%dma_wait3A_2192, %dma_wait3A_2193] : memref<512x32xf32, #tpu.memory_space<vmem>> -> memref<8x32xf32, #tpu.memory_space<vmem>>
        %dma_wait3A_2195 = arith.constant 0 : i32
        %dma_wait3A_2196 = arith.constant 0 : i32
        %dma_wait3A_2197 = tpu.memref_slice %arg3[%dma_wait3A_2195, %dma_wait3A_2196] : memref<100000x32xf32, #tpu.memory_space<hbm>> -> memref<8x32xf32, #tpu.memory_space<hbm>>
        %dma_wait3A_2198 = arith.constant 0 : i32
        %dma_wait3A_2199 = arith.constant 0 : i32
        %dma_wait3A_2200 = tpu.memref_slice %arg6[%dma_wait3A_2198, %dma_wait3A_2199] : memref<512x32xf32, #tpu.memory_space<vmem>> -> memref<8x32xf32, #tpu.memory_space<vmem>>
        %dma_wait3A_2201 = arith.constant 0 : i32
        %dma_wait3A_2202 = arith.constant 0 : i32
        %dma_wait3A_2203 = tpu.memref_slice %arg3[%dma_wait3A_2201, %dma_wait3A_2202] : memref<100000x32xf32, #tpu.memory_space<hbm>> -> memref<8x32xf32, #tpu.memory_space<hbm>>
        tpu.wait_dma2 semaphore(%arg11 : memref<!tpu.dma_semaphore, #tpu.memory_space<semaphore_mem>>) src(%dma_wait3A_2203 : memref<8x32xf32, #tpu.memory_space<hbm>>) dst(%dma_wait3A_2200 : memref<8x32xf32, #tpu.memory_space<vmem>>)
        %dma_wait3A_2204 = arith.constant 0 : i32
        %dma_wait3A_2205 = arith.constant 0 : i32
        %dma_wait3A_2206 = tpu.memref_slice %arg6[%dma_wait3A_2204, %dma_wait3A_2205] : memref<512x32xf32, #tpu.memory_space<vmem>> -> memref<8x32xf32, #tpu.memory_space<vmem>>
        %dma_wait3A_2207 = arith.constant 0 : i32
        %dma_wait3A_2208 = arith.constant 0 : i32
        %dma_wait3A_2209 = tpu.memref_slice %arg3[%dma_wait3A_2207, %dma_wait3A_2208] : memref<100000x32xf32, #tpu.memory_space<hbm>> -> memref<8x32xf32, #tpu.memory_space<hbm>>
        %dma_wait3A_2210 = arith.constant 0 : i32
        %dma_wait3A_2211 = arith.constant 0 : i32
        %dma_wait3A_2212 = tpu.memref_slice %arg6[%dma_wait3A_2210, %dma_wait3A_2211] : memref<512x32xf32, #tpu.memory_space<vmem>> -> memref<8x32xf32, #tpu.memory_space<vmem>>
        %dma_wait3A_2213 = arith.constant 0 : i32
        %dma_wait3A_2214 = arith.constant 0 : i32
        %dma_wait3A_2215 = tpu.memref_slice %arg3[%dma_wait3A_2213, %dma_wait3A_2214] : memref<100000x32xf32, #tpu.memory_space<hbm>> -> memref<8x32xf32, #tpu.memory_space<hbm>>
        tpu.wait_dma2 semaphore(%arg12 : memref<!tpu.dma_semaphore, #tpu.memory_space<semaphore_mem>>) src(%dma_wait3A_2215 : memref<8x32xf32, #tpu.memory_space<hbm>>) dst(%dma_wait3A_2212 : memref<8x32xf32, #tpu.memory_space<vmem>>)
        %dma_wait3A_2216 = arith.constant 0 : i32
        %dma_wait3A_2217 = arith.constant 0 : i32
        %dma_wait3A_2218 = tpu.memref_slice %arg6[%dma_wait3A_2216, %dma_wait3A_2217] : memref<512x32xf32, #tpu.memory_space<vmem>> -> memref<8x32xf32, #tpu.memory_space<vmem>>
        %dma_wait3A_2219 = arith.constant 0 : i32
        %dma_wait3A_2220 = arith.constant 0 : i32
        %dma_wait3A_2221 = tpu.memref_slice %arg3[%dma_wait3A_2219, %dma_wait3A_2220] : memref<100000x32xf32, #tpu.memory_space<hbm>> -> memref<8x32xf32, #tpu.memory_space<hbm>>
        %dma_wait3A_2222 = arith.constant 0 : i32
        %dma_wait3A_2223 = arith.constant 0 : i32
        %dma_wait3A_2224 = tpu.memref_slice %arg6[%dma_wait3A_2222, %dma_wait3A_2223] : memref<512x32xf32, #tpu.memory_space<vmem>> -> memref<8x32xf32, #tpu.memory_space<vmem>>
        %dma_wait3A_2225 = arith.constant 0 : i32
        %dma_wait3A_2226 = arith.constant 0 : i32
        %dma_wait3A_2227 = tpu.memref_slice %arg3[%dma_wait3A_2225, %dma_wait3A_2226] : memref<100000x32xf32, #tpu.memory_space<hbm>> -> memref<8x32xf32, #tpu.memory_space<hbm>>
        tpu.wait_dma2 semaphore(%arg13 : memref<!tpu.dma_semaphore, #tpu.memory_space<semaphore_mem>>) src(%dma_wait3A_2227 : memref<8x32xf32, #tpu.memory_space<hbm>>) dst(%dma_wait3A_2224 : memref<8x32xf32, #tpu.memory_space<vmem>>)
        %dma_wait3A_2228 = arith.constant 0 : i32
        %dma_wait3A_2229 = arith.constant 0 : i32
        %dma_wait3A_2230 = tpu.memref_slice %arg6[%dma_wait3A_2228, %dma_wait3A_2229] : memref<512x32xf32, #tpu.memory_space<vmem>> -> memref<8x32xf32, #tpu.memory_space<vmem>>
        %dma_wait3A_2231 = arith.constant 0 : i32
        %dma_wait3A_2232 = arith.constant 0 : i32
        %dma_wait3A_2233 = tpu.memref_slice %arg3[%dma_wait3A_2231, %dma_wait3A_2232] : memref<100000x32xf32, #tpu.memory_space<hbm>> -> memref<8x32xf32, #tpu.memory_space<hbm>>
        %dma_wait3A_2234 = arith.constant 0 : i32
        %dma_wait3A_2235 = arith.constant 0 : i32
        %dma_wait3A_2236 = tpu.memref_slice %arg6[%dma_wait3A_2234, %dma_wait3A_2235] : memref<512x32xf32, #tpu.memory_space<vmem>> -> memref<8x32xf32, #tpu.memory_space<vmem>>
        %dma_wait3A_2237 = arith.constant 0 : i32
        %dma_wait3A_2238 = arith.constant 0 : i32
        %dma_wait3A_2239 = tpu.memref_slice %arg3[%dma_wait3A_2237, %dma_wait3A_2238] : memref<100000x32xf32, #tpu.memory_space<hbm>> -> memref<8x32xf32, #tpu.memory_space<hbm>>
        tpu.wait_dma2 semaphore(%arg14 : memref<!tpu.dma_semaphore, #tpu.memory_space<semaphore_mem>>) src(%dma_wait3A_2239 : memref<8x32xf32, #tpu.memory_space<hbm>>) dst(%dma_wait3A_2236 : memref<8x32xf32, #tpu.memory_space<vmem>>)
        %sub3A = arith.constant 2 : i32
        %sub3A_2240 = arith.subi %scan3A_301, %sub3A : i32
        %mul3A_2241 = arith.constant 64 : i32
        %mul3A_2242 = arith.muli %sub3A_2240, %mul3A_2241 : i32
        %add3A_2243 = arith.addi %mul3A_2, %mul3A_2242 : i32
        %dma_start3A_2244 = arith.constant 0 : i32
        %dma_start3A_2245 = tpu.memref_slice %arg6[%mul3A_2242, %dma_start3A_2244] : memref<512x32xf32, #tpu.memory_space<vmem>> -> memref<64x32xf32, #tpu.memory_space<vmem>>
        %dma_start3A_2246 = arith.constant 0 : i32
        %dma_start3A_2247 = tpu.memref_slice %arg4[%add3A_2243, %dma_start3A_2246] : memref<16384x32xf32, #tpu.memory_space<hbm>> -> memref<64x32xf32, #tpu.memory_space<hbm>>
        %dma_start3A_2248 = arith.constant 0 : i32
        %dma_start3A_2249 = tpu.memref_slice %arg4[%add3A_2243, %dma_start3A_2248] : memref<16384x32xf32, #tpu.memory_space<hbm>> -> memref<64x32xf32, #tpu.memory_space<hbm>>
        %dma_start3A_2250 = arith.constant 0 : i32
        %dma_start3A_2251 = tpu.memref_slice %arg6[%mul3A_2242, %dma_start3A_2250] : memref<512x32xf32, #tpu.memory_space<vmem>> -> memref<64x32xf32, #tpu.memory_space<vmem>>
        tpu.enqueue_dma source(%dma_start3A_2251 : memref<64x32xf32, #tpu.memory_space<vmem>>) target(%dma_start3A_2249 : memref<64x32xf32, #tpu.memory_space<hbm>>) target_semaphore(%arg15 : memref<!tpu.dma_semaphore, #tpu.memory_space<semaphore_mem>>)
      } else {
      }
      %scan3A_1219 = arith.constant 1 : i32
      %scan3A_1220 = arith.addi %scan3A_301, %scan3A_1219 : i32
      %mul3A_1221 = arith.constant 64 : i32
      %mul3A_1222 = arith.muli %scan3A_1220, %mul3A_1221 : i32
      %add3A_1223 = arith.constant 0 : i32
      %add3A_1224 = arith.addi %mul3A_1222, %add3A_1223 : i32
      %get3A_1225 = arith.index_cast %add3A_1224 : i32 to index
      %get3A_1226 = tpu.vector_load %arg5[%get3A_1225] {strides = array<i32>} : memref<512xi32, #tpu.memory_space<vmem>>, vector<16xi32>,
      %get3A_1227 = vector.shape_cast %get3A_1226 : vector<16xi32> to vector<16xi32>
      %slice3A_1228 = vector.extract_strided_slice %get3A_1227 {offsets = [0], sizes = [1], strides = [1]} : vector<16xi32> to vector<1xi32>
      %squeeze3A_1229 = vector.extract %slice3A_1228[0] : i32 from vector<1xi32>
      %add3A_1230 = arith.constant 0 : i32
      %add3A_1231 = arith.addi %mul3A_1222, %add3A_1230 : i32
      %add3A_1232 = arith.constant 0 : i32
      %add3A_1233 = arith.addi %add3A_1231, %add3A_1232 : i32
      %dma_start3A_1234 = arith.constant 0 : i32
      %dma_start3A_1235 = tpu.memref_slice %arg6[%add3A_1233, %dma_start3A_1234] : memref<512x32xf32, #tpu.memory_space<vmem>> -> memref<1x32xf32, #tpu.memory_space<vmem>>
      %dma_start3A_1236 = arith.constant 0 : i32
      %dma_start3A_1237 = tpu.memref_slice %arg3[%squeeze3A_1229, %dma_start3A_1236] : memref<100000x32xf32, #tpu.memory_space<hbm>> -> memref<1x32xf32, #tpu.memory_space<hbm>>
      %dma_start3A_1238 = arith.constant 0 : i32
      %dma_start3A_1239 = tpu.memref_slice %arg6[%add3A_1233, %dma_start3A_1238] : memref<512x32xf32, #tpu.memory_space<vmem>> -> memref<1x32xf32, #tpu.memory_space<vmem>>
      %dma_start3A_1240 = arith.constant 0 : i32
      %dma_start3A_1241 = tpu.memref_slice %arg3[%squeeze3A_1229, %dma_start3A_1240] : memref<100000x32xf32, #tpu.memory_space<hbm>> -> memref<1x32xf32, #tpu.memory_space<hbm>>
      tpu.enqueue_dma source(%dma_start3A_1241 : memref<1x32xf32, #tpu.memory_space<hbm>>) target(%dma_start3A_1239 : memref<1x32xf32, #tpu.memory_space<vmem>>) target_semaphore(%arg7 : memref<!tpu.dma_semaphore, #tpu.memory_space<semaphore_mem>>)
      %slice3A_1242 = vector.extract_strided_slice %get3A_1227 {offsets = [1], sizes = [1], strides = [1]} : vector<16xi32> to vector<1xi32>
      %squeeze3A_1243 = vector.extract %slice3A_1242[0] : i32 from vector<1xi32>
      %add3A_1244 = arith.constant 0 : i32
      %add3A_1245 = arith.addi %mul3A_1222, %add3A_1244 : i32
      %add3A_1246 = arith.constant 1 : i32
      %add3A_1247 = arith.addi %add3A_1245, %add3A_1246 : i32
      %dma_start3A_1248 = arith.constant 0 : i32
      %dma_start3A_1249 = tpu.memref_slice %arg6[%add3A_1247, %dma_start3A_1248] : memref<512x32xf32, #tpu.memory_space<vmem>> -> memref<1x32xf32, #tpu.memory_space<vmem>>
      %dma_start3A_1250 = arith.constant 0 : i32
      %dma_start3A_1251 = tpu.memref_slice %arg3[%squeeze3A_1243, %dma_start3A_1250] : memref<100000x32xf32, #tpu.memory_space<hbm>> -> memref<1x32xf32, #tpu.memory_space<hbm>>
      %dma_start3A_1252 = arith.constant 0 : i32
      %dma_start3A_1253 = tpu.memref_slice %arg6[%add3A_1247, %dma_start3A_1252] : memref<512x32xf32, #tpu.memory_space<vmem>> -> memref<1x32xf32, #tpu.memory_space<vmem>>
      %dma_start3A_1254 = arith.constant 0 : i32
      %dma_start3A_1255 = tpu.memref_slice %arg3[%squeeze3A_1243, %dma_start3A_1254] : memref<100000x32xf32, #tpu.memory_space<hbm>> -> memref<1x32xf32, #tpu.memory_space<hbm>>
      tpu.enqueue_dma source(%dma_start3A_1255 : memref<1x32xf32, #tpu.memory_space<hbm>>) target(%dma_start3A_1253 : memref<1x32xf32, #tpu.memory_space<vmem>>) target_semaphore(%arg8 : memref<!tpu.dma_semaphore, #tpu.memory_space<semaphore_mem>>)
      %slice3A_1256 = vector.extract_strided_slice %get3A_1227 {offsets = [2], sizes = [1], strides = [1]} : vector<16xi32> to vector<1xi32>
      %squeeze3A_1257 = vector.extract %slice3A_1256[0] : i32 from vector<1xi32>
      %add3A_1258 = arith.constant 0 : i32
      %add3A_1259 = arith.addi %mul3A_1222, %add3A_1258 : i32
      %add3A_1260 = arith.constant 2 : i32
      %add3A_1261 = arith.addi %add3A_1259, %add3A_1260 : i32
      %dma_start3A_1262 = arith.constant 0 : i32
      %dma_start3A_1263 = tpu.memref_slice %arg6[%add3A_1261, %dma_start3A_1262] : memref<512x32xf32, #tpu.memory_space<vmem>> -> memref<1x32xf32, #tpu.memory_space<vmem>>
      %dma_start3A_1264 = arith.constant 0 : i32
      %dma_start3A_1265 = tpu.memref_slice %arg3[%squeeze3A_1257, %dma_start3A_1264] : memref<100000x32xf32, #tpu.memory_space<hbm>> -> memref<1x32xf32, #tpu.memory_space<hbm>>
      %dma_start3A_1266 = arith.constant 0 : i32
      %dma_start3A_1267 = tpu.memref_slice %arg6[%add3A_1261, %dma_start3A_1266] : memref<512x32xf32, #tpu.memory_space<vmem>> -> memref<1x32xf32, #tpu.memory_space<vmem>>
      %dma_start3A_1268 = arith.constant 0 : i32
      %dma_start3A_1269 = tpu.memref_slice %arg3[%squeeze3A_1257, %dma_start3A_1268] : memref<100000x32xf32, #tpu.memory_space<hbm>> -> memref<1x32xf32, #tpu.memory_space<hbm>>
      tpu.enqueue_dma source(%dma_start3A_1269 : memref<1x32xf32, #tpu.memory_space<hbm>>) target(%dma_start3A_1267 : memref<1x32xf32, #tpu.memory_space<vmem>>) target_semaphore(%arg9 : memref<!tpu.dma_semaphore, #tpu.memory_space<semaphore_mem>>)
      %slice3A_1270 = vector.extract_strided_slice %get3A_1227 {offsets = [3], sizes = [1], strides = [1]} : vector<16xi32> to vector<1xi32>
      %squeeze3A_1271 = vector.extract %slice3A_1270[0] : i32 from vector<1xi32>
      %add3A_1272 = arith.constant 0 : i32
      %add3A_1273 = arith.addi %mul3A_1222, %add3A_1272 : i32
      %add3A_1274 = arith.constant 3 : i32
      %add3A_1275 = arith.addi %add3A_1273, %add3A_1274 : i32
      %dma_start3A_1276 = arith.constant 0 : i32
      %dma_start3A_1277 = tpu.memref_slice %arg6[%add3A_1275, %dma_start3A_1276] : memref<512x32xf32, #tpu.memory_space<vmem>> -> memref<1x32xf32, #tpu.memory_space<vmem>>
      %dma_start3A_1278 = arith.constant 0 : i32
      %dma_start3A_1279 = tpu.memref_slice %arg3[%squeeze3A_1271, %dma_start3A_1278] : memref<100000x32xf32, #tpu.memory_space<hbm>> -> memref<1x32xf32, #tpu.memory_space<hbm>>
      %dma_start3A_1280 = arith.constant 0 : i32
      %dma_start3A_1281 = tpu.memref_slice %arg6[%add3A_1275, %dma_start3A_1280] : memref<512x32xf32, #tpu.memory_space<vmem>> -> memref<1x32xf32, #tpu.memory_space<vmem>>
      %dma_start3A_1282 = arith.constant 0 : i32
      %dma_start3A_1283 = tpu.memref_slice %arg3[%squeeze3A_1271, %dma_start3A_1282] : memref<100000x32xf32, #tpu.memory_space<hbm>> -> memref<1x32xf32, #tpu.memory_space<hbm>>
      tpu.enqueue_dma source(%dma_start3A_1283 : memref<1x32xf32, #tpu.memory_space<hbm>>) target(%dma_start3A_1281 : memref<1x32xf32, #tpu.memory_space<vmem>>) target_semaphore(%arg10 : memref<!tpu.dma_semaphore, #tpu.memory_space<semaphore_mem>>)
      %slice3A_1284 = vector.extract_strided_slice %get3A_1227 {offsets = [4], sizes = [1], strides = [1]} : vector<16xi32> to vector<1xi32>
      %squeeze3A_1285 = vector.extract %slice3A_1284[0] : i32 from vector<1xi32>
      %add3A_1286 = arith.constant 0 : i32
      %add3A_1287 = arith.addi %mul3A_1222, %add3A_1286 : i32
      %add3A_1288 = arith.constant 4 : i32
      %add3A_1289 = arith.addi %add3A_1287, %add3A_1288 : i32
      %dma_start3A_1290 = arith.constant 0 : i32
      %dma_start3A_1291 = tpu.memref_slice %arg6[%add3A_1289, %dma_start3A_1290] : memref<512x32xf32, #tpu.memory_space<vmem>> -> memref<1x32xf32, #tpu.memory_space<vmem>>
      %dma_start3A_1292 = arith.constant 0 : i32
      %dma_start3A_1293 = tpu.memref_slice %arg3[%squeeze3A_1285, %dma_start3A_1292] : memref<100000x32xf32, #tpu.memory_space<hbm>> -> memref<1x32xf32, #tpu.memory_space<hbm>>
      %dma_start3A_1294 = arith.constant 0 : i32
      %dma_start3A_1295 = tpu.memref_slice %arg6[%add3A_1289, %dma_start3A_1294] : memref<512x32xf32, #tpu.memory_space<vmem>> -> memref<1x32xf32, #tpu.memory_space<vmem>>
      %dma_start3A_1296 = arith.constant 0 : i32
      %dma_start3A_1297 = tpu.memref_slice %arg3[%squeeze3A_1285, %dma_start3A_1296] : memref<100000x32xf32, #tpu.memory_space<hbm>> -> memref<1x32xf32, #tpu.memory_space<hbm>>
      tpu.enqueue_dma source(%dma_start3A_1297 : memref<1x32xf32, #tpu.memory_space<hbm>>) target(%dma_start3A_1295 : memref<1x32xf32, #tpu.memory_space<vmem>>) target_semaphore(%arg11 : memref<!tpu.dma_semaphore, #tpu.memory_space<semaphore_mem>>)
      %slice3A_1298 = vector.extract_strided_slice %get3A_1227 {offsets = [5], sizes = [1], strides = [1]} : vector<16xi32> to vector<1xi32>
      %squeeze3A_1299 = vector.extract %slice3A_1298[0] : i32 from vector<1xi32>
      %add3A_1300 = arith.constant 0 : i32
      %add3A_1301 = arith.addi %mul3A_1222, %add3A_1300 : i32
      %add3A_1302 = arith.constant 5 : i32
      %add3A_1303 = arith.addi %add3A_1301, %add3A_1302 : i32
      %dma_start3A_1304 = arith.constant 0 : i32
      %dma_start3A_1305 = tpu.memref_slice %arg6[%add3A_1303, %dma_start3A_1304] : memref<512x32xf32, #tpu.memory_space<vmem>> -> memref<1x32xf32, #tpu.memory_space<vmem>>
      %dma_start3A_1306 = arith.constant 0 : i32
      %dma_start3A_1307 = tpu.memref_slice %arg3[%squeeze3A_1299, %dma_start3A_1306] : memref<100000x32xf32, #tpu.memory_space<hbm>> -> memref<1x32xf32, #tpu.memory_space<hbm>>
      %dma_start3A_1308 = arith.constant 0 : i32
      %dma_start3A_1309 = tpu.memref_slice %arg6[%add3A_1303, %dma_start3A_1308] : memref<512x32xf32, #tpu.memory_space<vmem>> -> memref<1x32xf32, #tpu.memory_space<vmem>>
      %dma_start3A_1310 = arith.constant 0 : i32
      %dma_start3A_1311 = tpu.memref_slice %arg3[%squeeze3A_1299, %dma_start3A_1310] : memref<100000x32xf32, #tpu.memory_space<hbm>> -> memref<1x32xf32, #tpu.memory_space<hbm>>
      tpu.enqueue_dma source(%dma_start3A_1311 : memref<1x32xf32, #tpu.memory_space<hbm>>) target(%dma_start3A_1309 : memref<1x32xf32, #tpu.memory_space<vmem>>) target_semaphore(%arg12 : memref<!tpu.dma_semaphore, #tpu.memory_space<semaphore_mem>>)
      %slice3A_1312 = vector.extract_strided_slice %get3A_1227 {offsets = [6], sizes = [1], strides = [1]} : vector<16xi32> to vector<1xi32>
      %squeeze3A_1313 = vector.extract %slice3A_1312[0] : i32 from vector<1xi32>
      %add3A_1314 = arith.constant 0 : i32
      %add3A_1315 = arith.addi %mul3A_1222, %add3A_1314 : i32
      %add3A_1316 = arith.constant 6 : i32
      %add3A_1317 = arith.addi %add3A_1315, %add3A_1316 : i32
      %dma_start3A_1318 = arith.constant 0 : i32
      %dma_start3A_1319 = tpu.memref_slice %arg6[%add3A_1317, %dma_start3A_1318] : memref<512x32xf32, #tpu.memory_space<vmem>> -> memref<1x32xf32, #tpu.memory_space<vmem>>
      %dma_start3A_1320 = arith.constant 0 : i32
      %dma_start3A_1321 = tpu.memref_slice %arg3[%squeeze3A_1313, %dma_start3A_1320] : memref<100000x32xf32, #tpu.memory_space<hbm>> -> memref<1x32xf32, #tpu.memory_space<hbm>>
      %dma_start3A_1322 = arith.constant 0 : i32
      %dma_start3A_1323 = tpu.memref_slice %arg6[%add3A_1317, %dma_start3A_1322] : memref<512x32xf32, #tpu.memory_space<vmem>> -> memref<1x32xf32, #tpu.memory_space<vmem>>
      %dma_start3A_1324 = arith.constant 0 : i32
      %dma_start3A_1325 = tpu.memref_slice %arg3[%squeeze3A_1313, %dma_start3A_1324] : memref<100000x32xf32, #tpu.memory_space<hbm>> -> memref<1x32xf32, #tpu.memory_space<hbm>>
      tpu.enqueue_dma source(%dma_start3A_1325 : memref<1x32xf32, #tpu.memory_space<hbm>>) target(%dma_start3A_1323 : memref<1x32xf32, #tpu.memory_space<vmem>>) target_semaphore(%arg13 : memref<!tpu.dma_semaphore, #tpu.memory_space<semaphore_mem>>)
      %slice3A_1326 = vector.extract_strided_slice %get3A_1227 {offsets = [7], sizes = [1], strides = [1]} : vector<16xi32> to vector<1xi32>
      %squeeze3A_1327 = vector.extract %slice3A_1326[0] : i32 from vector<1xi32>
      %add3A_1328 = arith.constant 0 : i32
      %add3A_1329 = arith.addi %mul3A_1222, %add3A_1328 : i32
      %add3A_1330 = arith.constant 7 : i32
      %add3A_1331 = arith.addi %add3A_1329, %add3A_1330 : i32
      %dma_start3A_1332 = arith.constant 0 : i32
      %dma_start3A_1333 = tpu.memref_slice %arg6[%add3A_1331, %dma_start3A_1332] : memref<512x32xf32, #tpu.memory_space<vmem>> -> memref<1x32xf32, #tpu.memory_space<vmem>>
      %dma_start3A_1334 = arith.constant 0 : i32
      %dma_start3A_1335 = tpu.memref_slice %arg3[%squeeze3A_1327, %dma_start3A_1334] : memref<100000x32xf32, #tpu.memory_space<hbm>> -> memref<1x32xf32, #tpu.memory_space<hbm>>
      %dma_start3A_1336 = arith.constant 0 : i32
      %dma_start3A_1337 = tpu.memref_slice %arg6[%add3A_1331, %dma_start3A_1336] : memref<512x32xf32, #tpu.memory_space<vmem>> -> memref<1x32xf32, #tpu.memory_space<vmem>>
      %dma_start3A_1338 = arith.constant 0 : i32
      %dma_start3A_1339 = tpu.memref_slice %arg3[%squeeze3A_1327, %dma_start3A_1338] : memref<100000x32xf32, #tpu.memory_space<hbm>> -> memref<1x32xf32, #tpu.memory_space<hbm>>
      tpu.enqueue_dma source(%dma_start3A_1339 : memref<1x32xf32, #tpu.memory_space<hbm>>) target(%dma_start3A_1337 : memref<1x32xf32, #tpu.memory_space<vmem>>) target_semaphore(%arg14 : memref<!tpu.dma_semaphore, #tpu.memory_space<semaphore_mem>>)
      %slice3A_1340 = vector.extract_strided_slice %get3A_1227 {offsets = [8], sizes = [1], strides = [1]} : vector<16xi32> to vector<1xi32>
      %squeeze3A_1341 = vector.extract %slice3A_1340[0] : i32 from vector<1xi32>
      %add3A_1342 = arith.constant 0 : i32
      %add3A_1343 = arith.addi %mul3A_1222, %add3A_1342 : i32
      %add3A_1344 = arith.constant 8 : i32
      %add3A_1345 = arith.addi %add3A_1343, %add3A_1344 : i32
      %dma_start3A_1346 = arith.constant 0 : i32
      %dma_start3A_1347 = tpu.memref_slice %arg6[%add3A_1345, %dma_start3A_1346] : memref<512x32xf32, #tpu.memory_space<vmem>> -> memref<1x32xf32, #tpu.memory_space<vmem>>
      %dma_start3A_1348 = arith.constant 0 : i32
      %dma_start3A_1349 = tpu.memref_slice %arg3[%squeeze3A_1341, %dma_start3A_1348] : memref<100000x32xf32, #tpu.memory_space<hbm>> -> memref<1x32xf32, #tpu.memory_space<hbm>>
      %dma_start3A_1350 = arith.constant 0 : i32
      %dma_start3A_1351 = tpu.memref_slice %arg6[%add3A_1345, %dma_start3A_1350] : memref<512x32xf32, #tpu.memory_space<vmem>> -> memref<1x32xf32, #tpu.memory_space<vmem>>
      %dma_start3A_1352 = arith.constant 0 : i32
      %dma_start3A_1353 = tpu.memref_slice %arg3[%squeeze3A_1341, %dma_start3A_1352] : memref<100000x32xf32, #tpu.memory_space<hbm>> -> memref<1x32xf32, #tpu.memory_space<hbm>>
      tpu.enqueue_dma source(%dma_start3A_1353 : memref<1x32xf32, #tpu.memory_space<hbm>>) target(%dma_start3A_1351 : memref<1x32xf32, #tpu.memory_space<vmem>>) target_semaphore(%arg7 : memref<!tpu.dma_semaphore, #tpu.memory_space<semaphore_mem>>)
      %slice3A_1354 = vector.extract_strided_slice %get3A_1227 {offsets = [9], sizes = [1], strides = [1]} : vector<16xi32> to vector<1xi32>
      %squeeze3A_1355 = vector.extract %slice3A_1354[0] : i32 from vector<1xi32>
      %add3A_1356 = arith.constant 0 : i32
      %add3A_1357 = arith.addi %mul3A_1222, %add3A_1356 : i32
      %add3A_1358 = arith.constant 9 : i32
      %add3A_1359 = arith.addi %add3A_1357, %add3A_1358 : i32
      %dma_start3A_1360 = arith.constant 0 : i32
      %dma_start3A_1361 = tpu.memref_slice %arg6[%add3A_1359, %dma_start3A_1360] : memref<512x32xf32, #tpu.memory_space<vmem>> -> memref<1x32xf32, #tpu.memory_space<vmem>>
      %dma_start3A_1362 = arith.constant 0 : i32
      %dma_start3A_1363 = tpu.memref_slice %arg3[%squeeze3A_1355, %dma_start3A_1362] : memref<100000x32xf32, #tpu.memory_space<hbm>> -> memref<1x32xf32, #tpu.memory_space<hbm>>
      %dma_start3A_1364 = arith.constant 0 : i32
      %dma_start3A_1365 = tpu.memref_slice %arg6[%add3A_1359, %dma_start3A_1364] : memref<512x32xf32, #tpu.memory_space<vmem>> -> memref<1x32xf32, #tpu.memory_space<vmem>>
      %dma_start3A_1366 = arith.constant 0 : i32
      %dma_start3A_1367 = tpu.memref_slice %arg3[%squeeze3A_1355, %dma_start3A_1366] : memref<100000x32xf32, #tpu.memory_space<hbm>> -> memref<1x32xf32, #tpu.memory_space<hbm>>
      tpu.enqueue_dma source(%dma_start3A_1367 : memref<1x32xf32, #tpu.memory_space<hbm>>) target(%dma_start3A_1365 : memref<1x32xf32, #tpu.memory_space<vmem>>) target_semaphore(%arg8 : memref<!tpu.dma_semaphore, #tpu.memory_space<semaphore_mem>>)
      %slice3A_1368 = vector.extract_strided_slice %get3A_1227 {offsets = [10], sizes = [1], strides = [1]} : vector<16xi32> to vector<1xi32>
      %squeeze3A_1369 = vector.extract %slice3A_1368[0] : i32 from vector<1xi32>
      %add3A_1370 = arith.constant 0 : i32
      %add3A_1371 = arith.addi %mul3A_1222, %add3A_1370 : i32
      %add3A_1372 = arith.constant 10 : i32
      %add3A_1373 = arith.addi %add3A_1371, %add3A_1372 : i32
      %dma_start3A_1374 = arith.constant 0 : i32
      %dma_start3A_1375 = tpu.memref_slice %arg6[%add3A_1373, %dma_start3A_1374] : memref<512x32xf32, #tpu.memory_space<vmem>> -> memref<1x32xf32, #tpu.memory_space<vmem>>
      %dma_start3A_1376 = arith.constant 0 : i32
      %dma_start3A_1377 = tpu.memref_slice %arg3[%squeeze3A_1369, %dma_start3A_1376] : memref<100000x32xf32, #tpu.memory_space<hbm>> -> memref<1x32xf32, #tpu.memory_space<hbm>>
      %dma_start3A_1378 = arith.constant 0 : i32
      %dma_start3A_1379 = tpu.memref_slice %arg6[%add3A_1373, %dma_start3A_1378] : memref<512x32xf32, #tpu.memory_space<vmem>> -> memref<1x32xf32, #tpu.memory_space<vmem>>
      %dma_start3A_1380 = arith.constant 0 : i32
      %dma_start3A_1381 = tpu.memref_slice %arg3[%squeeze3A_1369, %dma_start3A_1380] : memref<100000x32xf32, #tpu.memory_space<hbm>> -> memref<1x32xf32, #tpu.memory_space<hbm>>
      tpu.enqueue_dma source(%dma_start3A_1381 : memref<1x32xf32, #tpu.memory_space<hbm>>) target(%dma_start3A_1379 : memref<1x32xf32, #tpu.memory_space<vmem>>) target_semaphore(%arg9 : memref<!tpu.dma_semaphore, #tpu.memory_space<semaphore_mem>>)
      %slice3A_1382 = vector.extract_strided_slice %get3A_1227 {offsets = [11], sizes = [1], strides = [1]} : vector<16xi32> to vector<1xi32>
      %squeeze3A_1383 = vector.extract %slice3A_1382[0] : i32 from vector<1xi32>
      %add3A_1384 = arith.constant 0 : i32
      %add3A_1385 = arith.addi %mul3A_1222, %add3A_1384 : i32
      %add3A_1386 = arith.constant 11 : i32
      %add3A_1387 = arith.addi %add3A_1385, %add3A_1386 : i32
      %dma_start3A_1388 = arith.constant 0 : i32
      %dma_start3A_1389 = tpu.memref_slice %arg6[%add3A_1387, %dma_start3A_1388] : memref<512x32xf32, #tpu.memory_space<vmem>> -> memref<1x32xf32, #tpu.memory_space<vmem>>
      %dma_start3A_1390 = arith.constant 0 : i32
      %dma_start3A_1391 = tpu.memref_slice %arg3[%squeeze3A_1383, %dma_start3A_1390] : memref<100000x32xf32, #tpu.memory_space<hbm>> -> memref<1x32xf32, #tpu.memory_space<hbm>>
      %dma_start3A_1392 = arith.constant 0 : i32
      %dma_start3A_1393 = tpu.memref_slice %arg6[%add3A_1387, %dma_start3A_1392] : memref<512x32xf32, #tpu.memory_space<vmem>> -> memref<1x32xf32, #tpu.memory_space<vmem>>
      %dma_start3A_1394 = arith.constant 0 : i32
      %dma_start3A_1395 = tpu.memref_slice %arg3[%squeeze3A_1383, %dma_start3A_1394] : memref<100000x32xf32, #tpu.memory_space<hbm>> -> memref<1x32xf32, #tpu.memory_space<hbm>>
      tpu.enqueue_dma source(%dma_start3A_1395 : memref<1x32xf32, #tpu.memory_space<hbm>>) target(%dma_start3A_1393 : memref<1x32xf32, #tpu.memory_space<vmem>>) target_semaphore(%arg10 : memref<!tpu.dma_semaphore, #tpu.memory_space<semaphore_mem>>)
      %slice3A_1396 = vector.extract_strided_slice %get3A_1227 {offsets = [12], sizes = [1], strides = [1]} : vector<16xi32> to vector<1xi32>
      %squeeze3A_1397 = vector.extract %slice3A_1396[0] : i32 from vector<1xi32>
      %add3A_1398 = arith.constant 0 : i32
      %add3A_1399 = arith.addi %mul3A_1222, %add3A_1398 : i32
      %add3A_1400 = arith.constant 12 : i32
      %add3A_1401 = arith.addi %add3A_1399, %add3A_1400 : i32
      %dma_start3A_1402 = arith.constant 0 : i32
      %dma_start3A_1403 = tpu.memref_slice %arg6[%add3A_1401, %dma_start3A_1402] : memref<512x32xf32, #tpu.memory_space<vmem>> -> memref<1x32xf32, #tpu.memory_space<vmem>>
      %dma_start3A_1404 = arith.constant 0 : i32
      %dma_start3A_1405 = tpu.memref_slice %arg3[%squeeze3A_1397, %dma_start3A_1404] : memref<100000x32xf32, #tpu.memory_space<hbm>> -> memref<1x32xf32, #tpu.memory_space<hbm>>
      %dma_start3A_1406 = arith.constant 0 : i32
      %dma_start3A_1407 = tpu.memref_slice %arg6[%add3A_1401, %dma_start3A_1406] : memref<512x32xf32, #tpu.memory_space<vmem>> -> memref<1x32xf32, #tpu.memory_space<vmem>>
      %dma_start3A_1408 = arith.constant 0 : i32
      %dma_start3A_1409 = tpu.memref_slice %arg3[%squeeze3A_1397, %dma_start3A_1408] : memref<100000x32xf32, #tpu.memory_space<hbm>> -> memref<1x32xf32, #tpu.memory_space<hbm>>
      tpu.enqueue_dma source(%dma_start3A_1409 : memref<1x32xf32, #tpu.memory_space<hbm>>) target(%dma_start3A_1407 : memref<1x32xf32, #tpu.memory_space<vmem>>) target_semaphore(%arg11 : memref<!tpu.dma_semaphore, #tpu.memory_space<semaphore_mem>>)
      %slice3A_1410 = vector.extract_strided_slice %get3A_1227 {offsets = [13], sizes = [1], strides = [1]} : vector<16xi32> to vector<1xi32>
      %squeeze3A_1411 = vector.extract %slice3A_1410[0] : i32 from vector<1xi32>
      %add3A_1412 = arith.constant 0 : i32
      %add3A_1413 = arith.addi %mul3A_1222, %add3A_1412 : i32
      %add3A_1414 = arith.constant 13 : i32
      %add3A_1415 = arith.addi %add3A_1413, %add3A_1414 : i32
      %dma_start3A_1416 = arith.constant 0 : i32
      %dma_start3A_1417 = tpu.memref_slice %arg6[%add3A_1415, %dma_start3A_1416] : memref<512x32xf32, #tpu.memory_space<vmem>> -> memref<1x32xf32, #tpu.memory_space<vmem>>
      %dma_start3A_1418 = arith.constant 0 : i32
      %dma_start3A_1419 = tpu.memref_slice %arg3[%squeeze3A_1411, %dma_start3A_1418] : memref<100000x32xf32, #tpu.memory_space<hbm>> -> memref<1x32xf32, #tpu.memory_space<hbm>>
      %dma_start3A_1420 = arith.constant 0 : i32
      %dma_start3A_1421 = tpu.memref_slice %arg6[%add3A_1415, %dma_start3A_1420] : memref<512x32xf32, #tpu.memory_space<vmem>> -> memref<1x32xf32, #tpu.memory_space<vmem>>
      %dma_start3A_1422 = arith.constant 0 : i32
      %dma_start3A_1423 = tpu.memref_slice %arg3[%squeeze3A_1411, %dma_start3A_1422] : memref<100000x32xf32, #tpu.memory_space<hbm>> -> memref<1x32xf32, #tpu.memory_space<hbm>>
      tpu.enqueue_dma source(%dma_start3A_1423 : memref<1x32xf32, #tpu.memory_space<hbm>>) target(%dma_start3A_1421 : memref<1x32xf32, #tpu.memory_space<vmem>>) target_semaphore(%arg12 : memref<!tpu.dma_semaphore, #tpu.memory_space<semaphore_mem>>)
      %slice3A_1424 = vector.extract_strided_slice %get3A_1227 {offsets = [14], sizes = [1], strides = [1]} : vector<16xi32> to vector<1xi32>
      %squeeze3A_1425 = vector.extract %slice3A_1424[0] : i32 from vector<1xi32>
      %add3A_1426 = arith.constant 0 : i32
      %add3A_1427 = arith.addi %mul3A_1222, %add3A_1426 : i32
      %add3A_1428 = arith.constant 14 : i32
      %add3A_1429 = arith.addi %add3A_1427, %add3A_1428 : i32
      %dma_start3A_1430 = arith.constant 0 : i32
      %dma_start3A_1431 = tpu.memref_slice %arg6[%add3A_1429, %dma_start3A_1430] : memref<512x32xf32, #tpu.memory_space<vmem>> -> memref<1x32xf32, #tpu.memory_space<vmem>>
      %dma_start3A_1432 = arith.constant 0 : i32
      %dma_start3A_1433 = tpu.memref_slice %arg3[%squeeze3A_1425, %dma_start3A_1432] : memref<100000x32xf32, #tpu.memory_space<hbm>> -> memref<1x32xf32, #tpu.memory_space<hbm>>
      %dma_start3A_1434 = arith.constant 0 : i32
      %dma_start3A_1435 = tpu.memref_slice %arg6[%add3A_1429, %dma_start3A_1434] : memref<512x32xf32, #tpu.memory_space<vmem>> -> memref<1x32xf32, #tpu.memory_space<vmem>>
      %dma_start3A_1436 = arith.constant 0 : i32
      %dma_start3A_1437 = tpu.memref_slice %arg3[%squeeze3A_1425, %dma_start3A_1436] : memref<100000x32xf32, #tpu.memory_space<hbm>> -> memref<1x32xf32, #tpu.memory_space<hbm>>
      tpu.enqueue_dma source(%dma_start3A_1437 : memref<1x32xf32, #tpu.memory_space<hbm>>) target(%dma_start3A_1435 : memref<1x32xf32, #tpu.memory_space<vmem>>) target_semaphore(%arg13 : memref<!tpu.dma_semaphore, #tpu.memory_space<semaphore_mem>>)
      %slice3A_1438 = vector.extract_strided_slice %get3A_1227 {offsets = [15], sizes = [1], strides = [1]} : vector<16xi32> to vector<1xi32>
      %squeeze3A_1439 = vector.extract %slice3A_1438[0] : i32 from vector<1xi32>
      %add3A_1440 = arith.constant 0 : i32
      %add3A_1441 = arith.addi %mul3A_1222, %add3A_1440 : i32
      %add3A_1442 = arith.constant 15 : i32
      %add3A_1443 = arith.addi %add3A_1441, %add3A_1442 : i32
      %dma_start3A_1444 = arith.constant 0 : i32
      %dma_start3A_1445 = tpu.memref_slice %arg6[%add3A_1443, %dma_start3A_1444] : memref<512x32xf32, #tpu.memory_space<vmem>> -> memref<1x32xf32, #tpu.memory_space<vmem>>
      %dma_start3A_1446 = arith.constant 0 : i32
      %dma_start3A_1447 = tpu.memref_slice %arg3[%squeeze3A_1439, %dma_start3A_1446] : memref<100000x32xf32, #tpu.memory_space<hbm>> -> memref<1x32xf32, #tpu.memory_space<hbm>>
      %dma_start3A_1448 = arith.constant 0 : i32
      %dma_start3A_1449 = tpu.memref_slice %arg6[%add3A_1443, %dma_start3A_1448] : memref<512x32xf32, #tpu.memory_space<vmem>> -> memref<1x32xf32, #tpu.memory_space<vmem>>
      %dma_start3A_1450 = arith.constant 0 : i32
      %dma_start3A_1451 = tpu.memref_slice %arg3[%squeeze3A_1439, %dma_start3A_1450] : memref<100000x32xf32, #tpu.memory_space<hbm>> -> memref<1x32xf32, #tpu.memory_space<hbm>>
      tpu.enqueue_dma source(%dma_start3A_1451 : memref<1x32xf32, #tpu.memory_space<hbm>>) target(%dma_start3A_1449 : memref<1x32xf32, #tpu.memory_space<vmem>>) target_semaphore(%arg14 : memref<!tpu.dma_semaphore, #tpu.memory_space<semaphore_mem>>)
      %add3A_1452 = arith.constant 16 : i32
      %add3A_1453 = arith.addi %mul3A_1222, %add3A_1452 : i32
      %get3A_1454 = arith.index_cast %add3A_1453 : i32 to index
      %get3A_1455 = tpu.vector_load %arg5[%get3A_1454] {strides = array<i32>} : memref<512xi32, #tpu.memory_space<vmem>>, vector<16xi32>,
      %get3A_1456 = vector.shape_cast %get3A_1455 : vector<16xi32> to vector<16xi32>
      %slice3A_1457 = vector.extract_strided_slice %get3A_1456 {offsets = [0], sizes = [1], strides = [1]} : vector<16xi32> to vector<1xi32>
      %squeeze3A_1458 = vector.extract %slice3A_1457[0] : i32 from vector<1xi32>
      %add3A_1459 = arith.constant 16 : i32
      %add3A_1460 = arith.addi %mul3A_1222, %add3A_1459 : i32
      %add3A_1461 = arith.constant 0 : i32
      %add3A_1462 = arith.addi %add3A_1460, %add3A_1461 : i32
      %dma_start3A_1463 = arith.constant 0 : i32
      %dma_start3A_1464 = tpu.memref_slice %arg6[%add3A_1462, %dma_start3A_1463] : memref<512x32xf32, #tpu.memory_space<vmem>> -> memref<1x32xf32, #tpu.memory_space<vmem>>
      %dma_start3A_1465 = arith.constant 0 : i32
      %dma_start3A_1466 = tpu.memref_slice %arg3[%squeeze3A_1458, %dma_start3A_1465] : memref<100000x32xf32, #tpu.memory_space<hbm>> -> memref<1x32xf32, #tpu.memory_space<hbm>>
      %dma_start3A_1467 = arith.constant 0 : i32
      %dma_start3A_1468 = tpu.memref_slice %arg6[%add3A_1462, %dma_start3A_1467] : memref<512x32xf32, #tpu.memory_space<vmem>> -> memref<1x32xf32, #tpu.memory_space<vmem>>
      %dma_start3A_1469 = arith.constant 0 : i32
      %dma_start3A_1470 = tpu.memref_slice %arg3[%squeeze3A_1458, %dma_start3A_1469] : memref<100000x32xf32, #tpu.memory_space<hbm>> -> memref<1x32xf32, #tpu.memory_space<hbm>>
      tpu.enqueue_dma source(%dma_start3A_1470 : memref<1x32xf32, #tpu.memory_space<hbm>>) target(%dma_start3A_1468 : memref<1x32xf32, #tpu.memory_space<vmem>>) target_semaphore(%arg7 : memref<!tpu.dma_semaphore, #tpu.memory_space<semaphore_mem>>)
      %slice3A_1471 = vector.extract_strided_slice %get3A_1456 {offsets = [1], sizes = [1], strides = [1]} : vector<16xi32> to vector<1xi32>
      %squeeze3A_1472 = vector.extract %slice3A_1471[0] : i32 from vector<1xi32>
      %add3A_1473 = arith.constant 16 : i32
      %add3A_1474 = arith.addi %mul3A_1222, %add3A_1473 : i32
      %add3A_1475 = arith.constant 1 : i32
      %add3A_1476 = arith.addi %add3A_1474, %add3A_1475 : i32
      %dma_start3A_1477 = arith.constant 0 : i32
      %dma_start3A_1478 = tpu.memref_slice %arg6[%add3A_1476, %dma_start3A_1477] : memref<512x32xf32, #tpu.memory_space<vmem>> -> memref<1x32xf32, #tpu.memory_space<vmem>>
      %dma_start3A_1479 = arith.constant 0 : i32
      %dma_start3A_1480 = tpu.memref_slice %arg3[%squeeze3A_1472, %dma_start3A_1479] : memref<100000x32xf32, #tpu.memory_space<hbm>> -> memref<1x32xf32, #tpu.memory_space<hbm>>
      %dma_start3A_1481 = arith.constant 0 : i32
      %dma_start3A_1482 = tpu.memref_slice %arg6[%add3A_1476, %dma_start3A_1481] : memref<512x32xf32, #tpu.memory_space<vmem>> -> memref<1x32xf32, #tpu.memory_space<vmem>>
      %dma_start3A_1483 = arith.constant 0 : i32
      %dma_start3A_1484 = tpu.memref_slice %arg3[%squeeze3A_1472, %dma_start3A_1483] : memref<100000x32xf32, #tpu.memory_space<hbm>> -> memref<1x32xf32, #tpu.memory_space<hbm>>
      tpu.enqueue_dma source(%dma_start3A_1484 : memref<1x32xf32, #tpu.memory_space<hbm>>) target(%dma_start3A_1482 : memref<1x32xf32, #tpu.memory_space<vmem>>) target_semaphore(%arg8 : memref<!tpu.dma_semaphore, #tpu.memory_space<semaphore_mem>>)
      %slice3A_1485 = vector.extract_strided_slice %get3A_1456 {offsets = [2], sizes = [1], strides = [1]} : vector<16xi32> to vector<1xi32>
      %squeeze3A_1486 = vector.extract %slice3A_1485[0] : i32 from vector<1xi32>
      %add3A_1487 = arith.constant 16 : i32
      %add3A_1488 = arith.addi %mul3A_1222, %add3A_1487 : i32
      %add3A_1489 = arith.constant 2 : i32
      %add3A_1490 = arith.addi %add3A_1488, %add3A_1489 : i32
      %dma_start3A_1491 = arith.constant 0 : i32
      %dma_start3A_1492 = tpu.memref_slice %arg6[%add3A_1490, %dma_start3A_1491] : memref<512x32xf32, #tpu.memory_space<vmem>> -> memref<1x32xf32, #tpu.memory_space<vmem>>
      %dma_start3A_1493 = arith.constant 0 : i32
      %dma_start3A_1494 = tpu.memref_slice %arg3[%squeeze3A_1486, %dma_start3A_1493] : memref<100000x32xf32, #tpu.memory_space<hbm>> -> memref<1x32xf32, #tpu.memory_space<hbm>>
      %dma_start3A_1495 = arith.constant 0 : i32
      %dma_start3A_1496 = tpu.memref_slice %arg6[%add3A_1490, %dma_start3A_1495] : memref<512x32xf32, #tpu.memory_space<vmem>> -> memref<1x32xf32, #tpu.memory_space<vmem>>
      %dma_start3A_1497 = arith.constant 0 : i32
      %dma_start3A_1498 = tpu.memref_slice %arg3[%squeeze3A_1486, %dma_start3A_1497] : memref<100000x32xf32, #tpu.memory_space<hbm>> -> memref<1x32xf32, #tpu.memory_space<hbm>>
      tpu.enqueue_dma source(%dma_start3A_1498 : memref<1x32xf32, #tpu.memory_space<hbm>>) target(%dma_start3A_1496 : memref<1x32xf32, #tpu.memory_space<vmem>>) target_semaphore(%arg9 : memref<!tpu.dma_semaphore, #tpu.memory_space<semaphore_mem>>)
      %slice3A_1499 = vector.extract_strided_slice %get3A_1456 {offsets = [3], sizes = [1], strides = [1]} : vector<16xi32> to vector<1xi32>
      %squeeze3A_1500 = vector.extract %slice3A_1499[0] : i32 from vector<1xi32>
      %add3A_1501 = arith.constant 16 : i32
      %add3A_1502 = arith.addi %mul3A_1222, %add3A_1501 : i32
      %add3A_1503 = arith.constant 3 : i32
      %add3A_1504 = arith.addi %add3A_1502, %add3A_1503 : i32
      %dma_start3A_1505 = arith.constant 0 : i32
      %dma_start3A_1506 = tpu.memref_slice %arg6[%add3A_1504, %dma_start3A_1505] : memref<512x32xf32, #tpu.memory_space<vmem>> -> memref<1x32xf32, #tpu.memory_space<vmem>>
      %dma_start3A_1507 = arith.constant 0 : i32
      %dma_start3A_1508 = tpu.memref_slice %arg3[%squeeze3A_1500, %dma_start3A_1507] : memref<100000x32xf32, #tpu.memory_space<hbm>> -> memref<1x32xf32, #tpu.memory_space<hbm>>
      %dma_start3A_1509 = arith.constant 0 : i32
      %dma_start3A_1510 = tpu.memref_slice %arg6[%add3A_1504, %dma_start3A_1509] : memref<512x32xf32, #tpu.memory_space<vmem>> -> memref<1x32xf32, #tpu.memory_space<vmem>>
      %dma_start3A_1511 = arith.constant 0 : i32
      %dma_start3A_1512 = tpu.memref_slice %arg3[%squeeze3A_1500, %dma_start3A_1511] : memref<100000x32xf32, #tpu.memory_space<hbm>> -> memref<1x32xf32, #tpu.memory_space<hbm>>
      tpu.enqueue_dma source(%dma_start3A_1512 : memref<1x32xf32, #tpu.memory_space<hbm>>) target(%dma_start3A_1510 : memref<1x32xf32, #tpu.memory_space<vmem>>) target_semaphore(%arg10 : memref<!tpu.dma_semaphore, #tpu.memory_space<semaphore_mem>>)
      %slice3A_1513 = vector.extract_strided_slice %get3A_1456 {offsets = [4], sizes = [1], strides = [1]} : vector<16xi32> to vector<1xi32>
      %squeeze3A_1514 = vector.extract %slice3A_1513[0] : i32 from vector<1xi32>
      %add3A_1515 = arith.constant 16 : i32
      %add3A_1516 = arith.addi %mul3A_1222, %add3A_1515 : i32
      %add3A_1517 = arith.constant 4 : i32
      %add3A_1518 = arith.addi %add3A_1516, %add3A_1517 : i32
      %dma_start3A_1519 = arith.constant 0 : i32
      %dma_start3A_1520 = tpu.memref_slice %arg6[%add3A_1518, %dma_start3A_1519] : memref<512x32xf32, #tpu.memory_space<vmem>> -> memref<1x32xf32, #tpu.memory_space<vmem>>
      %dma_start3A_1521 = arith.constant 0 : i32
      %dma_start3A_1522 = tpu.memref_slice %arg3[%squeeze3A_1514, %dma_start3A_1521] : memref<100000x32xf32, #tpu.memory_space<hbm>> -> memref<1x32xf32, #tpu.memory_space<hbm>>
      %dma_start3A_1523 = arith.constant 0 : i32
      %dma_start3A_1524 = tpu.memref_slice %arg6[%add3A_1518, %dma_start3A_1523] : memref<512x32xf32, #tpu.memory_space<vmem>> -> memref<1x32xf32, #tpu.memory_space<vmem>>
      %dma_start3A_1525 = arith.constant 0 : i32
      %dma_start3A_1526 = tpu.memref_slice %arg3[%squeeze3A_1514, %dma_start3A_1525] : memref<100000x32xf32, #tpu.memory_space<hbm>> -> memref<1x32xf32, #tpu.memory_space<hbm>>
      tpu.enqueue_dma source(%dma_start3A_1526 : memref<1x32xf32, #tpu.memory_space<hbm>>) target(%dma_start3A_1524 : memref<1x32xf32, #tpu.memory_space<vmem>>) target_semaphore(%arg11 : memref<!tpu.dma_semaphore, #tpu.memory_space<semaphore_mem>>)
      %slice3A_1527 = vector.extract_strided_slice %get3A_1456 {offsets = [5], sizes = [1], strides = [1]} : vector<16xi32> to vector<1xi32>
      %squeeze3A_1528 = vector.extract %slice3A_1527[0] : i32 from vector<1xi32>
      %add3A_1529 = arith.constant 16 : i32
      %add3A_1530 = arith.addi %mul3A_1222, %add3A_1529 : i32
      %add3A_1531 = arith.constant 5 : i32
      %add3A_1532 = arith.addi %add3A_1530, %add3A_1531 : i32
      %dma_start3A_1533 = arith.constant 0 : i32
      %dma_start3A_1534 = tpu.memref_slice %arg6[%add3A_1532, %dma_start3A_1533] : memref<512x32xf32, #tpu.memory_space<vmem>> -> memref<1x32xf32, #tpu.memory_space<vmem>>
      %dma_start3A_1535 = arith.constant 0 : i32
      %dma_start3A_1536 = tpu.memref_slice %arg3[%squeeze3A_1528, %dma_start3A_1535] : memref<100000x32xf32, #tpu.memory_space<hbm>> -> memref<1x32xf32, #tpu.memory_space<hbm>>
      %dma_start3A_1537 = arith.constant 0 : i32
      %dma_start3A_1538 = tpu.memref_slice %arg6[%add3A_1532, %dma_start3A_1537] : memref<512x32xf32, #tpu.memory_space<vmem>> -> memref<1x32xf32, #tpu.memory_space<vmem>>
      %dma_start3A_1539 = arith.constant 0 : i32
      %dma_start3A_1540 = tpu.memref_slice %arg3[%squeeze3A_1528, %dma_start3A_1539] : memref<100000x32xf32, #tpu.memory_space<hbm>> -> memref<1x32xf32, #tpu.memory_space<hbm>>
      tpu.enqueue_dma source(%dma_start3A_1540 : memref<1x32xf32, #tpu.memory_space<hbm>>) target(%dma_start3A_1538 : memref<1x32xf32, #tpu.memory_space<vmem>>) target_semaphore(%arg12 : memref<!tpu.dma_semaphore, #tpu.memory_space<semaphore_mem>>)
      %slice3A_1541 = vector.extract_strided_slice %get3A_1456 {offsets = [6], sizes = [1], strides = [1]} : vector<16xi32> to vector<1xi32>
      %squeeze3A_1542 = vector.extract %slice3A_1541[0] : i32 from vector<1xi32>
      %add3A_1543 = arith.constant 16 : i32
      %add3A_1544 = arith.addi %mul3A_1222, %add3A_1543 : i32
      %add3A_1545 = arith.constant 6 : i32
      %add3A_1546 = arith.addi %add3A_1544, %add3A_1545 : i32
      %dma_start3A_1547 = arith.constant 0 : i32
      %dma_start3A_1548 = tpu.memref_slice %arg6[%add3A_1546, %dma_start3A_1547] : memref<512x32xf32, #tpu.memory_space<vmem>> -> memref<1x32xf32, #tpu.memory_space<vmem>>
      %dma_start3A_1549 = arith.constant 0 : i32
      %dma_start3A_1550 = tpu.memref_slice %arg3[%squeeze3A_1542, %dma_start3A_1549] : memref<100000x32xf32, #tpu.memory_space<hbm>> -> memref<1x32xf32, #tpu.memory_space<hbm>>
      %dma_start3A_1551 = arith.constant 0 : i32
      %dma_start3A_1552 = tpu.memref_slice %arg6[%add3A_1546, %dma_start3A_1551] : memref<512x32xf32, #tpu.memory_space<vmem>> -> memref<1x32xf32, #tpu.memory_space<vmem>>
      %dma_start3A_1553 = arith.constant 0 : i32
      %dma_start3A_1554 = tpu.memref_slice %arg3[%squeeze3A_1542, %dma_start3A_1553] : memref<100000x32xf32, #tpu.memory_space<hbm>> -> memref<1x32xf32, #tpu.memory_space<hbm>>
      tpu.enqueue_dma source(%dma_start3A_1554 : memref<1x32xf32, #tpu.memory_space<hbm>>) target(%dma_start3A_1552 : memref<1x32xf32, #tpu.memory_space<vmem>>) target_semaphore(%arg13 : memref<!tpu.dma_semaphore, #tpu.memory_space<semaphore_mem>>)
      %slice3A_1555 = vector.extract_strided_slice %get3A_1456 {offsets = [7], sizes = [1], strides = [1]} : vector<16xi32> to vector<1xi32>
      %squeeze3A_1556 = vector.extract %slice3A_1555[0] : i32 from vector<1xi32>
      %add3A_1557 = arith.constant 16 : i32
      %add3A_1558 = arith.addi %mul3A_1222, %add3A_1557 : i32
      %add3A_1559 = arith.constant 7 : i32
      %add3A_1560 = arith.addi %add3A_1558, %add3A_1559 : i32
      %dma_start3A_1561 = arith.constant 0 : i32
      %dma_start3A_1562 = tpu.memref_slice %arg6[%add3A_1560, %dma_start3A_1561] : memref<512x32xf32, #tpu.memory_space<vmem>> -> memref<1x32xf32, #tpu.memory_space<vmem>>
      %dma_start3A_1563 = arith.constant 0 : i32
      %dma_start3A_1564 = tpu.memref_slice %arg3[%squeeze3A_1556, %dma_start3A_1563] : memref<100000x32xf32, #tpu.memory_space<hbm>> -> memref<1x32xf32, #tpu.memory_space<hbm>>
      %dma_start3A_1565 = arith.constant 0 : i32
      %dma_start3A_1566 = tpu.memref_slice %arg6[%add3A_1560, %dma_start3A_1565] : memref<512x32xf32, #tpu.memory_space<vmem>> -> memref<1x32xf32, #tpu.memory_space<vmem>>
      %dma_start3A_1567 = arith.constant 0 : i32
      %dma_start3A_1568 = tpu.memref_slice %arg3[%squeeze3A_1556, %dma_start3A_1567] : memref<100000x32xf32, #tpu.memory_space<hbm>> -> memref<1x32xf32, #tpu.memory_space<hbm>>
      tpu.enqueue_dma source(%dma_start3A_1568 : memref<1x32xf32, #tpu.memory_space<hbm>>) target(%dma_start3A_1566 : memref<1x32xf32, #tpu.memory_space<vmem>>) target_semaphore(%arg14 : memref<!tpu.dma_semaphore, #tpu.memory_space<semaphore_mem>>)
      %slice3A_1569 = vector.extract_strided_slice %get3A_1456 {offsets = [8], sizes = [1], strides = [1]} : vector<16xi32> to vector<1xi32>
      %squeeze3A_1570 = vector.extract %slice3A_1569[0] : i32 from vector<1xi32>
      %add3A_1571 = arith.constant 16 : i32
      %add3A_1572 = arith.addi %mul3A_1222, %add3A_1571 : i32
      %add3A_1573 = arith.constant 8 : i32
      %add3A_1574 = arith.addi %add3A_1572, %add3A_1573 : i32
      %dma_start3A_1575 = arith.constant 0 : i32
      %dma_start3A_1576 = tpu.memref_slice %arg6[%add3A_1574, %dma_start3A_1575] : memref<512x32xf32, #tpu.memory_space<vmem>> -> memref<1x32xf32, #tpu.memory_space<vmem>>
      %dma_start3A_1577 = arith.constant 0 : i32
      %dma_start3A_1578 = tpu.memref_slice %arg3[%squeeze3A_1570, %dma_start3A_1577] : memref<100000x32xf32, #tpu.memory_space<hbm>> -> memref<1x32xf32, #tpu.memory_space<hbm>>
      %dma_start3A_1579 = arith.constant 0 : i32
      %dma_start3A_1580 = tpu.memref_slice %arg6[%add3A_1574, %dma_start3A_1579] : memref<512x32xf32, #tpu.memory_space<vmem>> -> memref<1x32xf32, #tpu.memory_space<vmem>>
      %dma_start3A_1581 = arith.constant 0 : i32
      %dma_start3A_1582 = tpu.memref_slice %arg3[%squeeze3A_1570, %dma_start3A_1581] : memref<100000x32xf32, #tpu.memory_space<hbm>> -> memref<1x32xf32, #tpu.memory_space<hbm>>
      tpu.enqueue_dma source(%dma_start3A_1582 : memref<1x32xf32, #tpu.memory_space<hbm>>) target(%dma_start3A_1580 : memref<1x32xf32, #tpu.memory_space<vmem>>) target_semaphore(%arg7 : memref<!tpu.dma_semaphore, #tpu.memory_space<semaphore_mem>>)
      %slice3A_1583 = vector.extract_strided_slice %get3A_1456 {offsets = [9], sizes = [1], strides = [1]} : vector<16xi32> to vector<1xi32>
      %squeeze3A_1584 = vector.extract %slice3A_1583[0] : i32 from vector<1xi32>
      %add3A_1585 = arith.constant 16 : i32
      %add3A_1586 = arith.addi %mul3A_1222, %add3A_1585 : i32
      %add3A_1587 = arith.constant 9 : i32
      %add3A_1588 = arith.addi %add3A_1586, %add3A_1587 : i32
      %dma_start3A_1589 = arith.constant 0 : i32
      %dma_start3A_1590 = tpu.memref_slice %arg6[%add3A_1588, %dma_start3A_1589] : memref<512x32xf32, #tpu.memory_space<vmem>> -> memref<1x32xf32, #tpu.memory_space<vmem>>
      %dma_start3A_1591 = arith.constant 0 : i32
      %dma_start3A_1592 = tpu.memref_slice %arg3[%squeeze3A_1584, %dma_start3A_1591] : memref<100000x32xf32, #tpu.memory_space<hbm>> -> memref<1x32xf32, #tpu.memory_space<hbm>>
      %dma_start3A_1593 = arith.constant 0 : i32
      %dma_start3A_1594 = tpu.memref_slice %arg6[%add3A_1588, %dma_start3A_1593] : memref<512x32xf32, #tpu.memory_space<vmem>> -> memref<1x32xf32, #tpu.memory_space<vmem>>
      %dma_start3A_1595 = arith.constant 0 : i32
      %dma_start3A_1596 = tpu.memref_slice %arg3[%squeeze3A_1584, %dma_start3A_1595] : memref<100000x32xf32, #tpu.memory_space<hbm>> -> memref<1x32xf32, #tpu.memory_space<hbm>>
      tpu.enqueue_dma source(%dma_start3A_1596 : memref<1x32xf32, #tpu.memory_space<hbm>>) target(%dma_start3A_1594 : memref<1x32xf32, #tpu.memory_space<vmem>>) target_semaphore(%arg8 : memref<!tpu.dma_semaphore, #tpu.memory_space<semaphore_mem>>)
      %slice3A_1597 = vector.extract_strided_slice %get3A_1456 {offsets = [10], sizes = [1], strides = [1]} : vector<16xi32> to vector<1xi32>
      %squeeze3A_1598 = vector.extract %slice3A_1597[0] : i32 from vector<1xi32>
      %add3A_1599 = arith.constant 16 : i32
      %add3A_1600 = arith.addi %mul3A_1222, %add3A_1599 : i32
      %add3A_1601 = arith.constant 10 : i32
      %add3A_1602 = arith.addi %add3A_1600, %add3A_1601 : i32
      %dma_start3A_1603 = arith.constant 0 : i32
      %dma_start3A_1604 = tpu.memref_slice %arg6[%add3A_1602, %dma_start3A_1603] : memref<512x32xf32, #tpu.memory_space<vmem>> -> memref<1x32xf32, #tpu.memory_space<vmem>>
      %dma_start3A_1605 = arith.constant 0 : i32
      %dma_start3A_1606 = tpu.memref_slice %arg3[%squeeze3A_1598, %dma_start3A_1605] : memref<100000x32xf32, #tpu.memory_space<hbm>> -> memref<1x32xf32, #tpu.memory_space<hbm>>
      %dma_start3A_1607 = arith.constant 0 : i32
      %dma_start3A_1608 = tpu.memref_slice %arg6[%add3A_1602, %dma_start3A_1607] : memref<512x32xf32, #tpu.memory_space<vmem>> -> memref<1x32xf32, #tpu.memory_space<vmem>>
      %dma_start3A_1609 = arith.constant 0 : i32
      %dma_start3A_1610 = tpu.memref_slice %arg3[%squeeze3A_1598, %dma_start3A_1609] : memref<100000x32xf32, #tpu.memory_space<hbm>> -> memref<1x32xf32, #tpu.memory_space<hbm>>
      tpu.enqueue_dma source(%dma_start3A_1610 : memref<1x32xf32, #tpu.memory_space<hbm>>) target(%dma_start3A_1608 : memref<1x32xf32, #tpu.memory_space<vmem>>) target_semaphore(%arg9 : memref<!tpu.dma_semaphore, #tpu.memory_space<semaphore_mem>>)
      %slice3A_1611 = vector.extract_strided_slice %get3A_1456 {offsets = [11], sizes = [1], strides = [1]} : vector<16xi32> to vector<1xi32>
      %squeeze3A_1612 = vector.extract %slice3A_1611[0] : i32 from vector<1xi32>
      %add3A_1613 = arith.constant 16 : i32
      %add3A_1614 = arith.addi %mul3A_1222, %add3A_1613 : i32
      %add3A_1615 = arith.constant 11 : i32
      %add3A_1616 = arith.addi %add3A_1614, %add3A_1615 : i32
      %dma_start3A_1617 = arith.constant 0 : i32
      %dma_start3A_1618 = tpu.memref_slice %arg6[%add3A_1616, %dma_start3A_1617] : memref<512x32xf32, #tpu.memory_space<vmem>> -> memref<1x32xf32, #tpu.memory_space<vmem>>
      %dma_start3A_1619 = arith.constant 0 : i32
      %dma_start3A_1620 = tpu.memref_slice %arg3[%squeeze3A_1612, %dma_start3A_1619] : memref<100000x32xf32, #tpu.memory_space<hbm>> -> memref<1x32xf32, #tpu.memory_space<hbm>>
      %dma_start3A_1621 = arith.constant 0 : i32
      %dma_start3A_1622 = tpu.memref_slice %arg6[%add3A_1616, %dma_start3A_1621] : memref<512x32xf32, #tpu.memory_space<vmem>> -> memref<1x32xf32, #tpu.memory_space<vmem>>
      %dma_start3A_1623 = arith.constant 0 : i32
      %dma_start3A_1624 = tpu.memref_slice %arg3[%squeeze3A_1612, %dma_start3A_1623] : memref<100000x32xf32, #tpu.memory_space<hbm>> -> memref<1x32xf32, #tpu.memory_space<hbm>>
      tpu.enqueue_dma source(%dma_start3A_1624 : memref<1x32xf32, #tpu.memory_space<hbm>>) target(%dma_start3A_1622 : memref<1x32xf32, #tpu.memory_space<vmem>>) target_semaphore(%arg10 : memref<!tpu.dma_semaphore, #tpu.memory_space<semaphore_mem>>)
      %slice3A_1625 = vector.extract_strided_slice %get3A_1456 {offsets = [12], sizes = [1], strides = [1]} : vector<16xi32> to vector<1xi32>
      %squeeze3A_1626 = vector.extract %slice3A_1625[0] : i32 from vector<1xi32>
      %add3A_1627 = arith.constant 16 : i32
      %add3A_1628 = arith.addi %mul3A_1222, %add3A_1627 : i32
      %add3A_1629 = arith.constant 12 : i32
      %add3A_1630 = arith.addi %add3A_1628, %add3A_1629 : i32
      %dma_start3A_1631 = arith.constant 0 : i32
      %dma_start3A_1632 = tpu.memref_slice %arg6[%add3A_1630, %dma_start3A_1631] : memref<512x32xf32, #tpu.memory_space<vmem>> -> memref<1x32xf32, #tpu.memory_space<vmem>>
      %dma_start3A_1633 = arith.constant 0 : i32
      %dma_start3A_1634 = tpu.memref_slice %arg3[%squeeze3A_1626, %dma_start3A_1633] : memref<100000x32xf32, #tpu.memory_space<hbm>> -> memref<1x32xf32, #tpu.memory_space<hbm>>
      %dma_start3A_1635 = arith.constant 0 : i32
      %dma_start3A_1636 = tpu.memref_slice %arg6[%add3A_1630, %dma_start3A_1635] : memref<512x32xf32, #tpu.memory_space<vmem>> -> memref<1x32xf32, #tpu.memory_space<vmem>>
      %dma_start3A_1637 = arith.constant 0 : i32
      %dma_start3A_1638 = tpu.memref_slice %arg3[%squeeze3A_1626, %dma_start3A_1637] : memref<100000x32xf32, #tpu.memory_space<hbm>> -> memref<1x32xf32, #tpu.memory_space<hbm>>
      tpu.enqueue_dma source(%dma_start3A_1638 : memref<1x32xf32, #tpu.memory_space<hbm>>) target(%dma_start3A_1636 : memref<1x32xf32, #tpu.memory_space<vmem>>) target_semaphore(%arg11 : memref<!tpu.dma_semaphore, #tpu.memory_space<semaphore_mem>>)
      %slice3A_1639 = vector.extract_strided_slice %get3A_1456 {offsets = [13], sizes = [1], strides = [1]} : vector<16xi32> to vector<1xi32>
      %squeeze3A_1640 = vector.extract %slice3A_1639[0] : i32 from vector<1xi32>
      %add3A_1641 = arith.constant 16 : i32
      %add3A_1642 = arith.addi %mul3A_1222, %add3A_1641 : i32
      %add3A_1643 = arith.constant 13 : i32
      %add3A_1644 = arith.addi %add3A_1642, %add3A_1643 : i32
      %dma_start3A_1645 = arith.constant 0 : i32
      %dma_start3A_1646 = tpu.memref_slice %arg6[%add3A_1644, %dma_start3A_1645] : memref<512x32xf32, #tpu.memory_space<vmem>> -> memref<1x32xf32, #tpu.memory_space<vmem>>
      %dma_start3A_1647 = arith.constant 0 : i32
      %dma_start3A_1648 = tpu.memref_slice %arg3[%squeeze3A_1640, %dma_start3A_1647] : memref<100000x32xf32, #tpu.memory_space<hbm>> -> memref<1x32xf32, #tpu.memory_space<hbm>>
      %dma_start3A_1649 = arith.constant 0 : i32
      %dma_start3A_1650 = tpu.memref_slice %arg6[%add3A_1644, %dma_start3A_1649] : memref<512x32xf32, #tpu.memory_space<vmem>> -> memref<1x32xf32, #tpu.memory_space<vmem>>
      %dma_start3A_1651 = arith.constant 0 : i32
      %dma_start3A_1652 = tpu.memref_slice %arg3[%squeeze3A_1640, %dma_start3A_1651] : memref<100000x32xf32, #tpu.memory_space<hbm>> -> memref<1x32xf32, #tpu.memory_space<hbm>>
      tpu.enqueue_dma source(%dma_start3A_1652 : memref<1x32xf32, #tpu.memory_space<hbm>>) target(%dma_start3A_1650 : memref<1x32xf32, #tpu.memory_space<vmem>>) target_semaphore(%arg12 : memref<!tpu.dma_semaphore, #tpu.memory_space<semaphore_mem>>)
      %slice3A_1653 = vector.extract_strided_slice %get3A_1456 {offsets = [14], sizes = [1], strides = [1]} : vector<16xi32> to vector<1xi32>
      %squeeze3A_1654 = vector.extract %slice3A_1653[0] : i32 from vector<1xi32>
      %add3A_1655 = arith.constant 16 : i32
      %add3A_1656 = arith.addi %mul3A_1222, %add3A_1655 : i32
      %add3A_1657 = arith.constant 14 : i32
      %add3A_1658 = arith.addi %add3A_1656, %add3A_1657 : i32
      %dma_start3A_1659 = arith.constant 0 : i32
      %dma_start3A_1660 = tpu.memref_slice %arg6[%add3A_1658, %dma_start3A_1659] : memref<512x32xf32, #tpu.memory_space<vmem>> -> memref<1x32xf32, #tpu.memory_space<vmem>>
      %dma_start3A_1661 = arith.constant 0 : i32
      %dma_start3A_1662 = tpu.memref_slice %arg3[%squeeze3A_1654, %dma_start3A_1661] : memref<100000x32xf32, #tpu.memory_space<hbm>> -> memref<1x32xf32, #tpu.memory_space<hbm>>
      %dma_start3A_1663 = arith.constant 0 : i32
      %dma_start3A_1664 = tpu.memref_slice %arg6[%add3A_1658, %dma_start3A_1663] : memref<512x32xf32, #tpu.memory_space<vmem>> -> memref<1x32xf32, #tpu.memory_space<vmem>>
      %dma_start3A_1665 = arith.constant 0 : i32
      %dma_start3A_1666 = tpu.memref_slice %arg3[%squeeze3A_1654, %dma_start3A_1665] : memref<100000x32xf32, #tpu.memory_space<hbm>> -> memref<1x32xf32, #tpu.memory_space<hbm>>
      tpu.enqueue_dma source(%dma_start3A_1666 : memref<1x32xf32, #tpu.memory_space<hbm>>) target(%dma_start3A_1664 : memref<1x32xf32, #tpu.memory_space<vmem>>) target_semaphore(%arg13 : memref<!tpu.dma_semaphore, #tpu.memory_space<semaphore_mem>>)
      %slice3A_1667 = vector.extract_strided_slice %get3A_1456 {offsets = [15], sizes = [1], strides = [1]} : vector<16xi32> to vector<1xi32>
      %squeeze3A_1668 = vector.extract %slice3A_1667[0] : i32 from vector<1xi32>
      %add3A_1669 = arith.constant 16 : i32
      %add3A_1670 = arith.addi %mul3A_1222, %add3A_1669 : i32
      %add3A_1671 = arith.constant 15 : i32
      %add3A_1672 = arith.addi %add3A_1670, %add3A_1671 : i32
      %dma_start3A_1673 = arith.constant 0 : i32
      %dma_start3A_1674 = tpu.memref_slice %arg6[%add3A_1672, %dma_start3A_1673] : memref<512x32xf32, #tpu.memory_space<vmem>> -> memref<1x32xf32, #tpu.memory_space<vmem>>
      %dma_start3A_1675 = arith.constant 0 : i32
      %dma_start3A_1676 = tpu.memref_slice %arg3[%squeeze3A_1668, %dma_start3A_1675] : memref<100000x32xf32, #tpu.memory_space<hbm>> -> memref<1x32xf32, #tpu.memory_space<hbm>>
      %dma_start3A_1677 = arith.constant 0 : i32
      %dma_start3A_1678 = tpu.memref_slice %arg6[%add3A_1672, %dma_start3A_1677] : memref<512x32xf32, #tpu.memory_space<vmem>> -> memref<1x32xf32, #tpu.memory_space<vmem>>
      %dma_start3A_1679 = arith.constant 0 : i32
      %dma_start3A_1680 = tpu.memref_slice %arg3[%squeeze3A_1668, %dma_start3A_1679] : memref<100000x32xf32, #tpu.memory_space<hbm>> -> memref<1x32xf32, #tpu.memory_space<hbm>>
      tpu.enqueue_dma source(%dma_start3A_1680 : memref<1x32xf32, #tpu.memory_space<hbm>>) target(%dma_start3A_1678 : memref<1x32xf32, #tpu.memory_space<vmem>>) target_semaphore(%arg14 : memref<!tpu.dma_semaphore, #tpu.memory_space<semaphore_mem>>)
      %add3A_1681 = arith.constant 32 : i32
      %add3A_1682 = arith.addi %mul3A_1222, %add3A_1681 : i32
      %get3A_1683 = arith.index_cast %add3A_1682 : i32 to index
      %get3A_1684 = tpu.vector_load %arg5[%get3A_1683] {strides = array<i32>} : memref<512xi32, #tpu.memory_space<vmem>>, vector<16xi32>,
      %get3A_1685 = vector.shape_cast %get3A_1684 : vector<16xi32> to vector<16xi32>
      %slice3A_1686 = vector.extract_strided_slice %get3A_1685 {offsets = [0], sizes = [1], strides = [1]} : vector<16xi32> to vector<1xi32>
      %squeeze3A_1687 = vector.extract %slice3A_1686[0] : i32 from vector<1xi32>
      %add3A_1688 = arith.constant 32 : i32
      %add3A_1689 = arith.addi %mul3A_1222, %add3A_1688 : i32
      %add3A_1690 = arith.constant 0 : i32
      %add3A_1691 = arith.addi %add3A_1689, %add3A_1690 : i32
      %dma_start3A_1692 = arith.constant 0 : i32
      %dma_start3A_1693 = tpu.memref_slice %arg6[%add3A_1691, %dma_start3A_1692] : memref<512x32xf32, #tpu.memory_space<vmem>> -> memref<1x32xf32, #tpu.memory_space<vmem>>
      %dma_start3A_1694 = arith.constant 0 : i32
      %dma_start3A_1695 = tpu.memref_slice %arg3[%squeeze3A_1687, %dma_start3A_1694] : memref<100000x32xf32, #tpu.memory_space<hbm>> -> memref<1x32xf32, #tpu.memory_space<hbm>>
      %dma_start3A_1696 = arith.constant 0 : i32
      %dma_start3A_1697 = tpu.memref_slice %arg6[%add3A_1691, %dma_start3A_1696] : memref<512x32xf32, #tpu.memory_space<vmem>> -> memref<1x32xf32, #tpu.memory_space<vmem>>
      %dma_start3A_1698 = arith.constant 0 : i32
      %dma_start3A_1699 = tpu.memref_slice %arg3[%squeeze3A_1687, %dma_start3A_1698] : memref<100000x32xf32, #tpu.memory_space<hbm>> -> memref<1x32xf32, #tpu.memory_space<hbm>>
      tpu.enqueue_dma source(%dma_start3A_1699 : memref<1x32xf32, #tpu.memory_space<hbm>>) target(%dma_start3A_1697 : memref<1x32xf32, #tpu.memory_space<vmem>>) target_semaphore(%arg7 : memref<!tpu.dma_semaphore, #tpu.memory_space<semaphore_mem>>)
      %slice3A_1700 = vector.extract_strided_slice %get3A_1685 {offsets = [1], sizes = [1], strides = [1]} : vector<16xi32> to vector<1xi32>
      %squeeze3A_1701 = vector.extract %slice3A_1700[0] : i32 from vector<1xi32>
      %add3A_1702 = arith.constant 32 : i32
      %add3A_1703 = arith.addi %mul3A_1222, %add3A_1702 : i32
      %add3A_1704 = arith.constant 1 : i32
      %add3A_1705 = arith.addi %add3A_1703, %add3A_1704 : i32
      %dma_start3A_1706 = arith.constant 0 : i32
      %dma_start3A_1707 = tpu.memref_slice %arg6[%add3A_1705, %dma_start3A_1706] : memref<512x32xf32, #tpu.memory_space<vmem>> -> memref<1x32xf32, #tpu.memory_space<vmem>>
      %dma_start3A_1708 = arith.constant 0 : i32
      %dma_start3A_1709 = tpu.memref_slice %arg3[%squeeze3A_1701, %dma_start3A_1708] : memref<100000x32xf32, #tpu.memory_space<hbm>> -> memref<1x32xf32, #tpu.memory_space<hbm>>
      %dma_start3A_1710 = arith.constant 0 : i32
      %dma_start3A_1711 = tpu.memref_slice %arg6[%add3A_1705, %dma_start3A_1710] : memref<512x32xf32, #tpu.memory_space<vmem>> -> memref<1x32xf32, #tpu.memory_space<vmem>>
      %dma_start3A_1712 = arith.constant 0 : i32
      %dma_start3A_1713 = tpu.memref_slice %arg3[%squeeze3A_1701, %dma_start3A_1712] : memref<100000x32xf32, #tpu.memory_space<hbm>> -> memref<1x32xf32, #tpu.memory_space<hbm>>
      tpu.enqueue_dma source(%dma_start3A_1713 : memref<1x32xf32, #tpu.memory_space<hbm>>) target(%dma_start3A_1711 : memref<1x32xf32, #tpu.memory_space<vmem>>) target_semaphore(%arg8 : memref<!tpu.dma_semaphore, #tpu.memory_space<semaphore_mem>>)
      %slice3A_1714 = vector.extract_strided_slice %get3A_1685 {offsets = [2], sizes = [1], strides = [1]} : vector<16xi32> to vector<1xi32>
      %squeeze3A_1715 = vector.extract %slice3A_1714[0] : i32 from vector<1xi32>
      %add3A_1716 = arith.constant 32 : i32
      %add3A_1717 = arith.addi %mul3A_1222, %add3A_1716 : i32
      %add3A_1718 = arith.constant 2 : i32
      %add3A_1719 = arith.addi %add3A_1717, %add3A_1718 : i32
      %dma_start3A_1720 = arith.constant 0 : i32
      %dma_start3A_1721 = tpu.memref_slice %arg6[%add3A_1719, %dma_start3A_1720] : memref<512x32xf32, #tpu.memory_space<vmem>> -> memref<1x32xf32, #tpu.memory_space<vmem>>
      %dma_start3A_1722 = arith.constant 0 : i32
      %dma_start3A_1723 = tpu.memref_slice %arg3[%squeeze3A_1715, %dma_start3A_1722] : memref<100000x32xf32, #tpu.memory_space<hbm>> -> memref<1x32xf32, #tpu.memory_space<hbm>>
      %dma_start3A_1724 = arith.constant 0 : i32
      %dma_start3A_1725 = tpu.memref_slice %arg6[%add3A_1719, %dma_start3A_1724] : memref<512x32xf32, #tpu.memory_space<vmem>> -> memref<1x32xf32, #tpu.memory_space<vmem>>
      %dma_start3A_1726 = arith.constant 0 : i32
      %dma_start3A_1727 = tpu.memref_slice %arg3[%squeeze3A_1715, %dma_start3A_1726] : memref<100000x32xf32, #tpu.memory_space<hbm>> -> memref<1x32xf32, #tpu.memory_space<hbm>>
      tpu.enqueue_dma source(%dma_start3A_1727 : memref<1x32xf32, #tpu.memory_space<hbm>>) target(%dma_start3A_1725 : memref<1x32xf32, #tpu.memory_space<vmem>>) target_semaphore(%arg9 : memref<!tpu.dma_semaphore, #tpu.memory_space<semaphore_mem>>)
      %slice3A_1728 = vector.extract_strided_slice %get3A_1685 {offsets = [3], sizes = [1], strides = [1]} : vector<16xi32> to vector<1xi32>
      %squeeze3A_1729 = vector.extract %slice3A_1728[0] : i32 from vector<1xi32>
      %add3A_1730 = arith.constant 32 : i32
      %add3A_1731 = arith.addi %mul3A_1222, %add3A_1730 : i32
      %add3A_1732 = arith.constant 3 : i32
      %add3A_1733 = arith.addi %add3A_1731, %add3A_1732 : i32
      %dma_start3A_1734 = arith.constant 0 : i32
      %dma_start3A_1735 = tpu.memref_slice %arg6[%add3A_1733, %dma_start3A_1734] : memref<512x32xf32, #tpu.memory_space<vmem>> -> memref<1x32xf32, #tpu.memory_space<vmem>>
      %dma_start3A_1736 = arith.constant 0 : i32
      %dma_start3A_1737 = tpu.memref_slice %arg3[%squeeze3A_1729, %dma_start3A_1736] : memref<100000x32xf32, #tpu.memory_space<hbm>> -> memref<1x32xf32, #tpu.memory_space<hbm>>
      %dma_start3A_1738 = arith.constant 0 : i32
      %dma_start3A_1739 = tpu.memref_slice %arg6[%add3A_1733, %dma_start3A_1738] : memref<512x32xf32, #tpu.memory_space<vmem>> -> memref<1x32xf32, #tpu.memory_space<vmem>>
      %dma_start3A_1740 = arith.constant 0 : i32
      %dma_start3A_1741 = tpu.memref_slice %arg3[%squeeze3A_1729, %dma_start3A_1740] : memref<100000x32xf32, #tpu.memory_space<hbm>> -> memref<1x32xf32, #tpu.memory_space<hbm>>
      tpu.enqueue_dma source(%dma_start3A_1741 : memref<1x32xf32, #tpu.memory_space<hbm>>) target(%dma_start3A_1739 : memref<1x32xf32, #tpu.memory_space<vmem>>) target_semaphore(%arg10 : memref<!tpu.dma_semaphore, #tpu.memory_space<semaphore_mem>>)
      %slice3A_1742 = vector.extract_strided_slice %get3A_1685 {offsets = [4], sizes = [1], strides = [1]} : vector<16xi32> to vector<1xi32>
      %squeeze3A_1743 = vector.extract %slice3A_1742[0] : i32 from vector<1xi32>
      %add3A_1744 = arith.constant 32 : i32
      %add3A_1745 = arith.addi %mul3A_1222, %add3A_1744 : i32
      %add3A_1746 = arith.constant 4 : i32
      %add3A_1747 = arith.addi %add3A_1745, %add3A_1746 : i32
      %dma_start3A_1748 = arith.constant 0 : i32
      %dma_start3A_1749 = tpu.memref_slice %arg6[%add3A_1747, %dma_start3A_1748] : memref<512x32xf32, #tpu.memory_space<vmem>> -> memref<1x32xf32, #tpu.memory_space<vmem>>
      %dma_start3A_1750 = arith.constant 0 : i32
      %dma_start3A_1751 = tpu.memref_slice %arg3[%squeeze3A_1743, %dma_start3A_1750] : memref<100000x32xf32, #tpu.memory_space<hbm>> -> memref<1x32xf32, #tpu.memory_space<hbm>>
      %dma_start3A_1752 = arith.constant 0 : i32
      %dma_start3A_1753 = tpu.memref_slice %arg6[%add3A_1747, %dma_start3A_1752] : memref<512x32xf32, #tpu.memory_space<vmem>> -> memref<1x32xf32, #tpu.memory_space<vmem>>
      %dma_start3A_1754 = arith.constant 0 : i32
      %dma_start3A_1755 = tpu.memref_slice %arg3[%squeeze3A_1743, %dma_start3A_1754] : memref<100000x32xf32, #tpu.memory_space<hbm>> -> memref<1x32xf32, #tpu.memory_space<hbm>>
      tpu.enqueue_dma source(%dma_start3A_1755 : memref<1x32xf32, #tpu.memory_space<hbm>>) target(%dma_start3A_1753 : memref<1x32xf32, #tpu.memory_space<vmem>>) target_semaphore(%arg11 : memref<!tpu.dma_semaphore, #tpu.memory_space<semaphore_mem>>)
      %slice3A_1756 = vector.extract_strided_slice %get3A_1685 {offsets = [5], sizes = [1], strides = [1]} : vector<16xi32> to vector<1xi32>
      %squeeze3A_1757 = vector.extract %slice3A_1756[0] : i32 from vector<1xi32>
      %add3A_1758 = arith.constant 32 : i32
      %add3A_1759 = arith.addi %mul3A_1222, %add3A_1758 : i32
      %add3A_1760 = arith.constant 5 : i32
      %add3A_1761 = arith.addi %add3A_1759, %add3A_1760 : i32
      %dma_start3A_1762 = arith.constant 0 : i32
      %dma_start3A_1763 = tpu.memref_slice %arg6[%add3A_1761, %dma_start3A_1762] : memref<512x32xf32, #tpu.memory_space<vmem>> -> memref<1x32xf32, #tpu.memory_space<vmem>>
      %dma_start3A_1764 = arith.constant 0 : i32
      %dma_start3A_1765 = tpu.memref_slice %arg3[%squeeze3A_1757, %dma_start3A_1764] : memref<100000x32xf32, #tpu.memory_space<hbm>> -> memref<1x32xf32, #tpu.memory_space<hbm>>
      %dma_start3A_1766 = arith.constant 0 : i32
      %dma_start3A_1767 = tpu.memref_slice %arg6[%add3A_1761, %dma_start3A_1766] : memref<512x32xf32, #tpu.memory_space<vmem>> -> memref<1x32xf32, #tpu.memory_space<vmem>>
      %dma_start3A_1768 = arith.constant 0 : i32
      %dma_start3A_1769 = tpu.memref_slice %arg3[%squeeze3A_1757, %dma_start3A_1768] : memref<100000x32xf32, #tpu.memory_space<hbm>> -> memref<1x32xf32, #tpu.memory_space<hbm>>
      tpu.enqueue_dma source(%dma_start3A_1769 : memref<1x32xf32, #tpu.memory_space<hbm>>) target(%dma_start3A_1767 : memref<1x32xf32, #tpu.memory_space<vmem>>) target_semaphore(%arg12 : memref<!tpu.dma_semaphore, #tpu.memory_space<semaphore_mem>>)
      %slice3A_1770 = vector.extract_strided_slice %get3A_1685 {offsets = [6], sizes = [1], strides = [1]} : vector<16xi32> to vector<1xi32>
      %squeeze3A_1771 = vector.extract %slice3A_1770[0] : i32 from vector<1xi32>
      %add3A_1772 = arith.constant 32 : i32
      %add3A_1773 = arith.addi %mul3A_1222, %add3A_1772 : i32
      %add3A_1774 = arith.constant 6 : i32
      %add3A_1775 = arith.addi %add3A_1773, %add3A_1774 : i32
      %dma_start3A_1776 = arith.constant 0 : i32
      %dma_start3A_1777 = tpu.memref_slice %arg6[%add3A_1775, %dma_start3A_1776] : memref<512x32xf32, #tpu.memory_space<vmem>> -> memref<1x32xf32, #tpu.memory_space<vmem>>
      %dma_start3A_1778 = arith.constant 0 : i32
      %dma_start3A_1779 = tpu.memref_slice %arg3[%squeeze3A_1771, %dma_start3A_1778] : memref<100000x32xf32, #tpu.memory_space<hbm>> -> memref<1x32xf32, #tpu.memory_space<hbm>>
      %dma_start3A_1780 = arith.constant 0 : i32
      %dma_start3A_1781 = tpu.memref_slice %arg6[%add3A_1775, %dma_start3A_1780] : memref<512x32xf32, #tpu.memory_space<vmem>> -> memref<1x32xf32, #tpu.memory_space<vmem>>
      %dma_start3A_1782 = arith.constant 0 : i32
      %dma_start3A_1783 = tpu.memref_slice %arg3[%squeeze3A_1771, %dma_start3A_1782] : memref<100000x32xf32, #tpu.memory_space<hbm>> -> memref<1x32xf32, #tpu.memory_space<hbm>>
      tpu.enqueue_dma source(%dma_start3A_1783 : memref<1x32xf32, #tpu.memory_space<hbm>>) target(%dma_start3A_1781 : memref<1x32xf32, #tpu.memory_space<vmem>>) target_semaphore(%arg13 : memref<!tpu.dma_semaphore, #tpu.memory_space<semaphore_mem>>)
      %slice3A_1784 = vector.extract_strided_slice %get3A_1685 {offsets = [7], sizes = [1], strides = [1]} : vector<16xi32> to vector<1xi32>
      %squeeze3A_1785 = vector.extract %slice3A_1784[0] : i32 from vector<1xi32>
      %add3A_1786 = arith.constant 32 : i32
      %add3A_1787 = arith.addi %mul3A_1222, %add3A_1786 : i32
      %add3A_1788 = arith.constant 7 : i32
      %add3A_1789 = arith.addi %add3A_1787, %add3A_1788 : i32
      %dma_start3A_1790 = arith.constant 0 : i32
      %dma_start3A_1791 = tpu.memref_slice %arg6[%add3A_1789, %dma_start3A_1790] : memref<512x32xf32, #tpu.memory_space<vmem>> -> memref<1x32xf32, #tpu.memory_space<vmem>>
      %dma_start3A_1792 = arith.constant 0 : i32
      %dma_start3A_1793 = tpu.memref_slice %arg3[%squeeze3A_1785, %dma_start3A_1792] : memref<100000x32xf32, #tpu.memory_space<hbm>> -> memref<1x32xf32, #tpu.memory_space<hbm>>
      %dma_start3A_1794 = arith.constant 0 : i32
      %dma_start3A_1795 = tpu.memref_slice %arg6[%add3A_1789, %dma_start3A_1794] : memref<512x32xf32, #tpu.memory_space<vmem>> -> memref<1x32xf32, #tpu.memory_space<vmem>>
      %dma_start3A_1796 = arith.constant 0 : i32
      %dma_start3A_1797 = tpu.memref_slice %arg3[%squeeze3A_1785, %dma_start3A_1796] : memref<100000x32xf32, #tpu.memory_space<hbm>> -> memref<1x32xf32, #tpu.memory_space<hbm>>
      tpu.enqueue_dma source(%dma_start3A_1797 : memref<1x32xf32, #tpu.memory_space<hbm>>) target(%dma_start3A_1795 : memref<1x32xf32, #tpu.memory_space<vmem>>) target_semaphore(%arg14 : memref<!tpu.dma_semaphore, #tpu.memory_space<semaphore_mem>>)
      %slice3A_1798 = vector.extract_strided_slice %get3A_1685 {offsets = [8], sizes = [1], strides = [1]} : vector<16xi32> to vector<1xi32>
      %squeeze3A_1799 = vector.extract %slice3A_1798[0] : i32 from vector<1xi32>
      %add3A_1800 = arith.constant 32 : i32
      %add3A_1801 = arith.addi %mul3A_1222, %add3A_1800 : i32
      %add3A_1802 = arith.constant 8 : i32
      %add3A_1803 = arith.addi %add3A_1801, %add3A_1802 : i32
      %dma_start3A_1804 = arith.constant 0 : i32
      %dma_start3A_1805 = tpu.memref_slice %arg6[%add3A_1803, %dma_start3A_1804] : memref<512x32xf32, #tpu.memory_space<vmem>> -> memref<1x32xf32, #tpu.memory_space<vmem>>
      %dma_start3A_1806 = arith.constant 0 : i32
      %dma_start3A_1807 = tpu.memref_slice %arg3[%squeeze3A_1799, %dma_start3A_1806] : memref<100000x32xf32, #tpu.memory_space<hbm>> -> memref<1x32xf32, #tpu.memory_space<hbm>>
      %dma_start3A_1808 = arith.constant 0 : i32
      %dma_start3A_1809 = tpu.memref_slice %arg6[%add3A_1803, %dma_start3A_1808] : memref<512x32xf32, #tpu.memory_space<vmem>> -> memref<1x32xf32, #tpu.memory_space<vmem>>
      %dma_start3A_1810 = arith.constant 0 : i32
      %dma_start3A_1811 = tpu.memref_slice %arg3[%squeeze3A_1799, %dma_start3A_1810] : memref<100000x32xf32, #tpu.memory_space<hbm>> -> memref<1x32xf32, #tpu.memory_space<hbm>>
      tpu.enqueue_dma source(%dma_start3A_1811 : memref<1x32xf32, #tpu.memory_space<hbm>>) target(%dma_start3A_1809 : memref<1x32xf32, #tpu.memory_space<vmem>>) target_semaphore(%arg7 : memref<!tpu.dma_semaphore, #tpu.memory_space<semaphore_mem>>)
      %slice3A_1812 = vector.extract_strided_slice %get3A_1685 {offsets = [9], sizes = [1], strides = [1]} : vector<16xi32> to vector<1xi32>
      %squeeze3A_1813 = vector.extract %slice3A_1812[0] : i32 from vector<1xi32>
      %add3A_1814 = arith.constant 32 : i32
      %add3A_1815 = arith.addi %mul3A_1222, %add3A_1814 : i32
      %add3A_1816 = arith.constant 9 : i32
      %add3A_1817 = arith.addi %add3A_1815, %add3A_1816 : i32
      %dma_start3A_1818 = arith.constant 0 : i32
      %dma_start3A_1819 = tpu.memref_slice %arg6[%add3A_1817, %dma_start3A_1818] : memref<512x32xf32, #tpu.memory_space<vmem>> -> memref<1x32xf32, #tpu.memory_space<vmem>>
      %dma_start3A_1820 = arith.constant 0 : i32
      %dma_start3A_1821 = tpu.memref_slice %arg3[%squeeze3A_1813, %dma_start3A_1820] : memref<100000x32xf32, #tpu.memory_space<hbm>> -> memref<1x32xf32, #tpu.memory_space<hbm>>
      %dma_start3A_1822 = arith.constant 0 : i32
      %dma_start3A_1823 = tpu.memref_slice %arg6[%add3A_1817, %dma_start3A_1822] : memref<512x32xf32, #tpu.memory_space<vmem>> -> memref<1x32xf32, #tpu.memory_space<vmem>>
      %dma_start3A_1824 = arith.constant 0 : i32
      %dma_start3A_1825 = tpu.memref_slice %arg3[%squeeze3A_1813, %dma_start3A_1824] : memref<100000x32xf32, #tpu.memory_space<hbm>> -> memref<1x32xf32, #tpu.memory_space<hbm>>
      tpu.enqueue_dma source(%dma_start3A_1825 : memref<1x32xf32, #tpu.memory_space<hbm>>) target(%dma_start3A_1823 : memref<1x32xf32, #tpu.memory_space<vmem>>) target_semaphore(%arg8 : memref<!tpu.dma_semaphore, #tpu.memory_space<semaphore_mem>>)
      %slice3A_1826 = vector.extract_strided_slice %get3A_1685 {offsets = [10], sizes = [1], strides = [1]} : vector<16xi32> to vector<1xi32>
      %squeeze3A_1827 = vector.extract %slice3A_1826[0] : i32 from vector<1xi32>
      %add3A_1828 = arith.constant 32 : i32
      %add3A_1829 = arith.addi %mul3A_1222, %add3A_1828 : i32
      %add3A_1830 = arith.constant 10 : i32
      %add3A_1831 = arith.addi %add3A_1829, %add3A_1830 : i32
      %dma_start3A_1832 = arith.constant 0 : i32
      %dma_start3A_1833 = tpu.memref_slice %arg6[%add3A_1831, %dma_start3A_1832] : memref<512x32xf32, #tpu.memory_space<vmem>> -> memref<1x32xf32, #tpu.memory_space<vmem>>
      %dma_start3A_1834 = arith.constant 0 : i32
      %dma_start3A_1835 = tpu.memref_slice %arg3[%squeeze3A_1827, %dma_start3A_1834] : memref<100000x32xf32, #tpu.memory_space<hbm>> -> memref<1x32xf32, #tpu.memory_space<hbm>>
      %dma_start3A_1836 = arith.constant 0 : i32
      %dma_start3A_1837 = tpu.memref_slice %arg6[%add3A_1831, %dma_start3A_1836] : memref<512x32xf32, #tpu.memory_space<vmem>> -> memref<1x32xf32, #tpu.memory_space<vmem>>
      %dma_start3A_1838 = arith.constant 0 : i32
      %dma_start3A_1839 = tpu.memref_slice %arg3[%squeeze3A_1827, %dma_start3A_1838] : memref<100000x32xf32, #tpu.memory_space<hbm>> -> memref<1x32xf32, #tpu.memory_space<hbm>>
      tpu.enqueue_dma source(%dma_start3A_1839 : memref<1x32xf32, #tpu.memory_space<hbm>>) target(%dma_start3A_1837 : memref<1x32xf32, #tpu.memory_space<vmem>>) target_semaphore(%arg9 : memref<!tpu.dma_semaphore, #tpu.memory_space<semaphore_mem>>)
      %slice3A_1840 = vector.extract_strided_slice %get3A_1685 {offsets = [11], sizes = [1], strides = [1]} : vector<16xi32> to vector<1xi32>
      %squeeze3A_1841 = vector.extract %slice3A_1840[0] : i32 from vector<1xi32>
      %add3A_1842 = arith.constant 32 : i32
      %add3A_1843 = arith.addi %mul3A_1222, %add3A_1842 : i32
      %add3A_1844 = arith.constant 11 : i32
      %add3A_1845 = arith.addi %add3A_1843, %add3A_1844 : i32
      %dma_start3A_1846 = arith.constant 0 : i32
      %dma_start3A_1847 = tpu.memref_slice %arg6[%add3A_1845, %dma_start3A_1846] : memref<512x32xf32, #tpu.memory_space<vmem>> -> memref<1x32xf32, #tpu.memory_space<vmem>>
      %dma_start3A_1848 = arith.constant 0 : i32
      %dma_start3A_1849 = tpu.memref_slice %arg3[%squeeze3A_1841, %dma_start3A_1848] : memref<100000x32xf32, #tpu.memory_space<hbm>> -> memref<1x32xf32, #tpu.memory_space<hbm>>
      %dma_start3A_1850 = arith.constant 0 : i32
      %dma_start3A_1851 = tpu.memref_slice %arg6[%add3A_1845, %dma_start3A_1850] : memref<512x32xf32, #tpu.memory_space<vmem>> -> memref<1x32xf32, #tpu.memory_space<vmem>>
      %dma_start3A_1852 = arith.constant 0 : i32
      %dma_start3A_1853 = tpu.memref_slice %arg3[%squeeze3A_1841, %dma_start3A_1852] : memref<100000x32xf32, #tpu.memory_space<hbm>> -> memref<1x32xf32, #tpu.memory_space<hbm>>
      tpu.enqueue_dma source(%dma_start3A_1853 : memref<1x32xf32, #tpu.memory_space<hbm>>) target(%dma_start3A_1851 : memref<1x32xf32, #tpu.memory_space<vmem>>) target_semaphore(%arg10 : memref<!tpu.dma_semaphore, #tpu.memory_space<semaphore_mem>>)
      %slice3A_1854 = vector.extract_strided_slice %get3A_1685 {offsets = [12], sizes = [1], strides = [1]} : vector<16xi32> to vector<1xi32>
      %squeeze3A_1855 = vector.extract %slice3A_1854[0] : i32 from vector<1xi32>
      %add3A_1856 = arith.constant 32 : i32
      %add3A_1857 = arith.addi %mul3A_1222, %add3A_1856 : i32
      %add3A_1858 = arith.constant 12 : i32
      %add3A_1859 = arith.addi %add3A_1857, %add3A_1858 : i32
      %dma_start3A_1860 = arith.constant 0 : i32
      %dma_start3A_1861 = tpu.memref_slice %arg6[%add3A_1859, %dma_start3A_1860] : memref<512x32xf32, #tpu.memory_space<vmem>> -> memref<1x32xf32, #tpu.memory_space<vmem>>
      %dma_start3A_1862 = arith.constant 0 : i32
      %dma_start3A_1863 = tpu.memref_slice %arg3[%squeeze3A_1855, %dma_start3A_1862] : memref<100000x32xf32, #tpu.memory_space<hbm>> -> memref<1x32xf32, #tpu.memory_space<hbm>>
      %dma_start3A_1864 = arith.constant 0 : i32
      %dma_start3A_1865 = tpu.memref_slice %arg6[%add3A_1859, %dma_start3A_1864] : memref<512x32xf32, #tpu.memory_space<vmem>> -> memref<1x32xf32, #tpu.memory_space<vmem>>
      %dma_start3A_1866 = arith.constant 0 : i32
      %dma_start3A_1867 = tpu.memref_slice %arg3[%squeeze3A_1855, %dma_start3A_1866] : memref<100000x32xf32, #tpu.memory_space<hbm>> -> memref<1x32xf32, #tpu.memory_space<hbm>>
      tpu.enqueue_dma source(%dma_start3A_1867 : memref<1x32xf32, #tpu.memory_space<hbm>>) target(%dma_start3A_1865 : memref<1x32xf32, #tpu.memory_space<vmem>>) target_semaphore(%arg11 : memref<!tpu.dma_semaphore, #tpu.memory_space<semaphore_mem>>)
      %slice3A_1868 = vector.extract_strided_slice %get3A_1685 {offsets = [13], sizes = [1], strides = [1]} : vector<16xi32> to vector<1xi32>
      %squeeze3A_1869 = vector.extract %slice3A_1868[0] : i32 from vector<1xi32>
      %add3A_1870 = arith.constant 32 : i32
      %add3A_1871 = arith.addi %mul3A_1222, %add3A_1870 : i32
      %add3A_1872 = arith.constant 13 : i32
      %add3A_1873 = arith.addi %add3A_1871, %add3A_1872 : i32
      %dma_start3A_1874 = arith.constant 0 : i32
      %dma_start3A_1875 = tpu.memref_slice %arg6[%add3A_1873, %dma_start3A_1874] : memref<512x32xf32, #tpu.memory_space<vmem>> -> memref<1x32xf32, #tpu.memory_space<vmem>>
      %dma_start3A_1876 = arith.constant 0 : i32
      %dma_start3A_1877 = tpu.memref_slice %arg3[%squeeze3A_1869, %dma_start3A_1876] : memref<100000x32xf32, #tpu.memory_space<hbm>> -> memref<1x32xf32, #tpu.memory_space<hbm>>
      %dma_start3A_1878 = arith.constant 0 : i32
      %dma_start3A_1879 = tpu.memref_slice %arg6[%add3A_1873, %dma_start3A_1878] : memref<512x32xf32, #tpu.memory_space<vmem>> -> memref<1x32xf32, #tpu.memory_space<vmem>>
      %dma_start3A_1880 = arith.constant 0 : i32
      %dma_start3A_1881 = tpu.memref_slice %arg3[%squeeze3A_1869, %dma_start3A_1880] : memref<100000x32xf32, #tpu.memory_space<hbm>> -> memref<1x32xf32, #tpu.memory_space<hbm>>
      tpu.enqueue_dma source(%dma_start3A_1881 : memref<1x32xf32, #tpu.memory_space<hbm>>) target(%dma_start3A_1879 : memref<1x32xf32, #tpu.memory_space<vmem>>) target_semaphore(%arg12 : memref<!tpu.dma_semaphore, #tpu.memory_space<semaphore_mem>>)
      %slice3A_1882 = vector.extract_strided_slice %get3A_1685 {offsets = [14], sizes = [1], strides = [1]} : vector<16xi32> to vector<1xi32>
      %squeeze3A_1883 = vector.extract %slice3A_1882[0] : i32 from vector<1xi32>
      %add3A_1884 = arith.constant 32 : i32
      %add3A_1885 = arith.addi %mul3A_1222, %add3A_1884 : i32
      %add3A_1886 = arith.constant 14 : i32
      %add3A_1887 = arith.addi %add3A_1885, %add3A_1886 : i32
      %dma_start3A_1888 = arith.constant 0 : i32
      %dma_start3A_1889 = tpu.memref_slice %arg6[%add3A_1887, %dma_start3A_1888] : memref<512x32xf32, #tpu.memory_space<vmem>> -> memref<1x32xf32, #tpu.memory_space<vmem>>
      %dma_start3A_1890 = arith.constant 0 : i32
      %dma_start3A_1891 = tpu.memref_slice %arg3[%squeeze3A_1883, %dma_start3A_1890] : memref<100000x32xf32, #tpu.memory_space<hbm>> -> memref<1x32xf32, #tpu.memory_space<hbm>>
      %dma_start3A_1892 = arith.constant 0 : i32
      %dma_start3A_1893 = tpu.memref_slice %arg6[%add3A_1887, %dma_start3A_1892] : memref<512x32xf32, #tpu.memory_space<vmem>> -> memref<1x32xf32, #tpu.memory_space<vmem>>
      %dma_start3A_1894 = arith.constant 0 : i32
      %dma_start3A_1895 = tpu.memref_slice %arg3[%squeeze3A_1883, %dma_start3A_1894] : memref<100000x32xf32, #tpu.memory_space<hbm>> -> memref<1x32xf32, #tpu.memory_space<hbm>>
      tpu.enqueue_dma source(%dma_start3A_1895 : memref<1x32xf32, #tpu.memory_space<hbm>>) target(%dma_start3A_1893 : memref<1x32xf32, #tpu.memory_space<vmem>>) target_semaphore(%arg13 : memref<!tpu.dma_semaphore, #tpu.memory_space<semaphore_mem>>)
      %slice3A_1896 = vector.extract_strided_slice %get3A_1685 {offsets = [15], sizes = [1], strides = [1]} : vector<16xi32> to vector<1xi32>
      %squeeze3A_1897 = vector.extract %slice3A_1896[0] : i32 from vector<1xi32>
      %add3A_1898 = arith.constant 32 : i32
      %add3A_1899 = arith.addi %mul3A_1222, %add3A_1898 : i32
      %add3A_1900 = arith.constant 15 : i32
      %add3A_1901 = arith.addi %add3A_1899, %add3A_1900 : i32
      %dma_start3A_1902 = arith.constant 0 : i32
      %dma_start3A_1903 = tpu.memref_slice %arg6[%add3A_1901, %dma_start3A_1902] : memref<512x32xf32, #tpu.memory_space<vmem>> -> memref<1x32xf32, #tpu.memory_space<vmem>>
      %dma_start3A_1904 = arith.constant 0 : i32
      %dma_start3A_1905 = tpu.memref_slice %arg3[%squeeze3A_1897, %dma_start3A_1904] : memref<100000x32xf32, #tpu.memory_space<hbm>> -> memref<1x32xf32, #tpu.memory_space<hbm>>
      %dma_start3A_1906 = arith.constant 0 : i32
      %dma_start3A_1907 = tpu.memref_slice %arg6[%add3A_1901, %dma_start3A_1906] : memref<512x32xf32, #tpu.memory_space<vmem>> -> memref<1x32xf32, #tpu.memory_space<vmem>>
      %dma_start3A_1908 = arith.constant 0 : i32
      %dma_start3A_1909 = tpu.memref_slice %arg3[%squeeze3A_1897, %dma_start3A_1908] : memref<100000x32xf32, #tpu.memory_space<hbm>> -> memref<1x32xf32, #tpu.memory_space<hbm>>
      tpu.enqueue_dma source(%dma_start3A_1909 : memref<1x32xf32, #tpu.memory_space<hbm>>) target(%dma_start3A_1907 : memref<1x32xf32, #tpu.memory_space<vmem>>) target_semaphore(%arg14 : memref<!tpu.dma_semaphore, #tpu.memory_space<semaphore_mem>>)
      %add3A_1910 = arith.constant 48 : i32
      %add3A_1911 = arith.addi %mul3A_1222, %add3A_1910 : i32
      %get3A_1912 = arith.index_cast %add3A_1911 : i32 to index
      %get3A_1913 = tpu.vector_load %arg5[%get3A_1912] {strides = array<i32>} : memref<512xi32, #tpu.memory_space<vmem>>, vector<16xi32>,
      %get3A_1914 = vector.shape_cast %get3A_1913 : vector<16xi32> to vector<16xi32>
      %slice3A_1915 = vector.extract_strided_slice %get3A_1914 {offsets = [0], sizes = [1], strides = [1]} : vector<16xi32> to vector<1xi32>
      %squeeze3A_1916 = vector.extract %slice3A_1915[0] : i32 from vector<1xi32>
      %add3A_1917 = arith.constant 48 : i32
      %add3A_1918 = arith.addi %mul3A_1222, %add3A_1917 : i32
      %add3A_1919 = arith.constant 0 : i32
      %add3A_1920 = arith.addi %add3A_1918, %add3A_1919 : i32
      %dma_start3A_1921 = arith.constant 0 : i32
      %dma_start3A_1922 = tpu.memref_slice %arg6[%add3A_1920, %dma_start3A_1921] : memref<512x32xf32, #tpu.memory_space<vmem>> -> memref<1x32xf32, #tpu.memory_space<vmem>>
      %dma_start3A_1923 = arith.constant 0 : i32
      %dma_start3A_1924 = tpu.memref_slice %arg3[%squeeze3A_1916, %dma_start3A_1923] : memref<100000x32xf32, #tpu.memory_space<hbm>> -> memref<1x32xf32, #tpu.memory_space<hbm>>
      %dma_start3A_1925 = arith.constant 0 : i32
      %dma_start3A_1926 = tpu.memref_slice %arg6[%add3A_1920, %dma_start3A_1925] : memref<512x32xf32, #tpu.memory_space<vmem>> -> memref<1x32xf32, #tpu.memory_space<vmem>>
      %dma_start3A_1927 = arith.constant 0 : i32
      %dma_start3A_1928 = tpu.memref_slice %arg3[%squeeze3A_1916, %dma_start3A_1927] : memref<100000x32xf32, #tpu.memory_space<hbm>> -> memref<1x32xf32, #tpu.memory_space<hbm>>
      tpu.enqueue_dma source(%dma_start3A_1928 : memref<1x32xf32, #tpu.memory_space<hbm>>) target(%dma_start3A_1926 : memref<1x32xf32, #tpu.memory_space<vmem>>) target_semaphore(%arg7 : memref<!tpu.dma_semaphore, #tpu.memory_space<semaphore_mem>>)
      %slice3A_1929 = vector.extract_strided_slice %get3A_1914 {offsets = [1], sizes = [1], strides = [1]} : vector<16xi32> to vector<1xi32>
      %squeeze3A_1930 = vector.extract %slice3A_1929[0] : i32 from vector<1xi32>
      %add3A_1931 = arith.constant 48 : i32
      %add3A_1932 = arith.addi %mul3A_1222, %add3A_1931 : i32
      %add3A_1933 = arith.constant 1 : i32
      %add3A_1934 = arith.addi %add3A_1932, %add3A_1933 : i32
      %dma_start3A_1935 = arith.constant 0 : i32
      %dma_start3A_1936 = tpu.memref_slice %arg6[%add3A_1934, %dma_start3A_1935] : memref<512x32xf32, #tpu.memory_space<vmem>> -> memref<1x32xf32, #tpu.memory_space<vmem>>
      %dma_start3A_1937 = arith.constant 0 : i32
      %dma_start3A_1938 = tpu.memref_slice %arg3[%squeeze3A_1930, %dma_start3A_1937] : memref<100000x32xf32, #tpu.memory_space<hbm>> -> memref<1x32xf32, #tpu.memory_space<hbm>>
      %dma_start3A_1939 = arith.constant 0 : i32
      %dma_start3A_1940 = tpu.memref_slice %arg6[%add3A_1934, %dma_start3A_1939] : memref<512x32xf32, #tpu.memory_space<vmem>> -> memref<1x32xf32, #tpu.memory_space<vmem>>
      %dma_start3A_1941 = arith.constant 0 : i32
      %dma_start3A_1942 = tpu.memref_slice %arg3[%squeeze3A_1930, %dma_start3A_1941] : memref<100000x32xf32, #tpu.memory_space<hbm>> -> memref<1x32xf32, #tpu.memory_space<hbm>>
      tpu.enqueue_dma source(%dma_start3A_1942 : memref<1x32xf32, #tpu.memory_space<hbm>>) target(%dma_start3A_1940 : memref<1x32xf32, #tpu.memory_space<vmem>>) target_semaphore(%arg8 : memref<!tpu.dma_semaphore, #tpu.memory_space<semaphore_mem>>)
      %slice3A_1943 = vector.extract_strided_slice %get3A_1914 {offsets = [2], sizes = [1], strides = [1]} : vector<16xi32> to vector<1xi32>
      %squeeze3A_1944 = vector.extract %slice3A_1943[0] : i32 from vector<1xi32>
      %add3A_1945 = arith.constant 48 : i32
      %add3A_1946 = arith.addi %mul3A_1222, %add3A_1945 : i32
      %add3A_1947 = arith.constant 2 : i32
      %add3A_1948 = arith.addi %add3A_1946, %add3A_1947 : i32
      %dma_start3A_1949 = arith.constant 0 : i32
      %dma_start3A_1950 = tpu.memref_slice %arg6[%add3A_1948, %dma_start3A_1949] : memref<512x32xf32, #tpu.memory_space<vmem>> -> memref<1x32xf32, #tpu.memory_space<vmem>>
      %dma_start3A_1951 = arith.constant 0 : i32
      %dma_start3A_1952 = tpu.memref_slice %arg3[%squeeze3A_1944, %dma_start3A_1951] : memref<100000x32xf32, #tpu.memory_space<hbm>> -> memref<1x32xf32, #tpu.memory_space<hbm>>
      %dma_start3A_1953 = arith.constant 0 : i32
      %dma_start3A_1954 = tpu.memref_slice %arg6[%add3A_1948, %dma_start3A_1953] : memref<512x32xf32, #tpu.memory_space<vmem>> -> memref<1x32xf32, #tpu.memory_space<vmem>>
      %dma_start3A_1955 = arith.constant 0 : i32
      %dma_start3A_1956 = tpu.memref_slice %arg3[%squeeze3A_1944, %dma_start3A_1955] : memref<100000x32xf32, #tpu.memory_space<hbm>> -> memref<1x32xf32, #tpu.memory_space<hbm>>
      tpu.enqueue_dma source(%dma_start3A_1956 : memref<1x32xf32, #tpu.memory_space<hbm>>) target(%dma_start3A_1954 : memref<1x32xf32, #tpu.memory_space<vmem>>) target_semaphore(%arg9 : memref<!tpu.dma_semaphore, #tpu.memory_space<semaphore_mem>>)
      %slice3A_1957 = vector.extract_strided_slice %get3A_1914 {offsets = [3], sizes = [1], strides = [1]} : vector<16xi32> to vector<1xi32>
      %squeeze3A_1958 = vector.extract %slice3A_1957[0] : i32 from vector<1xi32>
      %add3A_1959 = arith.constant 48 : i32
      %add3A_1960 = arith.addi %mul3A_1222, %add3A_1959 : i32
      %add3A_1961 = arith.constant 3 : i32
      %add3A_1962 = arith.addi %add3A_1960, %add3A_1961 : i32
      %dma_start3A_1963 = arith.constant 0 : i32
      %dma_start3A_1964 = tpu.memref_slice %arg6[%add3A_1962, %dma_start3A_1963] : memref<512x32xf32, #tpu.memory_space<vmem>> -> memref<1x32xf32, #tpu.memory_space<vmem>>
      %dma_start3A_1965 = arith.constant 0 : i32
      %dma_start3A_1966 = tpu.memref_slice %arg3[%squeeze3A_1958, %dma_start3A_1965] : memref<100000x32xf32, #tpu.memory_space<hbm>> -> memref<1x32xf32, #tpu.memory_space<hbm>>
      %dma_start3A_1967 = arith.constant 0 : i32
      %dma_start3A_1968 = tpu.memref_slice %arg6[%add3A_1962, %dma_start3A_1967] : memref<512x32xf32, #tpu.memory_space<vmem>> -> memref<1x32xf32, #tpu.memory_space<vmem>>
      %dma_start3A_1969 = arith.constant 0 : i32
      %dma_start3A_1970 = tpu.memref_slice %arg3[%squeeze3A_1958, %dma_start3A_1969] : memref<100000x32xf32, #tpu.memory_space<hbm>> -> memref<1x32xf32, #tpu.memory_space<hbm>>
      tpu.enqueue_dma source(%dma_start3A_1970 : memref<1x32xf32, #tpu.memory_space<hbm>>) target(%dma_start3A_1968 : memref<1x32xf32, #tpu.memory_space<vmem>>) target_semaphore(%arg10 : memref<!tpu.dma_semaphore, #tpu.memory_space<semaphore_mem>>)
      %slice3A_1971 = vector.extract_strided_slice %get3A_1914 {offsets = [4], sizes = [1], strides = [1]} : vector<16xi32> to vector<1xi32>
      %squeeze3A_1972 = vector.extract %slice3A_1971[0] : i32 from vector<1xi32>
      %add3A_1973 = arith.constant 48 : i32
      %add3A_1974 = arith.addi %mul3A_1222, %add3A_1973 : i32
      %add3A_1975 = arith.constant 4 : i32
      %add3A_1976 = arith.addi %add3A_1974, %add3A_1975 : i32
      %dma_start3A_1977 = arith.constant 0 : i32
      %dma_start3A_1978 = tpu.memref_slice %arg6[%add3A_1976, %dma_start3A_1977] : memref<512x32xf32, #tpu.memory_space<vmem>> -> memref<1x32xf32, #tpu.memory_space<vmem>>
      %dma_start3A_1979 = arith.constant 0 : i32
      %dma_start3A_1980 = tpu.memref_slice %arg3[%squeeze3A_1972, %dma_start3A_1979] : memref<100000x32xf32, #tpu.memory_space<hbm>> -> memref<1x32xf32, #tpu.memory_space<hbm>>
      %dma_start3A_1981 = arith.constant 0 : i32
      %dma_start3A_1982 = tpu.memref_slice %arg6[%add3A_1976, %dma_start3A_1981] : memref<512x32xf32, #tpu.memory_space<vmem>> -> memref<1x32xf32, #tpu.memory_space<vmem>>
      %dma_start3A_1983 = arith.constant 0 : i32
      %dma_start3A_1984 = tpu.memref_slice %arg3[%squeeze3A_1972, %dma_start3A_1983] : memref<100000x32xf32, #tpu.memory_space<hbm>> -> memref<1x32xf32, #tpu.memory_space<hbm>>
      tpu.enqueue_dma source(%dma_start3A_1984 : memref<1x32xf32, #tpu.memory_space<hbm>>) target(%dma_start3A_1982 : memref<1x32xf32, #tpu.memory_space<vmem>>) target_semaphore(%arg11 : memref<!tpu.dma_semaphore, #tpu.memory_space<semaphore_mem>>)
      %slice3A_1985 = vector.extract_strided_slice %get3A_1914 {offsets = [5], sizes = [1], strides = [1]} : vector<16xi32> to vector<1xi32>
      %squeeze3A_1986 = vector.extract %slice3A_1985[0] : i32 from vector<1xi32>
      %add3A_1987 = arith.constant 48 : i32
      %add3A_1988 = arith.addi %mul3A_1222, %add3A_1987 : i32
      %add3A_1989 = arith.constant 5 : i32
      %add3A_1990 = arith.addi %add3A_1988, %add3A_1989 : i32
      %dma_start3A_1991 = arith.constant 0 : i32
      %dma_start3A_1992 = tpu.memref_slice %arg6[%add3A_1990, %dma_start3A_1991] : memref<512x32xf32, #tpu.memory_space<vmem>> -> memref<1x32xf32, #tpu.memory_space<vmem>>
      %dma_start3A_1993 = arith.constant 0 : i32
      %dma_start3A_1994 = tpu.memref_slice %arg3[%squeeze3A_1986, %dma_start3A_1993] : memref<100000x32xf32, #tpu.memory_space<hbm>> -> memref<1x32xf32, #tpu.memory_space<hbm>>
      %dma_start3A_1995 = arith.constant 0 : i32
      %dma_start3A_1996 = tpu.memref_slice %arg6[%add3A_1990, %dma_start3A_1995] : memref<512x32xf32, #tpu.memory_space<vmem>> -> memref<1x32xf32, #tpu.memory_space<vmem>>
      %dma_start3A_1997 = arith.constant 0 : i32
      %dma_start3A_1998 = tpu.memref_slice %arg3[%squeeze3A_1986, %dma_start3A_1997] : memref<100000x32xf32, #tpu.memory_space<hbm>> -> memref<1x32xf32, #tpu.memory_space<hbm>>
      tpu.enqueue_dma source(%dma_start3A_1998 : memref<1x32xf32, #tpu.memory_space<hbm>>) target(%dma_start3A_1996 : memref<1x32xf32, #tpu.memory_space<vmem>>) target_semaphore(%arg12 : memref<!tpu.dma_semaphore, #tpu.memory_space<semaphore_mem>>)
      %slice3A_1999 = vector.extract_strided_slice %get3A_1914 {offsets = [6], sizes = [1], strides = [1]} : vector<16xi32> to vector<1xi32>
      %squeeze3A_2000 = vector.extract %slice3A_1999[0] : i32 from vector<1xi32>
      %add3A_2001 = arith.constant 48 : i32
      %add3A_2002 = arith.addi %mul3A_1222, %add3A_2001 : i32
      %add3A_2003 = arith.constant 6 : i32
      %add3A_2004 = arith.addi %add3A_2002, %add3A_2003 : i32
      %dma_start3A_2005 = arith.constant 0 : i32
      %dma_start3A_2006 = tpu.memref_slice %arg6[%add3A_2004, %dma_start3A_2005] : memref<512x32xf32, #tpu.memory_space<vmem>> -> memref<1x32xf32, #tpu.memory_space<vmem>>
      %dma_start3A_2007 = arith.constant 0 : i32
      %dma_start3A_2008 = tpu.memref_slice %arg3[%squeeze3A_2000, %dma_start3A_2007] : memref<100000x32xf32, #tpu.memory_space<hbm>> -> memref<1x32xf32, #tpu.memory_space<hbm>>
      %dma_start3A_2009 = arith.constant 0 : i32
      %dma_start3A_2010 = tpu.memref_slice %arg6[%add3A_2004, %dma_start3A_2009] : memref<512x32xf32, #tpu.memory_space<vmem>> -> memref<1x32xf32, #tpu.memory_space<vmem>>
      %dma_start3A_2011 = arith.constant 0 : i32
      %dma_start3A_2012 = tpu.memref_slice %arg3[%squeeze3A_2000, %dma_start3A_2011] : memref<100000x32xf32, #tpu.memory_space<hbm>> -> memref<1x32xf32, #tpu.memory_space<hbm>>
      tpu.enqueue_dma source(%dma_start3A_2012 : memref<1x32xf32, #tpu.memory_space<hbm>>) target(%dma_start3A_2010 : memref<1x32xf32, #tpu.memory_space<vmem>>) target_semaphore(%arg13 : memref<!tpu.dma_semaphore, #tpu.memory_space<semaphore_mem>>)
      %slice3A_2013 = vector.extract_strided_slice %get3A_1914 {offsets = [7], sizes = [1], strides = [1]} : vector<16xi32> to vector<1xi32>
      %squeeze3A_2014 = vector.extract %slice3A_2013[0] : i32 from vector<1xi32>
      %add3A_2015 = arith.constant 48 : i32
      %add3A_2016 = arith.addi %mul3A_1222, %add3A_2015 : i32
      %add3A_2017 = arith.constant 7 : i32
      %add3A_2018 = arith.addi %add3A_2016, %add3A_2017 : i32
      %dma_start3A_2019 = arith.constant 0 : i32
      %dma_start3A_2020 = tpu.memref_slice %arg6[%add3A_2018, %dma_start3A_2019] : memref<512x32xf32, #tpu.memory_space<vmem>> -> memref<1x32xf32, #tpu.memory_space<vmem>>
      %dma_start3A_2021 = arith.constant 0 : i32
      %dma_start3A_2022 = tpu.memref_slice %arg3[%squeeze3A_2014, %dma_start3A_2021] : memref<100000x32xf32, #tpu.memory_space<hbm>> -> memref<1x32xf32, #tpu.memory_space<hbm>>
      %dma_start3A_2023 = arith.constant 0 : i32
      %dma_start3A_2024 = tpu.memref_slice %arg6[%add3A_2018, %dma_start3A_2023] : memref<512x32xf32, #tpu.memory_space<vmem>> -> memref<1x32xf32, #tpu.memory_space<vmem>>
      %dma_start3A_2025 = arith.constant 0 : i32
      %dma_start3A_2026 = tpu.memref_slice %arg3[%squeeze3A_2014, %dma_start3A_2025] : memref<100000x32xf32, #tpu.memory_space<hbm>> -> memref<1x32xf32, #tpu.memory_space<hbm>>
      tpu.enqueue_dma source(%dma_start3A_2026 : memref<1x32xf32, #tpu.memory_space<hbm>>) target(%dma_start3A_2024 : memref<1x32xf32, #tpu.memory_space<vmem>>) target_semaphore(%arg14 : memref<!tpu.dma_semaphore, #tpu.memory_space<semaphore_mem>>)
      %slice3A_2027 = vector.extract_strided_slice %get3A_1914 {offsets = [8], sizes = [1], strides = [1]} : vector<16xi32> to vector<1xi32>
      %squeeze3A_2028 = vector.extract %slice3A_2027[0] : i32 from vector<1xi32>
      %add3A_2029 = arith.constant 48 : i32
      %add3A_2030 = arith.addi %mul3A_1222, %add3A_2029 : i32
      %add3A_2031 = arith.constant 8 : i32
      %add3A_2032 = arith.addi %add3A_2030, %add3A_2031 : i32
      %dma_start3A_2033 = arith.constant 0 : i32
      %dma_start3A_2034 = tpu.memref_slice %arg6[%add3A_2032, %dma_start3A_2033] : memref<512x32xf32, #tpu.memory_space<vmem>> -> memref<1x32xf32, #tpu.memory_space<vmem>>
      %dma_start3A_2035 = arith.constant 0 : i32
      %dma_start3A_2036 = tpu.memref_slice %arg3[%squeeze3A_2028, %dma_start3A_2035] : memref<100000x32xf32, #tpu.memory_space<hbm>> -> memref<1x32xf32, #tpu.memory_space<hbm>>
      %dma_start3A_2037 = arith.constant 0 : i32
      %dma_start3A_2038 = tpu.memref_slice %arg6[%add3A_2032, %dma_start3A_2037] : memref<512x32xf32, #tpu.memory_space<vmem>> -> memref<1x32xf32, #tpu.memory_space<vmem>>
      %dma_start3A_2039 = arith.constant 0 : i32
      %dma_start3A_2040 = tpu.memref_slice %arg3[%squeeze3A_2028, %dma_start3A_2039] : memref<100000x32xf32, #tpu.memory_space<hbm>> -> memref<1x32xf32, #tpu.memory_space<hbm>>
      tpu.enqueue_dma source(%dma_start3A_2040 : memref<1x32xf32, #tpu.memory_space<hbm>>) target(%dma_start3A_2038 : memref<1x32xf32, #tpu.memory_space<vmem>>) target_semaphore(%arg7 : memref<!tpu.dma_semaphore, #tpu.memory_space<semaphore_mem>>)
      %slice3A_2041 = vector.extract_strided_slice %get3A_1914 {offsets = [9], sizes = [1], strides = [1]} : vector<16xi32> to vector<1xi32>
      %squeeze3A_2042 = vector.extract %slice3A_2041[0] : i32 from vector<1xi32>
      %add3A_2043 = arith.constant 48 : i32
      %add3A_2044 = arith.addi %mul3A_1222, %add3A_2043 : i32
      %add3A_2045 = arith.constant 9 : i32
      %add3A_2046 = arith.addi %add3A_2044, %add3A_2045 : i32
      %dma_start3A_2047 = arith.constant 0 : i32
      %dma_start3A_2048 = tpu.memref_slice %arg6[%add3A_2046, %dma_start3A_2047] : memref<512x32xf32, #tpu.memory_space<vmem>> -> memref<1x32xf32, #tpu.memory_space<vmem>>
      %dma_start3A_2049 = arith.constant 0 : i32
      %dma_start3A_2050 = tpu.memref_slice %arg3[%squeeze3A_2042, %dma_start3A_2049] : memref<100000x32xf32, #tpu.memory_space<hbm>> -> memref<1x32xf32, #tpu.memory_space<hbm>>
      %dma_start3A_2051 = arith.constant 0 : i32
      %dma_start3A_2052 = tpu.memref_slice %arg6[%add3A_2046, %dma_start3A_2051] : memref<512x32xf32, #tpu.memory_space<vmem>> -> memref<1x32xf32, #tpu.memory_space<vmem>>
      %dma_start3A_2053 = arith.constant 0 : i32
      %dma_start3A_2054 = tpu.memref_slice %arg3[%squeeze3A_2042, %dma_start3A_2053] : memref<100000x32xf32, #tpu.memory_space<hbm>> -> memref<1x32xf32, #tpu.memory_space<hbm>>
      tpu.enqueue_dma source(%dma_start3A_2054 : memref<1x32xf32, #tpu.memory_space<hbm>>) target(%dma_start3A_2052 : memref<1x32xf32, #tpu.memory_space<vmem>>) target_semaphore(%arg8 : memref<!tpu.dma_semaphore, #tpu.memory_space<semaphore_mem>>)
      %slice3A_2055 = vector.extract_strided_slice %get3A_1914 {offsets = [10], sizes = [1], strides = [1]} : vector<16xi32> to vector<1xi32>
      %squeeze3A_2056 = vector.extract %slice3A_2055[0] : i32 from vector<1xi32>
      %add3A_2057 = arith.constant 48 : i32
      %add3A_2058 = arith.addi %mul3A_1222, %add3A_2057 : i32
      %add3A_2059 = arith.constant 10 : i32
      %add3A_2060 = arith.addi %add3A_2058, %add3A_2059 : i32
      %dma_start3A_2061 = arith.constant 0 : i32
      %dma_start3A_2062 = tpu.memref_slice %arg6[%add3A_2060, %dma_start3A_2061] : memref<512x32xf32, #tpu.memory_space<vmem>> -> memref<1x32xf32, #tpu.memory_space<vmem>>
      %dma_start3A_2063 = arith.constant 0 : i32
      %dma_start3A_2064 = tpu.memref_slice %arg3[%squeeze3A_2056, %dma_start3A_2063] : memref<100000x32xf32, #tpu.memory_space<hbm>> -> memref<1x32xf32, #tpu.memory_space<hbm>>
      %dma_start3A_2065 = arith.constant 0 : i32
      %dma_start3A_2066 = tpu.memref_slice %arg6[%add3A_2060, %dma_start3A_2065] : memref<512x32xf32, #tpu.memory_space<vmem>> -> memref<1x32xf32, #tpu.memory_space<vmem>>
      %dma_start3A_2067 = arith.constant 0 : i32
      %dma_start3A_2068 = tpu.memref_slice %arg3[%squeeze3A_2056, %dma_start3A_2067] : memref<100000x32xf32, #tpu.memory_space<hbm>> -> memref<1x32xf32, #tpu.memory_space<hbm>>
      tpu.enqueue_dma source(%dma_start3A_2068 : memref<1x32xf32, #tpu.memory_space<hbm>>) target(%dma_start3A_2066 : memref<1x32xf32, #tpu.memory_space<vmem>>) target_semaphore(%arg9 : memref<!tpu.dma_semaphore, #tpu.memory_space<semaphore_mem>>)
      %slice3A_2069 = vector.extract_strided_slice %get3A_1914 {offsets = [11], sizes = [1], strides = [1]} : vector<16xi32> to vector<1xi32>
      %squeeze3A_2070 = vector.extract %slice3A_2069[0] : i32 from vector<1xi32>
      %add3A_2071 = arith.constant 48 : i32
      %add3A_2072 = arith.addi %mul3A_1222, %add3A_2071 : i32
      %add3A_2073 = arith.constant 11 : i32
      %add3A_2074 = arith.addi %add3A_2072, %add3A_2073 : i32
      %dma_start3A_2075 = arith.constant 0 : i32
      %dma_start3A_2076 = tpu.memref_slice %arg6[%add3A_2074, %dma_start3A_2075] : memref<512x32xf32, #tpu.memory_space<vmem>> -> memref<1x32xf32, #tpu.memory_space<vmem>>
      %dma_start3A_2077 = arith.constant 0 : i32
      %dma_start3A_2078 = tpu.memref_slice %arg3[%squeeze3A_2070, %dma_start3A_2077] : memref<100000x32xf32, #tpu.memory_space<hbm>> -> memref<1x32xf32, #tpu.memory_space<hbm>>
      %dma_start3A_2079 = arith.constant 0 : i32
      %dma_start3A_2080 = tpu.memref_slice %arg6[%add3A_2074, %dma_start3A_2079] : memref<512x32xf32, #tpu.memory_space<vmem>> -> memref<1x32xf32, #tpu.memory_space<vmem>>
      %dma_start3A_2081 = arith.constant 0 : i32
      %dma_start3A_2082 = tpu.memref_slice %arg3[%squeeze3A_2070, %dma_start3A_2081] : memref<100000x32xf32, #tpu.memory_space<hbm>> -> memref<1x32xf32, #tpu.memory_space<hbm>>
      tpu.enqueue_dma source(%dma_start3A_2082 : memref<1x32xf32, #tpu.memory_space<hbm>>) target(%dma_start3A_2080 : memref<1x32xf32, #tpu.memory_space<vmem>>) target_semaphore(%arg10 : memref<!tpu.dma_semaphore, #tpu.memory_space<semaphore_mem>>)
      %slice3A_2083 = vector.extract_strided_slice %get3A_1914 {offsets = [12], sizes = [1], strides = [1]} : vector<16xi32> to vector<1xi32>
      %squeeze3A_2084 = vector.extract %slice3A_2083[0] : i32 from vector<1xi32>
      %add3A_2085 = arith.constant 48 : i32
      %add3A_2086 = arith.addi %mul3A_1222, %add3A_2085 : i32
      %add3A_2087 = arith.constant 12 : i32
      %add3A_2088 = arith.addi %add3A_2086, %add3A_2087 : i32
      %dma_start3A_2089 = arith.constant 0 : i32
      %dma_start3A_2090 = tpu.memref_slice %arg6[%add3A_2088, %dma_start3A_2089] : memref<512x32xf32, #tpu.memory_space<vmem>> -> memref<1x32xf32, #tpu.memory_space<vmem>>
      %dma_start3A_2091 = arith.constant 0 : i32
      %dma_start3A_2092 = tpu.memref_slice %arg3[%squeeze3A_2084, %dma_start3A_2091] : memref<100000x32xf32, #tpu.memory_space<hbm>> -> memref<1x32xf32, #tpu.memory_space<hbm>>
      %dma_start3A_2093 = arith.constant 0 : i32
      %dma_start3A_2094 = tpu.memref_slice %arg6[%add3A_2088, %dma_start3A_2093] : memref<512x32xf32, #tpu.memory_space<vmem>> -> memref<1x32xf32, #tpu.memory_space<vmem>>
      %dma_start3A_2095 = arith.constant 0 : i32
      %dma_start3A_2096 = tpu.memref_slice %arg3[%squeeze3A_2084, %dma_start3A_2095] : memref<100000x32xf32, #tpu.memory_space<hbm>> -> memref<1x32xf32, #tpu.memory_space<hbm>>
      tpu.enqueue_dma source(%dma_start3A_2096 : memref<1x32xf32, #tpu.memory_space<hbm>>) target(%dma_start3A_2094 : memref<1x32xf32, #tpu.memory_space<vmem>>) target_semaphore(%arg11 : memref<!tpu.dma_semaphore, #tpu.memory_space<semaphore_mem>>)
      %slice3A_2097 = vector.extract_strided_slice %get3A_1914 {offsets = [13], sizes = [1], strides = [1]} : vector<16xi32> to vector<1xi32>
      %squeeze3A_2098 = vector.extract %slice3A_2097[0] : i32 from vector<1xi32>
      %add3A_2099 = arith.constant 48 : i32
      %add3A_2100 = arith.addi %mul3A_1222, %add3A_2099 : i32
      %add3A_2101 = arith.constant 13 : i32
      %add3A_2102 = arith.addi %add3A_2100, %add3A_2101 : i32
      %dma_start3A_2103 = arith.constant 0 : i32
      %dma_start3A_2104 = tpu.memref_slice %arg6[%add3A_2102, %dma_start3A_2103] : memref<512x32xf32, #tpu.memory_space<vmem>> -> memref<1x32xf32, #tpu.memory_space<vmem>>
      %dma_start3A_2105 = arith.constant 0 : i32
      %dma_start3A_2106 = tpu.memref_slice %arg3[%squeeze3A_2098, %dma_start3A_2105] : memref<100000x32xf32, #tpu.memory_space<hbm>> -> memref<1x32xf32, #tpu.memory_space<hbm>>
      %dma_start3A_2107 = arith.constant 0 : i32
      %dma_start3A_2108 = tpu.memref_slice %arg6[%add3A_2102, %dma_start3A_2107] : memref<512x32xf32, #tpu.memory_space<vmem>> -> memref<1x32xf32, #tpu.memory_space<vmem>>
      %dma_start3A_2109 = arith.constant 0 : i32
      %dma_start3A_2110 = tpu.memref_slice %arg3[%squeeze3A_2098, %dma_start3A_2109] : memref<100000x32xf32, #tpu.memory_space<hbm>> -> memref<1x32xf32, #tpu.memory_space<hbm>>
      tpu.enqueue_dma source(%dma_start3A_2110 : memref<1x32xf32, #tpu.memory_space<hbm>>) target(%dma_start3A_2108 : memref<1x32xf32, #tpu.memory_space<vmem>>) target_semaphore(%arg12 : memref<!tpu.dma_semaphore, #tpu.memory_space<semaphore_mem>>)
      %slice3A_2111 = vector.extract_strided_slice %get3A_1914 {offsets = [14], sizes = [1], strides = [1]} : vector<16xi32> to vector<1xi32>
      %squeeze3A_2112 = vector.extract %slice3A_2111[0] : i32 from vector<1xi32>
      %add3A_2113 = arith.constant 48 : i32
      %add3A_2114 = arith.addi %mul3A_1222, %add3A_2113 : i32
      %add3A_2115 = arith.constant 14 : i32
      %add3A_2116 = arith.addi %add3A_2114, %add3A_2115 : i32
      %dma_start3A_2117 = arith.constant 0 : i32
      %dma_start3A_2118 = tpu.memref_slice %arg6[%add3A_2116, %dma_start3A_2117] : memref<512x32xf32, #tpu.memory_space<vmem>> -> memref<1x32xf32, #tpu.memory_space<vmem>>
      %dma_start3A_2119 = arith.constant 0 : i32
      %dma_start3A_2120 = tpu.memref_slice %arg3[%squeeze3A_2112, %dma_start3A_2119] : memref<100000x32xf32, #tpu.memory_space<hbm>> -> memref<1x32xf32, #tpu.memory_space<hbm>>
      %dma_start3A_2121 = arith.constant 0 : i32
      %dma_start3A_2122 = tpu.memref_slice %arg6[%add3A_2116, %dma_start3A_2121] : memref<512x32xf32, #tpu.memory_space<vmem>> -> memref<1x32xf32, #tpu.memory_space<vmem>>
      %dma_start3A_2123 = arith.constant 0 : i32
      %dma_start3A_2124 = tpu.memref_slice %arg3[%squeeze3A_2112, %dma_start3A_2123] : memref<100000x32xf32, #tpu.memory_space<hbm>> -> memref<1x32xf32, #tpu.memory_space<hbm>>
      tpu.enqueue_dma source(%dma_start3A_2124 : memref<1x32xf32, #tpu.memory_space<hbm>>) target(%dma_start3A_2122 : memref<1x32xf32, #tpu.memory_space<vmem>>) target_semaphore(%arg13 : memref<!tpu.dma_semaphore, #tpu.memory_space<semaphore_mem>>)
      %slice3A_2125 = vector.extract_strided_slice %get3A_1914 {offsets = [15], sizes = [1], strides = [1]} : vector<16xi32> to vector<1xi32>
      %squeeze3A_2126 = vector.extract %slice3A_2125[0] : i32 from vector<1xi32>
      %add3A_2127 = arith.constant 48 : i32
      %add3A_2128 = arith.addi %mul3A_1222, %add3A_2127 : i32
      %add3A_2129 = arith.constant 15 : i32
      %add3A_2130 = arith.addi %add3A_2128, %add3A_2129 : i32
      %dma_start3A_2131 = arith.constant 0 : i32
      %dma_start3A_2132 = tpu.memref_slice %arg6[%add3A_2130, %dma_start3A_2131] : memref<512x32xf32, #tpu.memory_space<vmem>> -> memref<1x32xf32, #tpu.memory_space<vmem>>
      %dma_start3A_2133 = arith.constant 0 : i32
      %dma_start3A_2134 = tpu.memref_slice %arg3[%squeeze3A_2126, %dma_start3A_2133] : memref<100000x32xf32, #tpu.memory_space<hbm>> -> memref<1x32xf32, #tpu.memory_space<hbm>>
      %dma_start3A_2135 = arith.constant 0 : i32
      %dma_start3A_2136 = tpu.memref_slice %arg6[%add3A_2130, %dma_start3A_2135] : memref<512x32xf32, #tpu.memory_space<vmem>> -> memref<1x32xf32, #tpu.memory_space<vmem>>
      %dma_start3A_2137 = arith.constant 0 : i32
      %dma_start3A_2138 = tpu.memref_slice %arg3[%squeeze3A_2126, %dma_start3A_2137] : memref<100000x32xf32, #tpu.memory_space<hbm>> -> memref<1x32xf32, #tpu.memory_space<hbm>>
      tpu.enqueue_dma source(%dma_start3A_2138 : memref<1x32xf32, #tpu.memory_space<hbm>>) target(%dma_start3A_2136 : memref<1x32xf32, #tpu.memory_space<vmem>>) target_semaphore(%arg14 : memref<!tpu.dma_semaphore, #tpu.memory_space<semaphore_mem>>)
      %gt3A_2139 = arith.constant 1 : i32
      %gt3A_2140 = arith.cmpi sgt, %scan3A_1220, %gt3A_2139 : i32
      %convert_element_type3A_2141 = arith.extui %gt3A_2140 : i1 to i32
      %cond3A_2142 = arith.constant 0 : i32
      %cond3A_2143 = arith.cmpi ne, %convert_element_type3A_2141, %cond3A_2142 : i32
      scf.if %cond3A_2143 {
        %dma_wait3A_2144 = arith.constant 0 : i32
        %dma_wait3A_2145 = arith.constant 0 : i32
        %dma_wait3A_2146 = tpu.memref_slice %arg6[%dma_wait3A_2144, %dma_wait3A_2145] : memref<512x32xf32, #tpu.memory_space<vmem>> -> memref<8x32xf32, #tpu.memory_space<vmem>>
        %dma_wait3A_2147 = arith.constant 0 : i32
        %dma_wait3A_2148 = arith.constant 0 : i32
        %dma_wait3A_2149 = tpu.memref_slice %arg3[%dma_wait3A_2147, %dma_wait3A_2148] : memref<100000x32xf32, #tpu.memory_space<hbm>> -> memref<8x32xf32, #tpu.memory_space<hbm>>
        %dma_wait3A_2150 = arith.constant 0 : i32
        %dma_wait3A_2151 = arith.constant 0 : i32
        %dma_wait3A_2152 = tpu.memref_slice %arg6[%dma_wait3A_2150, %dma_wait3A_2151] : memref<512x32xf32, #tpu.memory_space<vmem>> -> memref<8x32xf32, #tpu.memory_space<vmem>>
        %dma_wait3A_2153 = arith.constant 0 : i32
        %dma_wait3A_2154 = arith.constant 0 : i32
        %dma_wait3A_2155 = tpu.memref_slice %arg3[%dma_wait3A_2153, %dma_wait3A_2154] : memref<100000x32xf32, #tpu.memory_space<hbm>> -> memref<8x32xf32, #tpu.memory_space<hbm>>
        tpu.wait_dma2 semaphore(%arg7 : memref<!tpu.dma_semaphore, #tpu.memory_space<semaphore_mem>>) src(%dma_wait3A_2155 : memref<8x32xf32, #tpu.memory_space<hbm>>) dst(%dma_wait3A_2152 : memref<8x32xf32, #tpu.memory_space<vmem>>)
        %dma_wait3A_2156 = arith.constant 0 : i32
        %dma_wait3A_2157 = arith.constant 0 : i32
        %dma_wait3A_2158 = tpu.memref_slice %arg6[%dma_wait3A_2156, %dma_wait3A_2157] : memref<512x32xf32, #tpu.memory_space<vmem>> -> memref<8x32xf32, #tpu.memory_space<vmem>>
        %dma_wait3A_2159 = arith.constant 0 : i32
        %dma_wait3A_2160 = arith.constant 0 : i32
        %dma_wait3A_2161 = tpu.memref_slice %arg3[%dma_wait3A_2159, %dma_wait3A_2160] : memref<100000x32xf32, #tpu.memory_space<hbm>> -> memref<8x32xf32, #tpu.memory_space<hbm>>
        %dma_wait3A_2162 = arith.constant 0 : i32
        %dma_wait3A_2163 = arith.constant 0 : i32
        %dma_wait3A_2164 = tpu.memref_slice %arg6[%dma_wait3A_2162, %dma_wait3A_2163] : memref<512x32xf32, #tpu.memory_space<vmem>> -> memref<8x32xf32, #tpu.memory_space<vmem>>
        %dma_wait3A_2165 = arith.constant 0 : i32
        %dma_wait3A_2166 = arith.constant 0 : i32
        %dma_wait3A_2167 = tpu.memref_slice %arg3[%dma_wait3A_2165, %dma_wait3A_2166] : memref<100000x32xf32, #tpu.memory_space<hbm>> -> memref<8x32xf32, #tpu.memory_space<hbm>>
        tpu.wait_dma2 semaphore(%arg8 : memref<!tpu.dma_semaphore, #tpu.memory_space<semaphore_mem>>) src(%dma_wait3A_2167 : memref<8x32xf32, #tpu.memory_space<hbm>>) dst(%dma_wait3A_2164 : memref<8x32xf32, #tpu.memory_space<vmem>>)
        %dma_wait3A_2168 = arith.constant 0 : i32
        %dma_wait3A_2169 = arith.constant 0 : i32
        %dma_wait3A_2170 = tpu.memref_slice %arg6[%dma_wait3A_2168, %dma_wait3A_2169] : memref<512x32xf32, #tpu.memory_space<vmem>> -> memref<8x32xf32, #tpu.memory_space<vmem>>
        %dma_wait3A_2171 = arith.constant 0 : i32
        %dma_wait3A_2172 = arith.constant 0 : i32
        %dma_wait3A_2173 = tpu.memref_slice %arg3[%dma_wait3A_2171, %dma_wait3A_2172] : memref<100000x32xf32, #tpu.memory_space<hbm>> -> memref<8x32xf32, #tpu.memory_space<hbm>>
        %dma_wait3A_2174 = arith.constant 0 : i32
        %dma_wait3A_2175 = arith.constant 0 : i32
        %dma_wait3A_2176 = tpu.memref_slice %arg6[%dma_wait3A_2174, %dma_wait3A_2175] : memref<512x32xf32, #tpu.memory_space<vmem>> -> memref<8x32xf32, #tpu.memory_space<vmem>>
        %dma_wait3A_2177 = arith.constant 0 : i32
        %dma_wait3A_2178 = arith.constant 0 : i32
        %dma_wait3A_2179 = tpu.memref_slice %arg3[%dma_wait3A_2177, %dma_wait3A_2178] : memref<100000x32xf32, #tpu.memory_space<hbm>> -> memref<8x32xf32, #tpu.memory_space<hbm>>
        tpu.wait_dma2 semaphore(%arg9 : memref<!tpu.dma_semaphore, #tpu.memory_space<semaphore_mem>>) src(%dma_wait3A_2179 : memref<8x32xf32, #tpu.memory_space<hbm>>) dst(%dma_wait3A_2176 : memref<8x32xf32, #tpu.memory_space<vmem>>)
        %dma_wait3A_2180 = arith.constant 0 : i32
        %dma_wait3A_2181 = arith.constant 0 : i32
        %dma_wait3A_2182 = tpu.memref_slice %arg6[%dma_wait3A_2180, %dma_wait3A_2181] : memref<512x32xf32, #tpu.memory_space<vmem>> -> memref<8x32xf32, #tpu.memory_space<vmem>>
        %dma_wait3A_2183 = arith.constant 0 : i32
        %dma_wait3A_2184 = arith.constant 0 : i32
        %dma_wait3A_2185 = tpu.memref_slice %arg3[%dma_wait3A_2183, %dma_wait3A_2184] : memref<100000x32xf32, #tpu.memory_space<hbm>> -> memref<8x32xf32, #tpu.memory_space<hbm>>
        %dma_wait3A_2186 = arith.constant 0 : i32
        %dma_wait3A_2187 = arith.constant 0 : i32
        %dma_wait3A_2188 = tpu.memref_slice %arg6[%dma_wait3A_2186, %dma_wait3A_2187] : memref<512x32xf32, #tpu.memory_space<vmem>> -> memref<8x32xf32, #tpu.memory_space<vmem>>
        %dma_wait3A_2189 = arith.constant 0 : i32
        %dma_wait3A_2190 = arith.constant 0 : i32
        %dma_wait3A_2191 = tpu.memref_slice %arg3[%dma_wait3A_2189, %dma_wait3A_2190] : memref<100000x32xf32, #tpu.memory_space<hbm>> -> memref<8x32xf32, #tpu.memory_space<hbm>>
        tpu.wait_dma2 semaphore(%arg10 : memref<!tpu.dma_semaphore, #tpu.memory_space<semaphore_mem>>) src(%dma_wait3A_2191 : memref<8x32xf32, #tpu.memory_space<hbm>>) dst(%dma_wait3A_2188 : memref<8x32xf32, #tpu.memory_space<vmem>>)
        %dma_wait3A_2192 = arith.constant 0 : i32
        %dma_wait3A_2193 = arith.constant 0 : i32
        %dma_wait3A_2194 = tpu.memref_slice %arg6[%dma_wait3A_2192, %dma_wait3A_2193] : memref<512x32xf32, #tpu.memory_space<vmem>> -> memref<8x32xf32, #tpu.memory_space<vmem>>
        %dma_wait3A_2195 = arith.constant 0 : i32
        %dma_wait3A_2196 = arith.constant 0 : i32
        %dma_wait3A_2197 = tpu.memref_slice %arg3[%dma_wait3A_2195, %dma_wait3A_2196] : memref<100000x32xf32, #tpu.memory_space<hbm>> -> memref<8x32xf32, #tpu.memory_space<hbm>>
        %dma_wait3A_2198 = arith.constant 0 : i32
        %dma_wait3A_2199 = arith.constant 0 : i32
        %dma_wait3A_2200 = tpu.memref_slice %arg6[%dma_wait3A_2198, %dma_wait3A_2199] : memref<512x32xf32, #tpu.memory_space<vmem>> -> memref<8x32xf32, #tpu.memory_space<vmem>>
        %dma_wait3A_2201 = arith.constant 0 : i32
        %dma_wait3A_2202 = arith.constant 0 : i32
        %dma_wait3A_2203 = tpu.memref_slice %arg3[%dma_wait3A_2201, %dma_wait3A_2202] : memref<100000x32xf32, #tpu.memory_space<hbm>> -> memref<8x32xf32, #tpu.memory_space<hbm>>
        tpu.wait_dma2 semaphore(%arg11 : memref<!tpu.dma_semaphore, #tpu.memory_space<semaphore_mem>>) src(%dma_wait3A_2203 : memref<8x32xf32, #tpu.memory_space<hbm>>) dst(%dma_wait3A_2200 : memref<8x32xf32, #tpu.memory_space<vmem>>)
        %dma_wait3A_2204 = arith.constant 0 : i32
        %dma_wait3A_2205 = arith.constant 0 : i32
        %dma_wait3A_2206 = tpu.memref_slice %arg6[%dma_wait3A_2204, %dma_wait3A_2205] : memref<512x32xf32, #tpu.memory_space<vmem>> -> memref<8x32xf32, #tpu.memory_space<vmem>>
        %dma_wait3A_2207 = arith.constant 0 : i32
        %dma_wait3A_2208 = arith.constant 0 : i32
        %dma_wait3A_2209 = tpu.memref_slice %arg3[%dma_wait3A_2207, %dma_wait3A_2208] : memref<100000x32xf32, #tpu.memory_space<hbm>> -> memref<8x32xf32, #tpu.memory_space<hbm>>
        %dma_wait3A_2210 = arith.constant 0 : i32
        %dma_wait3A_2211 = arith.constant 0 : i32
        %dma_wait3A_2212 = tpu.memref_slice %arg6[%dma_wait3A_2210, %dma_wait3A_2211] : memref<512x32xf32, #tpu.memory_space<vmem>> -> memref<8x32xf32, #tpu.memory_space<vmem>>
        %dma_wait3A_2213 = arith.constant 0 : i32
        %dma_wait3A_2214 = arith.constant 0 : i32
        %dma_wait3A_2215 = tpu.memref_slice %arg3[%dma_wait3A_2213, %dma_wait3A_2214] : memref<100000x32xf32, #tpu.memory_space<hbm>> -> memref<8x32xf32, #tpu.memory_space<hbm>>
        tpu.wait_dma2 semaphore(%arg12 : memref<!tpu.dma_semaphore, #tpu.memory_space<semaphore_mem>>) src(%dma_wait3A_2215 : memref<8x32xf32, #tpu.memory_space<hbm>>) dst(%dma_wait3A_2212 : memref<8x32xf32, #tpu.memory_space<vmem>>)
        %dma_wait3A_2216 = arith.constant 0 : i32
        %dma_wait3A_2217 = arith.constant 0 : i32
        %dma_wait3A_2218 = tpu.memref_slice %arg6[%dma_wait3A_2216, %dma_wait3A_2217] : memref<512x32xf32, #tpu.memory_space<vmem>> -> memref<8x32xf32, #tpu.memory_space<vmem>>
        %dma_wait3A_2219 = arith.constant 0 : i32
        %dma_wait3A_2220 = arith.constant 0 : i32
        %dma_wait3A_2221 = tpu.memref_slice %arg3[%dma_wait3A_2219, %dma_wait3A_2220] : memref<100000x32xf32, #tpu.memory_space<hbm>> -> memref<8x32xf32, #tpu.memory_space<hbm>>
        %dma_wait3A_2222 = arith.constant 0 : i32
        %dma_wait3A_2223 = arith.constant 0 : i32
        %dma_wait3A_2224 = tpu.memref_slice %arg6[%dma_wait3A_2222, %dma_wait3A_2223] : memref<512x32xf32, #tpu.memory_space<vmem>> -> memref<8x32xf32, #tpu.memory_space<vmem>>
        %dma_wait3A_2225 = arith.constant 0 : i32
        %dma_wait3A_2226 = arith.constant 0 : i32
        %dma_wait3A_2227 = tpu.memref_slice %arg3[%dma_wait3A_2225, %dma_wait3A_2226] : memref<100000x32xf32, #tpu.memory_space<hbm>> -> memref<8x32xf32, #tpu.memory_space<hbm>>
        tpu.wait_dma2 semaphore(%arg13 : memref<!tpu.dma_semaphore, #tpu.memory_space<semaphore_mem>>) src(%dma_wait3A_2227 : memref<8x32xf32, #tpu.memory_space<hbm>>) dst(%dma_wait3A_2224 : memref<8x32xf32, #tpu.memory_space<vmem>>)
        %dma_wait3A_2228 = arith.constant 0 : i32
        %dma_wait3A_2229 = arith.constant 0 : i32
        %dma_wait3A_2230 = tpu.memref_slice %arg6[%dma_wait3A_2228, %dma_wait3A_2229] : memref<512x32xf32, #tpu.memory_space<vmem>> -> memref<8x32xf32, #tpu.memory_space<vmem>>
        %dma_wait3A_2231 = arith.constant 0 : i32
        %dma_wait3A_2232 = arith.constant 0 : i32
        %dma_wait3A_2233 = tpu.memref_slice %arg3[%dma_wait3A_2231, %dma_wait3A_2232] : memref<100000x32xf32, #tpu.memory_space<hbm>> -> memref<8x32xf32, #tpu.memory_space<hbm>>
        %dma_wait3A_2234 = arith.constant 0 : i32
        %dma_wait3A_2235 = arith.constant 0 : i32
        %dma_wait3A_2236 = tpu.memref_slice %arg6[%dma_wait3A_2234, %dma_wait3A_2235] : memref<512x32xf32, #tpu.memory_space<vmem>> -> memref<8x32xf32, #tpu.memory_space<vmem>>
        %dma_wait3A_2237 = arith.constant 0 : i32
        %dma_wait3A_2238 = arith.constant 0 : i32
        %dma_wait3A_2239 = tpu.memref_slice %arg3[%dma_wait3A_2237, %dma_wait3A_2238] : memref<100000x32xf32, #tpu.memory_space<hbm>> -> memref<8x32xf32, #tpu.memory_space<hbm>>
        tpu.wait_dma2 semaphore(%arg14 : memref<!tpu.dma_semaphore, #tpu.memory_space<semaphore_mem>>) src(%dma_wait3A_2239 : memref<8x32xf32, #tpu.memory_space<hbm>>) dst(%dma_wait3A_2236 : memref<8x32xf32, #tpu.memory_space<vmem>>)
        %sub3A = arith.constant 2 : i32
        %sub3A_2240 = arith.subi %scan3A_1220, %sub3A : i32
        %mul3A_2241 = arith.constant 64 : i32
        %mul3A_2242 = arith.muli %sub3A_2240, %mul3A_2241 : i32
        %add3A_2243 = arith.addi %mul3A_2, %mul3A_2242 : i32
        %dma_start3A_2244 = arith.constant 0 : i32
        %dma_start3A_2245 = tpu.memref_slice %arg6[%mul3A_2242, %dma_start3A_2244] : memref<512x32xf32, #tpu.memory_space<vmem>> -> memref<64x32xf32, #tpu.memory_space<vmem>>
        %dma_start3A_2246 = arith.constant 0 : i32
        %dma_start3A_2247 = tpu.memref_slice %arg4[%add3A_2243, %dma_start3A_2246] : memref<16384x32xf32, #tpu.memory_space<hbm>> -> memref<64x32xf32, #tpu.memory_space<hbm>>
        %dma_start3A_2248 = arith.constant 0 : i32
        %dma_start3A_2249 = tpu.memref_slice %arg4[%add3A_2243, %dma_start3A_2248] : memref<16384x32xf32, #tpu.memory_space<hbm>> -> memref<64x32xf32, #tpu.memory_space<hbm>>
        %dma_start3A_2250 = arith.constant 0 : i32
        %dma_start3A_2251 = tpu.memref_slice %arg6[%mul3A_2242, %dma_start3A_2250] : memref<512x32xf32, #tpu.memory_space<vmem>> -> memref<64x32xf32, #tpu.memory_space<vmem>>
        tpu.enqueue_dma source(%dma_start3A_2251 : memref<64x32xf32, #tpu.memory_space<vmem>>) target(%dma_start3A_2249 : memref<64x32xf32, #tpu.memory_space<hbm>>) target_semaphore(%arg15 : memref<!tpu.dma_semaphore, #tpu.memory_space<semaphore_mem>>)
      } else {
      }
    }
    %scan3A_6 = arith.constant 8 : i32
    %dma_wait3A = arith.constant 0 : i32
    %dma_wait3A_7 = arith.constant 0 : i32
    %dma_wait3A_8 = tpu.memref_slice %arg6[%dma_wait3A, %dma_wait3A_7] : memref<512x32xf32, #tpu.memory_space<vmem>> -> memref<8x32xf32, #tpu.memory_space<vmem>>
    %dma_wait3A_9 = arith.constant 0 : i32
    %dma_wait3A_10 = arith.constant 0 : i32
    %dma_wait3A_11 = tpu.memref_slice %arg3[%dma_wait3A_9, %dma_wait3A_10] : memref<100000x32xf32, #tpu.memory_space<hbm>> -> memref<8x32xf32, #tpu.memory_space<hbm>>
    %dma_wait3A_12 = arith.constant 0 : i32
    %dma_wait3A_13 = arith.constant 0 : i32
    %dma_wait3A_14 = tpu.memref_slice %arg6[%dma_wait3A_12, %dma_wait3A_13] : memref<512x32xf32, #tpu.memory_space<vmem>> -> memref<8x32xf32, #tpu.memory_space<vmem>>
    %dma_wait3A_15 = arith.constant 0 : i32
    %dma_wait3A_16 = arith.constant 0 : i32
    %dma_wait3A_17 = tpu.memref_slice %arg3[%dma_wait3A_15, %dma_wait3A_16] : memref<100000x32xf32, #tpu.memory_space<hbm>> -> memref<8x32xf32, #tpu.memory_space<hbm>>
    tpu.wait_dma2 semaphore(%arg7 : memref<!tpu.dma_semaphore, #tpu.memory_space<semaphore_mem>>) src(%dma_wait3A_17 : memref<8x32xf32, #tpu.memory_space<hbm>>) dst(%dma_wait3A_14 : memref<8x32xf32, #tpu.memory_space<vmem>>)
    %dma_wait3A_18 = arith.constant 0 : i32
    %dma_wait3A_19 = arith.constant 0 : i32
    %dma_wait3A_20 = tpu.memref_slice %arg6[%dma_wait3A_18, %dma_wait3A_19] : memref<512x32xf32, #tpu.memory_space<vmem>> -> memref<8x32xf32, #tpu.memory_space<vmem>>
    %dma_wait3A_21 = arith.constant 0 : i32
    %dma_wait3A_22 = arith.constant 0 : i32
    %dma_wait3A_23 = tpu.memref_slice %arg3[%dma_wait3A_21, %dma_wait3A_22] : memref<100000x32xf32, #tpu.memory_space<hbm>> -> memref<8x32xf32, #tpu.memory_space<hbm>>
    %dma_wait3A_24 = arith.constant 0 : i32
    %dma_wait3A_25 = arith.constant 0 : i32
    %dma_wait3A_26 = tpu.memref_slice %arg6[%dma_wait3A_24, %dma_wait3A_25] : memref<512x32xf32, #tpu.memory_space<vmem>> -> memref<8x32xf32, #tpu.memory_space<vmem>>
    %dma_wait3A_27 = arith.constant 0 : i32
    %dma_wait3A_28 = arith.constant 0 : i32
    %dma_wait3A_29 = tpu.memref_slice %arg3[%dma_wait3A_27, %dma_wait3A_28] : memref<100000x32xf32, #tpu.memory_space<hbm>> -> memref<8x32xf32, #tpu.memory_space<hbm>>
    tpu.wait_dma2 semaphore(%arg8 : memref<!tpu.dma_semaphore, #tpu.memory_space<semaphore_mem>>) src(%dma_wait3A_29 : memref<8x32xf32, #tpu.memory_space<hbm>>) dst(%dma_wait3A_26 : memref<8x32xf32, #tpu.memory_space<vmem>>)
    %dma_wait3A_30 = arith.constant 0 : i32
    %dma_wait3A_31 = arith.constant 0 : i32
    %dma_wait3A_32 = tpu.memref_slice %arg6[%dma_wait3A_30, %dma_wait3A_31] : memref<512x32xf32, #tpu.memory_space<vmem>> -> memref<8x32xf32, #tpu.memory_space<vmem>>
    %dma_wait3A_33 = arith.constant 0 : i32
    %dma_wait3A_34 = arith.constant 0 : i32
    %dma_wait3A_35 = tpu.memref_slice %arg3[%dma_wait3A_33, %dma_wait3A_34] : memref<100000x32xf32, #tpu.memory_space<hbm>> -> memref<8x32xf32, #tpu.memory_space<hbm>>
    %dma_wait3A_36 = arith.constant 0 : i32
    %dma_wait3A_37 = arith.constant 0 : i32
    %dma_wait3A_38 = tpu.memref_slice %arg6[%dma_wait3A_36, %dma_wait3A_37] : memref<512x32xf32, #tpu.memory_space<vmem>> -> memref<8x32xf32, #tpu.memory_space<vmem>>
    %dma_wait3A_39 = arith.constant 0 : i32
    %dma_wait3A_40 = arith.constant 0 : i32
    %dma_wait3A_41 = tpu.memref_slice %arg3[%dma_wait3A_39, %dma_wait3A_40] : memref<100000x32xf32, #tpu.memory_space<hbm>> -> memref<8x32xf32, #tpu.memory_space<hbm>>
    tpu.wait_dma2 semaphore(%arg9 : memref<!tpu.dma_semaphore, #tpu.memory_space<semaphore_mem>>) src(%dma_wait3A_41 : memref<8x32xf32, #tpu.memory_space<hbm>>) dst(%dma_wait3A_38 : memref<8x32xf32, #tpu.memory_space<vmem>>)
    %dma_wait3A_42 = arith.constant 0 : i32
    %dma_wait3A_43 = arith.constant 0 : i32
    %dma_wait3A_44 = tpu.memref_slice %arg6[%dma_wait3A_42, %dma_wait3A_43] : memref<512x32xf32, #tpu.memory_space<vmem>> -> memref<8x32xf32, #tpu.memory_space<vmem>>
    %dma_wait3A_45 = arith.constant 0 : i32
    %dma_wait3A_46 = arith.constant 0 : i32
    %dma_wait3A_47 = tpu.memref_slice %arg3[%dma_wait3A_45, %dma_wait3A_46] : memref<100000x32xf32, #tpu.memory_space<hbm>> -> memref<8x32xf32, #tpu.memory_space<hbm>>
    %dma_wait3A_48 = arith.constant 0 : i32
    %dma_wait3A_49 = arith.constant 0 : i32
    %dma_wait3A_50 = tpu.memref_slice %arg6[%dma_wait3A_48, %dma_wait3A_49] : memref<512x32xf32, #tpu.memory_space<vmem>> -> memref<8x32xf32, #tpu.memory_space<vmem>>
    %dma_wait3A_51 = arith.constant 0 : i32
    %dma_wait3A_52 = arith.constant 0 : i32
    %dma_wait3A_53 = tpu.memref_slice %arg3[%dma_wait3A_51, %dma_wait3A_52] : memref<100000x32xf32, #tpu.memory_space<hbm>> -> memref<8x32xf32, #tpu.memory_space<hbm>>
    tpu.wait_dma2 semaphore(%arg10 : memref<!tpu.dma_semaphore, #tpu.memory_space<semaphore_mem>>) src(%dma_wait3A_53 : memref<8x32xf32, #tpu.memory_space<hbm>>) dst(%dma_wait3A_50 : memref<8x32xf32, #tpu.memory_space<vmem>>)
    %dma_wait3A_54 = arith.constant 0 : i32
    %dma_wait3A_55 = arith.constant 0 : i32
    %dma_wait3A_56 = tpu.memref_slice %arg6[%dma_wait3A_54, %dma_wait3A_55] : memref<512x32xf32, #tpu.memory_space<vmem>> -> memref<8x32xf32, #tpu.memory_space<vmem>>
    %dma_wait3A_57 = arith.constant 0 : i32
    %dma_wait3A_58 = arith.constant 0 : i32
    %dma_wait3A_59 = tpu.memref_slice %arg3[%dma_wait3A_57, %dma_wait3A_58] : memref<100000x32xf32, #tpu.memory_space<hbm>> -> memref<8x32xf32, #tpu.memory_space<hbm>>
    %dma_wait3A_60 = arith.constant 0 : i32
    %dma_wait3A_61 = arith.constant 0 : i32
    %dma_wait3A_62 = tpu.memref_slice %arg6[%dma_wait3A_60, %dma_wait3A_61] : memref<512x32xf32, #tpu.memory_space<vmem>> -> memref<8x32xf32, #tpu.memory_space<vmem>>
    %dma_wait3A_63 = arith.constant 0 : i32
    %dma_wait3A_64 = arith.constant 0 : i32
    %dma_wait3A_65 = tpu.memref_slice %arg3[%dma_wait3A_63, %dma_wait3A_64] : memref<100000x32xf32, #tpu.memory_space<hbm>> -> memref<8x32xf32, #tpu.memory_space<hbm>>
    tpu.wait_dma2 semaphore(%arg11 : memref<!tpu.dma_semaphore, #tpu.memory_space<semaphore_mem>>) src(%dma_wait3A_65 : memref<8x32xf32, #tpu.memory_space<hbm>>) dst(%dma_wait3A_62 : memref<8x32xf32, #tpu.memory_space<vmem>>)
    %dma_wait3A_66 = arith.constant 0 : i32
    %dma_wait3A_67 = arith.constant 0 : i32
    %dma_wait3A_68 = tpu.memref_slice %arg6[%dma_wait3A_66, %dma_wait3A_67] : memref<512x32xf32, #tpu.memory_space<vmem>> -> memref<8x32xf32, #tpu.memory_space<vmem>>
    %dma_wait3A_69 = arith.constant 0 : i32
    %dma_wait3A_70 = arith.constant 0 : i32
    %dma_wait3A_71 = tpu.memref_slice %arg3[%dma_wait3A_69, %dma_wait3A_70] : memref<100000x32xf32, #tpu.memory_space<hbm>> -> memref<8x32xf32, #tpu.memory_space<hbm>>
    %dma_wait3A_72 = arith.constant 0 : i32
    %dma_wait3A_73 = arith.constant 0 : i32
    %dma_wait3A_74 = tpu.memref_slice %arg6[%dma_wait3A_72, %dma_wait3A_73] : memref<512x32xf32, #tpu.memory_space<vmem>> -> memref<8x32xf32, #tpu.memory_space<vmem>>
    %dma_wait3A_75 = arith.constant 0 : i32
    %dma_wait3A_76 = arith.constant 0 : i32
    %dma_wait3A_77 = tpu.memref_slice %arg3[%dma_wait3A_75, %dma_wait3A_76] : memref<100000x32xf32, #tpu.memory_space<hbm>> -> memref<8x32xf32, #tpu.memory_space<hbm>>
    tpu.wait_dma2 semaphore(%arg12 : memref<!tpu.dma_semaphore, #tpu.memory_space<semaphore_mem>>) src(%dma_wait3A_77 : memref<8x32xf32, #tpu.memory_space<hbm>>) dst(%dma_wait3A_74 : memref<8x32xf32, #tpu.memory_space<vmem>>)
    %dma_wait3A_78 = arith.constant 0 : i32
    %dma_wait3A_79 = arith.constant 0 : i32
    %dma_wait3A_80 = tpu.memref_slice %arg6[%dma_wait3A_78, %dma_wait3A_79] : memref<512x32xf32, #tpu.memory_space<vmem>> -> memref<8x32xf32, #tpu.memory_space<vmem>>
    %dma_wait3A_81 = arith.constant 0 : i32
    %dma_wait3A_82 = arith.constant 0 : i32
    %dma_wait3A_83 = tpu.memref_slice %arg3[%dma_wait3A_81, %dma_wait3A_82] : memref<100000x32xf32, #tpu.memory_space<hbm>> -> memref<8x32xf32, #tpu.memory_space<hbm>>
    %dma_wait3A_84 = arith.constant 0 : i32
    %dma_wait3A_85 = arith.constant 0 : i32
    %dma_wait3A_86 = tpu.memref_slice %arg6[%dma_wait3A_84, %dma_wait3A_85] : memref<512x32xf32, #tpu.memory_space<vmem>> -> memref<8x32xf32, #tpu.memory_space<vmem>>
    %dma_wait3A_87 = arith.constant 0 : i32
    %dma_wait3A_88 = arith.constant 0 : i32
    %dma_wait3A_89 = tpu.memref_slice %arg3[%dma_wait3A_87, %dma_wait3A_88] : memref<100000x32xf32, #tpu.memory_space<hbm>> -> memref<8x32xf32, #tpu.memory_space<hbm>>
    tpu.wait_dma2 semaphore(%arg13 : memref<!tpu.dma_semaphore, #tpu.memory_space<semaphore_mem>>) src(%dma_wait3A_89 : memref<8x32xf32, #tpu.memory_space<hbm>>) dst(%dma_wait3A_86 : memref<8x32xf32, #tpu.memory_space<vmem>>)
    %dma_wait3A_90 = arith.constant 0 : i32
    %dma_wait3A_91 = arith.constant 0 : i32
    %dma_wait3A_92 = tpu.memref_slice %arg6[%dma_wait3A_90, %dma_wait3A_91] : memref<512x32xf32, #tpu.memory_space<vmem>> -> memref<8x32xf32, #tpu.memory_space<vmem>>
    %dma_wait3A_93 = arith.constant 0 : i32
    %dma_wait3A_94 = arith.constant 0 : i32
    %dma_wait3A_95 = tpu.memref_slice %arg3[%dma_wait3A_93, %dma_wait3A_94] : memref<100000x32xf32, #tpu.memory_space<hbm>> -> memref<8x32xf32, #tpu.memory_space<hbm>>
    %dma_wait3A_96 = arith.constant 0 : i32
    %dma_wait3A_97 = arith.constant 0 : i32
    %dma_wait3A_98 = tpu.memref_slice %arg6[%dma_wait3A_96, %dma_wait3A_97] : memref<512x32xf32, #tpu.memory_space<vmem>> -> memref<8x32xf32, #tpu.memory_space<vmem>>
    %dma_wait3A_99 = arith.constant 0 : i32
    %dma_wait3A_100 = arith.constant 0 : i32
    %dma_wait3A_101 = tpu.memref_slice %arg3[%dma_wait3A_99, %dma_wait3A_100] : memref<100000x32xf32, #tpu.memory_space<hbm>> -> memref<8x32xf32, #tpu.memory_space<hbm>>
    tpu.wait_dma2 semaphore(%arg14 : memref<!tpu.dma_semaphore, #tpu.memory_space<semaphore_mem>>) src(%dma_wait3A_101 : memref<8x32xf32, #tpu.memory_space<hbm>>) dst(%dma_wait3A_98 : memref<8x32xf32, #tpu.memory_space<vmem>>)
    %dma_wait3A_102 = arith.constant 0 : i32
    %dma_wait3A_103 = arith.constant 0 : i32
    %dma_wait3A_104 = tpu.memref_slice %arg6[%dma_wait3A_102, %dma_wait3A_103] : memref<512x32xf32, #tpu.memory_space<vmem>> -> memref<8x32xf32, #tpu.memory_space<vmem>>
    %dma_wait3A_105 = arith.constant 0 : i32
    %dma_wait3A_106 = arith.constant 0 : i32
    %dma_wait3A_107 = tpu.memref_slice %arg3[%dma_wait3A_105, %dma_wait3A_106] : memref<100000x32xf32, #tpu.memory_space<hbm>> -> memref<8x32xf32, #tpu.memory_space<hbm>>
    %dma_wait3A_108 = arith.constant 0 : i32
    %dma_wait3A_109 = arith.constant 0 : i32
    %dma_wait3A_110 = tpu.memref_slice %arg6[%dma_wait3A_108, %dma_wait3A_109] : memref<512x32xf32, #tpu.memory_space<vmem>> -> memref<8x32xf32, #tpu.memory_space<vmem>>
    %dma_wait3A_111 = arith.constant 0 : i32
    %dma_wait3A_112 = arith.constant 0 : i32
    %dma_wait3A_113 = tpu.memref_slice %arg3[%dma_wait3A_111, %dma_wait3A_112] : memref<100000x32xf32, #tpu.memory_space<hbm>> -> memref<8x32xf32, #tpu.memory_space<hbm>>
    tpu.wait_dma2 semaphore(%arg7 : memref<!tpu.dma_semaphore, #tpu.memory_space<semaphore_mem>>) src(%dma_wait3A_113 : memref<8x32xf32, #tpu.memory_space<hbm>>) dst(%dma_wait3A_110 : memref<8x32xf32, #tpu.memory_space<vmem>>)
    %dma_wait3A_114 = arith.constant 0 : i32
    %dma_wait3A_115 = arith.constant 0 : i32
    %dma_wait3A_116 = tpu.memref_slice %arg6[%dma_wait3A_114, %dma_wait3A_115] : memref<512x32xf32, #tpu.memory_space<vmem>> -> memref<8x32xf32, #tpu.memory_space<vmem>>
    %dma_wait3A_117 = arith.constant 0 : i32
    %dma_wait3A_118 = arith.constant 0 : i32
    %dma_wait3A_119 = tpu.memref_slice %arg3[%dma_wait3A_117, %dma_wait3A_118] : memref<100000x32xf32, #tpu.memory_space<hbm>> -> memref<8x32xf32, #tpu.memory_space<hbm>>
    %dma_wait3A_120 = arith.constant 0 : i32
    %dma_wait3A_121 = arith.constant 0 : i32
    %dma_wait3A_122 = tpu.memref_slice %arg6[%dma_wait3A_120, %dma_wait3A_121] : memref<512x32xf32, #tpu.memory_space<vmem>> -> memref<8x32xf32, #tpu.memory_space<vmem>>
    %dma_wait3A_123 = arith.constant 0 : i32
    %dma_wait3A_124 = arith.constant 0 : i32
    %dma_wait3A_125 = tpu.memref_slice %arg3[%dma_wait3A_123, %dma_wait3A_124] : memref<100000x32xf32, #tpu.memory_space<hbm>> -> memref<8x32xf32, #tpu.memory_space<hbm>>
    tpu.wait_dma2 semaphore(%arg8 : memref<!tpu.dma_semaphore, #tpu.memory_space<semaphore_mem>>) src(%dma_wait3A_125 : memref<8x32xf32, #tpu.memory_space<hbm>>) dst(%dma_wait3A_122 : memref<8x32xf32, #tpu.memory_space<vmem>>)
    %dma_wait3A_126 = arith.constant 0 : i32
    %dma_wait3A_127 = arith.constant 0 : i32
    %dma_wait3A_128 = tpu.memref_slice %arg6[%dma_wait3A_126, %dma_wait3A_127] : memref<512x32xf32, #tpu.memory_space<vmem>> -> memref<8x32xf32, #tpu.memory_space<vmem>>
    %dma_wait3A_129 = arith.constant 0 : i32
    %dma_wait3A_130 = arith.constant 0 : i32
    %dma_wait3A_131 = tpu.memref_slice %arg3[%dma_wait3A_129, %dma_wait3A_130] : memref<100000x32xf32, #tpu.memory_space<hbm>> -> memref<8x32xf32, #tpu.memory_space<hbm>>
    %dma_wait3A_132 = arith.constant 0 : i32
    %dma_wait3A_133 = arith.constant 0 : i32
    %dma_wait3A_134 = tpu.memref_slice %arg6[%dma_wait3A_132, %dma_wait3A_133] : memref<512x32xf32, #tpu.memory_space<vmem>> -> memref<8x32xf32, #tpu.memory_space<vmem>>
    %dma_wait3A_135 = arith.constant 0 : i32
    %dma_wait3A_136 = arith.constant 0 : i32
    %dma_wait3A_137 = tpu.memref_slice %arg3[%dma_wait3A_135, %dma_wait3A_136] : memref<100000x32xf32, #tpu.memory_space<hbm>> -> memref<8x32xf32, #tpu.memory_space<hbm>>
    tpu.wait_dma2 semaphore(%arg9 : memref<!tpu.dma_semaphore, #tpu.memory_space<semaphore_mem>>) src(%dma_wait3A_137 : memref<8x32xf32, #tpu.memory_space<hbm>>) dst(%dma_wait3A_134 : memref<8x32xf32, #tpu.memory_space<vmem>>)
    %dma_wait3A_138 = arith.constant 0 : i32
    %dma_wait3A_139 = arith.constant 0 : i32
    %dma_wait3A_140 = tpu.memref_slice %arg6[%dma_wait3A_138, %dma_wait3A_139] : memref<512x32xf32, #tpu.memory_space<vmem>> -> memref<8x32xf32, #tpu.memory_space<vmem>>
    %dma_wait3A_141 = arith.constant 0 : i32
    %dma_wait3A_142 = arith.constant 0 : i32
    %dma_wait3A_143 = tpu.memref_slice %arg3[%dma_wait3A_141, %dma_wait3A_142] : memref<100000x32xf32, #tpu.memory_space<hbm>> -> memref<8x32xf32, #tpu.memory_space<hbm>>
    %dma_wait3A_144 = arith.constant 0 : i32
    %dma_wait3A_145 = arith.constant 0 : i32
    %dma_wait3A_146 = tpu.memref_slice %arg6[%dma_wait3A_144, %dma_wait3A_145] : memref<512x32xf32, #tpu.memory_space<vmem>> -> memref<8x32xf32, #tpu.memory_space<vmem>>
    %dma_wait3A_147 = arith.constant 0 : i32
    %dma_wait3A_148 = arith.constant 0 : i32
    %dma_wait3A_149 = tpu.memref_slice %arg3[%dma_wait3A_147, %dma_wait3A_148] : memref<100000x32xf32, #tpu.memory_space<hbm>> -> memref<8x32xf32, #tpu.memory_space<hbm>>
    tpu.wait_dma2 semaphore(%arg10 : memref<!tpu.dma_semaphore, #tpu.memory_space<semaphore_mem>>) src(%dma_wait3A_149 : memref<8x32xf32, #tpu.memory_space<hbm>>) dst(%dma_wait3A_146 : memref<8x32xf32, #tpu.memory_space<vmem>>)
    %dma_wait3A_150 = arith.constant 0 : i32
    %dma_wait3A_151 = arith.constant 0 : i32
    %dma_wait3A_152 = tpu.memref_slice %arg6[%dma_wait3A_150, %dma_wait3A_151] : memref<512x32xf32, #tpu.memory_space<vmem>> -> memref<8x32xf32, #tpu.memory_space<vmem>>
    %dma_wait3A_153 = arith.constant 0 : i32
    %dma_wait3A_154 = arith.constant 0 : i32
    %dma_wait3A_155 = tpu.memref_slice %arg3[%dma_wait3A_153, %dma_wait3A_154] : memref<100000x32xf32, #tpu.memory_space<hbm>> -> memref<8x32xf32, #tpu.memory_space<hbm>>
    %dma_wait3A_156 = arith.constant 0 : i32
    %dma_wait3A_157 = arith.constant 0 : i32
    %dma_wait3A_158 = tpu.memref_slice %arg6[%dma_wait3A_156, %dma_wait3A_157] : memref<512x32xf32, #tpu.memory_space<vmem>> -> memref<8x32xf32, #tpu.memory_space<vmem>>
    %dma_wait3A_159 = arith.constant 0 : i32
    %dma_wait3A_160 = arith.constant 0 : i32
    %dma_wait3A_161 = tpu.memref_slice %arg3[%dma_wait3A_159, %dma_wait3A_160] : memref<100000x32xf32, #tpu.memory_space<hbm>> -> memref<8x32xf32, #tpu.memory_space<hbm>>
    tpu.wait_dma2 semaphore(%arg11 : memref<!tpu.dma_semaphore, #tpu.memory_space<semaphore_mem>>) src(%dma_wait3A_161 : memref<8x32xf32, #tpu.memory_space<hbm>>) dst(%dma_wait3A_158 : memref<8x32xf32, #tpu.memory_space<vmem>>)
    %dma_wait3A_162 = arith.constant 0 : i32
    %dma_wait3A_163 = arith.constant 0 : i32
    %dma_wait3A_164 = tpu.memref_slice %arg6[%dma_wait3A_162, %dma_wait3A_163] : memref<512x32xf32, #tpu.memory_space<vmem>> -> memref<8x32xf32, #tpu.memory_space<vmem>>
    %dma_wait3A_165 = arith.constant 0 : i32
    %dma_wait3A_166 = arith.constant 0 : i32
    %dma_wait3A_167 = tpu.memref_slice %arg3[%dma_wait3A_165, %dma_wait3A_166] : memref<100000x32xf32, #tpu.memory_space<hbm>> -> memref<8x32xf32, #tpu.memory_space<hbm>>
    %dma_wait3A_168 = arith.constant 0 : i32
    %dma_wait3A_169 = arith.constant 0 : i32
    %dma_wait3A_170 = tpu.memref_slice %arg6[%dma_wait3A_168, %dma_wait3A_169] : memref<512x32xf32, #tpu.memory_space<vmem>> -> memref<8x32xf32, #tpu.memory_space<vmem>>
    %dma_wait3A_171 = arith.constant 0 : i32
    %dma_wait3A_172 = arith.constant 0 : i32
    %dma_wait3A_173 = tpu.memref_slice %arg3[%dma_wait3A_171, %dma_wait3A_172] : memref<100000x32xf32, #tpu.memory_space<hbm>> -> memref<8x32xf32, #tpu.memory_space<hbm>>
    tpu.wait_dma2 semaphore(%arg12 : memref<!tpu.dma_semaphore, #tpu.memory_space<semaphore_mem>>) src(%dma_wait3A_173 : memref<8x32xf32, #tpu.memory_space<hbm>>) dst(%dma_wait3A_170 : memref<8x32xf32, #tpu.memory_space<vmem>>)
    %dma_wait3A_174 = arith.constant 0 : i32
    %dma_wait3A_175 = arith.constant 0 : i32
    %dma_wait3A_176 = tpu.memref_slice %arg6[%dma_wait3A_174, %dma_wait3A_175] : memref<512x32xf32, #tpu.memory_space<vmem>> -> memref<8x32xf32, #tpu.memory_space<vmem>>
    %dma_wait3A_177 = arith.constant 0 : i32
    %dma_wait3A_178 = arith.constant 0 : i32
    %dma_wait3A_179 = tpu.memref_slice %arg3[%dma_wait3A_177, %dma_wait3A_178] : memref<100000x32xf32, #tpu.memory_space<hbm>> -> memref<8x32xf32, #tpu.memory_space<hbm>>
    %dma_wait3A_180 = arith.constant 0 : i32
    %dma_wait3A_181 = arith.constant 0 : i32
    %dma_wait3A_182 = tpu.memref_slice %arg6[%dma_wait3A_180, %dma_wait3A_181] : memref<512x32xf32, #tpu.memory_space<vmem>> -> memref<8x32xf32, #tpu.memory_space<vmem>>
    %dma_wait3A_183 = arith.constant 0 : i32
    %dma_wait3A_184 = arith.constant 0 : i32
    %dma_wait3A_185 = tpu.memref_slice %arg3[%dma_wait3A_183, %dma_wait3A_184] : memref<100000x32xf32, #tpu.memory_space<hbm>> -> memref<8x32xf32, #tpu.memory_space<hbm>>
    tpu.wait_dma2 semaphore(%arg13 : memref<!tpu.dma_semaphore, #tpu.memory_space<semaphore_mem>>) src(%dma_wait3A_185 : memref<8x32xf32, #tpu.memory_space<hbm>>) dst(%dma_wait3A_182 : memref<8x32xf32, #tpu.memory_space<vmem>>)
    %dma_wait3A_186 = arith.constant 0 : i32
    %dma_wait3A_187 = arith.constant 0 : i32
    %dma_wait3A_188 = tpu.memref_slice %arg6[%dma_wait3A_186, %dma_wait3A_187] : memref<512x32xf32, #tpu.memory_space<vmem>> -> memref<8x32xf32, #tpu.memory_space<vmem>>
    %dma_wait3A_189 = arith.constant 0 : i32
    %dma_wait3A_190 = arith.constant 0 : i32
    %dma_wait3A_191 = tpu.memref_slice %arg3[%dma_wait3A_189, %dma_wait3A_190] : memref<100000x32xf32, #tpu.memory_space<hbm>> -> memref<8x32xf32, #tpu.memory_space<hbm>>
    %dma_wait3A_192 = arith.constant 0 : i32
    %dma_wait3A_193 = arith.constant 0 : i32
    %dma_wait3A_194 = tpu.memref_slice %arg6[%dma_wait3A_192, %dma_wait3A_193] : memref<512x32xf32, #tpu.memory_space<vmem>> -> memref<8x32xf32, #tpu.memory_space<vmem>>
    %dma_wait3A_195 = arith.constant 0 : i32
    %dma_wait3A_196 = arith.constant 0 : i32
    %dma_wait3A_197 = tpu.memref_slice %arg3[%dma_wait3A_195, %dma_wait3A_196] : memref<100000x32xf32, #tpu.memory_space<hbm>> -> memref<8x32xf32, #tpu.memory_space<hbm>>
    tpu.wait_dma2 semaphore(%arg14 : memref<!tpu.dma_semaphore, #tpu.memory_space<semaphore_mem>>) src(%dma_wait3A_197 : memref<8x32xf32, #tpu.memory_space<hbm>>) dst(%dma_wait3A_194 : memref<8x32xf32, #tpu.memory_space<vmem>>)
    %add3A_198 = arith.constant 384 : i32
    %add3A_199 = arith.addi %mul3A_2, %add3A_198 : i32
    %dma_start3A = arith.constant 384 : i32
    %dma_start3A_200 = arith.constant 0 : i32
    %dma_start3A_201 = tpu.memref_slice %arg6[%dma_start3A, %dma_start3A_200] : memref<512x32xf32, #tpu.memory_space<vmem>> -> memref<64x32xf32, #tpu.memory_space<vmem>>
    %dma_start3A_202 = arith.constant 0 : i32
    %dma_start3A_203 = tpu.memref_slice %arg4[%add3A_199, %dma_start3A_202] : memref<16384x32xf32, #tpu.memory_space<hbm>> -> memref<64x32xf32, #tpu.memory_space<hbm>>
    %dma_start3A_204 = arith.constant 0 : i32
    %dma_start3A_205 = tpu.memref_slice %arg4[%add3A_199, %dma_start3A_204] : memref<16384x32xf32, #tpu.memory_space<hbm>> -> memref<64x32xf32, #tpu.memory_space<hbm>>
    %dma_start3A_206 = arith.constant 384 : i32
    %dma_start3A_207 = arith.constant 0 : i32
    %dma_start3A_208 = tpu.memref_slice %arg6[%dma_start3A_206, %dma_start3A_207] : memref<512x32xf32, #tpu.memory_space<vmem>> -> memref<64x32xf32, #tpu.memory_space<vmem>>
    tpu.enqueue_dma source(%dma_start3A_208 : memref<64x32xf32, #tpu.memory_space<vmem>>) target(%dma_start3A_205 : memref<64x32xf32, #tpu.memory_space<hbm>>) target_semaphore(%arg15 : memref<!tpu.dma_semaphore, #tpu.memory_space<semaphore_mem>>)
    %add3A_209 = arith.constant 448 : i32
    %add3A_210 = arith.addi %mul3A_2, %add3A_209 : i32
    %dma_start3A_211 = arith.constant 448 : i32
    %dma_start3A_212 = arith.constant 0 : i32
    %dma_start3A_213 = tpu.memref_slice %arg6[%dma_start3A_211, %dma_start3A_212] : memref<512x32xf32, #tpu.memory_space<vmem>> -> memref<64x32xf32, #tpu.memory_space<vmem>>
    %dma_start3A_214 = arith.constant 0 : i32
    %dma_start3A_215 = tpu.memref_slice %arg4[%add3A_210, %dma_start3A_214] : memref<16384x32xf32, #tpu.memory_space<hbm>> -> memref<64x32xf32, #tpu.memory_space<hbm>>
    %dma_start3A_216 = arith.constant 0 : i32
    %dma_start3A_217 = tpu.memref_slice %arg4[%add3A_210, %dma_start3A_216] : memref<16384x32xf32, #tpu.memory_space<hbm>> -> memref<64x32xf32, #tpu.memory_space<hbm>>
    %dma_start3A_218 = arith.constant 448 : i32
    %dma_start3A_219 = arith.constant 0 : i32
    %dma_start3A_220 = tpu.memref_slice %arg6[%dma_start3A_218, %dma_start3A_219] : memref<512x32xf32, #tpu.memory_space<vmem>> -> memref<64x32xf32, #tpu.memory_space<vmem>>
    tpu.enqueue_dma source(%dma_start3A_220 : memref<64x32xf32, #tpu.memory_space<vmem>>) target(%dma_start3A_217 : memref<64x32xf32, #tpu.memory_space<hbm>>) target_semaphore(%arg15 : memref<!tpu.dma_semaphore, #tpu.memory_space<semaphore_mem>>)
    %dma_wait3A_221 = arith.constant 0 : i32
    %dma_wait3A_222 = arith.constant 0 : i32
    %dma_wait3A_223 = tpu.memref_slice %arg6[%dma_wait3A_221, %dma_wait3A_222] : memref<512x32xf32, #tpu.memory_space<vmem>> -> memref<64x32xf32, #tpu.memory_space<vmem>>
    %dma_wait3A_224 = arith.constant 0 : i32
    %dma_wait3A_225 = tpu.memref_slice %arg4[%mul3A_2, %dma_wait3A_224] : memref<16384x32xf32, #tpu.memory_space<hbm>> -> memref<64x32xf32, #tpu.memory_space<hbm>>
    %dma_wait3A_226 = arith.constant 0 : i32
    %dma_wait3A_227 = tpu.memref_slice %arg4[%mul3A_2, %dma_wait3A_226] : memref<16384x32xf32, #tpu.memory_space<hbm>> -> memref<64x32xf32, #tpu.memory_space<hbm>>
    %dma_wait3A_228 = arith.constant 0 : i32
    %dma_wait3A_229 = arith.constant 0 : i32
    %dma_wait3A_230 = tpu.memref_slice %arg6[%dma_wait3A_228, %dma_wait3A_229] : memref<512x32xf32, #tpu.memory_space<vmem>> -> memref<64x32xf32, #tpu.memory_space<vmem>>
    tpu.wait_dma2 semaphore(%arg15 : memref<!tpu.dma_semaphore, #tpu.memory_space<semaphore_mem>>) src(%dma_wait3A_230 : memref<64x32xf32, #tpu.memory_space<vmem>>) dst(%dma_wait3A_227 : memref<64x32xf32, #tpu.memory_space<hbm>>)
    %dma_wait3A_231 = arith.constant 0 : i32
    %dma_wait3A_232 = arith.constant 0 : i32
    %dma_wait3A_233 = tpu.memref_slice %arg6[%dma_wait3A_231, %dma_wait3A_232] : memref<512x32xf32, #tpu.memory_space<vmem>> -> memref<64x32xf32, #tpu.memory_space<vmem>>
    %dma_wait3A_234 = arith.constant 0 : i32
    %dma_wait3A_235 = tpu.memref_slice %arg4[%mul3A_2, %dma_wait3A_234] : memref<16384x32xf32, #tpu.memory_space<hbm>> -> memref<64x32xf32, #tpu.memory_space<hbm>>
    %dma_wait3A_236 = arith.constant 0 : i32
    %dma_wait3A_237 = tpu.memref_slice %arg4[%mul3A_2, %dma_wait3A_236] : memref<16384x32xf32, #tpu.memory_space<hbm>> -> memref<64x32xf32, #tpu.memory_space<hbm>>
    %dma_wait3A_238 = arith.constant 0 : i32
    %dma_wait3A_239 = arith.constant 0 : i32
    %dma_wait3A_240 = tpu.memref_slice %arg6[%dma_wait3A_238, %dma_wait3A_239] : memref<512x32xf32, #tpu.memory_space<vmem>> -> memref<64x32xf32, #tpu.memory_space<vmem>>
    tpu.wait_dma2 semaphore(%arg15 : memref<!tpu.dma_semaphore, #tpu.memory_space<semaphore_mem>>) src(%dma_wait3A_240 : memref<64x32xf32, #tpu.memory_space<vmem>>) dst(%dma_wait3A_237 : memref<64x32xf32, #tpu.memory_space<hbm>>)
    %dma_wait3A_241 = arith.constant 0 : i32
    %dma_wait3A_242 = arith.constant 0 : i32
    %dma_wait3A_243 = tpu.memref_slice %arg6[%dma_wait3A_241, %dma_wait3A_242] : memref<512x32xf32, #tpu.memory_space<vmem>> -> memref<64x32xf32, #tpu.memory_space<vmem>>
    %dma_wait3A_244 = arith.constant 0 : i32
    %dma_wait3A_245 = tpu.memref_slice %arg4[%mul3A_2, %dma_wait3A_244] : memref<16384x32xf32, #tpu.memory_space<hbm>> -> memref<64x32xf32, #tpu.memory_space<hbm>>
    %dma_wait3A_246 = arith.constant 0 : i32
    %dma_wait3A_247 = tpu.memref_slice %arg4[%mul3A_2, %dma_wait3A_246] : memref<16384x32xf32, #tpu.memory_space<hbm>> -> memref<64x32xf32, #tpu.memory_space<hbm>>
    %dma_wait3A_248 = arith.constant 0 : i32
    %dma_wait3A_249 = arith.constant 0 : i32
    %dma_wait3A_250 = tpu.memref_slice %arg6[%dma_wait3A_248, %dma_wait3A_249] : memref<512x32xf32, #tpu.memory_space<vmem>> -> memref<64x32xf32, #tpu.memory_space<vmem>>
    tpu.wait_dma2 semaphore(%arg15 : memref<!tpu.dma_semaphore, #tpu.memory_space<semaphore_mem>>) src(%dma_wait3A_250 : memref<64x32xf32, #tpu.memory_space<vmem>>) dst(%dma_wait3A_247 : memref<64x32xf32, #tpu.memory_space<hbm>>)
    %dma_wait3A_251 = arith.constant 0 : i32
    %dma_wait3A_252 = arith.constant 0 : i32
    %dma_wait3A_253 = tpu.memref_slice %arg6[%dma_wait3A_251, %dma_wait3A_252] : memref<512x32xf32, #tpu.memory_space<vmem>> -> memref<64x32xf32, #tpu.memory_space<vmem>>
    %dma_wait3A_254 = arith.constant 0 : i32
    %dma_wait3A_255 = tpu.memref_slice %arg4[%mul3A_2, %dma_wait3A_254] : memref<16384x32xf32, #tpu.memory_space<hbm>> -> memref<64x32xf32, #tpu.memory_space<hbm>>
    %dma_wait3A_256 = arith.constant 0 : i32
    %dma_wait3A_257 = tpu.memref_slice %arg4[%mul3A_2, %dma_wait3A_256] : memref<16384x32xf32, #tpu.memory_space<hbm>> -> memref<64x32xf32, #tpu.memory_space<hbm>>
    %dma_wait3A_258 = arith.constant 0 : i32
    %dma_wait3A_259 = arith.constant 0 : i32
    %dma_wait3A_260 = tpu.memref_slice %arg6[%dma_wait3A_258, %dma_wait3A_259] : memref<512x32xf32, #tpu.memory_space<vmem>> -> memref<64x32xf32, #tpu.memory_space<vmem>>
    tpu.wait_dma2 semaphore(%arg15 : memref<!tpu.dma_semaphore, #tpu.memory_space<semaphore_mem>>) src(%dma_wait3A_260 : memref<64x32xf32, #tpu.memory_space<vmem>>) dst(%dma_wait3A_257 : memref<64x32xf32, #tpu.memory_space<hbm>>)
    %dma_wait3A_261 = arith.constant 0 : i32
    %dma_wait3A_262 = arith.constant 0 : i32
    %dma_wait3A_263 = tpu.memref_slice %arg6[%dma_wait3A_261, %dma_wait3A_262] : memref<512x32xf32, #tpu.memory_space<vmem>> -> memref<64x32xf32, #tpu.memory_space<vmem>>
    %dma_wait3A_264 = arith.constant 0 : i32
    %dma_wait3A_265 = tpu.memref_slice %arg4[%mul3A_2, %dma_wait3A_264] : memref<16384x32xf32, #tpu.memory_space<hbm>> -> memref<64x32xf32, #tpu.memory_space<hbm>>
    %dma_wait3A_266 = arith.constant 0 : i32
    %dma_wait3A_267 = tpu.memref_slice %arg4[%mul3A_2, %dma_wait3A_266] : memref<16384x32xf32, #tpu.memory_space<hbm>> -> memref<64x32xf32, #tpu.memory_space<hbm>>
    %dma_wait3A_268 = arith.constant 0 : i32
    %dma_wait3A_269 = arith.constant 0 : i32
    %dma_wait3A_270 = tpu.memref_slice %arg6[%dma_wait3A_268, %dma_wait3A_269] : memref<512x32xf32, #tpu.memory_space<vmem>> -> memref<64x32xf32, #tpu.memory_space<vmem>>
    tpu.wait_dma2 semaphore(%arg15 : memref<!tpu.dma_semaphore, #tpu.memory_space<semaphore_mem>>) src(%dma_wait3A_270 : memref<64x32xf32, #tpu.memory_space<vmem>>) dst(%dma_wait3A_267 : memref<64x32xf32, #tpu.memory_space<hbm>>)
    %dma_wait3A_271 = arith.constant 0 : i32
    %dma_wait3A_272 = arith.constant 0 : i32
    %dma_wait3A_273 = tpu.memref_slice %arg6[%dma_wait3A_271, %dma_wait3A_272] : memref<512x32xf32, #tpu.memory_space<vmem>> -> memref<64x32xf32, #tpu.memory_space<vmem>>
    %dma_wait3A_274 = arith.constant 0 : i32
    %dma_wait3A_275 = tpu.memref_slice %arg4[%mul3A_2, %dma_wait3A_274] : memref<16384x32xf32, #tpu.memory_space<hbm>> -> memref<64x32xf32, #tpu.memory_space<hbm>>
    %dma_wait3A_276 = arith.constant 0 : i32
    %dma_wait3A_277 = tpu.memref_slice %arg4[%mul3A_2, %dma_wait3A_276] : memref<16384x32xf32, #tpu.memory_space<hbm>> -> memref<64x32xf32, #tpu.memory_space<hbm>>
    %dma_wait3A_278 = arith.constant 0 : i32
    %dma_wait3A_279 = arith.constant 0 : i32
    %dma_wait3A_280 = tpu.memref_slice %arg6[%dma_wait3A_278, %dma_wait3A_279] : memref<512x32xf32, #tpu.memory_space<vmem>> -> memref<64x32xf32, #tpu.memory_space<vmem>>
    tpu.wait_dma2 semaphore(%arg15 : memref<!tpu.dma_semaphore, #tpu.memory_space<semaphore_mem>>) src(%dma_wait3A_280 : memref<64x32xf32, #tpu.memory_space<vmem>>) dst(%dma_wait3A_277 : memref<64x32xf32, #tpu.memory_space<hbm>>)
    %dma_wait3A_281 = arith.constant 0 : i32
    %dma_wait3A_282 = arith.constant 0 : i32
    %dma_wait3A_283 = tpu.memref_slice %arg6[%dma_wait3A_281, %dma_wait3A_282] : memref<512x32xf32, #tpu.memory_space<vmem>> -> memref<64x32xf32, #tpu.memory_space<vmem>>
    %dma_wait3A_284 = arith.constant 0 : i32
    %dma_wait3A_285 = tpu.memref_slice %arg4[%mul3A_2, %dma_wait3A_284] : memref<16384x32xf32, #tpu.memory_space<hbm>> -> memref<64x32xf32, #tpu.memory_space<hbm>>
    %dma_wait3A_286 = arith.constant 0 : i32
    %dma_wait3A_287 = tpu.memref_slice %arg4[%mul3A_2, %dma_wait3A_286] : memref<16384x32xf32, #tpu.memory_space<hbm>> -> memref<64x32xf32, #tpu.memory_space<hbm>>
    %dma_wait3A_288 = arith.constant 0 : i32
    %dma_wait3A_289 = arith.constant 0 : i32
    %dma_wait3A_290 = tpu.memref_slice %arg6[%dma_wait3A_288, %dma_wait3A_289] : memref<512x32xf32, #tpu.memory_space<vmem>> -> memref<64x32xf32, #tpu.memory_space<vmem>>
    tpu.wait_dma2 semaphore(%arg15 : memref<!tpu.dma_semaphore, #tpu.memory_space<semaphore_mem>>) src(%dma_wait3A_290 : memref<64x32xf32, #tpu.memory_space<vmem>>) dst(%dma_wait3A_287 : memref<64x32xf32, #tpu.memory_space<hbm>>)
    %dma_wait3A_291 = arith.constant 0 : i32
    %dma_wait3A_292 = arith.constant 0 : i32
    %dma_wait3A_293 = tpu.memref_slice %arg6[%dma_wait3A_291, %dma_wait3A_292] : memref<512x32xf32, #tpu.memory_space<vmem>> -> memref<64x32xf32, #tpu.memory_space<vmem>>
    %dma_wait3A_294 = arith.constant 0 : i32
    %dma_wait3A_295 = tpu.memref_slice %arg4[%mul3A_2, %dma_wait3A_294] : memref<16384x32xf32, #tpu.memory_space<hbm>> -> memref<64x32xf32, #tpu.memory_space<hbm>>
    %dma_wait3A_296 = arith.constant 0 : i32
    %dma_wait3A_297 = tpu.memref_slice %arg4[%mul3A_2, %dma_wait3A_296] : memref<16384x32xf32, #tpu.memory_space<hbm>> -> memref<64x32xf32, #tpu.memory_space<hbm>>
    %dma_wait3A_298 = arith.constant 0 : i32
    %dma_wait3A_299 = arith.constant 0 : i32
    %dma_wait3A_300 = tpu.memref_slice %arg6[%dma_wait3A_298, %dma_wait3A_299] : memref<512x32xf32, #tpu.memory_space<vmem>> -> memref<64x32xf32, #tpu.memory_space<vmem>>
    tpu.wait_dma2 semaphore(%arg15 : memref<!tpu.dma_semaphore, #tpu.memory_space<semaphore_mem>>) src(%dma_wait3A_300 : memref<64x32xf32, #tpu.memory_space<vmem>>) dst(%dma_wait3A_297 : memref<64x32xf32, #tpu.memory_space<hbm>>)
    return
  }
}

</mosaic_0001>

<sc_bundles>
// kernel: kernel.3.cloned.1.call-start
scs
__scs_entry_jumppad:
0x0: {  	(pc) =	sbr.rel $0x88, $3  }
0x1: {  	(tag) =	ssettag $0x0;
	lr =	simm.s32 $0x1  }
0x2: {  	[smem:$0x3F9F] =	sst lr;
	_ =	strace $0xD0000000  }
0x3: {  	_ = 	snop  }
0x4: {  	_ = 	snop  }
0x5: {  	_ = 	snop  }
0x6: {  	_ = 	snop  }
0x7: {  	_ = 	snop  }
__scs_overlays_trampoline_lowered:
0x8: {  	[smem:$0x3FAE] =	sst s0  }
0x9: {  	[smem:$0x3FAF] =	sst s1  }
0xa: {  	[smem:$0x3FB0] =	sst s2  }
0xb: {  	[smem:$0x3FB1] =	sst s3  }
0xc: {  	[smem:$0x3FB2] =	sst s4  }
0xd: {  	[smem:$0x3FB3] =	sst s5  }
0xe: {  	[smem:$0x3FB4] =	sst s6  }
0xf: {  	[smem:$0x3FB5] =	sst s7  }
0x10: {  	[smem:$0x3FB6] =	sst s8  }
0x11: {  	[smem:$0x3FB7] =	sst s9;
	s0 =	simm.s32 @!p0 $0x0  }
0x12: {  	s1 =	sld [smem:$0x3F9D];
	s0 =	simm.s32 @p0 $0x1  }
0x13: {  	[smem:$0x3FB8] =	sst s0;
	s0 =	simm.s32 @!p1 $0x0  }
0x14: {  	s2 =	sld [smem:$0x3F9C];
	s0 =	simm.s32 @p1 $0x1  }
0x15: {  	[smem:$0x3FB9] =	sst s0;
	s0 =	simm.s32 @!p2 $0x0  }
0x16: {  	s3 =	sld [smem:$0x3FDB];
	s0 =	simm.s32 @p2 $0x1  }
0x17: {  	s4 =	simm.s32 $0x1BF5;
	[smem:$0x3FBB] =	sst s0  }
0x18: {  	s0 =	sld [smem:$0x3F9E];
	_ =	swait.ge [sflag:s4], $0x0  }
0x19: {  	s7 =	sld [smem:$0x3F9F]  }
0x1a: {  	s8 =	sadd.s32 $0xFFFFE003, lr  }
0x1b: {  	s9 =	sadd.s32 $0xFFFFFEF7, lr;
	s5 =	simm.s32 $0xFFFFFFFF;
	p2 =	slt.u32 s8, $0xFFFFF086  }
0x1c: {  	p1 =	slt.u32 s9, $0xF7A;
	s5 =	simm.s32 @!p2 $0x0  }
0x1d: {  	s5 =	simm.s32 @p1 $0x1;
	p0 =	seq.s32 s7, s2  }
0x1e: {  	s7 =	smul.u32 @!p0 $0xF7A, s2;
	p2 =	seq.s32 @!p0 s5, $0x0  }
0x1f: {  	s9 =	smul.u32 $0xF7A, s1;
	s8 =	simm.s32 @!p0 $0x1BF5;
	p2 =	por !p2, p0  }
0x20: {  	[sflag:s8] =	ssyncset.s32 @!p0 $0xFFFFF086;
	s6 =	sadd.s32 @!p0 s3, s7;
	s7 =	simm.s32 @!p0 $0x108  }
0x21: {  	s3 =	sadd.s32 s3, s9;
	s6 =	sadd.s32 @!p0 $0x88, s6;
	s7 =	simm.s32 @p2 $0x1082  }
0x22: {  	[simem:s7], [sflag:s8] =	dma.local @!p0 [hbm:s6], $0xF7A  }
0x23: {  	s9 =	sor.u32 $0xD0000000, s2;
	s6 =	simm.s32 $0x108;
	_ =	swait.ge @!p0 [sflag:s8], $0x0  }
0x24: {  	s3 =	sadd.s32 $0x88, s3;
	s6 =	simm.s32 @!p1 $0x1082;
	[sflag:s4] =	ssyncset.s32 $0xFFFFF086  }
0x25: {  	[simem:s6], [sflag:s4] =	dma.local [hbm:s3], $0xF7A  }
0x26: {  	[smem:$0x3F9F] =	sst s1;
	(tag) =	ssettag s2;
	_ =	strace s9  }
0x27: {  	s1 =	sld [smem:$0x3FAF]  }
0x28: {  	s2 =	sld [smem:$0x3FB0]  }
0x29: {  	s4 =	sld [smem:$0x3FB2]  }
0x2a: {  	p0 =	seq.s32 s5, $0x0;
	s5 =	sld [smem:$0x3FB3]  }
0x2b: {  	s6 =	sld [smem:$0x3FB4]  }
0x2c: {  	s7 =	sld [smem:$0x3FB5]  }
0x2d: {  	s3 =	simm.s32 $0x108;
	s8 =	sld [smem:$0x3FB6]  }
0x2e: {  	s3 =	simm.s32 @!p0 $0x1082;
	s9 =	sld [smem:$0x3FB7]  }
0x2f: {  	lr =	sadd.s32 s0, s3;
	s0 =	sld [smem:$0x3FAE]  }
0x30: {  	s3 =	sld [smem:$0x3FB1]  }
0x31: {  	[smem:$0x3FBA] =	sst s10  }
0x32: {  	s10 =	sld [smem:$0x3FB8];
	_ =	sdelay $0x3  }
0x33: {  	p0 =	seq.s32 s10, $0x1;
	s10 =	sld [smem:$0x3FBA];
	_ =	sdelay $0x3  }
0x34: {  	[smem:$0x3FBA] =	sst s10  }
0x35: {  	s10 =	sld [smem:$0x3FB9];
	_ =	sdelay $0x3  }
0x36: {  	p1 =	seq.s32 s10, $0x1;
	s10 =	sld [smem:$0x3FBA];
	_ =	sdelay $0x3  }
0x37: {  	[smem:$0x3FBA] =	sst s10  }
0x38: {  	s10 =	sld [smem:$0x3FBB]  }
0x39: {  	_ = 	snop;
	(pc) =	sbr.ind lr, $3  }
0x3a: {  	_ = 	snop  }
0x3b: {  	_ = 	snop  }
0x3c: {  	p2 =	seq.s32 s10, $0x1;
	s10 =	sld [smem:$0x3FBA]  }
0x3d: {  	_ =	shalt  }
0x3e: {  	_ =	shalt  }
0x3f: {  	_ =	shalt  }
0x40: {  	_ =	shalt  }
0x41: {  	_ =	shalt  }
0x42: {  	_ =	shalt  }
0x43: {  	_ =	shalt  }
0x44: {  	_ =	shalt  }
0x45: {  	_ =	shalt  }
0x46: {  	_ =	shalt  }
0x47: {  	_ =	shalt  }
0x48: {  	_ =	shalt  }
0x49: {  	_ =	shalt  }
0x4a: {  	_ =	shalt  }
0x4b: {  	_ =	shalt  }
0x4c: {  	_ =	shalt  }
0x4d: {  	_ =	shalt  }
0x4e: {  	_ =	shalt  }
0x4f: {  	_ =	shalt  }
0x50: {  	_ =	shalt  }
0x51: {  	_ =	shalt  }
0x52: {  	_ =	shalt  }
0x53: {  	_ =	shalt  }
0x54: {  	_ =	shalt  }
0x55: {  	_ =	shalt  }
0x56: {  	_ =	shalt  }
0x57: {  	_ =	shalt  }
0x58: {  	_ =	shalt  }
0x59: {  	_ =	shalt  }
0x5a: {  	_ =	shalt  }
0x5b: {  	_ =	shalt  }
0x5c: {  	_ =	shalt  }
0x5d: {  	_ =	shalt  }
0x5e: {  	_ =	shalt  }
0x5f: {  	_ =	shalt  }
0x60: {  	_ =	shalt  }
0x61: {  	_ =	shalt  }
0x62: {  	_ =	shalt  }
0x63: {  	_ =	shalt  }
0x64: {  	_ =	shalt  }
0x65: {  	_ =	shalt  }
0x66: {  	_ =	shalt  }
0x67: {  	_ =	shalt  }
0x68: {  	_ =	shalt  }
0x69: {  	_ =	shalt  }
0x6a: {  	_ =	shalt  }
0x6b: {  	_ =	shalt  }
0x6c: {  	_ =	shalt  }
0x6d: {  	_ =	shalt  }
0x6e: {  	_ =	shalt  }
0x6f: {  	_ =	shalt  }
0x70: {  	_ =	shalt  }
0x71: {  	_ =	shalt  }
0x72: {  	_ =	shalt  }
0x73: {  	_ =	shalt  }
0x74: {  	_ =	shalt  }
0x75: {  	_ =	shalt  }
0x76: {  	_ =	shalt  }
0x77: {  	_ =	shalt  }
0x78: {  	_ =	shalt  }
0x79: {  	_ =	shalt  }
0x7a: {  	_ =	shalt  }
0x7b: {  	_ =	shalt  }
0x7c: {  	_ =	shalt  }
0x7d: {  	_ =	shalt  }
0x7e: {  	_ =	shalt  }
0x7f: {  	_ =	shalt  }
0x80: {  	_ =	shalt  }
0x81: {  	_ =	shalt  }
0x82: {  	_ =	shalt  }
0x83: {  	_ =	shalt  }
0x84: {  	_ =	shalt  }
0x85: {  	_ =	shalt  }
0x86: {  	_ =	shalt  }
0x87: {  	_ =	shalt  }
.Lfunc_end0:
.L_simem_size_0:
called_computation_lowered:
.L_overlay_start_0:
0x88: {  	s2 =	sld [smem:$0x3FD9]  }
0x89: {  	s3 =	sld [smem:$0x3FFE];
	_ =	sdelay $0x1  }
0x8a: {  	s1 =	srdreg.scid  }
0x8b: {  	s0 =	sand.u32 $0x1, s1  }
0x8c: {  	s17 =	sshll.u32 s0, $0xA;
	s2 =	sadd.s32 s3, s2  }
0x8d: {  	s2 =	sadd.s32 s2, s17  }
0x8e: {  	[smem:$0x3FC6] =	sst s2  }
0x8f: {  	_ = 	snop  }
0x90: {  	s2 =	sld [smem:$0x3FC9];
	(tm) =	ssettm $0x1  }
0x91: {  	s18 =	sld [smem:$0x3FFB];
	_ =	sdelay $0x3  }
0x92: {  	_ =	strace s18  }
0x93: {  	s3 =	sld [smem:$0x3FFC];
	_ =	sdelay $0x3  }
0x94: {  	_ =	strace s3  }
0x95: {  	s3 =	sld [smem:$0x3FFD];
	_ =	sdelay $0x3  }
0x96: {  	_ =	strace s3  }
0x97: {  	_ =	strace $0x8FFFFFFF  }
0x98: {  	s19 =	sld [smem:$0x3FDB];
	_ =	sdelay $0x1  }
0x99: {  	s4 =	simm.s32 $_scs_section_size  }
0x9a: {  	s5 =	simm.s32 $_size__tile_overlayer_lowered;
	s6 =	simm.s32 $_tile_overlayer_lowered  }
0x9b: {  	s22 =	simm.s32 $0x1BFF;
	s21 =	sshll.u32 s6, $0x1;
	s3 =	sadd.s32 s4, s19  }
0x9c: {  	s7 =	simm.s32 $0x0;
	s20 =	sshll.u32 s5, $0x1;
	s5 =	sadd.s32 s21, s3  }
0x9d: {  	[timem:s7], [sflag:s22] =	dma.local [hbm:s5], s20  }
0x9e: {  	_ =	swait.ge [sflag:s22], s20  }
0x9f: {  	s4 =	ssub.s32 $0x0, s20;
	[sflag:s22] =	ssyncset.done $0x0  }
0xa0: {  	[sflag:s22] =	ssyncadd.s32 s4;
	_ =	sdelay $0x1  }
0xa1: {  	s23 =	simm.s32 $0x1B8B  }
0xa2: {  	_ =	swait.ge [sflag:s23], $0x1  }
0xa3: {  	[sflag:s23] =	ssyncset.done $0x0  }
0xa4: {  	s25 =	simm.s32 $0x1B8E;
	s24 =	sld [smem:$0x3FFE];
	[sflag:s23] =	ssyncadd.s32 $0xFFFFFFFF  }
0xa5: {  	s26 =	simm.s32 $execute0_lowered;
	[smem:$0x3FD2] =	sst s25  }
0xa6: {  	s5 =	sshll.u32 s26, $0x1;
	_ =	strace $0x80000046;
	[dreg:$0x1] =	wrdreg $0xFFFFFFFF  }
0xa7: {  	s28 =	simm.s32 $_size_execute0_lowered;
	s3 =	sadd.s32 s3, s5;
	[dreg:$0x0] =	wrdreg $0x0  }
0xa8: {  	s5 =	sshll.u32 s28, $0x1;
	[dreg:$0x2] =	wrdreg s3  }
0xa9: {  	[dreg:$0x3] =	wrdreg s5  }
0xaa: {  	[dreg:$0x4] =	wrdreg $0xC0  }
0xab: {  	_ =	task [dreg:s7], $0x5FFFF  }
0xac: {  	[dreg:$0x1] =	wrdreg $0xFFFFFFFF  }
0xad: {  	[dreg:$0x0] =	wrdreg $0x60  }
0xae: {  	[dreg:$0x2] =	wrdreg s2  }
0xaf: {  	[dreg:$0x3] =	wrdreg s24  }
0xb0: {  	[dreg:$0x4] =	wrdreg $0x9  }
0xb1: {  	_ =	task.clear_ibuf [dreg:s7], $0x5FFFF;
	_ =	strace $0x90000046  }
0xb2: {  	s29 =	simm.s32 $0x9;
	_ =	strace $0x80000048  }
0xb3: {  	_ =	swait.ge [sflag:s29], $0x1  }
0xb4: {  	[sflag:s29] =	ssyncadd.s32 $0xFFFFFFFF  }
0xb5: {  	_ =	strace $0x90000048  }
0xb6: {  	_ =	sfence  }
0xb7: {  	s30 =	sld [smem:$0x0];
	_ =	sdelay $0x2  }
0xb8: {  	s31 =	sshll.u32 s1, $0xD;
	s1 =	sshrl.u32 s1, $0x2  }
0xb9: {  	s3 =	sand.u32 $0x4000, s31;
	s1 =	sadd.s32 s1, s30  }
0xba: {  	s0 =	sor.u32 s3, s0;
	s1 =	sshll.u32 s1, $0x11  }
0xbb: {  	s0 =	sor.u32 s1, s0  }
0xbc: {  	s0 =	sadd.s32 $0x8F2B, s0  }
0xbd: {  	[sflag:s0] =	ssyncadd.remote.s32 $0x1  }
0xbe: {  	_ =	sfence.sel $0xFFFF  }
0xbf: {  	[dreg:$0x0] =	wrdreg $0xFFFFFFFF;
	(pc) =	sbr.abs _section_cstart, $3  }
0xc0: {  	[dreg:$0x1] =	wrdreg $0xFFFFFFFF  }
0xc1: {  	_ =	task.clear_ibuf [dreg:s7], $0x2FFFF;
	_ =	strace $0x9FFFFFFF  }
0xc2: {  	(tm) =	ssettm $0x7FFFFFFF  }
0xc3: {  	_ =	shalt  }
tec
execute0_lowered:
.L_overlay_start_1:
0x0: {  	(tag) =	ssettag $0x1  }
0x1: {  	s0 =	rddreg [dreg:$0x0]  }
0x2: {  	s1 =	rddreg [dreg:$0x1]  }
0x3: {  	s2 =	simm.s32 $0x0;
	s3 =	srdreg.scid;
	s9 =	stileid.u32  }
0x4: {  	s10 =	simm.s32 $0x1;
	s11 =	simm.s32 $0x2;
	s12 =	simm.s32 $0x3  }
0x5: {  	s13 =	simm.s32 $0x4;
	s14 =	simm.s32 $0x5;
	s15 =	simm.s32 $0x6  }
0x6: {  	s16 =	simm.s32 $0x7;
	s17 =	simm.s32 $0x8;
	[smem:$0x7FF] =	sst s2  }
0x7: {  	s4 =	sand.u32 $0x1, s3;
	s6 =	sshll.u32 s9, $0xA;
	s3 =	sadd.s32 $0x400, s1  }
0x8: {  	s1 =	sadd.s32 $0x186E00, s1;
	s28 =	sshll.u32 s9, $0xE;
	s7 =	sshll.u32 s4, $0x9  }
0x9: {  	_ =	strace $0x80000047;
	s5 =	ssub.s32 $0x2, s4;
	s6 =	sor.u32 s7, s6  }
0xa: {  	s4 =	sshll.u32 s4, $0xD;
	s8 =	sshrl.u32 s5, $0x1;
	s7 =	sshrl.u32 s6, $0x3  }
0xb: {  	s5 =	ssub.s32 s5, s8;
	s26 =	sshll.u32 s6, $0x4;
	s0 =	sadd.s32 s0, s7  }
0xc: {  	s31 =	smax.u32 s5, $0x1;
	[dreg:$0x3] =	wrdreg s0;
	s0 =	sadd.s32 s26, s1  }
0xd: {  	s1 =	sadd.s32 s28, s1;
	[dreg:$0x6] =	wrdreg s31;
	s29 =	sadd.s32 $0x1800, s0  }
0xe: {  	s0 =	sadd.s32 $0x1C00, s0;
	s30 =	sadd.s32 s4, s1;
	[dreg:$0x4] =	wrdreg s29  }
0xf: {  	s20 =	simm.s32 $0x9;
	[dreg:$0x5] =	wrdreg s0;
	s0 =	sadd.s32 $0xFFFFF800, s30  }
0x10: {  	s21 =	simm.s32 $0x0;
	s9 =	simm.s32 $0xA;
	[dreg:$0x7] =	wrdreg s0  }
.LBB2_1:
0x11: {  	s0 =	rddreg [dreg:$0x3]  }
0x12: {  	[tilespmem:s2], [sflag:$0xA] =	stream.linear.gather [hbm4b:s0+s2], $0x200, $0x38;
	[tilespmem:$0x10200] =	vst v63  }
0x13: {  	s22 =	simm.s32 $0xFFFFFFFE;
	_ =	swait.ge [sflag:s9], $0x200  }
0x14: {  	s23 =	simm.s32 $0x40;
	s24 =	simm.s32 $0x20;
	[sflag:s9] =	ssyncset.done $0x0  }
0x15: {  	s26 =	simm.s32 $0x0;
	s25 =	rddreg [dreg:$0x7];
	[sflag:s9] =	ssyncadd.s32 $0xFFFFFE00  }
.LBB2_2:
0x16: {  	v0 =	vld [tilespmem:s24+$0xFFFFFFE0];
	_ =	sdelay $0x4  }
0x17: {  	v0 =	vshll.u32 v0, $0x4  }
0x18: {  	(v2sf) =	vpush v0, $0x0;
	_ =	sdelay $0x1  }
0x19: {  	(v2sf) =	vpush v0, $0x1;
	_ =	sdelay $0x1  }
0x1a: {  	(v2sf) =	vpush v0, $0x2;
	_ =	sdelay $0x2  }
0x1b: {  	(v2sf) =	vpush v0, $0x3;
	_ =	sdelay $0x7  }
0x1c: {  	s0 =	spop (v2sf);
	(v2sf) =	vpush v0, $0x4;
	_ =	sdelay $0x1  }
0x1d: {  	s30 =	spop (v2sf);
	(v2sf) =	vpush v0, $0x5;
	_ =	sdelay $0x1  }
0x1e: {  	s4 =	spop (v2sf);
	(v2sf) =	vpush v0, $0x6;
	_ =	sdelay $0x1  }
0x1f: {  	s28 =	sshra.s32 s26, $0x2;
	s0 =	sand.u32 $0x1FFFFFF0, s0  }
0x20: {  	s1 =	sadd.s32 $0x200, s28;
	s0 =	sadd.s32 s3, s0;
	s6 =	spop (v2sf);
	(v2sf) =	vpush v0, $0x7  }
0x21: {  	[tilespmem:s1], [sflag:$0x1] =	stream.linear.gather [hbm4b:s0+s2], $0x80, $0x38;
	[tilespmem:$0x10200] =	vst v63  }
0x22: {  	s0 =	sand.u32 $0x1FFFFFF0, s30  }
0x23: {  	s31 =	sadd.s32 $0x280, s28;
	s0 =	sadd.s32 s3, s0  }
0x24: {  	[tilespmem:s31], [sflag:$0x2] =	stream.linear.gather [hbm4b:s0+s2], $0x80, $0x38;
	[tilespmem:$0x10200] =	vst v63  }
0x25: {  	s0 =	sand.u32 $0x1FFFFFF0, s4  }
0x26: {  	s5 =	sadd.s32 $0x300, s28;
	s0 =	sadd.s32 s3, s0  }
0x27: {  	[tilespmem:s5], [sflag:$0x3] =	stream.linear.gather [hbm4b:s0+s2], $0x80, $0x38;
	[tilespmem:$0x10200] =	vst v63  }
0x28: {  	s8 =	spop (v2sf);
	(v2sf) =	vpush v0, $0x8  }
0x29: {  	s0 =	sand.u32 $0x1FFFFFF0, s6  }
0x2a: {  	s7 =	sadd.s32 $0x380, s28;
	s0 =	sadd.s32 s3, s0;
	s19 =	spop (v2sf);
	(v2sf) =	vpush v0, $0x9  }
0x2b: {  	[tilespmem:s7], [sflag:$0x4] =	stream.linear.gather [hbm4b:s0+s2], $0x80, $0x38;
	[tilespmem:$0x10200] =	vst v63  }
0x2c: {  	s0 =	sand.u32 $0x1FFFFFF0, s8;
	s30 =	spop (v2sf);
	(v2sf) =	vpush v0, $0xA  }
0x2d: {  	s18 =	sadd.s32 $0x400, s28;
	s0 =	sadd.s32 s3, s0  }
0x2e: {  	[tilespmem:s18], [sflag:$0x5] =	stream.linear.gather [hbm4b:s0+s2], $0x80, $0x38;
	[tilespmem:$0x10200] =	vst v63  }
0x2f: {  	s4 =	spop (v2sf);
	(v2sf) =	vpush v0, $0xB  }
0x30: {  	s0 =	sand.u32 $0x1FFFFFF0, s19  }
0x31: {  	s29 =	sadd.s32 $0x480, s28;
	s0 =	sadd.s32 s3, s0  }
0x32: {  	[tilespmem:s29], [sflag:$0x6] =	stream.linear.gather [hbm4b:s0+s2], $0x80, $0x38;
	[tilespmem:$0x10200] =	vst v63  }
0x33: {  	s0 =	sand.u32 $0x1FFFFFF0, s30  }
0x34: {  	s31 =	sadd.s32 $0x500, s28;
	s0 =	sadd.s32 s3, s0  }
0x35: {  	[tilespmem:s31], [sflag:$0x7] =	stream.linear.gather [hbm4b:s0+s2], $0x80, $0x38;
	[tilespmem:$0x10200] =	vst v63  }
0x36: {  	s0 =	sand.u32 $0x1FFFFFF0, s4  }
0x37: {  	s5 =	sadd.s32 $0x580, s28;
	s0 =	sadd.s32 s3, s0;
	s6 =	spop (v2sf);
	(v2sf) =	vpush v0, $0xC  }
0x38: {  	[tilespmem:s5], [sflag:$0x8] =	stream.linear.gather [hbm4b:s0+s2], $0x80, $0x38;
	[tilespmem:$0x10200] =	vst v63  }
0x39: {  	s8 =	spop (v2sf);
	(v2sf) =	vpush v0, $0xD  }
0x3a: {  	s0 =	sand.u32 $0x1FFFFFF0, s6  }
0x3b: {  	s7 =	sadd.s32 $0x600, s28;
	s0 =	sadd.s32 s3, s0;
	s19 =	spop (v2sf)  }
0x3c: {  	(v2sf) =	vpush v0, $0xE;
	[tilespmem:s7], [sflag:$0x1] =	stream.linear.gather [hbm4b:s0+s2], $0x80, $0x38;
	[tilespmem:$0x10200] =	vst v63  }
0x3d: {  	s0 =	sand.u32 $0x1FFFFFF0, s8  }
0x3e: {  	s18 =	sadd.s32 $0x680, s28;
	s30 =	spop (v2sf);
	s0 =	sadd.s32 s3, s0  }
0x3f: {  	(v2sf) =	vpush v0, $0xF;
	[tilespmem:s18], [sflag:$0x2] =	stream.linear.gather [hbm4b:s0+s2], $0x80, $0x38;
	[tilespmem:$0x10200] =	vst v63  }
0x40: {  	s0 =	sand.u32 $0x1FFFFFF0, s19  }
0x41: {  	s29 =	sadd.s32 $0x700, s28;
	s0 =	sadd.s32 s3, s0  }
0x42: {  	[tilespmem:s29], [sflag:$0x3] =	stream.linear.gather [hbm4b:s0+s2], $0x80, $0x38;
	[tilespmem:$0x10200] =	vst v63  }
0x43: {  	s0 =	sand.u32 $0x1FFFFFF0, s30  }
0x44: {  	s31 =	sadd.s32 $0x780, s28;
	s0 =	sadd.s32 s3, s0  }
0x45: {  	[tilespmem:s31], [sflag:$0x4] =	stream.linear.gather [hbm4b:s0+s2], $0x80, $0x38;
	[tilespmem:$0x10200] =	vst v63  }
0x46: {  	s4 =	spop (v2sf)  }
0x47: {  	s0 =	sand.u32 $0x1FFFFFF0, s4  }
0x48: {  	s5 =	sadd.s32 $0x800, s28;
	s6 =	spop (v2sf);
	s0 =	sadd.s32 s3, s0  }
0x49: {  	[tilespmem:s5], [sflag:$0x5] =	stream.linear.gather [hbm4b:s0+s2], $0x80, $0x38;
	[tilespmem:$0x10200] =	vst v63  }
0x4a: {  	s0 =	sand.u32 $0x1FFFFFF0, s6  }
0x4b: {  	s7 =	sadd.s32 $0x880, s28;
	s8 =	spop (v2sf);
	s0 =	sadd.s32 s3, s0  }
0x4c: {  	[tilespmem:s7], [sflag:$0x6] =	stream.linear.gather [hbm4b:s0+s2], $0x80, $0x38;
	[tilespmem:$0x10200] =	vst v63  }
0x4d: {  	s0 =	sand.u32 $0x1FFFFFF0, s8  }
0x4e: {  	s18 =	sadd.s32 $0x900, s28;
	s19 =	spop (v2sf);
	s0 =	sadd.s32 s3, s0  }
0x4f: {  	[tilespmem:s18], [sflag:$0x7] =	stream.linear.gather [hbm4b:s0+s2], $0x80, $0x38;
	[tilespmem:$0x10200] =	vst v63  }
0x50: {  	s0 =	sand.u32 $0x1FFFFFF0, s19  }
0x51: {  	s29 =	sadd.s32 $0x980, s28;
	s0 =	sadd.s32 s3, s0  }
0x52: {  	[tilespmem:s29], [sflag:$0x8] =	stream.linear.gather [hbm4b:s0+s2], $0x80, $0x38;
	[tilespmem:$0x10200] =	vst v63  }
0x53: {  	v57 =	vld [tilespmem:s24+$0xFFFFFFF0];
	_ =	sdelay $0x4  }
0x54: {  	v0 =	vshll.u32 v57, $0x4  }
0x55: {  	(v2sf) =	vpush v0, $0x0;
	_ =	sdelay $0x1  }
0x56: {  	(v2sf) =	vpush v0, $0x1;
	_ =	sdelay $0x1  }
0x57: {  	(v2sf) =	vpush v0, $0x2;
	_ =	sdelay $0x2  }
0x58: {  	(v2sf) =	vpush v0, $0x3;
	_ =	sdelay $0x7  }
0x59: {  	s30 =	spop (v2sf);
	(v2sf) =	vpush v0, $0x4;
	_ =	sdelay $0x1  }
0x5a: {  	s4 =	spop (v2sf);
	(v2sf) =	vpush v0, $0x5;
	_ =	sdelay $0x1  }
0x5b: {  	s6 =	spop (v2sf);
	(v2sf) =	vpush v0, $0x6;
	_ =	sdelay $0x1  }
0x5c: {  	s0 =	sand.u32 $0x1FFFFFF0, s30  }
0x5d: {  	s31 =	sadd.s32 $0xA00, s28;
	s0 =	sadd.s32 s3, s0;
	s8 =	spop (v2sf);
	(v2sf) =	vpush v0, $0x7  }
0x5e: {  	[tilespmem:s31], [sflag:$0x1] =	stream.linear.gather [hbm4b:s0+s2], $0x80, $0x38;
	[tilespmem:$0x10200] =	vst v63  }
0x5f: {  	s0 =	sand.u32 $0x1FFFFFF0, s4  }
0x60: {  	s5 =	sadd.s32 $0xA80, s28;
	s0 =	sadd.s32 s3, s0  }
0x61: {  	[tilespmem:s5], [sflag:$0x2] =	stream.linear.gather [hbm4b:s0+s2], $0x80, $0x38;
	[tilespmem:$0x10200] =	vst v63  }
0x62: {  	s0 =	sand.u32 $0x1FFFFFF0, s6  }
0x63: {  	s7 =	sadd.s32 $0xB00, s28;
	s0 =	sadd.s32 s3, s0  }
0x64: {  	[tilespmem:s7], [sflag:$0x3] =	stream.linear.gather [hbm4b:s0+s2], $0x80, $0x38;
	[tilespmem:$0x10200] =	vst v63  }
0x65: {  	s19 =	spop (v2sf);
	(v2sf) =	vpush v0, $0x8  }
0x66: {  	s0 =	sand.u32 $0x1FFFFFF0, s8  }
0x67: {  	s18 =	sadd.s32 $0xB80, s28;
	s0 =	sadd.s32 s3, s0;
	s30 =	spop (v2sf);
	(v2sf) =	vpush v0, $0x9  }
0x68: {  	[tilespmem:s18], [sflag:$0x4] =	stream.linear.gather [hbm4b:s0+s2], $0x80, $0x38;
	[tilespmem:$0x10200] =	vst v63  }
0x69: {  	s0 =	sand.u32 $0x1FFFFFF0, s19;
	s4 =	spop (v2sf);
	(v2sf) =	vpush v0, $0xA  }
0x6a: {  	s29 =	sadd.s32 $0xC00, s28;
	s0 =	sadd.s32 s3, s0  }
0x6b: {  	[tilespmem:s29], [sflag:$0x5] =	stream.linear.gather [hbm4b:s0+s2], $0x80, $0x38;
	[tilespmem:$0x10200] =	vst v63  }
0x6c: {  	s6 =	spop (v2sf);
	(v2sf) =	vpush v0, $0xB  }
0x6d: {  	s0 =	sand.u32 $0x1FFFFFF0, s30  }
0x6e: {  	s31 =	sadd.s32 $0xC80, s28;
	s0 =	sadd.s32 s3, s0  }
0x6f: {  	[tilespmem:s31], [sflag:$0x6] =	stream.linear.gather [hbm4b:s0+s2], $0x80, $0x38;
	[tilespmem:$0x10200] =	vst v63  }
0x70: {  	s0 =	sand.u32 $0x1FFFFFF0, s4  }
0x71: {  	s5 =	sadd.s32 $0xD00, s28;
	s0 =	sadd.s32 s3, s0  }
0x72: {  	[tilespmem:s5], [sflag:$0x7] =	stream.linear.gather [hbm4b:s0+s2], $0x80, $0x38;
	[tilespmem:$0x10200] =	vst v63  }
0x73: {  	s0 =	sand.u32 $0x1FFFFFF0, s6  }
0x74: {  	s7 =	sadd.s32 $0xD80, s28;
	s0 =	sadd.s32 s3, s0;
	s8 =	spop (v2sf);
	(v2sf) =	vpush v0, $0xC  }
0x75: {  	[tilespmem:s7], [sflag:$0x8] =	stream.linear.gather [hbm4b:s0+s2], $0x80, $0x38;
	[tilespmem:$0x10200] =	vst v63  }
0x76: {  	s19 =	spop (v2sf);
	(v2sf) =	vpush v0, $0xD  }
0x77: {  	s0 =	sand.u32 $0x1FFFFFF0, s8  }
0x78: {  	s18 =	sadd.s32 $0xE00, s28;
	s0 =	sadd.s32 s3, s0;
	s30 =	spop (v2sf)  }
0x79: {  	(v2sf) =	vpush v0, $0xE;
	[tilespmem:s18], [sflag:$0x1] =	stream.linear.gather [hbm4b:s0+s2], $0x80, $0x38;
	[tilespmem:$0x10200] =	vst v63  }
0x7a: {  	s0 =	sand.u32 $0x1FFFFFF0, s19  }
0x7b: {  	s29 =	sadd.s32 $0xE80, s28;
	s4 =	spop (v2sf);
	s0 =	sadd.s32 s3, s0  }
0x7c: {  	(v2sf) =	vpush v0, $0xF;
	[tilespmem:s29], [sflag:$0x2] =	stream.linear.gather [hbm4b:s0+s2], $0x80, $0x38;
	[tilespmem:$0x10200] =	vst v63  }
0x7d: {  	s0 =	sand.u32 $0x1FFFFFF0, s30  }
0x7e: {  	s31 =	sadd.s32 $0xF00, s28;
	s0 =	sadd.s32 s3, s0  }
0x7f: {  	[tilespmem:s31], [sflag:$0x3] =	stream.linear.gather [hbm4b:s0+s2], $0x80, $0x38;
	[tilespmem:$0x10200] =	vst v63  }
0x80: {  	s0 =	sand.u32 $0x1FFFFFF0, s4  }
0x81: {  	s5 =	sadd.s32 $0xF80, s28;
	s0 =	sadd.s32 s3, s0  }
0x82: {  	[tilespmem:s5], [sflag:$0x4] =	stream.linear.gather [hbm4b:s0+s2], $0x80, $0x38;
	[tilespmem:$0x10200] =	vst v63  }
0x83: {  	s6 =	spop (v2sf)  }
0x84: {  	s0 =	sand.u32 $0x1FFFFFF0, s6  }
0x85: {  	s7 =	sadd.s32 $0x1000, s28;
	s8 =	spop (v2sf);
	s0 =	sadd.s32 s3, s0  }
0x86: {  	[tilespmem:s7], [sflag:$0x5] =	stream.linear.gather [hbm4b:s0+s2], $0x80, $0x38;
	[tilespmem:$0x10200] =	vst v63  }
0x87: {  	s0 =	sand.u32 $0x1FFFFFF0, s8  }
0x88: {  	s18 =	sadd.s32 $0x1080, s28;
	s19 =	spop (v2sf);
	s0 =	sadd.s32 s3, s0  }
0x89: {  	[tilespmem:s18], [sflag:$0x6] =	stream.linear.gather [hbm4b:s0+s2], $0x80, $0x38;
	[tilespmem:$0x10200] =	vst v63  }
0x8a: {  	s0 =	sand.u32 $0x1FFFFFF0, s19  }
0x8b: {  	s29 =	sadd.s32 $0x1100, s28;
	s30 =	spop (v2sf);
	s0 =	sadd.s32 s3, s0  }
0x8c: {  	[tilespmem:s29], [sflag:$0x7] =	stream.linear.gather [hbm4b:s0+s2], $0x80, $0x38;
	[tilespmem:$0x10200] =	vst v63  }
0x8d: {  	s0 =	sand.u32 $0x1FFFFFF0, s30  }
0x8e: {  	s31 =	sadd.s32 $0x1180, s28;
	s0 =	sadd.s32 s3, s0  }
0x8f: {  	[tilespmem:s31], [sflag:$0x8] =	stream.linear.gather [hbm4b:s0+s2], $0x80, $0x38;
	[tilespmem:$0x10200] =	vst v63  }
0x90: {  	v58 =	vld [tilespmem:s24+$0x0];
	_ =	sdelay $0x4  }
0x91: {  	v0 =	vshll.u32 v58, $0x4  }
0x92: {  	(v2sf) =	vpush v0, $0x0;
	_ =	sdelay $0x1  }
0x93: {  	(v2sf) =	vpush v0, $0x1;
	_ =	sdelay $0x1  }
0x94: {  	(v2sf) =	vpush v0, $0x2;
	_ =	sdelay $0x2  }
0x95: {  	(v2sf) =	vpush v0, $0x3;
	_ =	sdelay $0x7  }
0x96: {  	s4 =	spop (v2sf);
	(v2sf) =	vpush v0, $0x4;
	_ =	sdelay $0x1  }
0x97: {  	s6 =	spop (v2sf);
	(v2sf) =	vpush v0, $0x5;
	_ =	sdelay $0x1  }
0x98: {  	s8 =	spop (v2sf);
	(v2sf) =	vpush v0, $0x6;
	_ =	sdelay $0x1  }
0x99: {  	s0 =	sand.u32 $0x1FFFFFF0, s4  }
0x9a: {  	s5 =	sadd.s32 $0x1200, s28;
	s0 =	sadd.s32 s3, s0;
	s19 =	spop (v2sf);
	(v2sf) =	vpush v0, $0x7  }
0x9b: {  	[tilespmem:s5], [sflag:$0x1] =	stream.linear.gather [hbm4b:s0+s2], $0x80, $0x38;
	[tilespmem:$0x10200] =	vst v63  }
0x9c: {  	s0 =	sand.u32 $0x1FFFFFF0, s6  }
0x9d: {  	s7 =	sadd.s32 $0x1280, s28;
	s0 =	sadd.s32 s3, s0  }
0x9e: {  	[tilespmem:s7], [sflag:$0x2] =	stream.linear.gather [hbm4b:s0+s2], $0x80, $0x38;
	[tilespmem:$0x10200] =	vst v63  }
0x9f: {  	s0 =	sand.u32 $0x1FFFFFF0, s8  }
0xa0: {  	s18 =	sadd.s32 $0x1300, s28;
	s0 =	sadd.s32 s3, s0  }
0xa1: {  	[tilespmem:s18], [sflag:$0x3] =	stream.linear.gather [hbm4b:s0+s2], $0x80, $0x38;
	[tilespmem:$0x10200] =	vst v63  }
0xa2: {  	s30 =	spop (v2sf);
	(v2sf) =	vpush v0, $0x8  }
0xa3: {  	s0 =	sand.u32 $0x1FFFFFF0, s19  }
0xa4: {  	s29 =	sadd.s32 $0x1380, s28;
	s0 =	sadd.s32 s3, s0;
	s4 =	spop (v2sf);
	(v2sf) =	vpush v0, $0x9  }
0xa5: {  	[tilespmem:s29], [sflag:$0x4] =	stream.linear.gather [hbm4b:s0+s2], $0x80, $0x38;
	[tilespmem:$0x10200] =	vst v63  }
0xa6: {  	s0 =	sand.u32 $0x1FFFFFF0, s30;
	s6 =	spop (v2sf);
	(v2sf) =	vpush v0, $0xA  }
0xa7: {  	s31 =	sadd.s32 $0x1400, s28;
	s0 =	sadd.s32 s3, s0  }
0xa8: {  	[tilespmem:s31], [sflag:$0x5] =	stream.linear.gather [hbm4b:s0+s2], $0x80, $0x38;
	[tilespmem:$0x10200] =	vst v63  }
0xa9: {  	s8 =	spop (v2sf);
	(v2sf) =	vpush v0, $0xB  }
0xaa: {  	s0 =	sand.u32 $0x1FFFFFF0, s4  }
0xab: {  	s5 =	sadd.s32 $0x1480, s28;
	s0 =	sadd.s32 s3, s0  }
0xac: {  	[tilespmem:s5], [sflag:$0x6] =	stream.linear.gather [hbm4b:s0+s2], $0x80, $0x38;
	[tilespmem:$0x10200] =	vst v63  }
0xad: {  	s0 =	sand.u32 $0x1FFFFFF0, s6  }
0xae: {  	s7 =	sadd.s32 $0x1500, s28;
	s0 =	sadd.s32 s3, s0  }
0xaf: {  	[tilespmem:s7], [sflag:$0x7] =	stream.linear.gather [hbm4b:s0+s2], $0x80, $0x38;
	[tilespmem:$0x10200] =	vst v63  }
0xb0: {  	s0 =	sand.u32 $0x1FFFFFF0, s8  }
0xb1: {  	s18 =	sadd.s32 $0x1580, s28;
	s0 =	sadd.s32 s3, s0;
	s19 =	spop (v2sf);
	(v2sf) =	vpush v0, $0xC  }
0xb2: {  	[tilespmem:s18], [sflag:$0x8] =	stream.linear.gather [hbm4b:s0+s2], $0x80, $0x38;
	[tilespmem:$0x10200] =	vst v63  }
0xb3: {  	s30 =	spop (v2sf);
	(v2sf) =	vpush v0, $0xD  }
0xb4: {  	s0 =	sand.u32 $0x1FFFFFF0, s19  }
0xb5: {  	s29 =	sadd.s32 $0x1600, s28;
	s0 =	sadd.s32 s3, s0;
	s4 =	spop (v2sf)  }
0xb6: {  	(v2sf) =	vpush v0, $0xE;
	[tilespmem:s29], [sflag:$0x1] =	stream.linear.gather [hbm4b:s0+s2], $0x80, $0x38;
	[tilespmem:$0x10200] =	vst v63  }
0xb7: {  	s0 =	sand.u32 $0x1FFFFFF0, s30  }
0xb8: {  	s31 =	sadd.s32 $0x1680, s28;
	s6 =	spop (v2sf);
	s0 =	sadd.s32 s3, s0  }
0xb9: {  	(v2sf) =	vpush v0, $0xF;
	[tilespmem:s31], [sflag:$0x2] =	stream.linear.gather [hbm4b:s0+s2], $0x80, $0x38;
	[tilespmem:$0x10200] =	vst v63  }
0xba: {  	s0 =	sand.u32 $0x1FFFFFF0, s4  }
0xbb: {  	s5 =	sadd.s32 $0x1700, s28;
	s0 =	sadd.s32 s3, s0  }
0xbc: {  	[tilespmem:s5], [sflag:$0x3] =	stream.linear.gather [hbm4b:s0+s2], $0x80, $0x38;
	[tilespmem:$0x10200] =	vst v63  }
0xbd: {  	s0 =	sand.u32 $0x1FFFFFF0, s6  }
0xbe: {  	s7 =	sadd.s32 $0x1780, s28;
	s0 =	sadd.s32 s3, s0  }
0xbf: {  	[tilespmem:s7], [sflag:$0x4] =	stream.linear.gather [hbm4b:s0+s2], $0x80, $0x38;
	[tilespmem:$0x10200] =	vst v63  }
0xc0: {  	s8 =	spop (v2sf)  }
0xc1: {  	s0 =	sand.u32 $0x1FFFFFF0, s8  }
0xc2: {  	s18 =	sadd.s32 $0x1800, s28;
	s19 =	spop (v2sf);
	s0 =	sadd.s32 s3, s0  }
0xc3: {  	[tilespmem:s18], [sflag:$0x5] =	stream.linear.gather [hbm4b:s0+s2], $0x80, $0x38;
	[tilespmem:$0x10200] =	vst v63  }
0xc4: {  	s0 =	sand.u32 $0x1FFFFFF0, s19  }
0xc5: {  	s29 =	sadd.s32 $0x1880, s28;
	s30 =	spop (v2sf);
	s0 =	sadd.s32 s3, s0  }
0xc6: {  	[tilespmem:s29], [sflag:$0x6] =	stream.linear.gather [hbm4b:s0+s2], $0x80, $0x38;
	[tilespmem:$0x10200] =	vst v63  }
0xc7: {  	s0 =	sand.u32 $0x1FFFFFF0, s30  }
0xc8: {  	s31 =	sadd.s32 $0x1900, s28;
	s4 =	spop (v2sf);
	s0 =	sadd.s32 s3, s0  }
0xc9: {  	[tilespmem:s31], [sflag:$0x7] =	stream.linear.gather [hbm4b:s0+s2], $0x80, $0x38;
	[tilespmem:$0x10200] =	vst v63  }
0xca: {  	s0 =	sand.u32 $0x1FFFFFF0, s4  }
0xcb: {  	s5 =	sadd.s32 $0x1980, s28;
	s0 =	sadd.s32 s3, s0  }
0xcc: {  	[tilespmem:s5], [sflag:$0x8] =	stream.linear.gather [hbm4b:s0+s2], $0x80, $0x38;
	[tilespmem:$0x10200] =	vst v63  }
0xcd: {  	v59 =	vld [tilespmem:s24+$0x10];
	_ =	sdelay $0x4  }
0xce: {  	v0 =	vshll.u32 v59, $0x4  }
0xcf: {  	(v2sf) =	vpush v0, $0x0;
	_ =	sdelay $0x1  }
0xd0: {  	(v2sf) =	vpush v0, $0x1;
	_ =	sdelay $0x1  }
0xd1: {  	(v2sf) =	vpush v0, $0x2;
	_ =	sdelay $0x2  }
0xd2: {  	(v2sf) =	vpush v0, $0x3;
	_ =	sdelay $0x7  }
0xd3: {  	s6 =	spop (v2sf);
	(v2sf) =	vpush v0, $0x4;
	_ =	sdelay $0x1  }
0xd4: {  	s8 =	spop (v2sf);
	(v2sf) =	vpush v0, $0x5;
	_ =	sdelay $0x1  }
0xd5: {  	s19 =	spop (v2sf);
	(v2sf) =	vpush v0, $0x6;
	_ =	sdelay $0x1  }
0xd6: {  	s0 =	sand.u32 $0x1FFFFFF0, s6  }
0xd7: {  	s7 =	sadd.s32 $0x1A00, s28;
	s0 =	sadd.s32 s3, s0;
	s30 =	spop (v2sf);
	(v2sf) =	vpush v0, $0x7  }
0xd8: {  	[tilespmem:s7], [sflag:$0x1] =	stream.linear.gather [hbm4b:s0+s2], $0x80, $0x38;
	[tilespmem:$0x10200] =	vst v63  }
0xd9: {  	s0 =	sand.u32 $0x1FFFFFF0, s8  }
0xda: {  	s18 =	sadd.s32 $0x1A80, s28;
	s0 =	sadd.s32 s3, s0  }
0xdb: {  	[tilespmem:s18], [sflag:$0x2] =	stream.linear.gather [hbm4b:s0+s2], $0x80, $0x38;
	[tilespmem:$0x10200] =	vst v63  }
0xdc: {  	s0 =	sand.u32 $0x1FFFFFF0, s19  }
0xdd: {  	s29 =	sadd.s32 $0x1B00, s28;
	s0 =	sadd.s32 s3, s0  }
0xde: {  	[tilespmem:s29], [sflag:$0x3] =	stream.linear.gather [hbm4b:s0+s2], $0x80, $0x38;
	[tilespmem:$0x10200] =	vst v63  }
0xdf: {  	s4 =	spop (v2sf);
	(v2sf) =	vpush v0, $0x8  }
0xe0: {  	s0 =	sand.u32 $0x1FFFFFF0, s30  }
0xe1: {  	s31 =	sadd.s32 $0x1B80, s28;
	s0 =	sadd.s32 s3, s0;
	s6 =	spop (v2sf);
	(v2sf) =	vpush v0, $0x9  }
0xe2: {  	[tilespmem:s31], [sflag:$0x4] =	stream.linear.gather [hbm4b:s0+s2], $0x80, $0x38;
	[tilespmem:$0x10200] =	vst v63  }
0xe3: {  	s0 =	sand.u32 $0x1FFFFFF0, s4;
	s8 =	spop (v2sf);
	(v2sf) =	vpush v0, $0xA  }
0xe4: {  	s5 =	sadd.s32 $0x1C00, s28;
	s0 =	sadd.s32 s3, s0  }
0xe5: {  	[tilespmem:s5], [sflag:$0x5] =	stream.linear.gather [hbm4b:s0+s2], $0x80, $0x38;
	[tilespmem:$0x10200] =	vst v63  }
0xe6: {  	s19 =	spop (v2sf);
	(v2sf) =	vpush v0, $0xB  }
0xe7: {  	s0 =	sand.u32 $0x1FFFFFF0, s6  }
0xe8: {  	s7 =	sadd.s32 $0x1C80, s28;
	s0 =	sadd.s32 s3, s0  }
0xe9: {  	[tilespmem:s7], [sflag:$0x6] =	stream.linear.gather [hbm4b:s0+s2], $0x80, $0x38;
	[tilespmem:$0x10200] =	vst v63  }
0xea: {  	s0 =	sand.u32 $0x1FFFFFF0, s8  }
0xeb: {  	s18 =	sadd.s32 $0x1D00, s28;
	s0 =	sadd.s32 s3, s0  }
0xec: {  	[tilespmem:s18], [sflag:$0x7] =	stream.linear.gather [hbm4b:s0+s2], $0x80, $0x38;
	[tilespmem:$0x10200] =	vst v63  }
0xed: {  	s0 =	sand.u32 $0x1FFFFFF0, s19  }
0xee: {  	s29 =	sadd.s32 $0x1D80, s28;
	s0 =	sadd.s32 s3, s0;
	s30 =	spop (v2sf);
	(v2sf) =	vpush v0, $0xC  }
0xef: {  	[tilespmem:s29], [sflag:$0x8] =	stream.linear.gather [hbm4b:s0+s2], $0x80, $0x38;
	[tilespmem:$0x10200] =	vst v63  }
0xf0: {  	s4 =	spop (v2sf);
	(v2sf) =	vpush v0, $0xD  }
0xf1: {  	s0 =	sand.u32 $0x1FFFFFF0, s30  }
0xf2: {  	s31 =	sadd.s32 $0x1E00, s28;
	s0 =	sadd.s32 s3, s0;
	s6 =	spop (v2sf)  }
0xf3: {  	(v2sf) =	vpush v0, $0xE;
	[tilespmem:s31], [sflag:$0x1] =	stream.linear.gather [hbm4b:s0+s2], $0x80, $0x38;
	[tilespmem:$0x10200] =	vst v63  }
0xf4: {  	s0 =	sand.u32 $0x1FFFFFF0, s4  }
0xf5: {  	s5 =	sadd.s32 $0x1E80, s28;
	s8 =	spop (v2sf);
	s0 =	sadd.s32 s3, s0  }
0xf6: {  	(v2sf) =	vpush v0, $0xF;
	[tilespmem:s5], [sflag:$0x2] =	stream.linear.gather [hbm4b:s0+s2], $0x80, $0x38;
	[tilespmem:$0x10200] =	vst v63  }
0xf7: {  	s0 =	sand.u32 $0x1FFFFFF0, s6  }
0xf8: {  	s7 =	sadd.s32 $0x1F00, s28;
	s0 =	sadd.s32 s3, s0  }
0xf9: {  	[tilespmem:s7], [sflag:$0x3] =	stream.linear.gather [hbm4b:s0+s2], $0x80, $0x38;
	[tilespmem:$0x10200] =	vst v63  }
0xfa: {  	s0 =	sand.u32 $0x1FFFFFF0, s8  }
0xfb: {  	s18 =	sadd.s32 $0x1F80, s28;
	s0 =	sadd.s32 s3, s0  }
0xfc: {  	[tilespmem:s18], [sflag:$0x4] =	stream.linear.gather [hbm4b:s0+s2], $0x80, $0x38;
	[tilespmem:$0x10200] =	vst v63  }
0xfd: {  	s19 =	spop (v2sf)  }
0xfe: {  	s0 =	sand.u32 $0x1FFFFFF0, s19  }
0xff: {  	s29 =	sadd.s32 $0x2000, s28;
	s30 =	spop (v2sf);
	s0 =	sadd.s32 s3, s0  }
0x100: {  	[tilespmem:s29], [sflag:$0x5] =	stream.linear.gather [hbm4b:s0+s2], $0x80, $0x38;
	[tilespmem:$0x10200] =	vst v63  }
0x101: {  	s0 =	sand.u32 $0x1FFFFFF0, s30  }
0x102: {  	s31 =	sadd.s32 $0x2080, s28;
	s4 =	spop (v2sf);
	s0 =	sadd.s32 s3, s0  }
0x103: {  	[tilespmem:s31], [sflag:$0x6] =	stream.linear.gather [hbm4b:s0+s2], $0x80, $0x38;
	[tilespmem:$0x10200] =	vst v63  }
0x104: {  	s0 =	sand.u32 $0x1FFFFFF0, s4  }
0x105: {  	s5 =	sadd.s32 $0x2100, s28;
	s6 =	spop (v2sf);
	s0 =	sadd.s32 s3, s0  }
0x106: {  	[tilespmem:s5], [sflag:$0x7] =	stream.linear.gather [hbm4b:s0+s2], $0x80, $0x38;
	[tilespmem:$0x10200] =	vst v63  }
0x107: {  	p0 =	seq.s32 s26, $0x0;
	s0 =	sand.u32 $0x1FFFFFF0, s6  }
0x108: {  	s7 =	sadd.s32 $0x2180, s28;
	s29 =	simm.s32 @!p0 $0x1;
	s0 =	sadd.s32 s3, s0  }
0x109: {  	[tilespmem:s7], [sflag:$0x8] =	stream.linear.gather [hbm4b:s0+s2], $0x80, $0x38;
	[tilespmem:$0x10200] =	vst v63  }
0x10a: {  	_ =	swait.ge @!p0 [sflag:s29], $0x400  }
0x10b: {  	[sflag:s29] =	ssyncset.done @!p0 $0x0  }
0x10c: {  	s30 =	simm.s32 @!p0 $0x2;
	[sflag:s29] =	ssyncadd.s32 @!p0 $0xFFFFFC00  }
0x10d: {  	_ =	swait.ge @!p0 [sflag:s30], $0x400  }
0x10e: {  	[sflag:s30] =	ssyncset.done @!p0 $0x0  }
0x10f: {  	s31 =	simm.s32 @!p0 $0x3;
	[sflag:s30] =	ssyncadd.s32 @!p0 $0xFFFFFC00  }
0x110: {  	_ =	swait.ge @!p0 [sflag:s31], $0x400  }
0x111: {  	[sflag:s31] =	ssyncset.done @!p0 $0x0  }
0x112: {  	s0 =	simm.s32 @!p0 $0x4;
	[sflag:s31] =	ssyncadd.s32 @!p0 $0xFFFFFC00  }
0x113: {  	_ =	swait.ge @!p0 [sflag:s0], $0x400  }
0x114: {  	[sflag:s0] =	ssyncset.done @!p0 $0x0  }
0x115: {  	s1 =	simm.s32 @!p0 $0x5;
	[sflag:s0] =	ssyncadd.s32 @!p0 $0xFFFFFC00  }
0x116: {  	_ =	swait.ge @!p0 [sflag:s1], $0x400  }
0x117: {  	[sflag:s1] =	ssyncset.done @!p0 $0x0  }
0x118: {  	s18 =	simm.s32 @!p0 $0x6;
	[sflag:s1] =	ssyncadd.s32 @!p0 $0xFFFFFC00  }
0x119: {  	_ =	swait.ge @!p0 [sflag:s18], $0x400  }
0x11a: {  	[sflag:s18] =	ssyncset.done @!p0 $0x0  }
0x11b: {  	s19 =	simm.s32 @!p0 $0x7;
	[sflag:s18] =	ssyncadd.s32 @!p0 $0xFFFFFC00  }
0x11c: {  	_ =	swait.ge @!p0 [sflag:s19], $0x400  }
0x11d: {  	[sflag:s19] =	ssyncset.done @!p0 $0x0  }
0x11e: {  	s4 =	simm.s32 @!p0 $0x8;
	[sflag:s19] =	ssyncadd.s32 @!p0 $0xFFFFFC00  }
0x11f: {  	_ =	swait.ge @!p0 [sflag:s4], $0x400  }
0x120: {  	s5 =	sshra.s32 @!p0 s26, $0x2;
	[sflag:s4] =	ssyncset.done @!p0 $0x0  }
0x121: {  	s6 =	simm.s32 @!p0 $0x0;
	s7 =	sadd.s32 @!p0 $0xFFFFC200, s5;
	[sflag:s4] =	ssyncadd.s32 @!p0 $0xFFFFFC00  }
0x122: {  	[hbm4b:s25+s6] =	stream.linear.scatter @!p0 [tilespmem:s7], [sflag:$0x9], $0x2000, $0x38;
	[tilespmem:$0x10200] =	vst v63  }
0x123: {  	v60 =	vld [tilespmem:s24+$0x20];
	_ =	sdelay $0x4  }
0x124: {  	v0 =	vshll.u32 v60, $0x4  }
0x125: {  	(v2sf) =	vpush v0, $0x0;
	_ =	sdelay $0x3  }
0x126: {  	(v2sf) =	vpush v0, $0x1;
	_ =	sdelay $0x3  }
0x127: {  	(v2sf) =	vpush v0, $0x2;
	_ =	sdelay $0x3  }
0x128: {  	(v2sf) =	vpush v0, $0x3;
	_ =	sdelay $0x2  }
0x129: {  	s8 =	spop (v2sf)  }
0x12a: {  	(v2sf) =	vpush v0, $0x4;
	s7 =	sand.u32 $0x1FFFFFF0, s8  }
0x12b: {  	s8 =	sadd.s32 $0x2200, s28;
	s7 =	sadd.s32 s3, s7  }
0x12c: {  	[tilespmem:s8], [sflag:$0x1] =	stream.linear.gather [hbm4b:s7+s2], $0x80, $0x38;
	[tilespmem:$0x10200] =	vst v63  }
0x12d: {  	s8 =	spop (v2sf)  }
0x12e: {  	(v2sf) =	vpush v0, $0x5;
	s7 =	sand.u32 $0x1FFFFFF0, s8  }
0x12f: {  	s8 =	sadd.s32 $0x2280, s28;
	s7 =	sadd.s32 s3, s7  }
0x130: {  	[tilespmem:s8], [sflag:$0x2] =	stream.linear.gather [hbm4b:s7+s2], $0x80, $0x38;
	[tilespmem:$0x10200] =	vst v63  }
0x131: {  	s8 =	spop (v2sf)  }
0x132: {  	(v2sf) =	vpush v0, $0x6;
	s7 =	sand.u32 $0x1FFFFFF0, s8  }
0x133: {  	s8 =	sadd.s32 $0x2300, s28;
	s7 =	sadd.s32 s3, s7  }
0x134: {  	[tilespmem:s8], [sflag:$0x3] =	stream.linear.gather [hbm4b:s7+s2], $0x80, $0x38;
	[tilespmem:$0x10200] =	vst v63  }
0x135: {  	s8 =	spop (v2sf)  }
0x136: {  	(v2sf) =	vpush v0, $0x7;
	s7 =	sand.u32 $0x1FFFFFF0, s8  }
0x137: {  	s8 =	sadd.s32 $0x2380, s28;
	s7 =	sadd.s32 s3, s7  }
0x138: {  	[tilespmem:s8], [sflag:$0x4] =	stream.linear.gather [hbm4b:s7+s2], $0x80, $0x38;
	[tilespmem:$0x10200] =	vst v63  }
0x139: {  	s8 =	spop (v2sf)  }
0x13a: {  	(v2sf) =	vpush v0, $0x8;
	s7 =	sand.u32 $0x1FFFFFF0, s8  }
0x13b: {  	s8 =	sadd.s32 $0x2400, s28;
	s7 =	sadd.s32 s3, s7  }
0x13c: {  	[tilespmem:s8], [sflag:$0x5] =	stream.linear.gather [hbm4b:s7+s2], $0x80, $0x38;
	[tilespmem:$0x10200] =	vst v63  }
0x13d: {  	s8 =	spop (v2sf)  }
0x13e: {  	(v2sf) =	vpush v0, $0x9;
	s7 =	sand.u32 $0x1FFFFFF0, s8  }
0x13f: {  	s8 =	sadd.s32 $0x2480, s28;
	s7 =	sadd.s32 s3, s7  }
0x140: {  	[tilespmem:s8], [sflag:$0x6] =	stream.linear.gather [hbm4b:s7+s2], $0x80, $0x38;
	[tilespmem:$0x10200] =	vst v63  }
0x141: {  	s8 =	spop (v2sf)  }
0x142: {  	(v2sf) =	vpush v0, $0xA;
	s7 =	sand.u32 $0x1FFFFFF0, s8  }
0x143: {  	s8 =	sadd.s32 $0x2500, s28;
	s7 =	sadd.s32 s3, s7  }
0x144: {  	[tilespmem:s8], [sflag:$0x7] =	stream.linear.gather [hbm4b:s7+s2], $0x80, $0x38;
	[tilespmem:$0x10200] =	vst v63  }
0x145: {  	s8 =	spop (v2sf)  }
0x146: {  	(v2sf) =	vpush v0, $0xB;
	s7 =	sand.u32 $0x1FFFFFF0, s8  }
0x147: {  	s8 =	sadd.s32 $0x2580, s28;
	s7 =	sadd.s32 s3, s7  }
0x148: {  	[tilespmem:s8], [sflag:$0x8] =	stream.linear.gather [hbm4b:s7+s2], $0x80, $0x38;
	[tilespmem:$0x10200] =	vst v63  }
0x149: {  	s8 =	spop (v2sf)  }
0x14a: {  	(v2sf) =	vpush v0, $0xC;
	s7 =	sand.u32 $0x1FFFFFF0, s8  }
0x14b: {  	s8 =	sadd.s32 $0x2600, s28;
	s7 =	sadd.s32 s3, s7  }
0x14c: {  	[tilespmem:s8], [sflag:$0x1] =	stream.linear.gather [hbm4b:s7+s2], $0x80, $0x38;
	[tilespmem:$0x10200] =	vst v63  }
0x14d: {  	s8 =	spop (v2sf)  }
0x14e: {  	(v2sf) =	vpush v0, $0xD;
	s7 =	sand.u32 $0x1FFFFFF0, s8  }
0x14f: {  	s8 =	sadd.s32 $0x2680, s28;
	s7 =	sadd.s32 s3, s7  }
0x150: {  	[tilespmem:s8], [sflag:$0x2] =	stream.linear.gather [hbm4b:s7+s2], $0x80, $0x38;
	[tilespmem:$0x10200] =	vst v63  }
0x151: {  	s8 =	spop (v2sf)  }
0x152: {  	(v2sf) =	vpush v0, $0xE;
	s7 =	sand.u32 $0x1FFFFFF0, s8  }
0x153: {  	s8 =	sadd.s32 $0x2700, s28;
	s7 =	sadd.s32 s3, s7  }
0x154: {  	[tilespmem:s8], [sflag:$0x3] =	stream.linear.gather [hbm4b:s7+s2], $0x80, $0x38;
	[tilespmem:$0x10200] =	vst v63  }
0x155: {  	s8 =	spop (v2sf)  }
0x156: {  	(v2sf) =	vpush v0, $0xF;
	s7 =	sand.u32 $0x1FFFFFF0, s8  }
0x157: {  	s8 =	sadd.s32 $0x2780, s28;
	s7 =	sadd.s32 s3, s7  }
0x158: {  	[tilespmem:s8], [sflag:$0x4] =	stream.linear.gather [hbm4b:s7+s2], $0x80, $0x38;
	[tilespmem:$0x10200] =	vst v63  }
0x159: {  	s8 =	spop (v2sf)  }
0x15a: {  	s7 =	sand.u32 $0x1FFFFFF0, s8  }
0x15b: {  	s8 =	sadd.s32 $0x2800, s28;
	s7 =	sadd.s32 s3, s7  }
0x15c: {  	[tilespmem:s8], [sflag:$0x5] =	stream.linear.gather [hbm4b:s7+s2], $0x80, $0x38;
	[tilespmem:$0x10200] =	vst v63  }
0x15d: {  	s8 =	spop (v2sf)  }
0x15e: {  	s7 =	sand.u32 $0x1FFFFFF0, s8  }
0x15f: {  	s8 =	sadd.s32 $0x2880, s28;
	s7 =	sadd.s32 s3, s7  }
0x160: {  	[tilespmem:s8], [sflag:$0x6] =	stream.linear.gather [hbm4b:s7+s2], $0x80, $0x38;
	[tilespmem:$0x10200] =	vst v63  }
0x161: {  	s8 =	spop (v2sf)  }
0x162: {  	s7 =	sand.u32 $0x1FFFFFF0, s8  }
0x163: {  	s8 =	sadd.s32 $0x2900, s28;
	s7 =	sadd.s32 s3, s7  }
0x164: {  	[tilespmem:s8], [sflag:$0x7] =	stream.linear.gather [hbm4b:s7+s2], $0x80, $0x38;
	[tilespmem:$0x10200] =	vst v63  }
0x165: {  	s8 =	spop (v2sf)  }
0x166: {  	s7 =	sand.u32 $0x1FFFFFF0, s8  }
0x167: {  	s8 =	sadd.s32 $0x2980, s28;
	s7 =	sadd.s32 s3, s7  }
0x168: {  	[tilespmem:s8], [sflag:$0x8] =	stream.linear.gather [hbm4b:s7+s2], $0x80, $0x38;
	[tilespmem:$0x10200] =	vst v63  }
0x169: {  	s8 =	sor.u32 $0x50, s23  }
0x16a: {  	v61 =	vld [tilespmem:s8+$0x0];
	_ =	sdelay $0x4  }
0x16b: {  	v0 =	vshll.u32 v61, $0x4  }
0x16c: {  	(v2sf) =	vpush v0, $0x0;
	_ =	sdelay $0x3  }
0x16d: {  	(v2sf) =	vpush v0, $0x1;
	_ =	sdelay $0x3  }
0x16e: {  	(v2sf) =	vpush v0, $0x2;
	_ =	sdelay $0x3  }
0x16f: {  	(v2sf) =	vpush v0, $0x3;
	_ =	sdelay $0x2  }
0x170: {  	s8 =	spop (v2sf)  }
0x171: {  	(v2sf) =	vpush v0, $0x4;
	s7 =	sand.u32 $0x1FFFFFF0, s8  }
0x172: {  	s8 =	sadd.s32 $0x2A00, s28;
	s7 =	sadd.s32 s3, s7  }
0x173: {  	[tilespmem:s8], [sflag:$0x1] =	stream.linear.gather [hbm4b:s7+s2], $0x80, $0x38;
	[tilespmem:$0x10200] =	vst v63  }
0x174: {  	s8 =	spop (v2sf)  }
0x175: {  	(v2sf) =	vpush v0, $0x5;
	s7 =	sand.u32 $0x1FFFFFF0, s8  }
0x176: {  	s8 =	sadd.s32 $0x2A80, s28;
	s7 =	sadd.s32 s3, s7  }
0x177: {  	[tilespmem:s8], [sflag:$0x2] =	stream.linear.gather [hbm4b:s7+s2], $0x80, $0x38;
	[tilespmem:$0x10200] =	vst v63  }
0x178: {  	s8 =	spop (v2sf)  }
0x179: {  	(v2sf) =	vpush v0, $0x6;
	s7 =	sand.u32 $0x1FFFFFF0, s8  }
0x17a: {  	s8 =	sadd.s32 $0x2B00, s28;
	s7 =	sadd.s32 s3, s7  }
0x17b: {  	[tilespmem:s8], [sflag:$0x3] =	stream.linear.gather [hbm4b:s7+s2], $0x80, $0x38;
	[tilespmem:$0x10200] =	vst v63  }
0x17c: {  	s8 =	spop (v2sf)  }
0x17d: {  	(v2sf) =	vpush v0, $0x7;
	s7 =	sand.u32 $0x1FFFFFF0, s8  }
0x17e: {  	s8 =	sadd.s32 $0x2B80, s28;
	s7 =	sadd.s32 s3, s7  }
0x17f: {  	[tilespmem:s8], [sflag:$0x4] =	stream.linear.gather [hbm4b:s7+s2], $0x80, $0x38;
	[tilespmem:$0x10200] =	vst v63  }
0x180: {  	s8 =	spop (v2sf)  }
0x181: {  	(v2sf) =	vpush v0, $0x8;
	s7 =	sand.u32 $0x1FFFFFF0, s8  }
0x182: {  	s8 =	sadd.s32 $0x2C00, s28;
	s7 =	sadd.s32 s3, s7  }
0x183: {  	[tilespmem:s8], [sflag:$0x5] =	stream.linear.gather [hbm4b:s7+s2], $0x80, $0x38;
	[tilespmem:$0x10200] =	vst v63  }
0x184: {  	s8 =	spop (v2sf)  }
0x185: {  	(v2sf) =	vpush v0, $0x9;
	s7 =	sand.u32 $0x1FFFFFF0, s8  }
0x186: {  	s8 =	sadd.s32 $0x2C80, s28;
	s7 =	sadd.s32 s3, s7  }
0x187: {  	[tilespmem:s8], [sflag:$0x6] =	stream.linear.gather [hbm4b:s7+s2], $0x80, $0x38;
	[tilespmem:$0x10200] =	vst v63  }
0x188: {  	s8 =	spop (v2sf)  }
0x189: {  	(v2sf) =	vpush v0, $0xA;
	s7 =	sand.u32 $0x1FFFFFF0, s8  }
0x18a: {  	s8 =	sadd.s32 $0x2D00, s28;
	s7 =	sadd.s32 s3, s7  }
0x18b: {  	[tilespmem:s8], [sflag:$0x7] =	stream.linear.gather [hbm4b:s7+s2], $0x80, $0x38;
	[tilespmem:$0x10200] =	vst v63  }
0x18c: {  	s8 =	spop (v2sf)  }
0x18d: {  	(v2sf) =	vpush v0, $0xB;
	s7 =	sand.u32 $0x1FFFFFF0, s8  }
0x18e: {  	s8 =	sadd.s32 $0x2D80, s28;
	s7 =	sadd.s32 s3, s7  }
0x18f: {  	[tilespmem:s8], [sflag:$0x8] =	stream.linear.gather [hbm4b:s7+s2], $0x80, $0x38;
	[tilespmem:$0x10200] =	vst v63  }
0x190: {  	s8 =	spop (v2sf)  }
0x191: {  	(v2sf) =	vpush v0, $0xC;
	s7 =	sand.u32 $0x1FFFFFF0, s8  }
0x192: {  	s8 =	sadd.s32 $0x2E00, s28;
	s7 =	sadd.s32 s3, s7  }
0x193: {  	[tilespmem:s8], [sflag:$0x1] =	stream.linear.gather [hbm4b:s7+s2], $0x80, $0x38;
	[tilespmem:$0x10200] =	vst v63  }
0x194: {  	s8 =	spop (v2sf)  }
0x195: {  	(v2sf) =	vpush v0, $0xD;
	s7 =	sand.u32 $0x1FFFFFF0, s8  }
0x196: {  	s8 =	sadd.s32 $0x2E80, s28;
	s7 =	sadd.s32 s3, s7  }
0x197: {  	[tilespmem:s8], [sflag:$0x2] =	stream.linear.gather [hbm4b:s7+s2], $0x80, $0x38;
	[tilespmem:$0x10200] =	vst v63  }
0x198: {  	s8 =	spop (v2sf)  }
0x199: {  	(v2sf) =	vpush v0, $0xE;
	s7 =	sand.u32 $0x1FFFFFF0, s8  }
0x19a: {  	s8 =	sadd.s32 $0x2F00, s28;
	s7 =	sadd.s32 s3, s7  }
0x19b: {  	[tilespmem:s8], [sflag:$0x3] =	stream.linear.gather [hbm4b:s7+s2], $0x80, $0x38;
	[tilespmem:$0x10200] =	vst v63  }
0x19c: {  	s8 =	spop (v2sf)  }
0x19d: {  	(v2sf) =	vpush v0, $0xF;
	s7 =	sand.u32 $0x1FFFFFF0, s8  }
0x19e: {  	s8 =	sadd.s32 $0x2F80, s28;
	s7 =	sadd.s32 s3, s7  }
0x19f: {  	[tilespmem:s8], [sflag:$0x4] =	stream.linear.gather [hbm4b:s7+s2], $0x80, $0x38;
	[tilespmem:$0x10200] =	vst v63  }
0x1a0: {  	s8 =	spop (v2sf)  }
0x1a1: {  	s7 =	sand.u32 $0x1FFFFFF0, s8  }
0x1a2: {  	s8 =	sadd.s32 $0x3000, s28;
	s7 =	sadd.s32 s3, s7  }
0x1a3: {  	[tilespmem:s8], [sflag:$0x5] =	stream.linear.gather [hbm4b:s7+s2], $0x80, $0x38;
	[tilespmem:$0x10200] =	vst v63  }
0x1a4: {  	s8 =	spop (v2sf)  }
0x1a5: {  	s7 =	sand.u32 $0x1FFFFFF0, s8  }
0x1a6: {  	s8 =	sadd.s32 $0x3080, s28;
	s7 =	sadd.s32 s3, s7  }
0x1a7: {  	[tilespmem:s8], [sflag:$0x6] =	stream.linear.gather [hbm4b:s7+s2], $0x80, $0x38;
	[tilespmem:$0x10200] =	vst v63  }
0x1a8: {  	s8 =	spop (v2sf)  }
0x1a9: {  	s7 =	sand.u32 $0x1FFFFFF0, s8  }
0x1aa: {  	s8 =	sadd.s32 $0x3100, s28;
	s7 =	sadd.s32 s3, s7  }
0x1ab: {  	[tilespmem:s8], [sflag:$0x7] =	stream.linear.gather [hbm4b:s7+s2], $0x80, $0x38;
	[tilespmem:$0x10200] =	vst v63  }
0x1ac: {  	s8 =	spop (v2sf)  }
0x1ad: {  	s7 =	sand.u32 $0x1FFFFFF0, s8  }
0x1ae: {  	s8 =	sadd.s32 $0x3180, s28;
	s7 =	sadd.s32 s3, s7  }
0x1af: {  	[tilespmem:s8], [sflag:$0x8] =	stream.linear.gather [hbm4b:s7+s2], $0x80, $0x38;
	[tilespmem:$0x10200] =	vst v63  }
0x1b0: {  	s8 =	sor.u32 $0x60, s23  }
0x1b1: {  	v62 =	vld [tilespmem:s8+$0x0];
	_ =	sdelay $0x4  }
0x1b2: {  	v0 =	vshll.u32 v62, $0x4  }
0x1b3: {  	(v2sf) =	vpush v0, $0x0;
	_ =	sdelay $0x3  }
0x1b4: {  	(v2sf) =	vpush v0, $0x1;
	_ =	sdelay $0x3  }
0x1b5: {  	(v2sf) =	vpush v0, $0x2;
	_ =	sdelay $0x3  }
0x1b6: {  	(v2sf) =	vpush v0, $0x3;
	_ =	sdelay $0x2  }
0x1b7: {  	s8 =	spop (v2sf)  }
0x1b8: {  	(v2sf) =	vpush v0, $0x4;
	s7 =	sand.u32 $0x1FFFFFF0, s8  }
0x1b9: {  	s8 =	sadd.s32 $0x3200, s28;
	s7 =	sadd.s32 s3, s7  }
0x1ba: {  	[tilespmem:s8], [sflag:$0x1] =	stream.linear.gather [hbm4b:s7+s2], $0x80, $0x38;
	[tilespmem:$0x10200] =	vst v63  }
0x1bb: {  	s8 =	spop (v2sf)  }
0x1bc: {  	(v2sf) =	vpush v0, $0x5;
	s7 =	sand.u32 $0x1FFFFFF0, s8  }
0x1bd: {  	s8 =	sadd.s32 $0x3280, s28;
	s7 =	sadd.s32 s3, s7  }
0x1be: {  	[tilespmem:s8], [sflag:$0x2] =	stream.linear.gather [hbm4b:s7+s2], $0x80, $0x38;
	[tilespmem:$0x10200] =	vst v63  }
0x1bf: {  	s8 =	spop (v2sf)  }
0x1c0: {  	(v2sf) =	vpush v0, $0x6;
	s7 =	sand.u32 $0x1FFFFFF0, s8  }
0x1c1: {  	s8 =	sadd.s32 $0x3300, s28;
	s7 =	sadd.s32 s3, s7  }
0x1c2: {  	[tilespmem:s8], [sflag:$0x3] =	stream.linear.gather [hbm4b:s7+s2], $0x80, $0x38;
	[tilespmem:$0x10200] =	vst v63  }
0x1c3: {  	s8 =	spop (v2sf)  }
0x1c4: {  	(v2sf) =	vpush v0, $0x7;
	s7 =	sand.u32 $0x1FFFFFF0, s8  }
0x1c5: {  	s8 =	sadd.s32 $0x3380, s28;
	s7 =	sadd.s32 s3, s7  }
0x1c6: {  	[tilespmem:s8], [sflag:$0x4] =	stream.linear.gather [hbm4b:s7+s2], $0x80, $0x38;
	[tilespmem:$0x10200] =	vst v63  }
0x1c7: {  	s8 =	spop (v2sf)  }
0x1c8: {  	(v2sf) =	vpush v0, $0x8;
	s7 =	sand.u32 $0x1FFFFFF0, s8  }
0x1c9: {  	s8 =	sadd.s32 $0x3400, s28;
	s7 =	sadd.s32 s3, s7  }
0x1ca: {  	[tilespmem:s8], [sflag:$0x5] =	stream.linear.gather [hbm4b:s7+s2], $0x80, $0x38;
	[tilespmem:$0x10200] =	vst v63  }
0x1cb: {  	s8 =	spop (v2sf)  }
0x1cc: {  	(v2sf) =	vpush v0, $0x9;
	s7 =	sand.u32 $0x1FFFFFF0, s8  }
0x1cd: {  	s8 =	sadd.s32 $0x3480, s28;
	s7 =	sadd.s32 s3, s7  }
0x1ce: {  	[tilespmem:s8], [sflag:$0x6] =	stream.linear.gather [hbm4b:s7+s2], $0x80, $0x38;
	[tilespmem:$0x10200] =	vst v63  }
0x1cf: {  	s8 =	spop (v2sf)  }
0x1d0: {  	(v2sf) =	vpush v0, $0xA;
	s7 =	sand.u32 $0x1FFFFFF0, s8  }
0x1d1: {  	s8 =	sadd.s32 $0x3500, s28;
	s7 =	sadd.s32 s3, s7  }
0x1d2: {  	[tilespmem:s8], [sflag:$0x7] =	stream.linear.gather [hbm4b:s7+s2], $0x80, $0x38;
	[tilespmem:$0x10200] =	vst v63  }
0x1d3: {  	s8 =	spop (v2sf)  }
0x1d4: {  	(v2sf) =	vpush v0, $0xB;
	s7 =	sand.u32 $0x1FFFFFF0, s8  }
0x1d5: {  	s8 =	sadd.s32 $0x3580, s28;
	s7 =	sadd.s32 s3, s7  }
0x1d6: {  	[tilespmem:s8], [sflag:$0x8] =	stream.linear.gather [hbm4b:s7+s2], $0x80, $0x38;
	[tilespmem:$0x10200] =	vst v63  }
0x1d7: {  	s8 =	spop (v2sf)  }
0x1d8: {  	(v2sf) =	vpush v0, $0xC;
	s7 =	sand.u32 $0x1FFFFFF0, s8  }
0x1d9: {  	s8 =	sadd.s32 $0x3600, s28;
	s7 =	sadd.s32 s3, s7  }
0x1da: {  	[tilespmem:s8], [sflag:$0x1] =	stream.linear.gather [hbm4b:s7+s2], $0x80, $0x38;
	[tilespmem:$0x10200] =	vst v63  }
0x1db: {  	s8 =	spop (v2sf)  }
0x1dc: {  	(v2sf) =	vpush v0, $0xD;
	s7 =	sand.u32 $0x1FFFFFF0, s8  }
0x1dd: {  	s8 =	sadd.s32 $0x3680, s28;
	s7 =	sadd.s32 s3, s7  }
0x1de: {  	[tilespmem:s8], [sflag:$0x2] =	stream.linear.gather [hbm4b:s7+s2], $0x80, $0x38;
	[tilespmem:$0x10200] =	vst v63  }
0x1df: {  	s8 =	spop (v2sf)  }
0x1e0: {  	(v2sf) =	vpush v0, $0xE;
	s7 =	sand.u32 $0x1FFFFFF0, s8  }
0x1e1: {  	s8 =	sadd.s32 $0x3700, s28;
	s7 =	sadd.s32 s3, s7  }
0x1e2: {  	[tilespmem:s8], [sflag:$0x3] =	stream.linear.gather [hbm4b:s7+s2], $0x80, $0x38;
	[tilespmem:$0x10200] =	vst v63  }
0x1e3: {  	s8 =	spop (v2sf)  }
0x1e4: {  	(v2sf) =	vpush v0, $0xF;
	s7 =	sand.u32 $0x1FFFFFF0, s8  }
0x1e5: {  	s8 =	sadd.s32 $0x3780, s28;
	s7 =	sadd.s32 s3, s7  }
0x1e6: {  	[tilespmem:s8], [sflag:$0x4] =	stream.linear.gather [hbm4b:s7+s2], $0x80, $0x38;
	[tilespmem:$0x10200] =	vst v63  }
0x1e7: {  	s8 =	spop (v2sf)  }
0x1e8: {  	s7 =	sand.u32 $0x1FFFFFF0, s8  }
0x1e9: {  	s8 =	sadd.s32 $0x3800, s28;
	s7 =	sadd.s32 s3, s7  }
0x1ea: {  	[tilespmem:s8], [sflag:$0x5] =	stream.linear.gather [hbm4b:s7+s2], $0x80, $0x38;
	[tilespmem:$0x10200] =	vst v63  }
0x1eb: {  	s8 =	spop (v2sf)  }
0x1ec: {  	s7 =	sand.u32 $0x1FFFFFF0, s8  }
0x1ed: {  	s8 =	sadd.s32 $0x3880, s28;
	s7 =	sadd.s32 s3, s7  }
0x1ee: {  	[tilespmem:s8], [sflag:$0x6] =	stream.linear.gather [hbm4b:s7+s2], $0x80, $0x38;
	[tilespmem:$0x10200] =	vst v63  }
0x1ef: {  	s8 =	spop (v2sf)  }
0x1f0: {  	s7 =	sand.u32 $0x1FFFFFF0, s8  }
0x1f1: {  	s8 =	sadd.s32 $0x3900, s28;
	s7 =	sadd.s32 s3, s7  }
0x1f2: {  	[tilespmem:s8], [sflag:$0x7] =	stream.linear.gather [hbm4b:s7+s2], $0x80, $0x38;
	[tilespmem:$0x10200] =	vst v63  }
0x1f3: {  	s8 =	spop (v2sf)  }
0x1f4: {  	s7 =	sand.u32 $0x1FFFFFF0, s8  }
0x1f5: {  	s8 =	sadd.s32 $0x3980, s28;
	s7 =	sadd.s32 s3, s7  }
0x1f6: {  	[tilespmem:s8], [sflag:$0x8] =	stream.linear.gather [hbm4b:s7+s2], $0x80, $0x38;
	[tilespmem:$0x10200] =	vst v63  }
0x1f7: {  	s8 =	sor.u32 $0x70, s23  }
0x1f8: {  	v63 =	vld [tilespmem:s8+$0x0];
	_ =	sdelay $0x4  }
0x1f9: {  	v0 =	vshll.u32 v63, $0x4  }
0x1fa: {  	(v2sf) =	vpush v0, $0x0;
	_ =	sdelay $0x3  }
0x1fb: {  	(v2sf) =	vpush v0, $0x1;
	_ =	sdelay $0x3  }
0x1fc: {  	(v2sf) =	vpush v0, $0x2;
	_ =	sdelay $0x3  }
0x1fd: {  	(v2sf) =	vpush v0, $0x3;
	_ =	sdelay $0x2  }
0x1fe: {  	s8 =	spop (v2sf)  }
0x1ff: {  	(v2sf) =	vpush v0, $0x4;
	s7 =	sand.u32 $0x1FFFFFF0, s8  }
0x200: {  	s8 =	sadd.s32 $0x3A00, s28;
	s7 =	sadd.s32 s3, s7  }
0x201: {  	[tilespmem:s8], [sflag:$0x1] =	stream.linear.gather [hbm4b:s7+s2], $0x80, $0x38;
	[tilespmem:$0x10200] =	vst v63  }
0x202: {  	s8 =	spop (v2sf)  }
0x203: {  	(v2sf) =	vpush v0, $0x5;
	s7 =	sand.u32 $0x1FFFFFF0, s8  }
0x204: {  	s8 =	sadd.s32 $0x3A80, s28;
	s7 =	sadd.s32 s3, s7  }
0x205: {  	[tilespmem:s8], [sflag:$0x2] =	stream.linear.gather [hbm4b:s7+s2], $0x80, $0x38;
	[tilespmem:$0x10200] =	vst v63  }
0x206: {  	s8 =	spop (v2sf)  }
0x207: {  	(v2sf) =	vpush v0, $0x6;
	s7 =	sand.u32 $0x1FFFFFF0, s8  }
0x208: {  	s8 =	sadd.s32 $0x3B00, s28;
	s7 =	sadd.s32 s3, s7  }
0x209: {  	[tilespmem:s8], [sflag:$0x3] =	stream.linear.gather [hbm4b:s7+s2], $0x80, $0x38;
	[tilespmem:$0x10200] =	vst v63  }
0x20a: {  	s8 =	spop (v2sf)  }
0x20b: {  	(v2sf) =	vpush v0, $0x7;
	s7 =	sand.u32 $0x1FFFFFF0, s8  }
0x20c: {  	s8 =	sadd.s32 $0x3B80, s28;
	s7 =	sadd.s32 s3, s7  }
0x20d: {  	[tilespmem:s8], [sflag:$0x4] =	stream.linear.gather [hbm4b:s7+s2], $0x80, $0x38;
	[tilespmem:$0x10200] =	vst v63  }
0x20e: {  	s8 =	spop (v2sf)  }
0x20f: {  	(v2sf) =	vpush v0, $0x8;
	s7 =	sand.u32 $0x1FFFFFF0, s8  }
0x210: {  	s8 =	sadd.s32 $0x3C00, s28;
	s7 =	sadd.s32 s3, s7  }
0x211: {  	[tilespmem:s8], [sflag:$0x5] =	stream.linear.gather [hbm4b:s7+s2], $0x80, $0x38;
	[tilespmem:$0x10200] =	vst v63  }
0x212: {  	s8 =	spop (v2sf)  }
0x213: {  	(v2sf) =	vpush v0, $0x9;
	s7 =	sand.u32 $0x1FFFFFF0, s8  }
0x214: {  	s8 =	sadd.s32 $0x3C80, s28;
	s7 =	sadd.s32 s3, s7  }
0x215: {  	[tilespmem:s8], [sflag:$0x6] =	stream.linear.gather [hbm4b:s7+s2], $0x80, $0x38;
	[tilespmem:$0x10200] =	vst v63  }
0x216: {  	s8 =	spop (v2sf)  }
0x217: {  	(v2sf) =	vpush v0, $0xA;
	s7 =	sand.u32 $0x1FFFFFF0, s8  }
0x218: {  	s8 =	sadd.s32 $0x3D00, s28;
	s7 =	sadd.s32 s3, s7  }
0x219: {  	[tilespmem:s8], [sflag:$0x7] =	stream.linear.gather [hbm4b:s7+s2], $0x80, $0x38;
	[tilespmem:$0x10200] =	vst v63  }
0x21a: {  	s8 =	spop (v2sf)  }
0x21b: {  	(v2sf) =	vpush v0, $0xB;
	s7 =	sand.u32 $0x1FFFFFF0, s8  }
0x21c: {  	s8 =	sadd.s32 $0x3D80, s28;
	s7 =	sadd.s32 s3, s7  }
0x21d: {  	[tilespmem:s8], [sflag:$0x8] =	stream.linear.gather [hbm4b:s7+s2], $0x80, $0x38;
	[tilespmem:$0x10200] =	vst v63  }
0x21e: {  	s8 =	spop (v2sf)  }
0x21f: {  	(v2sf) =	vpush v0, $0xC;
	s7 =	sand.u32 $0x1FFFFFF0, s8  }
0x220: {  	s8 =	sadd.s32 $0x3E00, s28;
	s7 =	sadd.s32 s3, s7  }
0x221: {  	[tilespmem:s8], [sflag:$0x1] =	stream.linear.gather [hbm4b:s7+s2], $0x80, $0x38;
	[tilespmem:$0x10200] =	vst v63  }
0x222: {  	s8 =	spop (v2sf)  }
0x223: {  	(v2sf) =	vpush v0, $0xD;
	s7 =	sand.u32 $0x1FFFFFF0, s8  }
0x224: {  	s8 =	sadd.s32 $0x3E80, s28;
	s7 =	sadd.s32 s3, s7  }
0x225: {  	[tilespmem:s8], [sflag:$0x2] =	stream.linear.gather [hbm4b:s7+s2], $0x80, $0x38;
	[tilespmem:$0x10200] =	vst v63  }
0x226: {  	s8 =	spop (v2sf)  }
0x227: {  	(v2sf) =	vpush v0, $0xE;
	s7 =	sand.u32 $0x1FFFFFF0, s8  }
0x228: {  	s8 =	sadd.s32 $0x3F00, s28;
	s7 =	sadd.s32 s3, s7  }
0x229: {  	[tilespmem:s8], [sflag:$0x3] =	stream.linear.gather [hbm4b:s7+s2], $0x80, $0x38;
	[tilespmem:$0x10200] =	vst v63  }
0x22a: {  	s8 =	spop (v2sf)  }
0x22b: {  	(v2sf) =	vpush v0, $0xF;
	s7 =	sand.u32 $0x1FFFFFF0, s8  }
0x22c: {  	s8 =	sadd.s32 $0x3F80, s28;
	s7 =	sadd.s32 s3, s7  }
0x22d: {  	[tilespmem:s8], [sflag:$0x4] =	stream.linear.gather [hbm4b:s7+s2], $0x80, $0x38;
	[tilespmem:$0x10200] =	vst v63  }
0x22e: {  	s8 =	spop (v2sf)  }
0x22f: {  	s7 =	sand.u32 $0x1FFFFFF0, s8  }
0x230: {  	s8 =	sadd.s32 $0x4000, s28;
	s7 =	sadd.s32 s3, s7  }
0x231: {  	[tilespmem:s8], [sflag:$0x5] =	stream.linear.gather [hbm4b:s7+s2], $0x80, $0x38;
	[tilespmem:$0x10200] =	vst v63  }
0x232: {  	s8 =	spop (v2sf)  }
0x233: {  	s7 =	sand.u32 $0x1FFFFFF0, s8  }
0x234: {  	s8 =	sadd.s32 $0x4080, s28;
	s7 =	sadd.s32 s3, s7  }
0x235: {  	[tilespmem:s8], [sflag:$0x6] =	stream.linear.gather [hbm4b:s7+s2], $0x80, $0x38;
	[tilespmem:$0x10200] =	vst v63  }
0x236: {  	s8 =	spop (v2sf)  }
0x237: {  	s7 =	sand.u32 $0x1FFFFFF0, s8  }
0x238: {  	s8 =	sadd.s32 $0x4100, s28;
	s7 =	sadd.s32 s3, s7  }
0x239: {  	[tilespmem:s8], [sflag:$0x7] =	stream.linear.gather [hbm4b:s7+s2], $0x80, $0x38;
	[tilespmem:$0x10200] =	vst v63  }
0x23a: {  	s8 =	spop (v2sf)  }
0x23b: {  	s7 =	sand.u32 $0x1FFFFFF0, s8  }
0x23c: {  	s28 =	sadd.s32 $0x4180, s28;
	s7 =	sadd.s32 s3, s7  }
0x23d: {  	[tilespmem:s28], [sflag:$0x8] =	stream.linear.gather [hbm4b:s7+s2], $0x80, $0x38;
	[tilespmem:$0x10200] =	vst v63  }
0x23e: {  	_ =	swait.ge @!p0 [sflag:s29], $0x400  }
0x23f: {  	[sflag:s29] =	ssyncset.done @!p0 $0x0  }
0x240: {  	[sflag:s29] =	ssyncadd.s32 @!p0 $0xFFFFFC00  }
0x241: {  	_ =	swait.ge @!p0 [sflag:s30], $0x400  }
0x242: {  	[sflag:s30] =	ssyncset.done @!p0 $0x0  }
0x243: {  	[sflag:s30] =	ssyncadd.s32 @!p0 $0xFFFFFC00  }
0x244: {  	_ =	swait.ge @!p0 [sflag:s31], $0x400  }
0x245: {  	[sflag:s31] =	ssyncset.done @!p0 $0x0  }
0x246: {  	[sflag:s31] =	ssyncadd.s32 @!p0 $0xFFFFFC00  }
0x247: {  	_ =	swait.ge @!p0 [sflag:s0], $0x400  }
0x248: {  	[sflag:s0] =	ssyncset.done @!p0 $0x0  }
0x249: {  	[sflag:s0] =	ssyncadd.s32 @!p0 $0xFFFFFC00  }
0x24a: {  	_ =	swait.ge @!p0 [sflag:s1], $0x400  }
0x24b: {  	[sflag:s1] =	ssyncset.done @!p0 $0x0  }
0x24c: {  	[sflag:s1] =	ssyncadd.s32 @!p0 $0xFFFFFC00  }
0x24d: {  	_ =	swait.ge @!p0 [sflag:s18], $0x400  }
0x24e: {  	[sflag:s18] =	ssyncset.done @!p0 $0x0  }
0x24f: {  	[sflag:s18] =	ssyncadd.s32 @!p0 $0xFFFFFC00  }
0x250: {  	_ =	swait.ge @!p0 [sflag:s19], $0x400  }
0x251: {  	[sflag:s19] =	ssyncset.done @!p0 $0x0  }
0x252: {  	[sflag:s19] =	ssyncadd.s32 @!p0 $0xFFFFFC00  }
0x253: {  	_ =	swait.ge @!p0 [sflag:s4], $0x400  }
0x254: {  	s22 =	sadd.s32 $0x2, s22;
	[sflag:s4] =	ssyncset.done @!p0 $0x0  }
0x255: {  	s0 =	sadd.s32 @!p0 $0xFFFFE200, s5;
	s1 =	sadd.s32 @!p0 $0x400, s25;
	[sflag:s4] =	ssyncadd.s32 @!p0 $0xFFFFFC00  }
0x256: {  	[hbm4b:s1+s6] =	stream.linear.scatter @!p0 [tilespmem:s0], [sflag:$0x9], $0x2000, $0x38;
	[tilespmem:$0x10200] =	vst v63  }
0x257: {  	p0 =	slt.u32 s22, $0x6  }
.Ltmp0:
0x258: {  	_ = 	snop;
	(pc) =	sbr.rel @p0 .LBB2_2-.Ltmp0, $3  }
0x259: {  	_ =	sdelay $0x1  }
0x25a: {  	s26 =	sadd.s32 $0x10000, s26  }
0x25b: {  	s24 =	sadd.s32 $0x80, s24;
	s23 =	sadd.s32 $0x80, s23;
	s25 =	sadd.s32 $0x800, s25  }
0x25c: {  	_ =	swait.ge [sflag:s10], $0x400  }
0x25d: {  	[sflag:s10] =	ssyncset.done $0x0  }
0x25e: {  	[sflag:s10] =	ssyncadd.s32 $0xFFFFFC00  }
0x25f: {  	_ =	swait.ge [sflag:s11], $0x400  }
0x260: {  	[sflag:s11] =	ssyncset.done $0x0  }
0x261: {  	[sflag:s11] =	ssyncadd.s32 $0xFFFFFC00  }
0x262: {  	_ =	swait.ge [sflag:s12], $0x400  }
0x263: {  	[sflag:s12] =	ssyncset.done $0x0  }
0x264: {  	[sflag:s12] =	ssyncadd.s32 $0xFFFFFC00  }
0x265: {  	_ =	swait.ge [sflag:s13], $0x400  }
0x266: {  	[sflag:s13] =	ssyncset.done $0x0  }
0x267: {  	[sflag:s13] =	ssyncadd.s32 $0xFFFFFC00  }
0x268: {  	_ =	swait.ge [sflag:s14], $0x400  }
0x269: {  	[sflag:s14] =	ssyncset.done $0x0  }
0x26a: {  	[sflag:s14] =	ssyncadd.s32 $0xFFFFFC00  }
0x26b: {  	_ =	swait.ge [sflag:s15], $0x400  }
0x26c: {  	[sflag:s15] =	ssyncset.done $0x0  }
0x26d: {  	[sflag:s15] =	ssyncadd.s32 $0xFFFFFC00  }
0x26e: {  	_ =	swait.ge [sflag:s16], $0x400  }
0x26f: {  	[sflag:s16] =	ssyncset.done $0x0  }
0x270: {  	[sflag:s16] =	ssyncadd.s32 $0xFFFFFC00  }
0x271: {  	_ =	swait.ge [sflag:s17], $0x400  }
0x272: {  	[sflag:s17] =	ssyncset.done $0x0  }
0x273: {  	[sflag:s17] =	ssyncadd.s32 $0xFFFFFC00  }
0x274: {  	_ =	swait.ge [sflag:s10], $0x400  }
0x275: {  	[sflag:s10] =	ssyncset.done $0x0  }
0x276: {  	[sflag:s10] =	ssyncadd.s32 $0xFFFFFC00  }
0x277: {  	_ =	swait.ge [sflag:s11], $0x400  }
0x278: {  	[sflag:s11] =	ssyncset.done $0x0  }
0x279: {  	[sflag:s11] =	ssyncadd.s32 $0xFFFFFC00  }
0x27a: {  	_ =	swait.ge [sflag:s12], $0x400  }
0x27b: {  	[sflag:s12] =	ssyncset.done $0x0  }
0x27c: {  	[sflag:s12] =	ssyncadd.s32 $0xFFFFFC00  }
0x27d: {  	_ =	swait.ge [sflag:s13], $0x400  }
0x27e: {  	[sflag:s13] =	ssyncset.done $0x0  }
0x27f: {  	[sflag:s13] =	ssyncadd.s32 $0xFFFFFC00  }
0x280: {  	_ =	swait.ge [sflag:s14], $0x400  }
0x281: {  	[sflag:s14] =	ssyncset.done $0x0  }
0x282: {  	[sflag:s14] =	ssyncadd.s32 $0xFFFFFC00  }
0x283: {  	_ =	swait.ge [sflag:s15], $0x400  }
0x284: {  	[sflag:s15] =	ssyncset.done $0x0  }
0x285: {  	[sflag:s15] =	ssyncadd.s32 $0xFFFFFC00  }
0x286: {  	_ =	swait.ge [sflag:s16], $0x400  }
0x287: {  	[sflag:s16] =	ssyncset.done $0x0  }
0x288: {  	[sflag:s16] =	ssyncadd.s32 $0xFFFFFC00  }
0x289: {  	_ =	swait.ge [sflag:s17], $0x400  }
0x28a: {  	[sflag:s17] =	ssyncset.done $0x0  }
0x28b: {  	s1 =	simm.s32 $0xC200;
	s0 =	rddreg [dreg:$0x4];
	[sflag:s17] =	ssyncadd.s32 $0xFFFFFC00  }
0x28c: {  	[hbm4b:s0+s2] =	stream.linear.scatter [tilespmem:s1], [sflag:$0x9], $0x2000, $0x38;
	[tilespmem:$0x10200] =	vst v63  }
0x28d: {  	s30 =	simm.s32 $0xE200;
	s29 =	rddreg [dreg:$0x5]  }
0x28e: {  	[hbm4b:s29+s2] =	stream.linear.scatter [tilespmem:s30], [sflag:$0x9], $0x2000, $0x38;
	[tilespmem:$0x10200] =	vst v63  }
0x28f: {  	_ =	swait.ge [sflag:s20], $0x2000  }
0x290: {  	[sflag:s20] =	ssyncset.done $0x0  }
0x291: {  	[sflag:s20] =	ssyncadd.s32 $0xFFFFE000  }
0x292: {  	_ =	swait.ge [sflag:s20], $0x2000  }
0x293: {  	[sflag:s20] =	ssyncset.done $0x0  }
0x294: {  	[sflag:s20] =	ssyncadd.s32 $0xFFFFE000  }
0x295: {  	_ =	swait.ge [sflag:s20], $0x2000  }
0x296: {  	[sflag:s20] =	ssyncset.done $0x0  }
0x297: {  	[sflag:s20] =	ssyncadd.s32 $0xFFFFE000  }
0x298: {  	_ =	swait.ge [sflag:s20], $0x2000  }
0x299: {  	[sflag:s20] =	ssyncset.done $0x0  }
0x29a: {  	[sflag:s20] =	ssyncadd.s32 $0xFFFFE000  }
0x29b: {  	_ =	swait.ge [sflag:s20], $0x2000  }
0x29c: {  	[sflag:s20] =	ssyncset.done $0x0  }
0x29d: {  	[sflag:s20] =	ssyncadd.s32 $0xFFFFE000  }
0x29e: {  	_ =	swait.ge [sflag:s20], $0x2000  }
0x29f: {  	[sflag:s20] =	ssyncset.done $0x0  }
0x2a0: {  	[sflag:s20] =	ssyncadd.s32 $0xFFFFE000  }
0x2a1: {  	_ =	swait.ge [sflag:s20], $0x2000  }
0x2a2: {  	[sflag:s20] =	ssyncset.done $0x0  }
0x2a3: {  	[sflag:s20] =	ssyncadd.s32 $0xFFFFE000  }
0x2a4: {  	_ =	swait.ge [sflag:s20], $0x2000  }
0x2a5: {  	s21 =	sadd.s32 $0x1, s21;
	s31 =	rddreg [dreg:$0x6]  }
0x2a6: {  	p0 =	sne.s32 s21, s31  }
.Ltmp1:
0x2a7: {  	_ = 	snop;
	(pc) =	sbr.rel @p0 .LBB2_1-.Ltmp1, $3  }
0x2a8: {  	_ =	sdelay $0x1  }
0x2a9: {  	[sflag:s20] =	ssyncset.done $0x0  }
0x2aa: {  	[sflag:s20] =	ssyncadd.s32 $0xFFFFE000  }
0x2ab: {  	_ =	sfence.sel $0x180000  }
0x2ac: {  	[bflag:$0x0] =	sbarrier.arrive $0xFFFF  }
0x2ad: {  	_ =	strace $0x90000047  }
0x2ae: {  	s0 =	stileid.u32;
	[bflag:$0x2] =	sbarrier.arrive $0xFFFF  }
0x2af: {  	p0 =	sne.s32 s0, $0x0;
	s0 =	rddreg [dreg:$0x2]  }
0x2b0: {  	s0 =	sadd.s32 @!p0 $0x100000, s0  }
0x2b1: {  	[sflag:s0] =	ssyncadd.tile.s32 @!p0 $0x1;
	_ =	shalt  }
.Lfunc_end2:
_tile_overlayer_lowered:
.L_overlay_start_2:
0x2b2: {  	(tag) =	ssettag $0x2  }
0x2b3: {  	s0 =	rddreg [dreg:$0x0];
	s2 =	stileid.u32  }
0x2b4: {  	s1 =	rddreg [dreg:$0x1];
	p0 =	sne.s32 s2, $0x0  }
0x2b5: {  	s3 =	rddreg [dreg:$0x2];
	[bflag:$0x3] =	sbarrier.arrive $0xFFFF;
	s2 =	simm.s32 @!p0 $0x1C0A  }
0x2b6: {  	[timem:s3], [sflag:s2] =	dma.local @!p0 [hbm:s0], s1  }
0x2b7: {  	s0 =	simm.s32 @!p0 $0xA  }
0x2b8: {  	_ =	swait.ge @!p0 [sflag:s0], s1  }
0x2b9: {  	s1 =	ssub.s32 @!p0 $0x0, s1;
	[sflag:s0] =	ssyncset.done @!p0 $0x0  }
0x2ba: {  	[sflag:s0] =	ssyncadd.s32 @!p0 s1  }
0x2bb: {  	[bflag:$0x3] =	sbarrier.arrive $0xFFFF  }
0x2bc: {  	_ =	shalt  }

</sc_bundles>
